<compile_context>
chip_gen: v7x
topology: tpu7x:2x2x1
jax: 0.10.2.dev20260603
libtpu: 0.0.44.dev20260713+nightly
codegen_flags: <defaults>
</compile_context>

<pallas_src>
import functools

import jax
import jax.numpy as jnp
from jax import lax
from jax.experimental import pallas as pl
from jax.experimental.pallas import tpu as pltpu
from jax.experimental.pallas import tpu_sc as plsc

N = 10000
E = 320000
D = 128

NUM_CORES = 2
NUM_SUBCORES = 16
NUM_WORKERS = NUM_CORES * NUM_SUBCORES
E_PER_W = E // NUM_WORKERS
CHUNK = 80
NCHUNK = E_PER_W // CHUNK

ROWS_PER_SUB = 624
ROW_TAIL = N - NUM_SUBCORES * ROWS_PER_SUB

_SELU_ALPHA = 1.6732632423543772
_SELU_SCALE = 1.0507009873554805


def _selu(h):
    neg = _SELU_ALPHA * (jnp.exp(jnp.minimum(h, 0.0)) - 1.0)
    return _SELU_SCALE * jnp.where(h > 0, h, neg)



def _make_agg(with_deg):
    mesh = plsc.VectorSubcoreMesh(core_axis_name="core", subcore_axis_name="sub")
    out_type = [jax.ShapeDtypeStruct((NUM_CORES, N, D), jnp.float32)]
    if with_deg:
        out_type.append(jax.ShapeDtypeStruct((NUM_CORES * N,), jnp.float32))
    scratch_types = [
        pltpu.VMEM_SHARED((N, D), jnp.float32),
        pltpu.VMEM((CHUNK,), jnp.int32),
        pltpu.VMEM((CHUNK,), jnp.int32),
        pltpu.VMEM((CHUNK, D), jnp.float32),
        pltpu.SemaphoreType.DMA,
    ]
    if with_deg:
        scratch_types.append(pltpu.VMEM_SHARED((N,), jnp.float32))
        scratch_types.append(pltpu.VMEM((CHUNK,), jnp.float32))
        scratch_types.append(pltpu.VMEM((CHUNK,), jnp.float32))

    _row_chunks = []
    _o = 0
    while _o < ROWS_PER_SUB:
        _n = min(CHUNK, ROWS_PER_SUB - _o)
        _row_chunks.append((_o, _n))
        _o += _n

    @functools.partial(pl.kernel, mesh=mesh, out_type=out_type,
                       scratch_types=scratch_types)
    def agg(*refs):
        if with_deg:
            (p_hbm, src_hbm, dst_hbm,
             acc_out, deg_out,
             acc_sh, idx_v, didx_v, rows_v, sem, deg_sh, ones_v, zv) = refs
        else:
            (p_hbm, src_hbm, dst_hbm,
             acc_out,
             acc_sh, idx_v, didx_v, rows_v, sem) = refs

        cid = lax.axis_index("core")
        sid = lax.axis_index("sub")
        wid = sid * NUM_CORES + cid
        r0 = pl.multiple_of(sid * ROWS_PER_SUB, 8)
        t0 = NUM_SUBCORES * ROWS_PER_SUB

        z16 = jnp.zeros((16,), jnp.float32)

        def zrow(i, carry):
            for j in range(D // 16):
                rows_v[i, pl.ds(j * 16, 16)] = z16
            return carry

        lax.fori_loop(0, CHUNK, zrow, 0)
        for (o, n) in _row_chunks:
            pltpu.sync_copy(rows_v.at[pl.ds(0, n)],
                            acc_sh.at[pl.ds(r0 + o, n)])
        if with_deg:
            for j in range(CHUNK // 16):
                ones_v[pl.ds(j * 16, 16)] = jnp.full((16,), 1.0, jnp.float32)
                zv[pl.ds(j * 16, 16)] = z16
            for k in range(ROWS_PER_SUB // CHUNK):
                pltpu.sync_copy(zv, deg_sh.at[pl.ds(r0 + k * CHUNK, CHUNK)])
            rem = ROWS_PER_SUB % CHUNK
            if rem:
                pltpu.sync_copy(zv.at[pl.ds(0, rem)],
                                deg_sh.at[pl.ds(r0 + (ROWS_PER_SUB // CHUNK) * CHUNK, rem)])

        @pl.when(sid == 0)
        def _zero_tail():
            pltpu.sync_copy(rows_v.at[pl.ds(0, ROW_TAIL)],
                            acc_sh.at[pl.ds(t0, ROW_TAIL)])
            if with_deg:
                pltpu.sync_copy(zv.at[pl.ds(0, ROW_TAIL)],
                                deg_sh.at[pl.ds(t0, ROW_TAIL)])

        plsc.subcore_barrier()

        ebase = wid * E_PER_W

        def step(t, carry):
            off = pl.multiple_of(ebase + t * CHUNK, 8)
            pltpu.sync_copy(src_hbm.at[pl.ds(off, CHUNK)], idx_v)
            pltpu.async_copy(p_hbm.at[idx_v], rows_v, sem).wait()
            pltpu.sync_copy(dst_hbm.at[pl.ds(off, CHUNK)], didx_v)
            pltpu.sync_copy(rows_v, acc_sh.at[didx_v], add=True)
            if with_deg:
                pltpu.sync_copy(ones_v, deg_sh.at[didx_v], add=True)
            return carry

        lax.fori_loop(0, NCHUNK, step, 0)

        plsc.subcore_barrier()

        for (o, n) in _row_chunks:
            pltpu.sync_copy(acc_sh.at[pl.ds(r0 + o, n)],
                            rows_v.at[pl.ds(0, n)])
            pltpu.sync_copy(rows_v.at[pl.ds(0, n)],
                            acc_out.at[cid, pl.ds(r0 + o, n)])
        if with_deg:
            for k in range(ROWS_PER_SUB // CHUNK):
                db = pl.multiple_of(cid * N + r0 + k * CHUNK, 8)
                pltpu.sync_copy(deg_sh.at[pl.ds(r0 + k * CHUNK, CHUNK)], zv)
                pltpu.sync_copy(zv, deg_out.at[pl.ds(db, CHUNK)])
            rem = ROWS_PER_SUB % CHUNK
            if rem:
                s0 = r0 + (ROWS_PER_SUB // CHUNK) * CHUNK
                db = pl.multiple_of(cid * N + s0, 8)
                pltpu.sync_copy(deg_sh.at[pl.ds(s0, rem)], zv.at[pl.ds(0, rem)])
                pltpu.sync_copy(zv.at[pl.ds(0, rem)], deg_out.at[pl.ds(db, rem)])

        @pl.when(sid == 0)
        def _write_tail():
            pltpu.sync_copy(acc_sh.at[pl.ds(t0, ROW_TAIL)],
                            rows_v.at[pl.ds(0, ROW_TAIL)])
            pltpu.sync_copy(rows_v.at[pl.ds(0, ROW_TAIL)],
                            acc_out.at[cid, pl.ds(t0, ROW_TAIL)])
            if with_deg:
                tb = pl.multiple_of(cid * N + t0, 8)
                pltpu.sync_copy(deg_sh.at[pl.ds(t0, ROW_TAIL)],
                                zv.at[pl.ds(0, ROW_TAIL)])
                pltpu.sync_copy(zv.at[pl.ds(0, ROW_TAIL)],
                                deg_out.at[pl.ds(tb, ROW_TAIL)])

    return agg


_agg_with_deg = _make_agg(True)
_agg_no_deg = _make_agg(False)



_BLK = 1000


def _dense_pre(x, W0, b0, W1):
    def body(x_ref, w0_ref, b0_ref, w1_ref, o_ref):
        h = lax.dot_general(x_ref[...], w0_ref[...], (((1,), (1,)), ((), ())),
                            preferred_element_type=jnp.float32) + b0_ref[...]
        h = _selu(h)
        o_ref[...] = lax.dot_general(h, w1_ref[...], (((1,), (1,)), ((), ())),
                                     preferred_element_type=jnp.float32)

    return pl.pallas_call(
        body,
        grid=(N // _BLK,),
        in_specs=[
            pl.BlockSpec((_BLK, D), lambda i: (i, 0)),
            pl.BlockSpec((D, D), lambda i: (0, 0)),
            pl.BlockSpec((1, D), lambda i: (0, 0)),
            pl.BlockSpec((D, D), lambda i: (0, 0)),
        ],
        out_specs=pl.BlockSpec((_BLK, D), lambda i: (i, 0)),
        out_shape=jax.ShapeDtypeStruct((N, D), jnp.float32),
    )(x, W0, b0.reshape(1, D), W1)


def _post_agg(a0, a1, d0, d1, b_in, W, b_out):
    def body(a0_ref, a1_ref, d0_ref, d1_ref, bi_ref, w_ref, bo_ref, o_ref):
        deg = jnp.maximum(d0_ref[...] + d1_ref[...], 1.0)
        agg = (a0_ref[...] + a1_ref[...]) * (1.0 / deg)
        h = _selu(agg + bi_ref[...])
        o_ref[...] = lax.dot_general(h, w_ref[...], (((1,), (1,)), ((), ())),
                                     preferred_element_type=jnp.float32) + bo_ref[...]

    return pl.pallas_call(
        body,
        grid=(N // _BLK,),
        in_specs=[
            pl.BlockSpec((_BLK, D), lambda i: (i, 0)),
            pl.BlockSpec((_BLK, D), lambda i: (i, 0)),
            pl.BlockSpec((_BLK, 1), lambda i: (i, 0)),
            pl.BlockSpec((_BLK, 1), lambda i: (i, 0)),
            pl.BlockSpec((1, D), lambda i: (0, 0)),
            pl.BlockSpec((D, D), lambda i: (0, 0)),
            pl.BlockSpec((1, D), lambda i: (0, 0)),
        ],
        out_specs=pl.BlockSpec((_BLK, D), lambda i: (i, 0)),
        out_shape=jax.ShapeDtypeStruct((N, D), jnp.float32),
    )(a0, a1, d0, d1, b_in.reshape(1, D), W, b_out.reshape(1, D))



def kernel(x, edge_index, W0, b0, W1, b1, W2, b2, W3, b3):
    src = edge_index[0]
    dst = edge_index[1]

    p1 = _dense_pre(x, W0, b0, W1)
    accs, degs = _agg_with_deg(p1, src, dst)
    d0 = degs[:N].reshape(N, 1)
    d1 = degs[N:].reshape(N, 1)
    p2 = _post_agg(accs[0], accs[1], d0, d1, b1, W2, jnp.zeros((D,), jnp.float32))
    accs2 = _agg_no_deg(p2, src, dst)
    if isinstance(accs2, (list, tuple)):
        accs2 = accs2[0]
    out = _post_agg(accs2[0], accs2[1], d0, d1, b2, W3, b3)
    return out

# --- scband reference (transcript-rebuilt; emitter-appended) ---
"""Pipeline reference for scband-private-gnn-66975720014145 (READ-ONLY COPY).

The authoritative reference and input builder live on the scoring server;
editing this copy changes nothing except your own understanding.
"""

import jax, jax.numpy as jnp
import numpy as np

N = 10000
E = 320000
D_IN = 128
D_H = 128
D_OUT = 128


def _kaiming(key, shape):
    fan_in = shape[1]
    return jax.random.normal(key, shape, dtype=jnp.float32) * jnp.sqrt(1.0 / fan_in)


def setup_inputs(seed: int = 0) -> dict:
    key = jax.random.key(seed)
    ks = jax.random.split(key, 8)
    x = jax.random.normal(ks[0], (N, D_IN), dtype=jnp.float32)
    edge_index = jax.random.randint(ks[1], (2, E), 0, N, dtype=jnp.int32)
    # layer stack: pre Dense, 2x message-passing conv (mean-aggregate + linear), post Dense
    W0 = _kaiming(ks[2], (D_H, D_IN)); b0 = jnp.zeros((D_H,), dtype=jnp.float32)
    W1 = _kaiming(ks[3], (D_H, D_H));  b1 = jnp.zeros((D_H,), dtype=jnp.float32)
    W2 = _kaiming(ks[4], (D_H, D_H));  b2 = jnp.zeros((D_H,), dtype=jnp.float32)
    W3 = _kaiming(ks[5], (D_OUT, D_H)); b3 = jnp.zeros((D_OUT,), dtype=jnp.float32)
    return {"x": x, "edge_index": edge_index,
            "W0": W0, "b0": b0, "W1": W1, "b1": b1,
            "W2": W2, "b2": b2, "W3": W3, "b3": b3}


def _mp_conv(h, edge_index, W, b):
    src = edge_index[0]
    dst = edge_index[1]
    msg = jnp.take(h, src, axis=0)
    agg = jax.ops.segment_sum(msg, dst, num_segments=N)
    deg = jax.ops.segment_sum(jnp.ones((E,), dtype=jnp.float32), dst, num_segments=N)
    agg = agg / jnp.clip(deg, 1.0, None)[:, None]
    return agg @ W.T + b


def reference(x, edge_index, W0, b0, W1, b1, W2, b2, W3, b3):
    # pre Dense layer (ignores edge_index, per Dense.forward)
    h = x @ W0.T + b0
    h = jax.nn.selu(h)  # AlphaDropout p=0 -> identity
    # message passing layers
    h = _mp_conv(h, edge_index, W1, b1)
    h = jax.nn.selu(h)
    h = _mp_conv(h, edge_index, W2, b2)
    h = jax.nn.selu(h)
    # final post Dense layer (no activation/dropout)
    out = h @ W3.T + b3
    return out

if __name__ == "__main__":
    import jax
    _d = setup_inputs()
    print(jax.jit(kernel)(*tuple(_d.values())))

</pallas_src>

<mosaic_0001>
#map = affine_map<(d0, d1) -> (0, 0)>
#map1 = affine_map<(d0, d1) -> (0)>
#map2 = affine_map<(d0, d1) -> (0, 0, 0)>
module attributes {stable_mosaic.version = 14 : i64} {
  func.func @agg(%arg0: i32, %arg1: i32, %arg2: memref<10000x128xf32, #tpu.memory_space<hbm>>, %arg3: memref<320000xi32, #tpu.memory_space<hbm>>, %arg4: memref<320000xi32, #tpu.memory_space<hbm>>, %arg5: memref<2x10000x128xf32, #tpu.memory_space<hbm>>, %arg6: memref<20000xf32, #tpu.memory_space<hbm>>, %arg7: memref<10000x128xf32, #tpu.memory_space<vmem_shared>>, %arg8: memref<80xi32, #tpu.memory_space<vmem>>, %arg9: memref<80xi32, #tpu.memory_space<vmem>>, %arg10: memref<80x128xf32, #tpu.memory_space<vmem>>, %arg11: memref<!tpu.dma_semaphore, #tpu.memory_space<semaphore_mem>>, %arg12: memref<10000xf32, #tpu.memory_space<vmem_shared>>, %arg13: memref<80xf32, #tpu.memory_space<vmem>>, %arg14: memref<80xf32, #tpu.memory_space<vmem>>) attributes {dimension_semantics = [#tpu.dimension_semantics<core_parallel>, #tpu.dimension_semantics<subcore_parallel>], iteration_bounds = array<i64: 2, 16>, scalar_prefetch = 0 : i64, scratch_operands = 8 : i64, tpu.core_type = #tpu.core_type<sc_vector_subcore>, window_params = [{transform_indices = #map}, {transform_indices = #map1}, {transform_indices = #map1}, {transform_indices = #map2}, {transform_indices = #map1}]} {
    %mul3A = arith.constant 2 : i32
    %mul3A_0 = arith.muli %arg1, %mul3A : i32
    %add3A = arith.addi %mul3A_0, %arg0 : i32
    %mul3A_1 = arith.constant 624 : i32
    %mul3A_2 = arith.muli %arg1, %mul3A_1 : i32
    %multiple_of3A = tpu.assume_multiple %mul3A_2, 8 : i32
    %broadcast_in_dim3A = arith.constant 0.000000e+00 : f32
    %broadcast_in_dim3A_3 = vector.broadcast %broadcast_in_dim3A : f32 to vector<16xf32>
    %scan3A = arith.constant 0 : i32
    %scan3A_4 = arith.constant 0 : i32
    %scan3A_5 = arith.constant 80 : i32
    %scan3A_6 = arith.addi %scan3A_4, %scan3A_5 : i32
    %scan3A_7 = arith.constant 1 : i32
    scf.for %scan3A_200 = %scan3A_4 to %scan3A_6 step %scan3A_7  : i32 {
      %swap3A_201 = arith.index_cast %scan3A_200 : i32 to index
      %swap3A_202 = arith.constant 0 : index
      %swap3A_203 = tpu.vector_load %arg10[%swap3A_201, %swap3A_202] {strides = array<i32>} : memref<80x128xf32, #tpu.memory_space<vmem>>, vector<1x16xf32>,
      %swap3A_204 = vector.shape_cast %swap3A_203 : vector<1x16xf32> to vector<16xf32>
      %swap3A_205 = vector.shape_cast %broadcast_in_dim3A_3 : vector<16xf32> to vector<1x16xf32>
      tpu.vector_store %arg10[%swap3A_201, %swap3A_202], %swap3A_205 {strides = array<i32>} : memref<80x128xf32, #tpu.memory_space<vmem>>, vector<1x16xf32>,
      %swap3A_206 = arith.index_cast %scan3A_200 : i32 to index
      %swap3A_207 = arith.constant 16 : index
      %swap3A_208 = tpu.vector_load %arg10[%swap3A_206, %swap3A_207] {strides = array<i32>} : memref<80x128xf32, #tpu.memory_space<vmem>>, vector<1x16xf32>,
      %swap3A_209 = vector.shape_cast %swap3A_208 : vector<1x16xf32> to vector<16xf32>
      %swap3A_210 = vector.shape_cast %broadcast_in_dim3A_3 : vector<16xf32> to vector<1x16xf32>
      tpu.vector_store %arg10[%swap3A_206, %swap3A_207], %swap3A_210 {strides = array<i32>} : memref<80x128xf32, #tpu.memory_space<vmem>>, vector<1x16xf32>,
      %swap3A_211 = arith.index_cast %scan3A_200 : i32 to index
      %swap3A_212 = arith.constant 32 : index
      %swap3A_213 = tpu.vector_load %arg10[%swap3A_211, %swap3A_212] {strides = array<i32>} : memref<80x128xf32, #tpu.memory_space<vmem>>, vector<1x16xf32>,
      %swap3A_214 = vector.shape_cast %swap3A_213 : vector<1x16xf32> to vector<16xf32>
      %swap3A_215 = vector.shape_cast %broadcast_in_dim3A_3 : vector<16xf32> to vector<1x16xf32>
      tpu.vector_store %arg10[%swap3A_211, %swap3A_212], %swap3A_215 {strides = array<i32>} : memref<80x128xf32, #tpu.memory_space<vmem>>, vector<1x16xf32>,
      %swap3A_216 = arith.index_cast %scan3A_200 : i32 to index
      %swap3A_217 = arith.constant 48 : index
      %swap3A_218 = tpu.vector_load %arg10[%swap3A_216, %swap3A_217] {strides = array<i32>} : memref<80x128xf32, #tpu.memory_space<vmem>>, vector<1x16xf32>,
      %swap3A_219 = vector.shape_cast %swap3A_218 : vector<1x16xf32> to vector<16xf32>
      %swap3A_220 = vector.shape_cast %broadcast_in_dim3A_3 : vector<16xf32> to vector<1x16xf32>
      tpu.vector_store %arg10[%swap3A_216, %swap3A_217], %swap3A_220 {strides = array<i32>} : memref<80x128xf32, #tpu.memory_space<vmem>>, vector<1x16xf32>,
      %swap3A_221 = arith.index_cast %scan3A_200 : i32 to index
      %swap3A_222 = arith.constant 64 : index
      %swap3A_223 = tpu.vector_load %arg10[%swap3A_221, %swap3A_222] {strides = array<i32>} : memref<80x128xf32, #tpu.memory_space<vmem>>, vector<1x16xf32>,
      %swap3A_224 = vector.shape_cast %swap3A_223 : vector<1x16xf32> to vector<16xf32>
      %swap3A_225 = vector.shape_cast %broadcast_in_dim3A_3 : vector<16xf32> to vector<1x16xf32>
      tpu.vector_store %arg10[%swap3A_221, %swap3A_222], %swap3A_225 {strides = array<i32>} : memref<80x128xf32, #tpu.memory_space<vmem>>, vector<1x16xf32>,
      %swap3A_226 = arith.index_cast %scan3A_200 : i32 to index
      %swap3A_227 = arith.constant 80 : index
      %swap3A_228 = tpu.vector_load %arg10[%swap3A_226, %swap3A_227] {strides = array<i32>} : memref<80x128xf32, #tpu.memory_space<vmem>>, vector<1x16xf32>,
      %swap3A_229 = vector.shape_cast %swap3A_228 : vector<1x16xf32> to vector<16xf32>
      %swap3A_230 = vector.shape_cast %broadcast_in_dim3A_3 : vector<16xf32> to vector<1x16xf32>
      tpu.vector_store %arg10[%swap3A_226, %swap3A_227], %swap3A_230 {strides = array<i32>} : memref<80x128xf32, #tpu.memory_space<vmem>>, vector<1x16xf32>,
      %swap3A_231 = arith.index_cast %scan3A_200 : i32 to index
      %swap3A_232 = arith.constant 96 : index
      %swap3A_233 = tpu.vector_load %arg10[%swap3A_231, %swap3A_232] {strides = array<i32>} : memref<80x128xf32, #tpu.memory_space<vmem>>, vector<1x16xf32>,
      %swap3A_234 = vector.shape_cast %swap3A_233 : vector<1x16xf32> to vector<16xf32>
      %swap3A_235 = vector.shape_cast %broadcast_in_dim3A_3 : vector<16xf32> to vector<1x16xf32>
      tpu.vector_store %arg10[%swap3A_231, %swap3A_232], %swap3A_235 {strides = array<i32>} : memref<80x128xf32, #tpu.memory_space<vmem>>, vector<1x16xf32>,
      %swap3A_236 = arith.index_cast %scan3A_200 : i32 to index
      %swap3A_237 = arith.constant 112 : index
      %swap3A_238 = tpu.vector_load %arg10[%swap3A_236, %swap3A_237] {strides = array<i32>} : memref<80x128xf32, #tpu.memory_space<vmem>>, vector<1x16xf32>,
      %swap3A_239 = vector.shape_cast %swap3A_238 : vector<1x16xf32> to vector<16xf32>
      %swap3A_240 = vector.shape_cast %broadcast_in_dim3A_3 : vector<16xf32> to vector<1x16xf32>
      tpu.vector_store %arg10[%swap3A_236, %swap3A_237], %swap3A_240 {strides = array<i32>} : memref<80x128xf32, #tpu.memory_space<vmem>>, vector<1x16xf32>,
    }
    %scan3A_8 = arith.constant 80 : i32
    %add3A_9 = arith.constant 0 : i32
    %add3A_10 = arith.addi %multiple_of3A, %add3A_9 : i32
    "tpu.region"() ({
      %run_scoped3A = tpu.sem_alloc : memref<!tpu.dma_semaphore, #tpu.memory_space<semaphore_mem>>
      %dma_start3A = arith.constant 0 : i32
      %dma_start3A_200 = arith.constant 0 : i32
      %dma_start3A_201 = tpu.memref_slice %arg10[%dma_start3A, %dma_start3A_200] : memref<80x128xf32, #tpu.memory_space<vmem>> -> memref<80x128xf32, #tpu.memory_space<vmem>>
      %dma_start3A_202 = arith.constant 0 : i32
      %dma_start3A_203 = tpu.memref_slice %arg7[%add3A_10, %dma_start3A_202] : memref<10000x128xf32, #tpu.memory_space<vmem_shared>> -> memref<80x128xf32, #tpu.memory_space<vmem_shared>>
      %dma_start3A_204 = arith.constant 0 : i32
      %dma_start3A_205 = tpu.memref_slice %arg7[%add3A_10, %dma_start3A_204] : memref<10000x128xf32, #tpu.memory_space<vmem_shared>> -> memref<80x128xf32, #tpu.memory_space<vmem_shared>>
      %dma_start3A_206 = arith.constant 0 : i32
      %dma_start3A_207 = arith.constant 0 : i32
      %dma_start3A_208 = tpu.memref_slice %arg10[%dma_start3A_206, %dma_start3A_207] : memref<80x128xf32, #tpu.memory_space<vmem>> -> memref<80x128xf32, #tpu.memory_space<vmem>>
      tpu.enqueue_dma source(%dma_start3A_208 : memref<80x128xf32, #tpu.memory_space<vmem>>) target(%dma_start3A_205 : memref<80x128xf32, #tpu.memory_space<vmem_shared>>) target_semaphore(%run_scoped3A : memref<!tpu.dma_semaphore, #tpu.memory_space<semaphore_mem>>)
      %dma_wait3A = arith.constant 0 : i32
      %dma_wait3A_209 = arith.constant 0 : i32
      %dma_wait3A_210 = tpu.memref_slice %arg10[%dma_wait3A, %dma_wait3A_209] : memref<80x128xf32, #tpu.memory_space<vmem>> -> memref<80x128xf32, #tpu.memory_space<vmem>>
      %dma_wait3A_211 = arith.constant 0 : i32
      %dma_wait3A_212 = tpu.memref_slice %arg7[%add3A_10, %dma_wait3A_211] : memref<10000x128xf32, #tpu.memory_space<vmem_shared>> -> memref<80x128xf32, #tpu.memory_space<vmem_shared>>
      %dma_wait3A_213 = arith.constant 0 : i32
      %dma_wait3A_214 = tpu.memref_slice %arg7[%add3A_10, %dma_wait3A_213] : memref<10000x128xf32, #tpu.memory_space<vmem_shared>> -> memref<80x128xf32, #tpu.memory_space<vmem_shared>>
      %dma_wait3A_215 = arith.constant 0 : i32
      %dma_wait3A_216 = arith.constant 0 : i32
      %dma_wait3A_217 = tpu.memref_slice %arg10[%dma_wait3A_215, %dma_wait3A_216] : memref<80x128xf32, #tpu.memory_space<vmem>> -> memref<80x128xf32, #tpu.memory_space<vmem>>
      tpu.wait_dma2 semaphore(%run_scoped3A : memref<!tpu.dma_semaphore, #tpu.memory_space<semaphore_mem>>) src(%dma_wait3A_217 : memref<80x128xf32, #tpu.memory_space<vmem>>) dst(%dma_wait3A_214 : memref<80x128xf32, #tpu.memory_space<vmem_shared>>)
      tpu.yield
    }) : () -> ()
    %add3A_11 = arith.constant 80 : i32
    %add3A_12 = arith.addi %multiple_of3A, %add3A_11 : i32
    "tpu.region"() ({
      %run_scoped3A = tpu.sem_alloc : memref<!tpu.dma_semaphore, #tpu.memory_space<semaphore_mem>>
      %dma_start3A = arith.constant 0 : i32
      %dma_start3A_200 = arith.constant 0 : i32
      %dma_start3A_201 = tpu.memref_slice %arg10[%dma_start3A, %dma_start3A_200] : memref<80x128xf32, #tpu.memory_space<vmem>> -> memref<80x128xf32, #tpu.memory_space<vmem>>
      %dma_start3A_202 = arith.constant 0 : i32
      %dma_start3A_203 = tpu.memref_slice %arg7[%add3A_12, %dma_start3A_202] : memref<10000x128xf32, #tpu.memory_space<vmem_shared>> -> memref<80x128xf32, #tpu.memory_space<vmem_shared>>
      %dma_start3A_204 = arith.constant 0 : i32
      %dma_start3A_205 = tpu.memref_slice %arg7[%add3A_12, %dma_start3A_204] : memref<10000x128xf32, #tpu.memory_space<vmem_shared>> -> memref<80x128xf32, #tpu.memory_space<vmem_shared>>
      %dma_start3A_206 = arith.constant 0 : i32
      %dma_start3A_207 = arith.constant 0 : i32
      %dma_start3A_208 = tpu.memref_slice %arg10[%dma_start3A_206, %dma_start3A_207] : memref<80x128xf32, #tpu.memory_space<vmem>> -> memref<80x128xf32, #tpu.memory_space<vmem>>
      tpu.enqueue_dma source(%dma_start3A_208 : memref<80x128xf32, #tpu.memory_space<vmem>>) target(%dma_start3A_205 : memref<80x128xf32, #tpu.memory_space<vmem_shared>>) target_semaphore(%run_scoped3A : memref<!tpu.dma_semaphore, #tpu.memory_space<semaphore_mem>>)
      %dma_wait3A = arith.constant 0 : i32
      %dma_wait3A_209 = arith.constant 0 : i32
      %dma_wait3A_210 = tpu.memref_slice %arg10[%dma_wait3A, %dma_wait3A_209] : memref<80x128xf32, #tpu.memory_space<vmem>> -> memref<80x128xf32, #tpu.memory_space<vmem>>
      %dma_wait3A_211 = arith.constant 0 : i32
      %dma_wait3A_212 = tpu.memref_slice %arg7[%add3A_12, %dma_wait3A_211] : memref<10000x128xf32, #tpu.memory_space<vmem_shared>> -> memref<80x128xf32, #tpu.memory_space<vmem_shared>>
      %dma_wait3A_213 = arith.constant 0 : i32
      %dma_wait3A_214 = tpu.memref_slice %arg7[%add3A_12, %dma_wait3A_213] : memref<10000x128xf32, #tpu.memory_space<vmem_shared>> -> memref<80x128xf32, #tpu.memory_space<vmem_shared>>
      %dma_wait3A_215 = arith.constant 0 : i32
      %dma_wait3A_216 = arith.constant 0 : i32
      %dma_wait3A_217 = tpu.memref_slice %arg10[%dma_wait3A_215, %dma_wait3A_216] : memref<80x128xf32, #tpu.memory_space<vmem>> -> memref<80x128xf32, #tpu.memory_space<vmem>>
      tpu.wait_dma2 semaphore(%run_scoped3A : memref<!tpu.dma_semaphore, #tpu.memory_space<semaphore_mem>>) src(%dma_wait3A_217 : memref<80x128xf32, #tpu.memory_space<vmem>>) dst(%dma_wait3A_214 : memref<80x128xf32, #tpu.memory_space<vmem_shared>>)
      tpu.yield
    }) : () -> ()
    %add3A_13 = arith.constant 160 : i32
    %add3A_14 = arith.addi %multiple_of3A, %add3A_13 : i32
    "tpu.region"() ({
      %run_scoped3A = tpu.sem_alloc : memref<!tpu.dma_semaphore, #tpu.memory_space<semaphore_mem>>
      %dma_start3A = arith.constant 0 : i32
      %dma_start3A_200 = arith.constant 0 : i32
      %dma_start3A_201 = tpu.memref_slice %arg10[%dma_start3A, %dma_start3A_200] : memref<80x128xf32, #tpu.memory_space<vmem>> -> memref<80x128xf32, #tpu.memory_space<vmem>>
      %dma_start3A_202 = arith.constant 0 : i32
      %dma_start3A_203 = tpu.memref_slice %arg7[%add3A_14, %dma_start3A_202] : memref<10000x128xf32, #tpu.memory_space<vmem_shared>> -> memref<80x128xf32, #tpu.memory_space<vmem_shared>>
      %dma_start3A_204 = arith.constant 0 : i32
      %dma_start3A_205 = tpu.memref_slice %arg7[%add3A_14, %dma_start3A_204] : memref<10000x128xf32, #tpu.memory_space<vmem_shared>> -> memref<80x128xf32, #tpu.memory_space<vmem_shared>>
      %dma_start3A_206 = arith.constant 0 : i32
      %dma_start3A_207 = arith.constant 0 : i32
      %dma_start3A_208 = tpu.memref_slice %arg10[%dma_start3A_206, %dma_start3A_207] : memref<80x128xf32, #tpu.memory_space<vmem>> -> memref<80x128xf32, #tpu.memory_space<vmem>>
      tpu.enqueue_dma source(%dma_start3A_208 : memref<80x128xf32, #tpu.memory_space<vmem>>) target(%dma_start3A_205 : memref<80x128xf32, #tpu.memory_space<vmem_shared>>) target_semaphore(%run_scoped3A : memref<!tpu.dma_semaphore, #tpu.memory_space<semaphore_mem>>)
      %dma_wait3A = arith.constant 0 : i32
      %dma_wait3A_209 = arith.constant 0 : i32
      %dma_wait3A_210 = tpu.memref_slice %arg10[%dma_wait3A, %dma_wait3A_209] : memref<80x128xf32, #tpu.memory_space<vmem>> -> memref<80x128xf32, #tpu.memory_space<vmem>>
      %dma_wait3A_211 = arith.constant 0 : i32
      %dma_wait3A_212 = tpu.memref_slice %arg7[%add3A_14, %dma_wait3A_211] : memref<10000x128xf32, #tpu.memory_space<vmem_shared>> -> memref<80x128xf32, #tpu.memory_space<vmem_shared>>
      %dma_wait3A_213 = arith.constant 0 : i32
      %dma_wait3A_214 = tpu.memref_slice %arg7[%add3A_14, %dma_wait3A_213] : memref<10000x128xf32, #tpu.memory_space<vmem_shared>> -> memref<80x128xf32, #tpu.memory_space<vmem_shared>>
      %dma_wait3A_215 = arith.constant 0 : i32
      %dma_wait3A_216 = arith.constant 0 : i32
      %dma_wait3A_217 = tpu.memref_slice %arg10[%dma_wait3A_215, %dma_wait3A_216] : memref<80x128xf32, #tpu.memory_space<vmem>> -> memref<80x128xf32, #tpu.memory_space<vmem>>
      tpu.wait_dma2 semaphore(%run_scoped3A : memref<!tpu.dma_semaphore, #tpu.memory_space<semaphore_mem>>) src(%dma_wait3A_217 : memref<80x128xf32, #tpu.memory_space<vmem>>) dst(%dma_wait3A_214 : memref<80x128xf32, #tpu.memory_space<vmem_shared>>)
      tpu.yield
    }) : () -> ()
    %add3A_15 = arith.constant 240 : i32
    %add3A_16 = arith.addi %multiple_of3A, %add3A_15 : i32
    "tpu.region"() ({
      %run_scoped3A = tpu.sem_alloc : memref<!tpu.dma_semaphore, #tpu.memory_space<semaphore_mem>>
      %dma_start3A = arith.constant 0 : i32
      %dma_start3A_200 = arith.constant 0 : i32
      %dma_start3A_201 = tpu.memref_slice %arg10[%dma_start3A, %dma_start3A_200] : memref<80x128xf32, #tpu.memory_space<vmem>> -> memref<80x128xf32, #tpu.memory_space<vmem>>
      %dma_start3A_202 = arith.constant 0 : i32
      %dma_start3A_203 = tpu.memref_slice %arg7[%add3A_16, %dma_start3A_202] : memref<10000x128xf32, #tpu.memory_space<vmem_shared>> -> memref<80x128xf32, #tpu.memory_space<vmem_shared>>
      %dma_start3A_204 = arith.constant 0 : i32
      %dma_start3A_205 = tpu.memref_slice %arg7[%add3A_16, %dma_start3A_204] : memref<10000x128xf32, #tpu.memory_space<vmem_shared>> -> memref<80x128xf32, #tpu.memory_space<vmem_shared>>
      %dma_start3A_206 = arith.constant 0 : i32
      %dma_start3A_207 = arith.constant 0 : i32
      %dma_start3A_208 = tpu.memref_slice %arg10[%dma_start3A_206, %dma_start3A_207] : memref<80x128xf32, #tpu.memory_space<vmem>> -> memref<80x128xf32, #tpu.memory_space<vmem>>
      tpu.enqueue_dma source(%dma_start3A_208 : memref<80x128xf32, #tpu.memory_space<vmem>>) target(%dma_start3A_205 : memref<80x128xf32, #tpu.memory_space<vmem_shared>>) target_semaphore(%run_scoped3A : memref<!tpu.dma_semaphore, #tpu.memory_space<semaphore_mem>>)
      %dma_wait3A = arith.constant 0 : i32
      %dma_wait3A_209 = arith.constant 0 : i32
      %dma_wait3A_210 = tpu.memref_slice %arg10[%dma_wait3A, %dma_wait3A_209] : memref<80x128xf32, #tpu.memory_space<vmem>> -> memref<80x128xf32, #tpu.memory_space<vmem>>
      %dma_wait3A_211 = arith.constant 0 : i32
      %dma_wait3A_212 = tpu.memref_slice %arg7[%add3A_16, %dma_wait3A_211] : memref<10000x128xf32, #tpu.memory_space<vmem_shared>> -> memref<80x128xf32, #tpu.memory_space<vmem_shared>>
      %dma_wait3A_213 = arith.constant 0 : i32
      %dma_wait3A_214 = tpu.memref_slice %arg7[%add3A_16, %dma_wait3A_213] : memref<10000x128xf32, #tpu.memory_space<vmem_shared>> -> memref<80x128xf32, #tpu.memory_space<vmem_shared>>
      %dma_wait3A_215 = arith.constant 0 : i32
      %dma_wait3A_216 = arith.constant 0 : i32
      %dma_wait3A_217 = tpu.memref_slice %arg10[%dma_wait3A_215, %dma_wait3A_216] : memref<80x128xf32, #tpu.memory_space<vmem>> -> memref<80x128xf32, #tpu.memory_space<vmem>>
      tpu.wait_dma2 semaphore(%run_scoped3A : memref<!tpu.dma_semaphore, #tpu.memory_space<semaphore_mem>>) src(%dma_wait3A_217 : memref<80x128xf32, #tpu.memory_space<vmem>>) dst(%dma_wait3A_214 : memref<80x128xf32, #tpu.memory_space<vmem_shared>>)
      tpu.yield
    }) : () -> ()
    %add3A_17 = arith.constant 320 : i32
    %add3A_18 = arith.addi %multiple_of3A, %add3A_17 : i32
    "tpu.region"() ({
      %run_scoped3A = tpu.sem_alloc : memref<!tpu.dma_semaphore, #tpu.memory_space<semaphore_mem>>
      %dma_start3A = arith.constant 0 : i32
      %dma_start3A_200 = arith.constant 0 : i32
      %dma_start3A_201 = tpu.memref_slice %arg10[%dma_start3A, %dma_start3A_200] : memref<80x128xf32, #tpu.memory_space<vmem>> -> memref<80x128xf32, #tpu.memory_space<vmem>>
      %dma_start3A_202 = arith.constant 0 : i32
      %dma_start3A_203 = tpu.memref_slice %arg7[%add3A_18, %dma_start3A_202] : memref<10000x128xf32, #tpu.memory_space<vmem_shared>> -> memref<80x128xf32, #tpu.memory_space<vmem_shared>>
      %dma_start3A_204 = arith.constant 0 : i32
      %dma_start3A_205 = tpu.memref_slice %arg7[%add3A_18, %dma_start3A_204] : memref<10000x128xf32, #tpu.memory_space<vmem_shared>> -> memref<80x128xf32, #tpu.memory_space<vmem_shared>>
      %dma_start3A_206 = arith.constant 0 : i32
      %dma_start3A_207 = arith.constant 0 : i32
      %dma_start3A_208 = tpu.memref_slice %arg10[%dma_start3A_206, %dma_start3A_207] : memref<80x128xf32, #tpu.memory_space<vmem>> -> memref<80x128xf32, #tpu.memory_space<vmem>>
      tpu.enqueue_dma source(%dma_start3A_208 : memref<80x128xf32, #tpu.memory_space<vmem>>) target(%dma_start3A_205 : memref<80x128xf32, #tpu.memory_space<vmem_shared>>) target_semaphore(%run_scoped3A : memref<!tpu.dma_semaphore, #tpu.memory_space<semaphore_mem>>)
      %dma_wait3A = arith.constant 0 : i32
      %dma_wait3A_209 = arith.constant 0 : i32
      %dma_wait3A_210 = tpu.memref_slice %arg10[%dma_wait3A, %dma_wait3A_209] : memref<80x128xf32, #tpu.memory_space<vmem>> -> memref<80x128xf32, #tpu.memory_space<vmem>>
      %dma_wait3A_211 = arith.constant 0 : i32
      %dma_wait3A_212 = tpu.memref_slice %arg7[%add3A_18, %dma_wait3A_211] : memref<10000x128xf32, #tpu.memory_space<vmem_shared>> -> memref<80x128xf32, #tpu.memory_space<vmem_shared>>
      %dma_wait3A_213 = arith.constant 0 : i32
      %dma_wait3A_214 = tpu.memref_slice %arg7[%add3A_18, %dma_wait3A_213] : memref<10000x128xf32, #tpu.memory_space<vmem_shared>> -> memref<80x128xf32, #tpu.memory_space<vmem_shared>>
      %dma_wait3A_215 = arith.constant 0 : i32
      %dma_wait3A_216 = arith.constant 0 : i32
      %dma_wait3A_217 = tpu.memref_slice %arg10[%dma_wait3A_215, %dma_wait3A_216] : memref<80x128xf32, #tpu.memory_space<vmem>> -> memref<80x128xf32, #tpu.memory_space<vmem>>
      tpu.wait_dma2 semaphore(%run_scoped3A : memref<!tpu.dma_semaphore, #tpu.memory_space<semaphore_mem>>) src(%dma_wait3A_217 : memref<80x128xf32, #tpu.memory_space<vmem>>) dst(%dma_wait3A_214 : memref<80x128xf32, #tpu.memory_space<vmem_shared>>)
      tpu.yield
    }) : () -> ()
    %add3A_19 = arith.constant 400 : i32
    %add3A_20 = arith.addi %multiple_of3A, %add3A_19 : i32
    "tpu.region"() ({
      %run_scoped3A = tpu.sem_alloc : memref<!tpu.dma_semaphore, #tpu.memory_space<semaphore_mem>>
      %dma_start3A = arith.constant 0 : i32
      %dma_start3A_200 = arith.constant 0 : i32
      %dma_start3A_201 = tpu.memref_slice %arg10[%dma_start3A, %dma_start3A_200] : memref<80x128xf32, #tpu.memory_space<vmem>> -> memref<80x128xf32, #tpu.memory_space<vmem>>
      %dma_start3A_202 = arith.constant 0 : i32
      %dma_start3A_203 = tpu.memref_slice %arg7[%add3A_20, %dma_start3A_202] : memref<10000x128xf32, #tpu.memory_space<vmem_shared>> -> memref<80x128xf32, #tpu.memory_space<vmem_shared>>
      %dma_start3A_204 = arith.constant 0 : i32
      %dma_start3A_205 = tpu.memref_slice %arg7[%add3A_20, %dma_start3A_204] : memref<10000x128xf32, #tpu.memory_space<vmem_shared>> -> memref<80x128xf32, #tpu.memory_space<vmem_shared>>
      %dma_start3A_206 = arith.constant 0 : i32
      %dma_start3A_207 = arith.constant 0 : i32
      %dma_start3A_208 = tpu.memref_slice %arg10[%dma_start3A_206, %dma_start3A_207] : memref<80x128xf32, #tpu.memory_space<vmem>> -> memref<80x128xf32, #tpu.memory_space<vmem>>
      tpu.enqueue_dma source(%dma_start3A_208 : memref<80x128xf32, #tpu.memory_space<vmem>>) target(%dma_start3A_205 : memref<80x128xf32, #tpu.memory_space<vmem_shared>>) target_semaphore(%run_scoped3A : memref<!tpu.dma_semaphore, #tpu.memory_space<semaphore_mem>>)
      %dma_wait3A = arith.constant 0 : i32
      %dma_wait3A_209 = arith.constant 0 : i32
      %dma_wait3A_210 = tpu.memref_slice %arg10[%dma_wait3A, %dma_wait3A_209] : memref<80x128xf32, #tpu.memory_space<vmem>> -> memref<80x128xf32, #tpu.memory_space<vmem>>
      %dma_wait3A_211 = arith.constant 0 : i32
      %dma_wait3A_212 = tpu.memref_slice %arg7[%add3A_20, %dma_wait3A_211] : memref<10000x128xf32, #tpu.memory_space<vmem_shared>> -> memref<80x128xf32, #tpu.memory_space<vmem_shared>>
      %dma_wait3A_213 = arith.constant 0 : i32
      %dma_wait3A_214 = tpu.memref_slice %arg7[%add3A_20, %dma_wait3A_213] : memref<10000x128xf32, #tpu.memory_space<vmem_shared>> -> memref<80x128xf32, #tpu.memory_space<vmem_shared>>
      %dma_wait3A_215 = arith.constant 0 : i32
      %dma_wait3A_216 = arith.constant 0 : i32
      %dma_wait3A_217 = tpu.memref_slice %arg10[%dma_wait3A_215, %dma_wait3A_216] : memref<80x128xf32, #tpu.memory_space<vmem>> -> memref<80x128xf32, #tpu.memory_space<vmem>>
      tpu.wait_dma2 semaphore(%run_scoped3A : memref<!tpu.dma_semaphore, #tpu.memory_space<semaphore_mem>>) src(%dma_wait3A_217 : memref<80x128xf32, #tpu.memory_space<vmem>>) dst(%dma_wait3A_214 : memref<80x128xf32, #tpu.memory_space<vmem_shared>>)
      tpu.yield
    }) : () -> ()
    %add3A_21 = arith.constant 480 : i32
    %add3A_22 = arith.addi %multiple_of3A, %add3A_21 : i32
    "tpu.region"() ({
      %run_scoped3A = tpu.sem_alloc : memref<!tpu.dma_semaphore, #tpu.memory_space<semaphore_mem>>
      %dma_start3A = arith.constant 0 : i32
      %dma_start3A_200 = arith.constant 0 : i32
      %dma_start3A_201 = tpu.memref_slice %arg10[%dma_start3A, %dma_start3A_200] : memref<80x128xf32, #tpu.memory_space<vmem>> -> memref<80x128xf32, #tpu.memory_space<vmem>>
      %dma_start3A_202 = arith.constant 0 : i32
      %dma_start3A_203 = tpu.memref_slice %arg7[%add3A_22, %dma_start3A_202] : memref<10000x128xf32, #tpu.memory_space<vmem_shared>> -> memref<80x128xf32, #tpu.memory_space<vmem_shared>>
      %dma_start3A_204 = arith.constant 0 : i32
      %dma_start3A_205 = tpu.memref_slice %arg7[%add3A_22, %dma_start3A_204] : memref<10000x128xf32, #tpu.memory_space<vmem_shared>> -> memref<80x128xf32, #tpu.memory_space<vmem_shared>>
      %dma_start3A_206 = arith.constant 0 : i32
      %dma_start3A_207 = arith.constant 0 : i32
      %dma_start3A_208 = tpu.memref_slice %arg10[%dma_start3A_206, %dma_start3A_207] : memref<80x128xf32, #tpu.memory_space<vmem>> -> memref<80x128xf32, #tpu.memory_space<vmem>>
      tpu.enqueue_dma source(%dma_start3A_208 : memref<80x128xf32, #tpu.memory_space<vmem>>) target(%dma_start3A_205 : memref<80x128xf32, #tpu.memory_space<vmem_shared>>) target_semaphore(%run_scoped3A : memref<!tpu.dma_semaphore, #tpu.memory_space<semaphore_mem>>)
      %dma_wait3A = arith.constant 0 : i32
      %dma_wait3A_209 = arith.constant 0 : i32
      %dma_wait3A_210 = tpu.memref_slice %arg10[%dma_wait3A, %dma_wait3A_209] : memref<80x128xf32, #tpu.memory_space<vmem>> -> memref<80x128xf32, #tpu.memory_space<vmem>>
      %dma_wait3A_211 = arith.constant 0 : i32
      %dma_wait3A_212 = tpu.memref_slice %arg7[%add3A_22, %dma_wait3A_211] : memref<10000x128xf32, #tpu.memory_space<vmem_shared>> -> memref<80x128xf32, #tpu.memory_space<vmem_shared>>
      %dma_wait3A_213 = arith.constant 0 : i32
      %dma_wait3A_214 = tpu.memref_slice %arg7[%add3A_22, %dma_wait3A_213] : memref<10000x128xf32, #tpu.memory_space<vmem_shared>> -> memref<80x128xf32, #tpu.memory_space<vmem_shared>>
      %dma_wait3A_215 = arith.constant 0 : i32
      %dma_wait3A_216 = arith.constant 0 : i32
      %dma_wait3A_217 = tpu.memref_slice %arg10[%dma_wait3A_215, %dma_wait3A_216] : memref<80x128xf32, #tpu.memory_space<vmem>> -> memref<80x128xf32, #tpu.memory_space<vmem>>
      tpu.wait_dma2 semaphore(%run_scoped3A : memref<!tpu.dma_semaphore, #tpu.memory_space<semaphore_mem>>) src(%dma_wait3A_217 : memref<80x128xf32, #tpu.memory_space<vmem>>) dst(%dma_wait3A_214 : memref<80x128xf32, #tpu.memory_space<vmem_shared>>)
      tpu.yield
    }) : () -> ()
    %add3A_23 = arith.constant 560 : i32
    %add3A_24 = arith.addi %multiple_of3A, %add3A_23 : i32
    "tpu.region"() ({
      %run_scoped3A = tpu.sem_alloc : memref<!tpu.dma_semaphore, #tpu.memory_space<semaphore_mem>>
      %dma_start3A = arith.constant 0 : i32
      %dma_start3A_200 = arith.constant 0 : i32
      %dma_start3A_201 = tpu.memref_slice %arg10[%dma_start3A, %dma_start3A_200] : memref<80x128xf32, #tpu.memory_space<vmem>> -> memref<64x128xf32, #tpu.memory_space<vmem>>
      %dma_start3A_202 = arith.constant 0 : i32
      %dma_start3A_203 = tpu.memref_slice %arg7[%add3A_24, %dma_start3A_202] : memref<10000x128xf32, #tpu.memory_space<vmem_shared>> -> memref<64x128xf32, #tpu.memory_space<vmem_shared>>
      %dma_start3A_204 = arith.constant 0 : i32
      %dma_start3A_205 = tpu.memref_slice %arg7[%add3A_24, %dma_start3A_204] : memref<10000x128xf32, #tpu.memory_space<vmem_shared>> -> memref<64x128xf32, #tpu.memory_space<vmem_shared>>
      %dma_start3A_206 = arith.constant 0 : i32
      %dma_start3A_207 = arith.constant 0 : i32
      %dma_start3A_208 = tpu.memref_slice %arg10[%dma_start3A_206, %dma_start3A_207] : memref<80x128xf32, #tpu.memory_space<vmem>> -> memref<64x128xf32, #tpu.memory_space<vmem>>
      tpu.enqueue_dma source(%dma_start3A_208 : memref<64x128xf32, #tpu.memory_space<vmem>>) target(%dma_start3A_205 : memref<64x128xf32, #tpu.memory_space<vmem_shared>>) target_semaphore(%run_scoped3A : memref<!tpu.dma_semaphore, #tpu.memory_space<semaphore_mem>>)
      %dma_wait3A = arith.constant 0 : i32
      %dma_wait3A_209 = arith.constant 0 : i32
      %dma_wait3A_210 = tpu.memref_slice %arg10[%dma_wait3A, %dma_wait3A_209] : memref<80x128xf32, #tpu.memory_space<vmem>> -> memref<64x128xf32, #tpu.memory_space<vmem>>
      %dma_wait3A_211 = arith.constant 0 : i32
      %dma_wait3A_212 = tpu.memref_slice %arg7[%add3A_24, %dma_wait3A_211] : memref<10000x128xf32, #tpu.memory_space<vmem_shared>> -> memref<64x128xf32, #tpu.memory_space<vmem_shared>>
      %dma_wait3A_213 = arith.constant 0 : i32
      %dma_wait3A_214 = tpu.memref_slice %arg7[%add3A_24, %dma_wait3A_213] : memref<10000x128xf32, #tpu.memory_space<vmem_shared>> -> memref<64x128xf32, #tpu.memory_space<vmem_shared>>
      %dma_wait3A_215 = arith.constant 0 : i32
      %dma_wait3A_216 = arith.constant 0 : i32
      %dma_wait3A_217 = tpu.memref_slice %arg10[%dma_wait3A_215, %dma_wait3A_216] : memref<80x128xf32, #tpu.memory_space<vmem>> -> memref<64x128xf32, #tpu.memory_space<vmem>>
      tpu.wait_dma2 semaphore(%run_scoped3A : memref<!tpu.dma_semaphore, #tpu.memory_space<semaphore_mem>>) src(%dma_wait3A_217 : memref<64x128xf32, #tpu.memory_space<vmem>>) dst(%dma_wait3A_214 : memref<64x128xf32, #tpu.memory_space<vmem_shared>>)
      tpu.yield
    }) : () -> ()
    %broadcast_in_dim3A_25 = arith.constant 1.000000e+00 : f32
    %broadcast_in_dim3A_26 = vector.broadcast %broadcast_in_dim3A_25 : f32 to vector<16xf32>
    %swap3A = arith.constant 0 : index
    %swap3A_27 = tpu.vector_load %arg13[%swap3A] {strides = array<i32>} : memref<80xf32, #tpu.memory_space<vmem>>, vector<16xf32>,
    %swap3A_28 = vector.shape_cast %swap3A_27 : vector<16xf32> to vector<16xf32>
    %swap3A_29 = vector.shape_cast %broadcast_in_dim3A_26 : vector<16xf32> to vector<16xf32>
    tpu.vector_store %arg13[%swap3A], %swap3A_29 {strides = array<i32>} : memref<80xf32, #tpu.memory_space<vmem>>, vector<16xf32>,
    %swap3A_30 = arith.constant 0 : index
    %swap3A_31 = tpu.vector_load %arg14[%swap3A_30] {strides = array<i32>} : memref<80xf32, #tpu.memory_space<vmem>>, vector<16xf32>,
    %swap3A_32 = vector.shape_cast %swap3A_31 : vector<16xf32> to vector<16xf32>
    %swap3A_33 = vector.shape_cast %broadcast_in_dim3A_3 : vector<16xf32> to vector<16xf32>
    tpu.vector_store %arg14[%swap3A_30], %swap3A_33 {strides = array<i32>} : memref<80xf32, #tpu.memory_space<vmem>>, vector<16xf32>,
    %broadcast_in_dim3A_34 = arith.constant 1.000000e+00 : f32
    %broadcast_in_dim3A_35 = vector.broadcast %broadcast_in_dim3A_34 : f32 to vector<16xf32>
    %swap3A_36 = arith.constant 16 : index
    %swap3A_37 = tpu.vector_load %arg13[%swap3A_36] {strides = array<i32>} : memref<80xf32, #tpu.memory_space<vmem>>, vector<16xf32>,
    %swap3A_38 = vector.shape_cast %swap3A_37 : vector<16xf32> to vector<16xf32>
    %swap3A_39 = vector.shape_cast %broadcast_in_dim3A_35 : vector<16xf32> to vector<16xf32>
    tpu.vector_store %arg13[%swap3A_36], %swap3A_39 {strides = array<i32>} : memref<80xf32, #tpu.memory_space<vmem>>, vector<16xf32>,
    %swap3A_40 = arith.constant 16 : index
    %swap3A_41 = tpu.vector_load %arg14[%swap3A_40] {strides = array<i32>} : memref<80xf32, #tpu.memory_space<vmem>>, vector<16xf32>,
    %swap3A_42 = vector.shape_cast %swap3A_41 : vector<16xf32> to vector<16xf32>
    %swap3A_43 = vector.shape_cast %broadcast_in_dim3A_3 : vector<16xf32> to vector<16xf32>
    tpu.vector_store %arg14[%swap3A_40], %swap3A_43 {strides = array<i32>} : memref<80xf32, #tpu.memory_space<vmem>>, vector<16xf32>,
    %broadcast_in_dim3A_44 = arith.constant 1.000000e+00 : f32
    %broadcast_in_dim3A_45 = vector.broadcast %broadcast_in_dim3A_44 : f32 to vector<16xf32>
    %swap3A_46 = arith.constant 32 : index
    %swap3A_47 = tpu.vector_load %arg13[%swap3A_46] {strides = array<i32>} : memref<80xf32, #tpu.memory_space<vmem>>, vector<16xf32>,
    %swap3A_48 = vector.shape_cast %swap3A_47 : vector<16xf32> to vector<16xf32>
    %swap3A_49 = vector.shape_cast %broadcast_in_dim3A_45 : vector<16xf32> to vector<16xf32>
    tpu.vector_store %arg13[%swap3A_46], %swap3A_49 {strides = array<i32>} : memref<80xf32, #tpu.memory_space<vmem>>, vector<16xf32>,
    %swap3A_50 = arith.constant 32 : index
    %swap3A_51 = tpu.vector_load %arg14[%swap3A_50] {strides = array<i32>} : memref<80xf32, #tpu.memory_space<vmem>>, vector<16xf32>,
    %swap3A_52 = vector.shape_cast %swap3A_51 : vector<16xf32> to vector<16xf32>
    %swap3A_53 = vector.shape_cast %broadcast_in_dim3A_3 : vector<16xf32> to vector<16xf32>
    tpu.vector_store %arg14[%swap3A_50], %swap3A_53 {strides = array<i32>} : memref<80xf32, #tpu.memory_space<vmem>>, vector<16xf32>,
    %broadcast_in_dim3A_54 = arith.constant 1.000000e+00 : f32
    %broadcast_in_dim3A_55 = vector.broadcast %broadcast_in_dim3A_54 : f32 to vector<16xf32>
    %swap3A_56 = arith.constant 48 : index
    %swap3A_57 = tpu.vector_load %arg13[%swap3A_56] {strides = array<i32>} : memref<80xf32, #tpu.memory_space<vmem>>, vector<16xf32>,
    %swap3A_58 = vector.shape_cast %swap3A_57 : vector<16xf32> to vector<16xf32>
    %swap3A_59 = vector.shape_cast %broadcast_in_dim3A_55 : vector<16xf32> to vector<16xf32>
    tpu.vector_store %arg13[%swap3A_56], %swap3A_59 {strides = array<i32>} : memref<80xf32, #tpu.memory_space<vmem>>, vector<16xf32>,
    %swap3A_60 = arith.constant 48 : index
    %swap3A_61 = tpu.vector_load %arg14[%swap3A_60] {strides = array<i32>} : memref<80xf32, #tpu.memory_space<vmem>>, vector<16xf32>,
    %swap3A_62 = vector.shape_cast %swap3A_61 : vector<16xf32> to vector<16xf32>
    %swap3A_63 = vector.shape_cast %broadcast_in_dim3A_3 : vector<16xf32> to vector<16xf32>
    tpu.vector_store %arg14[%swap3A_60], %swap3A_63 {strides = array<i32>} : memref<80xf32, #tpu.memory_space<vmem>>, vector<16xf32>,
    %broadcast_in_dim3A_64 = arith.constant 1.000000e+00 : f32
    %broadcast_in_dim3A_65 = vector.broadcast %broadcast_in_dim3A_64 : f32 to vector<16xf32>
    %swap3A_66 = arith.constant 64 : index
    %swap3A_67 = tpu.vector_load %arg13[%swap3A_66] {strides = array<i32>} : memref<80xf32, #tpu.memory_space<vmem>>, vector<16xf32>,
    %swap3A_68 = vector.shape_cast %swap3A_67 : vector<16xf32> to vector<16xf32>
    %swap3A_69 = vector.shape_cast %broadcast_in_dim3A_65 : vector<16xf32> to vector<16xf32>
    tpu.vector_store %arg13[%swap3A_66], %swap3A_69 {strides = array<i32>} : memref<80xf32, #tpu.memory_space<vmem>>, vector<16xf32>,
    %swap3A_70 = arith.constant 64 : index
    %swap3A_71 = tpu.vector_load %arg14[%swap3A_70] {strides = array<i32>} : memref<80xf32, #tpu.memory_space<vmem>>, vector<16xf32>,
    %swap3A_72 = vector.shape_cast %swap3A_71 : vector<16xf32> to vector<16xf32>
    %swap3A_73 = vector.shape_cast %broadcast_in_dim3A_3 : vector<16xf32> to vector<16xf32>
    tpu.vector_store %arg14[%swap3A_70], %swap3A_73 {strides = array<i32>} : memref<80xf32, #tpu.memory_space<vmem>>, vector<16xf32>,
    %add3A_74 = arith.constant 0 : i32
    %add3A_75 = arith.addi %multiple_of3A, %add3A_74 : i32
    "tpu.region"() ({
      %run_scoped3A = tpu.sem_alloc : memref<!tpu.dma_semaphore, #tpu.memory_space<semaphore_mem>>
      %dma_start3A = tpu.memref_slice %arg12[%add3A_75] : memref<10000xf32, #tpu.memory_space<vmem_shared>> -> memref<80xf32, #tpu.memory_space<vmem_shared>>
      %dma_start3A_200 = tpu.memref_slice %arg12[%add3A_75] : memref<10000xf32, #tpu.memory_space<vmem_shared>> -> memref<80xf32, #tpu.memory_space<vmem_shared>>
      tpu.enqueue_dma source(%arg14 : memref<80xf32, #tpu.memory_space<vmem>>) target(%dma_start3A_200 : memref<80xf32, #tpu.memory_space<vmem_shared>>) target_semaphore(%run_scoped3A : memref<!tpu.dma_semaphore, #tpu.memory_space<semaphore_mem>>)
      %dma_wait3A = tpu.memref_slice %arg12[%add3A_75] : memref<10000xf32, #tpu.memory_space<vmem_shared>> -> memref<80xf32, #tpu.memory_space<vmem_shared>>
      %dma_wait3A_201 = tpu.memref_slice %arg12[%add3A_75] : memref<10000xf32, #tpu.memory_space<vmem_shared>> -> memref<80xf32, #tpu.memory_space<vmem_shared>>
      tpu.wait_dma2 semaphore(%run_scoped3A : memref<!tpu.dma_semaphore, #tpu.memory_space<semaphore_mem>>) src(%arg14 : memref<80xf32, #tpu.memory_space<vmem>>) dst(%dma_wait3A_201 : memref<80xf32, #tpu.memory_space<vmem_shared>>)
      tpu.yield
    }) : () -> ()
    %add3A_76 = arith.constant 80 : i32
    %add3A_77 = arith.addi %multiple_of3A, %add3A_76 : i32
    "tpu.region"() ({
      %run_scoped3A = tpu.sem_alloc : memref<!tpu.dma_semaphore, #tpu.memory_space<semaphore_mem>>
      %dma_start3A = tpu.memref_slice %arg12[%add3A_77] : memref<10000xf32, #tpu.memory_space<vmem_shared>> -> memref<80xf32, #tpu.memory_space<vmem_shared>>
      %dma_start3A_200 = tpu.memref_slice %arg12[%add3A_77] : memref<10000xf32, #tpu.memory_space<vmem_shared>> -> memref<80xf32, #tpu.memory_space<vmem_shared>>
      tpu.enqueue_dma source(%arg14 : memref<80xf32, #tpu.memory_space<vmem>>) target(%dma_start3A_200 : memref<80xf32, #tpu.memory_space<vmem_shared>>) target_semaphore(%run_scoped3A : memref<!tpu.dma_semaphore, #tpu.memory_space<semaphore_mem>>)
      %dma_wait3A = tpu.memref_slice %arg12[%add3A_77] : memref<10000xf32, #tpu.memory_space<vmem_shared>> -> memref<80xf32, #tpu.memory_space<vmem_shared>>
      %dma_wait3A_201 = tpu.memref_slice %arg12[%add3A_77] : memref<10000xf32, #tpu.memory_space<vmem_shared>> -> memref<80xf32, #tpu.memory_space<vmem_shared>>
      tpu.wait_dma2 semaphore(%run_scoped3A : memref<!tpu.dma_semaphore, #tpu.memory_space<semaphore_mem>>) src(%arg14 : memref<80xf32, #tpu.memory_space<vmem>>) dst(%dma_wait3A_201 : memref<80xf32, #tpu.memory_space<vmem_shared>>)
      tpu.yield
    }) : () -> ()
    %add3A_78 = arith.constant 160 : i32
    %add3A_79 = arith.addi %multiple_of3A, %add3A_78 : i32
    "tpu.region"() ({
      %run_scoped3A = tpu.sem_alloc : memref<!tpu.dma_semaphore, #tpu.memory_space<semaphore_mem>>
      %dma_start3A = tpu.memref_slice %arg12[%add3A_79] : memref<10000xf32, #tpu.memory_space<vmem_shared>> -> memref<80xf32, #tpu.memory_space<vmem_shared>>
      %dma_start3A_200 = tpu.memref_slice %arg12[%add3A_79] : memref<10000xf32, #tpu.memory_space<vmem_shared>> -> memref<80xf32, #tpu.memory_space<vmem_shared>>
      tpu.enqueue_dma source(%arg14 : memref<80xf32, #tpu.memory_space<vmem>>) target(%dma_start3A_200 : memref<80xf32, #tpu.memory_space<vmem_shared>>) target_semaphore(%run_scoped3A : memref<!tpu.dma_semaphore, #tpu.memory_space<semaphore_mem>>)
      %dma_wait3A = tpu.memref_slice %arg12[%add3A_79] : memref<10000xf32, #tpu.memory_space<vmem_shared>> -> memref<80xf32, #tpu.memory_space<vmem_shared>>
      %dma_wait3A_201 = tpu.memref_slice %arg12[%add3A_79] : memref<10000xf32, #tpu.memory_space<vmem_shared>> -> memref<80xf32, #tpu.memory_space<vmem_shared>>
      tpu.wait_dma2 semaphore(%run_scoped3A : memref<!tpu.dma_semaphore, #tpu.memory_space<semaphore_mem>>) src(%arg14 : memref<80xf32, #tpu.memory_space<vmem>>) dst(%dma_wait3A_201 : memref<80xf32, #tpu.memory_space<vmem_shared>>)
      tpu.yield
    }) : () -> ()
    %add3A_80 = arith.constant 240 : i32
    %add3A_81 = arith.addi %multiple_of3A, %add3A_80 : i32
    "tpu.region"() ({
      %run_scoped3A = tpu.sem_alloc : memref<!tpu.dma_semaphore, #tpu.memory_space<semaphore_mem>>
      %dma_start3A = tpu.memref_slice %arg12[%add3A_81] : memref<10000xf32, #tpu.memory_space<vmem_shared>> -> memref<80xf32, #tpu.memory_space<vmem_shared>>
      %dma_start3A_200 = tpu.memref_slice %arg12[%add3A_81] : memref<10000xf32, #tpu.memory_space<vmem_shared>> -> memref<80xf32, #tpu.memory_space<vmem_shared>>
      tpu.enqueue_dma source(%arg14 : memref<80xf32, #tpu.memory_space<vmem>>) target(%dma_start3A_200 : memref<80xf32, #tpu.memory_space<vmem_shared>>) target_semaphore(%run_scoped3A : memref<!tpu.dma_semaphore, #tpu.memory_space<semaphore_mem>>)
      %dma_wait3A = tpu.memref_slice %arg12[%add3A_81] : memref<10000xf32, #tpu.memory_space<vmem_shared>> -> memref<80xf32, #tpu.memory_space<vmem_shared>>
      %dma_wait3A_201 = tpu.memref_slice %arg12[%add3A_81] : memref<10000xf32, #tpu.memory_space<vmem_shared>> -> memref<80xf32, #tpu.memory_space<vmem_shared>>
      tpu.wait_dma2 semaphore(%run_scoped3A : memref<!tpu.dma_semaphore, #tpu.memory_space<semaphore_mem>>) src(%arg14 : memref<80xf32, #tpu.memory_space<vmem>>) dst(%dma_wait3A_201 : memref<80xf32, #tpu.memory_space<vmem_shared>>)
      tpu.yield
    }) : () -> ()
    %add3A_82 = arith.constant 320 : i32
    %add3A_83 = arith.addi %multiple_of3A, %add3A_82 : i32
    "tpu.region"() ({
      %run_scoped3A = tpu.sem_alloc : memref<!tpu.dma_semaphore, #tpu.memory_space<semaphore_mem>>
      %dma_start3A = tpu.memref_slice %arg12[%add3A_83] : memref<10000xf32, #tpu.memory_space<vmem_shared>> -> memref<80xf32, #tpu.memory_space<vmem_shared>>
      %dma_start3A_200 = tpu.memref_slice %arg12[%add3A_83] : memref<10000xf32, #tpu.memory_space<vmem_shared>> -> memref<80xf32, #tpu.memory_space<vmem_shared>>
      tpu.enqueue_dma source(%arg14 : memref<80xf32, #tpu.memory_space<vmem>>) target(%dma_start3A_200 : memref<80xf32, #tpu.memory_space<vmem_shared>>) target_semaphore(%run_scoped3A : memref<!tpu.dma_semaphore, #tpu.memory_space<semaphore_mem>>)
      %dma_wait3A = tpu.memref_slice %arg12[%add3A_83] : memref<10000xf32, #tpu.memory_space<vmem_shared>> -> memref<80xf32, #tpu.memory_space<vmem_shared>>
      %dma_wait3A_201 = tpu.memref_slice %arg12[%add3A_83] : memref<10000xf32, #tpu.memory_space<vmem_shared>> -> memref<80xf32, #tpu.memory_space<vmem_shared>>
      tpu.wait_dma2 semaphore(%run_scoped3A : memref<!tpu.dma_semaphore, #tpu.memory_space<semaphore_mem>>) src(%arg14 : memref<80xf32, #tpu.memory_space<vmem>>) dst(%dma_wait3A_201 : memref<80xf32, #tpu.memory_space<vmem_shared>>)
      tpu.yield
    }) : () -> ()
    %add3A_84 = arith.constant 400 : i32
    %add3A_85 = arith.addi %multiple_of3A, %add3A_84 : i32
    "tpu.region"() ({
      %run_scoped3A = tpu.sem_alloc : memref<!tpu.dma_semaphore, #tpu.memory_space<semaphore_mem>>
      %dma_start3A = tpu.memref_slice %arg12[%add3A_85] : memref<10000xf32, #tpu.memory_space<vmem_shared>> -> memref<80xf32, #tpu.memory_space<vmem_shared>>
      %dma_start3A_200 = tpu.memref_slice %arg12[%add3A_85] : memref<10000xf32, #tpu.memory_space<vmem_shared>> -> memref<80xf32, #tpu.memory_space<vmem_shared>>
      tpu.enqueue_dma source(%arg14 : memref<80xf32, #tpu.memory_space<vmem>>) target(%dma_start3A_200 : memref<80xf32, #tpu.memory_space<vmem_shared>>) target_semaphore(%run_scoped3A : memref<!tpu.dma_semaphore, #tpu.memory_space<semaphore_mem>>)
      %dma_wait3A = tpu.memref_slice %arg12[%add3A_85] : memref<10000xf32, #tpu.memory_space<vmem_shared>> -> memref<80xf32, #tpu.memory_space<vmem_shared>>
      %dma_wait3A_201 = tpu.memref_slice %arg12[%add3A_85] : memref<10000xf32, #tpu.memory_space<vmem_shared>> -> memref<80xf32, #tpu.memory_space<vmem_shared>>
      tpu.wait_dma2 semaphore(%run_scoped3A : memref<!tpu.dma_semaphore, #tpu.memory_space<semaphore_mem>>) src(%arg14 : memref<80xf32, #tpu.memory_space<vmem>>) dst(%dma_wait3A_201 : memref<80xf32, #tpu.memory_space<vmem_shared>>)
      tpu.yield
    }) : () -> ()
    %add3A_86 = arith.constant 480 : i32
    %add3A_87 = arith.addi %multiple_of3A, %add3A_86 : i32
    "tpu.region"() ({
      %run_scoped3A = tpu.sem_alloc : memref<!tpu.dma_semaphore, #tpu.memory_space<semaphore_mem>>
      %dma_start3A = tpu.memref_slice %arg12[%add3A_87] : memref<10000xf32, #tpu.memory_space<vmem_shared>> -> memref<80xf32, #tpu.memory_space<vmem_shared>>
      %dma_start3A_200 = tpu.memref_slice %arg12[%add3A_87] : memref<10000xf32, #tpu.memory_space<vmem_shared>> -> memref<80xf32, #tpu.memory_space<vmem_shared>>
      tpu.enqueue_dma source(%arg14 : memref<80xf32, #tpu.memory_space<vmem>>) target(%dma_start3A_200 : memref<80xf32, #tpu.memory_space<vmem_shared>>) target_semaphore(%run_scoped3A : memref<!tpu.dma_semaphore, #tpu.memory_space<semaphore_mem>>)
      %dma_wait3A = tpu.memref_slice %arg12[%add3A_87] : memref<10000xf32, #tpu.memory_space<vmem_shared>> -> memref<80xf32, #tpu.memory_space<vmem_shared>>
      %dma_wait3A_201 = tpu.memref_slice %arg12[%add3A_87] : memref<10000xf32, #tpu.memory_space<vmem_shared>> -> memref<80xf32, #tpu.memory_space<vmem_shared>>
      tpu.wait_dma2 semaphore(%run_scoped3A : memref<!tpu.dma_semaphore, #tpu.memory_space<semaphore_mem>>) src(%arg14 : memref<80xf32, #tpu.memory_space<vmem>>) dst(%dma_wait3A_201 : memref<80xf32, #tpu.memory_space<vmem_shared>>)
      tpu.yield
    }) : () -> ()
    %add3A_88 = arith.constant 560 : i32
    %add3A_89 = arith.addi %multiple_of3A, %add3A_88 : i32
    "tpu.region"() ({
      %run_scoped3A = tpu.sem_alloc : memref<!tpu.dma_semaphore, #tpu.memory_space<semaphore_mem>>
      %dma_start3A = arith.constant 0 : i32
      %dma_start3A_200 = tpu.memref_slice %arg14[%dma_start3A] : memref<80xf32, #tpu.memory_space<vmem>> -> memref<64xf32, #tpu.memory_space<vmem>>
      %dma_start3A_201 = tpu.memref_slice %arg12[%add3A_89] : memref<10000xf32, #tpu.memory_space<vmem_shared>> -> memref<64xf32, #tpu.memory_space<vmem_shared>>
      %dma_start3A_202 = tpu.memref_slice %arg12[%add3A_89] : memref<10000xf32, #tpu.memory_space<vmem_shared>> -> memref<64xf32, #tpu.memory_space<vmem_shared>>
      %dma_start3A_203 = arith.constant 0 : i32
      %dma_start3A_204 = tpu.memref_slice %arg14[%dma_start3A_203] : memref<80xf32, #tpu.memory_space<vmem>> -> memref<64xf32, #tpu.memory_space<vmem>>
      tpu.enqueue_dma source(%dma_start3A_204 : memref<64xf32, #tpu.memory_space<vmem>>) target(%dma_start3A_202 : memref<64xf32, #tpu.memory_space<vmem_shared>>) target_semaphore(%run_scoped3A : memref<!tpu.dma_semaphore, #tpu.memory_space<semaphore_mem>>)
      %dma_wait3A = arith.constant 0 : i32
      %dma_wait3A_205 = tpu.memref_slice %arg14[%dma_wait3A] : memref<80xf32, #tpu.memory_space<vmem>> -> memref<64xf32, #tpu.memory_space<vmem>>
      %dma_wait3A_206 = tpu.memref_slice %arg12[%add3A_89] : memref<10000xf32, #tpu.memory_space<vmem_shared>> -> memref<64xf32, #tpu.memory_space<vmem_shared>>
      %dma_wait3A_207 = tpu.memref_slice %arg12[%add3A_89] : memref<10000xf32, #tpu.memory_space<vmem_shared>> -> memref<64xf32, #tpu.memory_space<vmem_shared>>
      %dma_wait3A_208 = arith.constant 0 : i32
      %dma_wait3A_209 = tpu.memref_slice %arg14[%dma_wait3A_208] : memref<80xf32, #tpu.memory_space<vmem>> -> memref<64xf32, #tpu.memory_space<vmem>>
      tpu.wait_dma2 semaphore(%run_scoped3A : memref<!tpu.dma_semaphore, #tpu.memory_space<semaphore_mem>>) src(%dma_wait3A_209 : memref<64xf32, #tpu.memory_space<vmem>>) dst(%dma_wait3A_207 : memref<64xf32, #tpu.memory_space<vmem_shared>>)
      tpu.yield
    }) : () -> ()
    %eq3A = arith.constant 0 : i32
    %eq3A_90 = arith.cmpi eq, %arg1, %eq3A : i32
    %convert_element_type3A = arith.extui %eq3A_90 : i1 to i32
    %cond3A = arith.constant 0 : i32
    %cond3A_91 = arith.cmpi ne, %convert_element_type3A, %cond3A : i32
    scf.if %cond3A_91 {
      "tpu.region"() ({
        %run_scoped3A = tpu.sem_alloc : memref<!tpu.dma_semaphore, #tpu.memory_space<semaphore_mem>>
        %dma_start3A = arith.constant 0 : i32
        %dma_start3A_200 = arith.constant 0 : i32
        %dma_start3A_201 = tpu.memref_slice %arg10[%dma_start3A, %dma_start3A_200] : memref<80x128xf32, #tpu.memory_space<vmem>> -> memref<16x128xf32, #tpu.memory_space<vmem>>
        %dma_start3A_202 = arith.constant 9984 : i32
        %dma_start3A_203 = arith.constant 0 : i32
        %dma_start3A_204 = tpu.memref_slice %arg7[%dma_start3A_202, %dma_start3A_203] : memref<10000x128xf32, #tpu.memory_space<vmem_shared>> -> memref<16x128xf32, #tpu.memory_space<vmem_shared>>
        %dma_start3A_205 = arith.constant 9984 : i32
        %dma_start3A_206 = arith.constant 0 : i32
        %dma_start3A_207 = tpu.memref_slice %arg7[%dma_start3A_205, %dma_start3A_206] : memref<10000x128xf32, #tpu.memory_space<vmem_shared>> -> memref<16x128xf32, #tpu.memory_space<vmem_shared>>
        %dma_start3A_208 = arith.constant 0 : i32
        %dma_start3A_209 = arith.constant 0 : i32
        %dma_start3A_210 = tpu.memref_slice %arg10[%dma_start3A_208, %dma_start3A_209] : memref<80x128xf32, #tpu.memory_space<vmem>> -> memref<16x128xf32, #tpu.memory_space<vmem>>
        tpu.enqueue_dma source(%dma_start3A_210 : memref<16x128xf32, #tpu.memory_space<vmem>>) target(%dma_start3A_207 : memref<16x128xf32, #tpu.memory_space<vmem_shared>>) target_semaphore(%run_scoped3A : memref<!tpu.dma_semaphore, #tpu.memory_space<semaphore_mem>>)
        %dma_wait3A = arith.constant 0 : i32
        %dma_wait3A_211 = arith.constant 0 : i32
        %dma_wait3A_212 = tpu.memref_slice %arg10[%dma_wait3A, %dma_wait3A_211] : memref<80x128xf32, #tpu.memory_space<vmem>> -> memref<16x128xf32, #tpu.memory_space<vmem>>
        %dma_wait3A_213 = arith.constant 9984 : i32
        %dma_wait3A_214 = arith.constant 0 : i32
        %dma_wait3A_215 = tpu.memref_slice %arg7[%dma_wait3A_213, %dma_wait3A_214] : memref<10000x128xf32, #tpu.memory_space<vmem_shared>> -> memref<16x128xf32, #tpu.memory_space<vmem_shared>>
        %dma_wait3A_216 = arith.constant 9984 : i32
        %dma_wait3A_217 = arith.constant 0 : i32
        %dma_wait3A_218 = tpu.memref_slice %arg7[%dma_wait3A_216, %dma_wait3A_217] : memref<10000x128xf32, #tpu.memory_space<vmem_shared>> -> memref<16x128xf32, #tpu.memory_space<vmem_shared>>
        %dma_wait3A_219 = arith.constant 0 : i32
        %dma_wait3A_220 = arith.constant 0 : i32
        %dma_wait3A_221 = tpu.memref_slice %arg10[%dma_wait3A_219, %dma_wait3A_220] : memref<80x128xf32, #tpu.memory_space<vmem>> -> memref<16x128xf32, #tpu.memory_space<vmem>>
        tpu.wait_dma2 semaphore(%run_scoped3A : memref<!tpu.dma_semaphore, #tpu.memory_space<semaphore_mem>>) src(%dma_wait3A_221 : memref<16x128xf32, #tpu.memory_space<vmem>>) dst(%dma_wait3A_218 : memref<16x128xf32, #tpu.memory_space<vmem_shared>>)
        tpu.yield
      }) : () -> ()
      "tpu.region"() ({
        %run_scoped3A = tpu.sem_alloc : memref<!tpu.dma_semaphore, #tpu.memory_space<semaphore_mem>>
        %dma_start3A = arith.constant 0 : i32
        %dma_start3A_200 = tpu.memref_slice %arg14[%dma_start3A] : memref<80xf32, #tpu.memory_space<vmem>> -> memref<16xf32, #tpu.memory_space<vmem>>
        %dma_start3A_201 = arith.constant 9984 : i32
        %dma_start3A_202 = tpu.memref_slice %arg12[%dma_start3A_201] : memref<10000xf32, #tpu.memory_space<vmem_shared>> -> memref<16xf32, #tpu.memory_space<vmem_shared>>
        %dma_start3A_203 = arith.constant 9984 : i32
        %dma_start3A_204 = tpu.memref_slice %arg12[%dma_start3A_203] : memref<10000xf32, #tpu.memory_space<vmem_shared>> -> memref<16xf32, #tpu.memory_space<vmem_shared>>
        %dma_start3A_205 = arith.constant 0 : i32
        %dma_start3A_206 = tpu.memref_slice %arg14[%dma_start3A_205] : memref<80xf32, #tpu.memory_space<vmem>> -> memref<16xf32, #tpu.memory_space<vmem>>
        tpu.enqueue_dma source(%dma_start3A_206 : memref<16xf32, #tpu.memory_space<vmem>>) target(%dma_start3A_204 : memref<16xf32, #tpu.memory_space<vmem_shared>>) target_semaphore(%run_scoped3A : memref<!tpu.dma_semaphore, #tpu.memory_space<semaphore_mem>>)
        %dma_wait3A = arith.constant 0 : i32
        %dma_wait3A_207 = tpu.memref_slice %arg14[%dma_wait3A] : memref<80xf32, #tpu.memory_space<vmem>> -> memref<16xf32, #tpu.memory_space<vmem>>
        %dma_wait3A_208 = arith.constant 9984 : i32
        %dma_wait3A_209 = tpu.memref_slice %arg12[%dma_wait3A_208] : memref<10000xf32, #tpu.memory_space<vmem_shared>> -> memref<16xf32, #tpu.memory_space<vmem_shared>>
        %dma_wait3A_210 = arith.constant 9984 : i32
        %dma_wait3A_211 = tpu.memref_slice %arg12[%dma_wait3A_210] : memref<10000xf32, #tpu.memory_space<vmem_shared>> -> memref<16xf32, #tpu.memory_space<vmem_shared>>
        %dma_wait3A_212 = arith.constant 0 : i32
        %dma_wait3A_213 = tpu.memref_slice %arg14[%dma_wait3A_212] : memref<80xf32, #tpu.memory_space<vmem>> -> memref<16xf32, #tpu.memory_space<vmem>>
        tpu.wait_dma2 semaphore(%run_scoped3A : memref<!tpu.dma_semaphore, #tpu.memory_space<semaphore_mem>>) src(%dma_wait3A_213 : memref<16xf32, #tpu.memory_space<vmem>>) dst(%dma_wait3A_211 : memref<16xf32, #tpu.memory_space<vmem_shared>>)
        tpu.yield
      }) : () -> ()
    } else {
    }
    %barrier3A = arith.constant 0 : index
    tpu.barrier barrier_id(%barrier3A)
    %mul3A_92 = arith.constant 10000 : i32
    %mul3A_93 = arith.muli %add3A, %mul3A_92 : i32
    %scan3A_94 = arith.constant 0 : i32
    %scan3A_95 = arith.constant 0 : i32
    %scan3A_96 = arith.constant 125 : i32
    %scan3A_97 = arith.addi %scan3A_95, %scan3A_96 : i32
    %scan3A_98 = arith.constant 1 : i32
    scf.for %scan3A_200 = %scan3A_95 to %scan3A_97 step %scan3A_98  : i32 {
      %mul3A_201 = arith.constant 80 : i32
      %mul3A_202 = arith.muli %scan3A_200, %mul3A_201 : i32
      %add3A_203 = arith.addi %mul3A_93, %mul3A_202 : i32
      %multiple_of3A_204 = tpu.assume_multiple %add3A_203, 8 : i32
      "tpu.region"() ({
        %run_scoped3A = tpu.sem_alloc : memref<!tpu.dma_semaphore, #tpu.memory_space<semaphore_mem>>
        %dma_start3A_209 = tpu.memref_slice %arg3[%multiple_of3A_204] : memref<320000xi32, #tpu.memory_space<hbm>> -> memref<80xi32, #tpu.memory_space<hbm>>
        %dma_start3A_210 = tpu.memref_slice %arg3[%multiple_of3A_204] : memref<320000xi32, #tpu.memory_space<hbm>> -> memref<80xi32, #tpu.memory_space<hbm>>
        tpu.enqueue_dma source(%dma_start3A_210 : memref<80xi32, #tpu.memory_space<hbm>>) target(%arg8 : memref<80xi32, #tpu.memory_space<vmem>>) target_semaphore(%run_scoped3A : memref<!tpu.dma_semaphore, #tpu.memory_space<semaphore_mem>>)
        %dma_wait3A_211 = tpu.memref_slice %arg3[%multiple_of3A_204] : memref<320000xi32, #tpu.memory_space<hbm>> -> memref<80xi32, #tpu.memory_space<hbm>>
        %dma_wait3A_212 = tpu.memref_slice %arg3[%multiple_of3A_204] : memref<320000xi32, #tpu.memory_space<hbm>> -> memref<80xi32, #tpu.memory_space<hbm>>
        tpu.wait_dma2 semaphore(%run_scoped3A : memref<!tpu.dma_semaphore, #tpu.memory_space<semaphore_mem>>) src(%dma_wait3A_212 : memref<80xi32, #tpu.memory_space<hbm>>) dst(%arg8 : memref<80xi32, #tpu.memory_space<vmem>>)
        tpu.yield
      }) : () -> ()
      %dma_start3A = arith.constant 0 : i32
      %dma_start3A_205 = arith.constant 0 : i32
      %dma_start3A_206 = tpu.memref_slice %arg2[%dma_start3A, %dma_start3A_205] : memref<10000x128xf32, #tpu.memory_space<hbm>> -> memref<10000x128xf32, #tpu.memory_space<hbm>>
      tpu.enqueue_indirect_dma source(%dma_start3A_206 : memref<10000x128xf32, #tpu.memory_space<hbm>>) target(%arg10 : memref<80x128xf32, #tpu.memory_space<vmem>>) offsets(%arg8 : memref<80xi32, #tpu.memory_space<vmem>>) semaphore(%arg11 : memref<!tpu.dma_semaphore, #tpu.memory_space<semaphore_mem>>)
      %dma_wait3A = arith.constant 0 : i32
      %dma_wait3A_207 = arith.constant 0 : i32
      %dma_wait3A_208 = tpu.memref_slice %arg2[%dma_wait3A, %dma_wait3A_207] : memref<10000x128xf32, #tpu.memory_space<hbm>> -> memref<10000x128xf32, #tpu.memory_space<hbm>>
      tpu.wait_indirect_dma semaphore(%arg11 : memref<!tpu.dma_semaphore, #tpu.memory_space<semaphore_mem>>) src(%dma_wait3A_208 : memref<10000x128xf32, #tpu.memory_space<hbm>>) dst(%arg10 : memref<80x128xf32, #tpu.memory_space<vmem>>)
      "tpu.region"() ({
        %run_scoped3A = tpu.sem_alloc : memref<!tpu.dma_semaphore, #tpu.memory_space<semaphore_mem>>
        %dma_start3A_209 = tpu.memref_slice %arg4[%multiple_of3A_204] : memref<320000xi32, #tpu.memory_space<hbm>> -> memref<80xi32, #tpu.memory_space<hbm>>
        %dma_start3A_210 = tpu.memref_slice %arg4[%multiple_of3A_204] : memref<320000xi32, #tpu.memory_space<hbm>> -> memref<80xi32, #tpu.memory_space<hbm>>
        tpu.enqueue_dma source(%dma_start3A_210 : memref<80xi32, #tpu.memory_space<hbm>>) target(%arg9 : memref<80xi32, #tpu.memory_space<vmem>>) target_semaphore(%run_scoped3A : memref<!tpu.dma_semaphore, #tpu.memory_space<semaphore_mem>>)
        %dma_wait3A_211 = tpu.memref_slice %arg4[%multiple_of3A_204] : memref<320000xi32, #tpu.memory_space<hbm>> -> memref<80xi32, #tpu.memory_space<hbm>>
        %dma_wait3A_212 = tpu.memref_slice %arg4[%multiple_of3A_204] : memref<320000xi32, #tpu.memory_space<hbm>> -> memref<80xi32, #tpu.memory_space<hbm>>
        tpu.wait_dma2 semaphore(%run_scoped3A : memref<!tpu.dma_semaphore, #tpu.memory_space<semaphore_mem>>) src(%dma_wait3A_212 : memref<80xi32, #tpu.memory_space<hbm>>) dst(%arg9 : memref<80xi32, #tpu.memory_space<vmem>>)
        tpu.yield
      }) : () -> ()
      "tpu.region"() ({
        %run_scoped3A = tpu.sem_alloc : memref<!tpu.dma_semaphore, #tpu.memory_space<semaphore_mem>>
        %dma_start3A_209 = arith.constant 0 : i32
        %dma_start3A_210 = arith.constant 0 : i32
        %dma_start3A_211 = tpu.memref_slice %arg7[%dma_start3A_209, %dma_start3A_210] : memref<10000x128xf32, #tpu.memory_space<vmem_shared>> -> memref<10000x128xf32, #tpu.memory_space<vmem_shared>>
        tpu.enqueue_indirect_dma source(%arg10 : memref<80x128xf32, #tpu.memory_space<vmem>>) target(%dma_start3A_211 : memref<10000x128xf32, #tpu.memory_space<vmem_shared>>) offsets(%arg9 : memref<80xi32, #tpu.memory_space<vmem>>) semaphore(%run_scoped3A : memref<!tpu.dma_semaphore, #tpu.memory_space<semaphore_mem>>) {add = true}
        %dma_wait3A_212 = arith.constant 0 : i32
        %dma_wait3A_213 = arith.constant 0 : i32
        %dma_wait3A_214 = tpu.memref_slice %arg7[%dma_wait3A_212, %dma_wait3A_213] : memref<10000x128xf32, #tpu.memory_space<vmem_shared>> -> memref<10000x128xf32, #tpu.memory_space<vmem_shared>>
        tpu.wait_indirect_dma semaphore(%run_scoped3A : memref<!tpu.dma_semaphore, #tpu.memory_space<semaphore_mem>>) src(%arg10 : memref<80x128xf32, #tpu.memory_space<vmem>>) dst(%dma_wait3A_214 : memref<10000x128xf32, #tpu.memory_space<vmem_shared>>)
        tpu.yield
      }) : () -> ()
      "tpu.region"() ({
        %run_scoped3A = tpu.sem_alloc : memref<!tpu.dma_semaphore, #tpu.memory_space<semaphore_mem>>
        %dma_start3A_209 = arith.constant 0 : i32
        %dma_start3A_210 = tpu.memref_slice %arg12[%dma_start3A_209] : memref<10000xf32, #tpu.memory_space<vmem_shared>> -> memref<10000xf32, #tpu.memory_space<vmem_shared>>
        tpu.enqueue_indirect_dma source(%arg13 : memref<80xf32, #tpu.memory_space<vmem>>) target(%dma_start3A_210 : memref<10000xf32, #tpu.memory_space<vmem_shared>>) offsets(%arg9 : memref<80xi32, #tpu.memory_space<vmem>>) semaphore(%run_scoped3A : memref<!tpu.dma_semaphore, #tpu.memory_space<semaphore_mem>>) {add = true}
        %dma_wait3A_211 = arith.constant 0 : i32
        %dma_wait3A_212 = tpu.memref_slice %arg12[%dma_wait3A_211] : memref<10000xf32, #tpu.memory_space<vmem_shared>> -> memref<10000xf32, #tpu.memory_space<vmem_shared>>
        tpu.wait_indirect_dma semaphore(%run_scoped3A : memref<!tpu.dma_semaphore, #tpu.memory_space<semaphore_mem>>) src(%arg13 : memref<80xf32, #tpu.memory_space<vmem>>) dst(%dma_wait3A_212 : memref<10000xf32, #tpu.memory_space<vmem_shared>>)
        tpu.yield
      }) : () -> ()
    }
    %scan3A_99 = arith.constant 125 : i32
    %barrier3A_100 = arith.constant 0 : index
    tpu.barrier barrier_id(%barrier3A_100)
    %add3A_101 = arith.constant 0 : i32
    %add3A_102 = arith.addi %multiple_of3A, %add3A_101 : i32
    "tpu.region"() ({
      %run_scoped3A = tpu.sem_alloc : memref<!tpu.dma_semaphore, #tpu.memory_space<semaphore_mem>>
      %dma_start3A = arith.constant 0 : i32
      %dma_start3A_200 = arith.constant 0 : i32
      %dma_start3A_201 = tpu.memref_slice %arg10[%dma_start3A, %dma_start3A_200] : memref<80x128xf32, #tpu.memory_space<vmem>> -> memref<80x128xf32, #tpu.memory_space<vmem>>
      %dma_start3A_202 = arith.constant 0 : i32
      %dma_start3A_203 = tpu.memref_slice %arg7[%add3A_102, %dma_start3A_202] : memref<10000x128xf32, #tpu.memory_space<vmem_shared>> -> memref<80x128xf32, #tpu.memory_space<vmem_shared>>
      %dma_start3A_204 = arith.constant 0 : i32
      %dma_start3A_205 = arith.constant 0 : i32
      %dma_start3A_206 = tpu.memref_slice %arg10[%dma_start3A_204, %dma_start3A_205] : memref<80x128xf32, #tpu.memory_space<vmem>> -> memref<80x128xf32, #tpu.memory_space<vmem>>
      %dma_start3A_207 = arith.constant 0 : i32
      %dma_start3A_208 = tpu.memref_slice %arg7[%add3A_102, %dma_start3A_207] : memref<10000x128xf32, #tpu.memory_space<vmem_shared>> -> memref<80x128xf32, #tpu.memory_space<vmem_shared>>
      tpu.enqueue_dma source(%dma_start3A_208 : memref<80x128xf32, #tpu.memory_space<vmem_shared>>) target(%dma_start3A_206 : memref<80x128xf32, #tpu.memory_space<vmem>>) target_semaphore(%run_scoped3A : memref<!tpu.dma_semaphore, #tpu.memory_space<semaphore_mem>>)
      %dma_wait3A = arith.constant 0 : i32
      %dma_wait3A_209 = arith.constant 0 : i32
      %dma_wait3A_210 = tpu.memref_slice %arg10[%dma_wait3A, %dma_wait3A_209] : memref<80x128xf32, #tpu.memory_space<vmem>> -> memref<80x128xf32, #tpu.memory_space<vmem>>
      %dma_wait3A_211 = arith.constant 0 : i32
      %dma_wait3A_212 = tpu.memref_slice %arg7[%add3A_102, %dma_wait3A_211] : memref<10000x128xf32, #tpu.memory_space<vmem_shared>> -> memref<80x128xf32, #tpu.memory_space<vmem_shared>>
      %dma_wait3A_213 = arith.constant 0 : i32
      %dma_wait3A_214 = arith.constant 0 : i32
      %dma_wait3A_215 = tpu.memref_slice %arg10[%dma_wait3A_213, %dma_wait3A_214] : memref<80x128xf32, #tpu.memory_space<vmem>> -> memref<80x128xf32, #tpu.memory_space<vmem>>
      %dma_wait3A_216 = arith.constant 0 : i32
      %dma_wait3A_217 = tpu.memref_slice %arg7[%add3A_102, %dma_wait3A_216] : memref<10000x128xf32, #tpu.memory_space<vmem_shared>> -> memref<80x128xf32, #tpu.memory_space<vmem_shared>>
      tpu.wait_dma2 semaphore(%run_scoped3A : memref<!tpu.dma_semaphore, #tpu.memory_space<semaphore_mem>>) src(%dma_wait3A_217 : memref<80x128xf32, #tpu.memory_space<vmem_shared>>) dst(%dma_wait3A_215 : memref<80x128xf32, #tpu.memory_space<vmem>>)
      tpu.yield
    }) : () -> ()
    %add3A_103 = arith.constant 0 : i32
    %add3A_104 = arith.addi %multiple_of3A, %add3A_103 : i32
    "tpu.region"() ({
      %run_scoped3A = tpu.sem_alloc : memref<!tpu.dma_semaphore, #tpu.memory_space<semaphore_mem>>
      %dma_start3A = arith.constant 0 : i32
      %dma_start3A_200 = arith.constant 0 : i32
      %dma_start3A_201 = tpu.memref_slice %arg10[%dma_start3A, %dma_start3A_200] : memref<80x128xf32, #tpu.memory_space<vmem>> -> memref<80x128xf32, #tpu.memory_space<vmem>>
      %dma_start3A_202 = arith.constant 0 : i32
      %dma_start3A_203 = tpu.memref_slice %arg5[%arg0, %add3A_104, %dma_start3A_202] : memref<2x10000x128xf32, #tpu.memory_space<hbm>> -> memref<1x80x128xf32, #tpu.memory_space<hbm>>
      %dma_start3A_204 = tpu.memref_squeeze %dma_start3A_203 : memref<1x80x128xf32, #tpu.memory_space<hbm>> -> memref<80x128xf32, #tpu.memory_space<hbm>>
      %dma_start3A_205 = arith.constant 0 : i32
      %dma_start3A_206 = tpu.memref_slice %arg5[%arg0, %add3A_104, %dma_start3A_205] : memref<2x10000x128xf32, #tpu.memory_space<hbm>> -> memref<1x80x128xf32, #tpu.memory_space<hbm>>
      %dma_start3A_207 = tpu.memref_squeeze %dma_start3A_206 : memref<1x80x128xf32, #tpu.memory_space<hbm>> -> memref<80x128xf32, #tpu.memory_space<hbm>>
      %dma_start3A_208 = arith.constant 0 : i32
      %dma_start3A_209 = arith.constant 0 : i32
      %dma_start3A_210 = tpu.memref_slice %arg10[%dma_start3A_208, %dma_start3A_209] : memref<80x128xf32, #tpu.memory_space<vmem>> -> memref<80x128xf32, #tpu.memory_space<vmem>>
      tpu.enqueue_dma source(%dma_start3A_210 : memref<80x128xf32, #tpu.memory_space<vmem>>) target(%dma_start3A_207 : memref<80x128xf32, #tpu.memory_space<hbm>>) target_semaphore(%run_scoped3A : memref<!tpu.dma_semaphore, #tpu.memory_space<semaphore_mem>>)
      %dma_wait3A = arith.constant 0 : i32
      %dma_wait3A_211 = arith.constant 0 : i32
      %dma_wait3A_212 = tpu.memref_slice %arg10[%dma_wait3A, %dma_wait3A_211] : memref<80x128xf32, #tpu.memory_space<vmem>> -> memref<80x128xf32, #tpu.memory_space<vmem>>
      %dma_wait3A_213 = arith.constant 0 : i32
      %dma_wait3A_214 = tpu.memref_slice %arg5[%arg0, %add3A_104, %dma_wait3A_213] : memref<2x10000x128xf32, #tpu.memory_space<hbm>> -> memref<1x80x128xf32, #tpu.memory_space<hbm>>
      %dma_wait3A_215 = tpu.memref_squeeze %dma_wait3A_214 : memref<1x80x128xf32, #tpu.memory_space<hbm>> -> memref<80x128xf32, #tpu.memory_space<hbm>>
      %dma_wait3A_216 = arith.constant 0 : i32
      %dma_wait3A_217 = tpu.memref_slice %arg5[%arg0, %add3A_104, %dma_wait3A_216] : memref<2x10000x128xf32, #tpu.memory_space<hbm>> -> memref<1x80x128xf32, #tpu.memory_space<hbm>>
      %dma_wait3A_218 = tpu.memref_squeeze %dma_wait3A_217 : memref<1x80x128xf32, #tpu.memory_space<hbm>> -> memref<80x128xf32, #tpu.memory_space<hbm>>
      %dma_wait3A_219 = arith.constant 0 : i32
      %dma_wait3A_220 = arith.constant 0 : i32
      %dma_wait3A_221 = tpu.memref_slice %arg10[%dma_wait3A_219, %dma_wait3A_220] : memref<80x128xf32, #tpu.memory_space<vmem>> -> memref<80x128xf32, #tpu.memory_space<vmem>>
      tpu.wait_dma2 semaphore(%run_scoped3A : memref<!tpu.dma_semaphore, #tpu.memory_space<semaphore_mem>>) src(%dma_wait3A_221 : memref<80x128xf32, #tpu.memory_space<vmem>>) dst(%dma_wait3A_218 : memref<80x128xf32, #tpu.memory_space<hbm>>)
      tpu.yield
    }) : () -> ()
    %add3A_105 = arith.constant 80 : i32
    %add3A_106 = arith.addi %multiple_of3A, %add3A_105 : i32
    "tpu.region"() ({
      %run_scoped3A = tpu.sem_alloc : memref<!tpu.dma_semaphore, #tpu.memory_space<semaphore_mem>>
      %dma_start3A = arith.constant 0 : i32
      %dma_start3A_200 = arith.constant 0 : i32
      %dma_start3A_201 = tpu.memref_slice %arg10[%dma_start3A, %dma_start3A_200] : memref<80x128xf32, #tpu.memory_space<vmem>> -> memref<80x128xf32, #tpu.memory_space<vmem>>
      %dma_start3A_202 = arith.constant 0 : i32
      %dma_start3A_203 = tpu.memref_slice %arg7[%add3A_106, %dma_start3A_202] : memref<10000x128xf32, #tpu.memory_space<vmem_shared>> -> memref<80x128xf32, #tpu.memory_space<vmem_shared>>
      %dma_start3A_204 = arith.constant 0 : i32
      %dma_start3A_205 = arith.constant 0 : i32
      %dma_start3A_206 = tpu.memref_slice %arg10[%dma_start3A_204, %dma_start3A_205] : memref<80x128xf32, #tpu.memory_space<vmem>> -> memref<80x128xf32, #tpu.memory_space<vmem>>
      %dma_start3A_207 = arith.constant 0 : i32
      %dma_start3A_208 = tpu.memref_slice %arg7[%add3A_106, %dma_start3A_207] : memref<10000x128xf32, #tpu.memory_space<vmem_shared>> -> memref<80x128xf32, #tpu.memory_space<vmem_shared>>
      tpu.enqueue_dma source(%dma_start3A_208 : memref<80x128xf32, #tpu.memory_space<vmem_shared>>) target(%dma_start3A_206 : memref<80x128xf32, #tpu.memory_space<vmem>>) target_semaphore(%run_scoped3A : memref<!tpu.dma_semaphore, #tpu.memory_space<semaphore_mem>>)
      %dma_wait3A = arith.constant 0 : i32
      %dma_wait3A_209 = arith.constant 0 : i32
      %dma_wait3A_210 = tpu.memref_slice %arg10[%dma_wait3A, %dma_wait3A_209] : memref<80x128xf32, #tpu.memory_space<vmem>> -> memref<80x128xf32, #tpu.memory_space<vmem>>
      %dma_wait3A_211 = arith.constant 0 : i32
      %dma_wait3A_212 = tpu.memref_slice %arg7[%add3A_106, %dma_wait3A_211] : memref<10000x128xf32, #tpu.memory_space<vmem_shared>> -> memref<80x128xf32, #tpu.memory_space<vmem_shared>>
      %dma_wait3A_213 = arith.constant 0 : i32
      %dma_wait3A_214 = arith.constant 0 : i32
      %dma_wait3A_215 = tpu.memref_slice %arg10[%dma_wait3A_213, %dma_wait3A_214] : memref<80x128xf32, #tpu.memory_space<vmem>> -> memref<80x128xf32, #tpu.memory_space<vmem>>
      %dma_wait3A_216 = arith.constant 0 : i32
      %dma_wait3A_217 = tpu.memref_slice %arg7[%add3A_106, %dma_wait3A_216] : memref<10000x128xf32, #tpu.memory_space<vmem_shared>> -> memref<80x128xf32, #tpu.memory_space<vmem_shared>>
      tpu.wait_dma2 semaphore(%run_scoped3A : memref<!tpu.dma_semaphore, #tpu.memory_space<semaphore_mem>>) src(%dma_wait3A_217 : memref<80x128xf32, #tpu.memory_space<vmem_shared>>) dst(%dma_wait3A_215 : memref<80x128xf32, #tpu.memory_space<vmem>>)
      tpu.yield
    }) : () -> ()
    %add3A_107 = arith.constant 80 : i32
    %add3A_108 = arith.addi %multiple_of3A, %add3A_107 : i32
    "tpu.region"() ({
      %run_scoped3A = tpu.sem_alloc : memref<!tpu.dma_semaphore, #tpu.memory_space<semaphore_mem>>
      %dma_start3A = arith.constant 0 : i32
      %dma_start3A_200 = arith.constant 0 : i32
      %dma_start3A_201 = tpu.memref_slice %arg10[%dma_start3A, %dma_start3A_200] : memref<80x128xf32, #tpu.memory_space<vmem>> -> memref<80x128xf32, #tpu.memory_space<vmem>>
      %dma_start3A_202 = arith.constant 0 : i32
      %dma_start3A_203 = tpu.memref_slice %arg5[%arg0, %add3A_108, %dma_start3A_202] : memref<2x10000x128xf32, #tpu.memory_space<hbm>> -> memref<1x80x128xf32, #tpu.memory_space<hbm>>
      %dma_start3A_204 = tpu.memref_squeeze %dma_start3A_203 : memref<1x80x128xf32, #tpu.memory_space<hbm>> -> memref<80x128xf32, #tpu.memory_space<hbm>>
      %dma_start3A_205 = arith.constant 0 : i32
      %dma_start3A_206 = tpu.memref_slice %arg5[%arg0, %add3A_108, %dma_start3A_205] : memref<2x10000x128xf32, #tpu.memory_space<hbm>> -> memref<1x80x128xf32, #tpu.memory_space<hbm>>
      %dma_start3A_207 = tpu.memref_squeeze %dma_start3A_206 : memref<1x80x128xf32, #tpu.memory_space<hbm>> -> memref<80x128xf32, #tpu.memory_space<hbm>>
      %dma_start3A_208 = arith.constant 0 : i32
      %dma_start3A_209 = arith.constant 0 : i32
      %dma_start3A_210 = tpu.memref_slice %arg10[%dma_start3A_208, %dma_start3A_209] : memref<80x128xf32, #tpu.memory_space<vmem>> -> memref<80x128xf32, #tpu.memory_space<vmem>>
      tpu.enqueue_dma source(%dma_start3A_210 : memref<80x128xf32, #tpu.memory_space<vmem>>) target(%dma_start3A_207 : memref<80x128xf32, #tpu.memory_space<hbm>>) target_semaphore(%run_scoped3A : memref<!tpu.dma_semaphore, #tpu.memory_space<semaphore_mem>>)
      %dma_wait3A = arith.constant 0 : i32
      %dma_wait3A_211 = arith.constant 0 : i32
      %dma_wait3A_212 = tpu.memref_slice %arg10[%dma_wait3A, %dma_wait3A_211] : memref<80x128xf32, #tpu.memory_space<vmem>> -> memref<80x128xf32, #tpu.memory_space<vmem>>
      %dma_wait3A_213 = arith.constant 0 : i32
      %dma_wait3A_214 = tpu.memref_slice %arg5[%arg0, %add3A_108, %dma_wait3A_213] : memref<2x10000x128xf32, #tpu.memory_space<hbm>> -> memref<1x80x128xf32, #tpu.memory_space<hbm>>
      %dma_wait3A_215 = tpu.memref_squeeze %dma_wait3A_214 : memref<1x80x128xf32, #tpu.memory_space<hbm>> -> memref<80x128xf32, #tpu.memory_space<hbm>>
      %dma_wait3A_216 = arith.constant 0 : i32
      %dma_wait3A_217 = tpu.memref_slice %arg5[%arg0, %add3A_108, %dma_wait3A_216] : memref<2x10000x128xf32, #tpu.memory_space<hbm>> -> memref<1x80x128xf32, #tpu.memory_space<hbm>>
      %dma_wait3A_218 = tpu.memref_squeeze %dma_wait3A_217 : memref<1x80x128xf32, #tpu.memory_space<hbm>> -> memref<80x128xf32, #tpu.memory_space<hbm>>
      %dma_wait3A_219 = arith.constant 0 : i32
      %dma_wait3A_220 = arith.constant 0 : i32
      %dma_wait3A_221 = tpu.memref_slice %arg10[%dma_wait3A_219, %dma_wait3A_220] : memref<80x128xf32, #tpu.memory_space<vmem>> -> memref<80x128xf32, #tpu.memory_space<vmem>>
      tpu.wait_dma2 semaphore(%run_scoped3A : memref<!tpu.dma_semaphore, #tpu.memory_space<semaphore_mem>>) src(%dma_wait3A_221 : memref<80x128xf32, #tpu.memory_space<vmem>>) dst(%dma_wait3A_218 : memref<80x128xf32, #tpu.memory_space<hbm>>)
      tpu.yield
    }) : () -> ()
    %add3A_109 = arith.constant 160 : i32
    %add3A_110 = arith.addi %multiple_of3A, %add3A_109 : i32
    "tpu.region"() ({
      %run_scoped3A = tpu.sem_alloc : memref<!tpu.dma_semaphore, #tpu.memory_space<semaphore_mem>>
      %dma_start3A = arith.constant 0 : i32
      %dma_start3A_200 = arith.constant 0 : i32
      %dma_start3A_201 = tpu.memref_slice %arg10[%dma_start3A, %dma_start3A_200] : memref<80x128xf32, #tpu.memory_space<vmem>> -> memref<80x128xf32, #tpu.memory_space<vmem>>
      %dma_start3A_202 = arith.constant 0 : i32
      %dma_start3A_203 = tpu.memref_slice %arg7[%add3A_110, %dma_start3A_202] : memref<10000x128xf32, #tpu.memory_space<vmem_shared>> -> memref<80x128xf32, #tpu.memory_space<vmem_shared>>
      %dma_start3A_204 = arith.constant 0 : i32
      %dma_start3A_205 = arith.constant 0 : i32
      %dma_start3A_206 = tpu.memref_slice %arg10[%dma_start3A_204, %dma_start3A_205] : memref<80x128xf32, #tpu.memory_space<vmem>> -> memref<80x128xf32, #tpu.memory_space<vmem>>
      %dma_start3A_207 = arith.constant 0 : i32
      %dma_start3A_208 = tpu.memref_slice %arg7[%add3A_110, %dma_start3A_207] : memref<10000x128xf32, #tpu.memory_space<vmem_shared>> -> memref<80x128xf32, #tpu.memory_space<vmem_shared>>
      tpu.enqueue_dma source(%dma_start3A_208 : memref<80x128xf32, #tpu.memory_space<vmem_shared>>) target(%dma_start3A_206 : memref<80x128xf32, #tpu.memory_space<vmem>>) target_semaphore(%run_scoped3A : memref<!tpu.dma_semaphore, #tpu.memory_space<semaphore_mem>>)
      %dma_wait3A = arith.constant 0 : i32
      %dma_wait3A_209 = arith.constant 0 : i32
      %dma_wait3A_210 = tpu.memref_slice %arg10[%dma_wait3A, %dma_wait3A_209] : memref<80x128xf32, #tpu.memory_space<vmem>> -> memref<80x128xf32, #tpu.memory_space<vmem>>
      %dma_wait3A_211 = arith.constant 0 : i32
      %dma_wait3A_212 = tpu.memref_slice %arg7[%add3A_110, %dma_wait3A_211] : memref<10000x128xf32, #tpu.memory_space<vmem_shared>> -> memref<80x128xf32, #tpu.memory_space<vmem_shared>>
      %dma_wait3A_213 = arith.constant 0 : i32
      %dma_wait3A_214 = arith.constant 0 : i32
      %dma_wait3A_215 = tpu.memref_slice %arg10[%dma_wait3A_213, %dma_wait3A_214] : memref<80x128xf32, #tpu.memory_space<vmem>> -> memref<80x128xf32, #tpu.memory_space<vmem>>
      %dma_wait3A_216 = arith.constant 0 : i32
      %dma_wait3A_217 = tpu.memref_slice %arg7[%add3A_110, %dma_wait3A_216] : memref<10000x128xf32, #tpu.memory_space<vmem_shared>> -> memref<80x128xf32, #tpu.memory_space<vmem_shared>>
      tpu.wait_dma2 semaphore(%run_scoped3A : memref<!tpu.dma_semaphore, #tpu.memory_space<semaphore_mem>>) src(%dma_wait3A_217 : memref<80x128xf32, #tpu.memory_space<vmem_shared>>) dst(%dma_wait3A_215 : memref<80x128xf32, #tpu.memory_space<vmem>>)
      tpu.yield
    }) : () -> ()
    %add3A_111 = arith.constant 160 : i32
    %add3A_112 = arith.addi %multiple_of3A, %add3A_111 : i32
    "tpu.region"() ({
      %run_scoped3A = tpu.sem_alloc : memref<!tpu.dma_semaphore, #tpu.memory_space<semaphore_mem>>
      %dma_start3A = arith.constant 0 : i32
      %dma_start3A_200 = arith.constant 0 : i32
      %dma_start3A_201 = tpu.memref_slice %arg10[%dma_start3A, %dma_start3A_200] : memref<80x128xf32, #tpu.memory_space<vmem>> -> memref<80x128xf32, #tpu.memory_space<vmem>>
      %dma_start3A_202 = arith.constant 0 : i32
      %dma_start3A_203 = tpu.memref_slice %arg5[%arg0, %add3A_112, %dma_start3A_202] : memref<2x10000x128xf32, #tpu.memory_space<hbm>> -> memref<1x80x128xf32, #tpu.memory_space<hbm>>
      %dma_start3A_204 = tpu.memref_squeeze %dma_start3A_203 : memref<1x80x128xf32, #tpu.memory_space<hbm>> -> memref<80x128xf32, #tpu.memory_space<hbm>>
      %dma_start3A_205 = arith.constant 0 : i32
      %dma_start3A_206 = tpu.memref_slice %arg5[%arg0, %add3A_112, %dma_start3A_205] : memref<2x10000x128xf32, #tpu.memory_space<hbm>> -> memref<1x80x128xf32, #tpu.memory_space<hbm>>
      %dma_start3A_207 = tpu.memref_squeeze %dma_start3A_206 : memref<1x80x128xf32, #tpu.memory_space<hbm>> -> memref<80x128xf32, #tpu.memory_space<hbm>>
      %dma_start3A_208 = arith.constant 0 : i32
      %dma_start3A_209 = arith.constant 0 : i32
      %dma_start3A_210 = tpu.memref_slice %arg10[%dma_start3A_208, %dma_start3A_209] : memref<80x128xf32, #tpu.memory_space<vmem>> -> memref<80x128xf32, #tpu.memory_space<vmem>>
      tpu.enqueue_dma source(%dma_start3A_210 : memref<80x128xf32, #tpu.memory_space<vmem>>) target(%dma_start3A_207 : memref<80x128xf32, #tpu.memory_space<hbm>>) target_semaphore(%run_scoped3A : memref<!tpu.dma_semaphore, #tpu.memory_space<semaphore_mem>>)
      %dma_wait3A = arith.constant 0 : i32
      %dma_wait3A_211 = arith.constant 0 : i32
      %dma_wait3A_212 = tpu.memref_slice %arg10[%dma_wait3A, %dma_wait3A_211] : memref<80x128xf32, #tpu.memory_space<vmem>> -> memref<80x128xf32, #tpu.memory_space<vmem>>
      %dma_wait3A_213 = arith.constant 0 : i32
      %dma_wait3A_214 = tpu.memref_slice %arg5[%arg0, %add3A_112, %dma_wait3A_213] : memref<2x10000x128xf32, #tpu.memory_space<hbm>> -> memref<1x80x128xf32, #tpu.memory_space<hbm>>
      %dma_wait3A_215 = tpu.memref_squeeze %dma_wait3A_214 : memref<1x80x128xf32, #tpu.memory_space<hbm>> -> memref<80x128xf32, #tpu.memory_space<hbm>>
      %dma_wait3A_216 = arith.constant 0 : i32
      %dma_wait3A_217 = tpu.memref_slice %arg5[%arg0, %add3A_112, %dma_wait3A_216] : memref<2x10000x128xf32, #tpu.memory_space<hbm>> -> memref<1x80x128xf32, #tpu.memory_space<hbm>>
      %dma_wait3A_218 = tpu.memref_squeeze %dma_wait3A_217 : memref<1x80x128xf32, #tpu.memory_space<hbm>> -> memref<80x128xf32, #tpu.memory_space<hbm>>
      %dma_wait3A_219 = arith.constant 0 : i32
      %dma_wait3A_220 = arith.constant 0 : i32
      %dma_wait3A_221 = tpu.memref_slice %arg10[%dma_wait3A_219, %dma_wait3A_220] : memref<80x128xf32, #tpu.memory_space<vmem>> -> memref<80x128xf32, #tpu.memory_space<vmem>>
      tpu.wait_dma2 semaphore(%run_scoped3A : memref<!tpu.dma_semaphore, #tpu.memory_space<semaphore_mem>>) src(%dma_wait3A_221 : memref<80x128xf32, #tpu.memory_space<vmem>>) dst(%dma_wait3A_218 : memref<80x128xf32, #tpu.memory_space<hbm>>)
      tpu.yield
    }) : () -> ()
    %add3A_113 = arith.constant 240 : i32
    %add3A_114 = arith.addi %multiple_of3A, %add3A_113 : i32
    "tpu.region"() ({
      %run_scoped3A = tpu.sem_alloc : memref<!tpu.dma_semaphore, #tpu.memory_space<semaphore_mem>>
      %dma_start3A = arith.constant 0 : i32
      %dma_start3A_200 = arith.constant 0 : i32
      %dma_start3A_201 = tpu.memref_slice %arg10[%dma_start3A, %dma_start3A_200] : memref<80x128xf32, #tpu.memory_space<vmem>> -> memref<80x128xf32, #tpu.memory_space<vmem>>
      %dma_start3A_202 = arith.constant 0 : i32
      %dma_start3A_203 = tpu.memref_slice %arg7[%add3A_114, %dma_start3A_202] : memref<10000x128xf32, #tpu.memory_space<vmem_shared>> -> memref<80x128xf32, #tpu.memory_space<vmem_shared>>
      %dma_start3A_204 = arith.constant 0 : i32
      %dma_start3A_205 = arith.constant 0 : i32
      %dma_start3A_206 = tpu.memref_slice %arg10[%dma_start3A_204, %dma_start3A_205] : memref<80x128xf32, #tpu.memory_space<vmem>> -> memref<80x128xf32, #tpu.memory_space<vmem>>
      %dma_start3A_207 = arith.constant 0 : i32
      %dma_start3A_208 = tpu.memref_slice %arg7[%add3A_114, %dma_start3A_207] : memref<10000x128xf32, #tpu.memory_space<vmem_shared>> -> memref<80x128xf32, #tpu.memory_space<vmem_shared>>
      tpu.enqueue_dma source(%dma_start3A_208 : memref<80x128xf32, #tpu.memory_space<vmem_shared>>) target(%dma_start3A_206 : memref<80x128xf32, #tpu.memory_space<vmem>>) target_semaphore(%run_scoped3A : memref<!tpu.dma_semaphore, #tpu.memory_space<semaphore_mem>>)
      %dma_wait3A = arith.constant 0 : i32
      %dma_wait3A_209 = arith.constant 0 : i32
      %dma_wait3A_210 = tpu.memref_slice %arg10[%dma_wait3A, %dma_wait3A_209] : memref<80x128xf32, #tpu.memory_space<vmem>> -> memref<80x128xf32, #tpu.memory_space<vmem>>
      %dma_wait3A_211 = arith.constant 0 : i32
      %dma_wait3A_212 = tpu.memref_slice %arg7[%add3A_114, %dma_wait3A_211] : memref<10000x128xf32, #tpu.memory_space<vmem_shared>> -> memref<80x128xf32, #tpu.memory_space<vmem_shared>>
      %dma_wait3A_213 = arith.constant 0 : i32
      %dma_wait3A_214 = arith.constant 0 : i32
      %dma_wait3A_215 = tpu.memref_slice %arg10[%dma_wait3A_213, %dma_wait3A_214] : memref<80x128xf32, #tpu.memory_space<vmem>> -> memref<80x128xf32, #tpu.memory_space<vmem>>
      %dma_wait3A_216 = arith.constant 0 : i32
      %dma_wait3A_217 = tpu.memref_slice %arg7[%add3A_114, %dma_wait3A_216] : memref<10000x128xf32, #tpu.memory_space<vmem_shared>> -> memref<80x128xf32, #tpu.memory_space<vmem_shared>>
      tpu.wait_dma2 semaphore(%run_scoped3A : memref<!tpu.dma_semaphore, #tpu.memory_space<semaphore_mem>>) src(%dma_wait3A_217 : memref<80x128xf32, #tpu.memory_space<vmem_shared>>) dst(%dma_wait3A_215 : memref<80x128xf32, #tpu.memory_space<vmem>>)
      tpu.yield
    }) : () -> ()
    %add3A_115 = arith.constant 240 : i32
    %add3A_116 = arith.addi %multiple_of3A, %add3A_115 : i32
    "tpu.region"() ({
      %run_scoped3A = tpu.sem_alloc : memref<!tpu.dma_semaphore, #tpu.memory_space<semaphore_mem>>
      %dma_start3A = arith.constant 0 : i32
      %dma_start3A_200 = arith.constant 0 : i32
      %dma_start3A_201 = tpu.memref_slice %arg10[%dma_start3A, %dma_start3A_200] : memref<80x128xf32, #tpu.memory_space<vmem>> -> memref<80x128xf32, #tpu.memory_space<vmem>>
      %dma_start3A_202 = arith.constant 0 : i32
      %dma_start3A_203 = tpu.memref_slice %arg5[%arg0, %add3A_116, %dma_start3A_202] : memref<2x10000x128xf32, #tpu.memory_space<hbm>> -> memref<1x80x128xf32, #tpu.memory_space<hbm>>
      %dma_start3A_204 = tpu.memref_squeeze %dma_start3A_203 : memref<1x80x128xf32, #tpu.memory_space<hbm>> -> memref<80x128xf32, #tpu.memory_space<hbm>>
      %dma_start3A_205 = arith.constant 0 : i32
      %dma_start3A_206 = tpu.memref_slice %arg5[%arg0, %add3A_116, %dma_start3A_205] : memref<2x10000x128xf32, #tpu.memory_space<hbm>> -> memref<1x80x128xf32, #tpu.memory_space<hbm>>
      %dma_start3A_207 = tpu.memref_squeeze %dma_start3A_206 : memref<1x80x128xf32, #tpu.memory_space<hbm>> -> memref<80x128xf32, #tpu.memory_space<hbm>>
      %dma_start3A_208 = arith.constant 0 : i32
      %dma_start3A_209 = arith.constant 0 : i32
      %dma_start3A_210 = tpu.memref_slice %arg10[%dma_start3A_208, %dma_start3A_209] : memref<80x128xf32, #tpu.memory_space<vmem>> -> memref<80x128xf32, #tpu.memory_space<vmem>>
      tpu.enqueue_dma source(%dma_start3A_210 : memref<80x128xf32, #tpu.memory_space<vmem>>) target(%dma_start3A_207 : memref<80x128xf32, #tpu.memory_space<hbm>>) target_semaphore(%run_scoped3A : memref<!tpu.dma_semaphore, #tpu.memory_space<semaphore_mem>>)
      %dma_wait3A = arith.constant 0 : i32
      %dma_wait3A_211 = arith.constant 0 : i32
      %dma_wait3A_212 = tpu.memref_slice %arg10[%dma_wait3A, %dma_wait3A_211] : memref<80x128xf32, #tpu.memory_space<vmem>> -> memref<80x128xf32, #tpu.memory_space<vmem>>
      %dma_wait3A_213 = arith.constant 0 : i32
      %dma_wait3A_214 = tpu.memref_slice %arg5[%arg0, %add3A_116, %dma_wait3A_213] : memref<2x10000x128xf32, #tpu.memory_space<hbm>> -> memref<1x80x128xf32, #tpu.memory_space<hbm>>
      %dma_wait3A_215 = tpu.memref_squeeze %dma_wait3A_214 : memref<1x80x128xf32, #tpu.memory_space<hbm>> -> memref<80x128xf32, #tpu.memory_space<hbm>>
      %dma_wait3A_216 = arith.constant 0 : i32
      %dma_wait3A_217 = tpu.memref_slice %arg5[%arg0, %add3A_116, %dma_wait3A_216] : memref<2x10000x128xf32, #tpu.memory_space<hbm>> -> memref<1x80x128xf32, #tpu.memory_space<hbm>>
      %dma_wait3A_218 = tpu.memref_squeeze %dma_wait3A_217 : memref<1x80x128xf32, #tpu.memory_space<hbm>> -> memref<80x128xf32, #tpu.memory_space<hbm>>
      %dma_wait3A_219 = arith.constant 0 : i32
      %dma_wait3A_220 = arith.constant 0 : i32
      %dma_wait3A_221 = tpu.memref_slice %arg10[%dma_wait3A_219, %dma_wait3A_220] : memref<80x128xf32, #tpu.memory_space<vmem>> -> memref<80x128xf32, #tpu.memory_space<vmem>>
      tpu.wait_dma2 semaphore(%run_scoped3A : memref<!tpu.dma_semaphore, #tpu.memory_space<semaphore_mem>>) src(%dma_wait3A_221 : memref<80x128xf32, #tpu.memory_space<vmem>>) dst(%dma_wait3A_218 : memref<80x128xf32, #tpu.memory_space<hbm>>)
      tpu.yield
    }) : () -> ()
    %add3A_117 = arith.constant 320 : i32
    %add3A_118 = arith.addi %multiple_of3A, %add3A_117 : i32
    "tpu.region"() ({
      %run_scoped3A = tpu.sem_alloc : memref<!tpu.dma_semaphore, #tpu.memory_space<semaphore_mem>>
      %dma_start3A = arith.constant 0 : i32
      %dma_start3A_200 = arith.constant 0 : i32
      %dma_start3A_201 = tpu.memref_slice %arg10[%dma_start3A, %dma_start3A_200] : memref<80x128xf32, #tpu.memory_space<vmem>> -> memref<80x128xf32, #tpu.memory_space<vmem>>
      %dma_start3A_202 = arith.constant 0 : i32
      %dma_start3A_203 = tpu.memref_slice %arg7[%add3A_118, %dma_start3A_202] : memref<10000x128xf32, #tpu.memory_space<vmem_shared>> -> memref<80x128xf32, #tpu.memory_space<vmem_shared>>
      %dma_start3A_204 = arith.constant 0 : i32
      %dma_start3A_205 = arith.constant 0 : i32
      %dma_start3A_206 = tpu.memref_slice %arg10[%dma_start3A_204, %dma_start3A_205] : memref<80x128xf32, #tpu.memory_space<vmem>> -> memref<80x128xf32, #tpu.memory_space<vmem>>
      %dma_start3A_207 = arith.constant 0 : i32
      %dma_start3A_208 = tpu.memref_slice %arg7[%add3A_118, %dma_start3A_207] : memref<10000x128xf32, #tpu.memory_space<vmem_shared>> -> memref<80x128xf32, #tpu.memory_space<vmem_shared>>
      tpu.enqueue_dma source(%dma_start3A_208 : memref<80x128xf32, #tpu.memory_space<vmem_shared>>) target(%dma_start3A_206 : memref<80x128xf32, #tpu.memory_space<vmem>>) target_semaphore(%run_scoped3A : memref<!tpu.dma_semaphore, #tpu.memory_space<semaphore_mem>>)
      %dma_wait3A = arith.constant 0 : i32
      %dma_wait3A_209 = arith.constant 0 : i32
      %dma_wait3A_210 = tpu.memref_slice %arg10[%dma_wait3A, %dma_wait3A_209] : memref<80x128xf32, #tpu.memory_space<vmem>> -> memref<80x128xf32, #tpu.memory_space<vmem>>
      %dma_wait3A_211 = arith.constant 0 : i32
      %dma_wait3A_212 = tpu.memref_slice %arg7[%add3A_118, %dma_wait3A_211] : memref<10000x128xf32, #tpu.memory_space<vmem_shared>> -> memref<80x128xf32, #tpu.memory_space<vmem_shared>>
      %dma_wait3A_213 = arith.constant 0 : i32
      %dma_wait3A_214 = arith.constant 0 : i32
      %dma_wait3A_215 = tpu.memref_slice %arg10[%dma_wait3A_213, %dma_wait3A_214] : memref<80x128xf32, #tpu.memory_space<vmem>> -> memref<80x128xf32, #tpu.memory_space<vmem>>
      %dma_wait3A_216 = arith.constant 0 : i32
      %dma_wait3A_217 = tpu.memref_slice %arg7[%add3A_118, %dma_wait3A_216] : memref<10000x128xf32, #tpu.memory_space<vmem_shared>> -> memref<80x128xf32, #tpu.memory_space<vmem_shared>>
      tpu.wait_dma2 semaphore(%run_scoped3A : memref<!tpu.dma_semaphore, #tpu.memory_space<semaphore_mem>>) src(%dma_wait3A_217 : memref<80x128xf32, #tpu.memory_space<vmem_shared>>) dst(%dma_wait3A_215 : memref<80x128xf32, #tpu.memory_space<vmem>>)
      tpu.yield
    }) : () -> ()
    %add3A_119 = arith.constant 320 : i32
    %add3A_120 = arith.addi %multiple_of3A, %add3A_119 : i32
    "tpu.region"() ({
      %run_scoped3A = tpu.sem_alloc : memref<!tpu.dma_semaphore, #tpu.memory_space<semaphore_mem>>
      %dma_start3A = arith.constant 0 : i32
      %dma_start3A_200 = arith.constant 0 : i32
      %dma_start3A_201 = tpu.memref_slice %arg10[%dma_start3A, %dma_start3A_200] : memref<80x128xf32, #tpu.memory_space<vmem>> -> memref<80x128xf32, #tpu.memory_space<vmem>>
      %dma_start3A_202 = arith.constant 0 : i32
      %dma_start3A_203 = tpu.memref_slice %arg5[%arg0, %add3A_120, %dma_start3A_202] : memref<2x10000x128xf32, #tpu.memory_space<hbm>> -> memref<1x80x128xf32, #tpu.memory_space<hbm>>
      %dma_start3A_204 = tpu.memref_squeeze %dma_start3A_203 : memref<1x80x128xf32, #tpu.memory_space<hbm>> -> memref<80x128xf32, #tpu.memory_space<hbm>>
      %dma_start3A_205 = arith.constant 0 : i32
      %dma_start3A_206 = tpu.memref_slice %arg5[%arg0, %add3A_120, %dma_start3A_205] : memref<2x10000x128xf32, #tpu.memory_space<hbm>> -> memref<1x80x128xf32, #tpu.memory_space<hbm>>
      %dma_start3A_207 = tpu.memref_squeeze %dma_start3A_206 : memref<1x80x128xf32, #tpu.memory_space<hbm>> -> memref<80x128xf32, #tpu.memory_space<hbm>>
      %dma_start3A_208 = arith.constant 0 : i32
      %dma_start3A_209 = arith.constant 0 : i32
      %dma_start3A_210 = tpu.memref_slice %arg10[%dma_start3A_208, %dma_start3A_209] : memref<80x128xf32, #tpu.memory_space<vmem>> -> memref<80x128xf32, #tpu.memory_space<vmem>>
      tpu.enqueue_dma source(%dma_start3A_210 : memref<80x128xf32, #tpu.memory_space<vmem>>) target(%dma_start3A_207 : memref<80x128xf32, #tpu.memory_space<hbm>>) target_semaphore(%run_scoped3A : memref<!tpu.dma_semaphore, #tpu.memory_space<semaphore_mem>>)
      %dma_wait3A = arith.constant 0 : i32
      %dma_wait3A_211 = arith.constant 0 : i32
      %dma_wait3A_212 = tpu.memref_slice %arg10[%dma_wait3A, %dma_wait3A_211] : memref<80x128xf32, #tpu.memory_space<vmem>> -> memref<80x128xf32, #tpu.memory_space<vmem>>
      %dma_wait3A_213 = arith.constant 0 : i32
      %dma_wait3A_214 = tpu.memref_slice %arg5[%arg0, %add3A_120, %dma_wait3A_213] : memref<2x10000x128xf32, #tpu.memory_space<hbm>> -> memref<1x80x128xf32, #tpu.memory_space<hbm>>
      %dma_wait3A_215 = tpu.memref_squeeze %dma_wait3A_214 : memref<1x80x128xf32, #tpu.memory_space<hbm>> -> memref<80x128xf32, #tpu.memory_space<hbm>>
      %dma_wait3A_216 = arith.constant 0 : i32
      %dma_wait3A_217 = tpu.memref_slice %arg5[%arg0, %add3A_120, %dma_wait3A_216] : memref<2x10000x128xf32, #tpu.memory_space<hbm>> -> memref<1x80x128xf32, #tpu.memory_space<hbm>>
      %dma_wait3A_218 = tpu.memref_squeeze %dma_wait3A_217 : memref<1x80x128xf32, #tpu.memory_space<hbm>> -> memref<80x128xf32, #tpu.memory_space<hbm>>
      %dma_wait3A_219 = arith.constant 0 : i32
      %dma_wait3A_220 = arith.constant 0 : i32
      %dma_wait3A_221 = tpu.memref_slice %arg10[%dma_wait3A_219, %dma_wait3A_220] : memref<80x128xf32, #tpu.memory_space<vmem>> -> memref<80x128xf32, #tpu.memory_space<vmem>>
      tpu.wait_dma2 semaphore(%run_scoped3A : memref<!tpu.dma_semaphore, #tpu.memory_space<semaphore_mem>>) src(%dma_wait3A_221 : memref<80x128xf32, #tpu.memory_space<vmem>>) dst(%dma_wait3A_218 : memref<80x128xf32, #tpu.memory_space<hbm>>)
      tpu.yield
    }) : () -> ()
    %add3A_121 = arith.constant 400 : i32
    %add3A_122 = arith.addi %multiple_of3A, %add3A_121 : i32
    "tpu.region"() ({
      %run_scoped3A = tpu.sem_alloc : memref<!tpu.dma_semaphore, #tpu.memory_space<semaphore_mem>>
      %dma_start3A = arith.constant 0 : i32
      %dma_start3A_200 = arith.constant 0 : i32
      %dma_start3A_201 = tpu.memref_slice %arg10[%dma_start3A, %dma_start3A_200] : memref<80x128xf32, #tpu.memory_space<vmem>> -> memref<80x128xf32, #tpu.memory_space<vmem>>
      %dma_start3A_202 = arith.constant 0 : i32
      %dma_start3A_203 = tpu.memref_slice %arg7[%add3A_122, %dma_start3A_202] : memref<10000x128xf32, #tpu.memory_space<vmem_shared>> -> memref<80x128xf32, #tpu.memory_space<vmem_shared>>
      %dma_start3A_204 = arith.constant 0 : i32
      %dma_start3A_205 = arith.constant 0 : i32
      %dma_start3A_206 = tpu.memref_slice %arg10[%dma_start3A_204, %dma_start3A_205] : memref<80x128xf32, #tpu.memory_space<vmem>> -> memref<80x128xf32, #tpu.memory_space<vmem>>
      %dma_start3A_207 = arith.constant 0 : i32
      %dma_start3A_208 = tpu.memref_slice %arg7[%add3A_122, %dma_start3A_207] : memref<10000x128xf32, #tpu.memory_space<vmem_shared>> -> memref<80x128xf32, #tpu.memory_space<vmem_shared>>
      tpu.enqueue_dma source(%dma_start3A_208 : memref<80x128xf32, #tpu.memory_space<vmem_shared>>) target(%dma_start3A_206 : memref<80x128xf32, #tpu.memory_space<vmem>>) target_semaphore(%run_scoped3A : memref<!tpu.dma_semaphore, #tpu.memory_space<semaphore_mem>>)
      %dma_wait3A = arith.constant 0 : i32
      %dma_wait3A_209 = arith.constant 0 : i32
      %dma_wait3A_210 = tpu.memref_slice %arg10[%dma_wait3A, %dma_wait3A_209] : memref<80x128xf32, #tpu.memory_space<vmem>> -> memref<80x128xf32, #tpu.memory_space<vmem>>
      %dma_wait3A_211 = arith.constant 0 : i32
      %dma_wait3A_212 = tpu.memref_slice %arg7[%add3A_122, %dma_wait3A_211] : memref<10000x128xf32, #tpu.memory_space<vmem_shared>> -> memref<80x128xf32, #tpu.memory_space<vmem_shared>>
      %dma_wait3A_213 = arith.constant 0 : i32
      %dma_wait3A_214 = arith.constant 0 : i32
      %dma_wait3A_215 = tpu.memref_slice %arg10[%dma_wait3A_213, %dma_wait3A_214] : memref<80x128xf32, #tpu.memory_space<vmem>> -> memref<80x128xf32, #tpu.memory_space<vmem>>
      %dma_wait3A_216 = arith.constant 0 : i32
      %dma_wait3A_217 = tpu.memref_slice %arg7[%add3A_122, %dma_wait3A_216] : memref<10000x128xf32, #tpu.memory_space<vmem_shared>> -> memref<80x128xf32, #tpu.memory_space<vmem_shared>>
      tpu.wait_dma2 semaphore(%run_scoped3A : memref<!tpu.dma_semaphore, #tpu.memory_space<semaphore_mem>>) src(%dma_wait3A_217 : memref<80x128xf32, #tpu.memory_space<vmem_shared>>) dst(%dma_wait3A_215 : memref<80x128xf32, #tpu.memory_space<vmem>>)
      tpu.yield
    }) : () -> ()
    %add3A_123 = arith.constant 400 : i32
    %add3A_124 = arith.addi %multiple_of3A, %add3A_123 : i32
    "tpu.region"() ({
      %run_scoped3A = tpu.sem_alloc : memref<!tpu.dma_semaphore, #tpu.memory_space<semaphore_mem>>
      %dma_start3A = arith.constant 0 : i32
      %dma_start3A_200 = arith.constant 0 : i32
      %dma_start3A_201 = tpu.memref_slice %arg10[%dma_start3A, %dma_start3A_200] : memref<80x128xf32, #tpu.memory_space<vmem>> -> memref<80x128xf32, #tpu.memory_space<vmem>>
      %dma_start3A_202 = arith.constant 0 : i32
      %dma_start3A_203 = tpu.memref_slice %arg5[%arg0, %add3A_124, %dma_start3A_202] : memref<2x10000x128xf32, #tpu.memory_space<hbm>> -> memref<1x80x128xf32, #tpu.memory_space<hbm>>
      %dma_start3A_204 = tpu.memref_squeeze %dma_start3A_203 : memref<1x80x128xf32, #tpu.memory_space<hbm>> -> memref<80x128xf32, #tpu.memory_space<hbm>>
      %dma_start3A_205 = arith.constant 0 : i32
      %dma_start3A_206 = tpu.memref_slice %arg5[%arg0, %add3A_124, %dma_start3A_205] : memref<2x10000x128xf32, #tpu.memory_space<hbm>> -> memref<1x80x128xf32, #tpu.memory_space<hbm>>
      %dma_start3A_207 = tpu.memref_squeeze %dma_start3A_206 : memref<1x80x128xf32, #tpu.memory_space<hbm>> -> memref<80x128xf32, #tpu.memory_space<hbm>>
      %dma_start3A_208 = arith.constant 0 : i32
      %dma_start3A_209 = arith.constant 0 : i32
      %dma_start3A_210 = tpu.memref_slice %arg10[%dma_start3A_208, %dma_start3A_209] : memref<80x128xf32, #tpu.memory_space<vmem>> -> memref<80x128xf32, #tpu.memory_space<vmem>>
      tpu.enqueue_dma source(%dma_start3A_210 : memref<80x128xf32, #tpu.memory_space<vmem>>) target(%dma_start3A_207 : memref<80x128xf32, #tpu.memory_space<hbm>>) target_semaphore(%run_scoped3A : memref<!tpu.dma_semaphore, #tpu.memory_space<semaphore_mem>>)
      %dma_wait3A = arith.constant 0 : i32
      %dma_wait3A_211 = arith.constant 0 : i32
      %dma_wait3A_212 = tpu.memref_slice %arg10[%dma_wait3A, %dma_wait3A_211] : memref<80x128xf32, #tpu.memory_space<vmem>> -> memref<80x128xf32, #tpu.memory_space<vmem>>
      %dma_wait3A_213 = arith.constant 0 : i32
      %dma_wait3A_214 = tpu.memref_slice %arg5[%arg0, %add3A_124, %dma_wait3A_213] : memref<2x10000x128xf32, #tpu.memory_space<hbm>> -> memref<1x80x128xf32, #tpu.memory_space<hbm>>
      %dma_wait3A_215 = tpu.memref_squeeze %dma_wait3A_214 : memref<1x80x128xf32, #tpu.memory_space<hbm>> -> memref<80x128xf32, #tpu.memory_space<hbm>>
      %dma_wait3A_216 = arith.constant 0 : i32
      %dma_wait3A_217 = tpu.memref_slice %arg5[%arg0, %add3A_124, %dma_wait3A_216] : memref<2x10000x128xf32, #tpu.memory_space<hbm>> -> memref<1x80x128xf32, #tpu.memory_space<hbm>>
      %dma_wait3A_218 = tpu.memref_squeeze %dma_wait3A_217 : memref<1x80x128xf32, #tpu.memory_space<hbm>> -> memref<80x128xf32, #tpu.memory_space<hbm>>
      %dma_wait3A_219 = arith.constant 0 : i32
      %dma_wait3A_220 = arith.constant 0 : i32
      %dma_wait3A_221 = tpu.memref_slice %arg10[%dma_wait3A_219, %dma_wait3A_220] : memref<80x128xf32, #tpu.memory_space<vmem>> -> memref<80x128xf32, #tpu.memory_space<vmem>>
      tpu.wait_dma2 semaphore(%run_scoped3A : memref<!tpu.dma_semaphore, #tpu.memory_space<semaphore_mem>>) src(%dma_wait3A_221 : memref<80x128xf32, #tpu.memory_space<vmem>>) dst(%dma_wait3A_218 : memref<80x128xf32, #tpu.memory_space<hbm>>)
      tpu.yield
    }) : () -> ()
    %add3A_125 = arith.constant 480 : i32
    %add3A_126 = arith.addi %multiple_of3A, %add3A_125 : i32
    "tpu.region"() ({
      %run_scoped3A = tpu.sem_alloc : memref<!tpu.dma_semaphore, #tpu.memory_space<semaphore_mem>>
      %dma_start3A = arith.constant 0 : i32
      %dma_start3A_200 = arith.constant 0 : i32
      %dma_start3A_201 = tpu.memref_slice %arg10[%dma_start3A, %dma_start3A_200] : memref<80x128xf32, #tpu.memory_space<vmem>> -> memref<80x128xf32, #tpu.memory_space<vmem>>
      %dma_start3A_202 = arith.constant 0 : i32
      %dma_start3A_203 = tpu.memref_slice %arg7[%add3A_126, %dma_start3A_202] : memref<10000x128xf32, #tpu.memory_space<vmem_shared>> -> memref<80x128xf32, #tpu.memory_space<vmem_shared>>
      %dma_start3A_204 = arith.constant 0 : i32
      %dma_start3A_205 = arith.constant 0 : i32
      %dma_start3A_206 = tpu.memref_slice %arg10[%dma_start3A_204, %dma_start3A_205] : memref<80x128xf32, #tpu.memory_space<vmem>> -> memref<80x128xf32, #tpu.memory_space<vmem>>
      %dma_start3A_207 = arith.constant 0 : i32
      %dma_start3A_208 = tpu.memref_slice %arg7[%add3A_126, %dma_start3A_207] : memref<10000x128xf32, #tpu.memory_space<vmem_shared>> -> memref<80x128xf32, #tpu.memory_space<vmem_shared>>
      tpu.enqueue_dma source(%dma_start3A_208 : memref<80x128xf32, #tpu.memory_space<vmem_shared>>) target(%dma_start3A_206 : memref<80x128xf32, #tpu.memory_space<vmem>>) target_semaphore(%run_scoped3A : memref<!tpu.dma_semaphore, #tpu.memory_space<semaphore_mem>>)
      %dma_wait3A = arith.constant 0 : i32
      %dma_wait3A_209 = arith.constant 0 : i32
      %dma_wait3A_210 = tpu.memref_slice %arg10[%dma_wait3A, %dma_wait3A_209] : memref<80x128xf32, #tpu.memory_space<vmem>> -> memref<80x128xf32, #tpu.memory_space<vmem>>
      %dma_wait3A_211 = arith.constant 0 : i32
      %dma_wait3A_212 = tpu.memref_slice %arg7[%add3A_126, %dma_wait3A_211] : memref<10000x128xf32, #tpu.memory_space<vmem_shared>> -> memref<80x128xf32, #tpu.memory_space<vmem_shared>>
      %dma_wait3A_213 = arith.constant 0 : i32
      %dma_wait3A_214 = arith.constant 0 : i32
      %dma_wait3A_215 = tpu.memref_slice %arg10[%dma_wait3A_213, %dma_wait3A_214] : memref<80x128xf32, #tpu.memory_space<vmem>> -> memref<80x128xf32, #tpu.memory_space<vmem>>
      %dma_wait3A_216 = arith.constant 0 : i32
      %dma_wait3A_217 = tpu.memref_slice %arg7[%add3A_126, %dma_wait3A_216] : memref<10000x128xf32, #tpu.memory_space<vmem_shared>> -> memref<80x128xf32, #tpu.memory_space<vmem_shared>>
      tpu.wait_dma2 semaphore(%run_scoped3A : memref<!tpu.dma_semaphore, #tpu.memory_space<semaphore_mem>>) src(%dma_wait3A_217 : memref<80x128xf32, #tpu.memory_space<vmem_shared>>) dst(%dma_wait3A_215 : memref<80x128xf32, #tpu.memory_space<vmem>>)
      tpu.yield
    }) : () -> ()
    %add3A_127 = arith.constant 480 : i32
    %add3A_128 = arith.addi %multiple_of3A, %add3A_127 : i32
    "tpu.region"() ({
      %run_scoped3A = tpu.sem_alloc : memref<!tpu.dma_semaphore, #tpu.memory_space<semaphore_mem>>
      %dma_start3A = arith.constant 0 : i32
      %dma_start3A_200 = arith.constant 0 : i32
      %dma_start3A_201 = tpu.memref_slice %arg10[%dma_start3A, %dma_start3A_200] : memref<80x128xf32, #tpu.memory_space<vmem>> -> memref<80x128xf32, #tpu.memory_space<vmem>>
      %dma_start3A_202 = arith.constant 0 : i32
      %dma_start3A_203 = tpu.memref_slice %arg5[%arg0, %add3A_128, %dma_start3A_202] : memref<2x10000x128xf32, #tpu.memory_space<hbm>> -> memref<1x80x128xf32, #tpu.memory_space<hbm>>
      %dma_start3A_204 = tpu.memref_squeeze %dma_start3A_203 : memref<1x80x128xf32, #tpu.memory_space<hbm>> -> memref<80x128xf32, #tpu.memory_space<hbm>>
      %dma_start3A_205 = arith.constant 0 : i32
      %dma_start3A_206 = tpu.memref_slice %arg5[%arg0, %add3A_128, %dma_start3A_205] : memref<2x10000x128xf32, #tpu.memory_space<hbm>> -> memref<1x80x128xf32, #tpu.memory_space<hbm>>
      %dma_start3A_207 = tpu.memref_squeeze %dma_start3A_206 : memref<1x80x128xf32, #tpu.memory_space<hbm>> -> memref<80x128xf32, #tpu.memory_space<hbm>>
      %dma_start3A_208 = arith.constant 0 : i32
      %dma_start3A_209 = arith.constant 0 : i32
      %dma_start3A_210 = tpu.memref_slice %arg10[%dma_start3A_208, %dma_start3A_209] : memref<80x128xf32, #tpu.memory_space<vmem>> -> memref<80x128xf32, #tpu.memory_space<vmem>>
      tpu.enqueue_dma source(%dma_start3A_210 : memref<80x128xf32, #tpu.memory_space<vmem>>) target(%dma_start3A_207 : memref<80x128xf32, #tpu.memory_space<hbm>>) target_semaphore(%run_scoped3A : memref<!tpu.dma_semaphore, #tpu.memory_space<semaphore_mem>>)
      %dma_wait3A = arith.constant 0 : i32
      %dma_wait3A_211 = arith.constant 0 : i32
      %dma_wait3A_212 = tpu.memref_slice %arg10[%dma_wait3A, %dma_wait3A_211] : memref<80x128xf32, #tpu.memory_space<vmem>> -> memref<80x128xf32, #tpu.memory_space<vmem>>
      %dma_wait3A_213 = arith.constant 0 : i32
      %dma_wait3A_214 = tpu.memref_slice %arg5[%arg0, %add3A_128, %dma_wait3A_213] : memref<2x10000x128xf32, #tpu.memory_space<hbm>> -> memref<1x80x128xf32, #tpu.memory_space<hbm>>
      %dma_wait3A_215 = tpu.memref_squeeze %dma_wait3A_214 : memref<1x80x128xf32, #tpu.memory_space<hbm>> -> memref<80x128xf32, #tpu.memory_space<hbm>>
      %dma_wait3A_216 = arith.constant 0 : i32
      %dma_wait3A_217 = tpu.memref_slice %arg5[%arg0, %add3A_128, %dma_wait3A_216] : memref<2x10000x128xf32, #tpu.memory_space<hbm>> -> memref<1x80x128xf32, #tpu.memory_space<hbm>>
      %dma_wait3A_218 = tpu.memref_squeeze %dma_wait3A_217 : memref<1x80x128xf32, #tpu.memory_space<hbm>> -> memref<80x128xf32, #tpu.memory_space<hbm>>
      %dma_wait3A_219 = arith.constant 0 : i32
      %dma_wait3A_220 = arith.constant 0 : i32
      %dma_wait3A_221 = tpu.memref_slice %arg10[%dma_wait3A_219, %dma_wait3A_220] : memref<80x128xf32, #tpu.memory_space<vmem>> -> memref<80x128xf32, #tpu.memory_space<vmem>>
      tpu.wait_dma2 semaphore(%run_scoped3A : memref<!tpu.dma_semaphore, #tpu.memory_space<semaphore_mem>>) src(%dma_wait3A_221 : memref<80x128xf32, #tpu.memory_space<vmem>>) dst(%dma_wait3A_218 : memref<80x128xf32, #tpu.memory_space<hbm>>)
      tpu.yield
    }) : () -> ()
    %add3A_129 = arith.constant 560 : i32
    %add3A_130 = arith.addi %multiple_of3A, %add3A_129 : i32
    "tpu.region"() ({
      %run_scoped3A = tpu.sem_alloc : memref<!tpu.dma_semaphore, #tpu.memory_space<semaphore_mem>>
      %dma_start3A = arith.constant 0 : i32
      %dma_start3A_200 = arith.constant 0 : i32
      %dma_start3A_201 = tpu.memref_slice %arg10[%dma_start3A, %dma_start3A_200] : memref<80x128xf32, #tpu.memory_space<vmem>> -> memref<64x128xf32, #tpu.memory_space<vmem>>
      %dma_start3A_202 = arith.constant 0 : i32
      %dma_start3A_203 = tpu.memref_slice %arg7[%add3A_130, %dma_start3A_202] : memref<10000x128xf32, #tpu.memory_space<vmem_shared>> -> memref<64x128xf32, #tpu.memory_space<vmem_shared>>
      %dma_start3A_204 = arith.constant 0 : i32
      %dma_start3A_205 = arith.constant 0 : i32
      %dma_start3A_206 = tpu.memref_slice %arg10[%dma_start3A_204, %dma_start3A_205] : memref<80x128xf32, #tpu.memory_space<vmem>> -> memref<64x128xf32, #tpu.memory_space<vmem>>
      %dma_start3A_207 = arith.constant 0 : i32
      %dma_start3A_208 = tpu.memref_slice %arg7[%add3A_130, %dma_start3A_207] : memref<10000x128xf32, #tpu.memory_space<vmem_shared>> -> memref<64x128xf32, #tpu.memory_space<vmem_shared>>
      tpu.enqueue_dma source(%dma_start3A_208 : memref<64x128xf32, #tpu.memory_space<vmem_shared>>) target(%dma_start3A_206 : memref<64x128xf32, #tpu.memory_space<vmem>>) target_semaphore(%run_scoped3A : memref<!tpu.dma_semaphore, #tpu.memory_space<semaphore_mem>>)
      %dma_wait3A = arith.constant 0 : i32
      %dma_wait3A_209 = arith.constant 0 : i32
      %dma_wait3A_210 = tpu.memref_slice %arg10[%dma_wait3A, %dma_wait3A_209] : memref<80x128xf32, #tpu.memory_space<vmem>> -> memref<64x128xf32, #tpu.memory_space<vmem>>
      %dma_wait3A_211 = arith.constant 0 : i32
      %dma_wait3A_212 = tpu.memref_slice %arg7[%add3A_130, %dma_wait3A_211] : memref<10000x128xf32, #tpu.memory_space<vmem_shared>> -> memref<64x128xf32, #tpu.memory_space<vmem_shared>>
      %dma_wait3A_213 = arith.constant 0 : i32
      %dma_wait3A_214 = arith.constant 0 : i32
      %dma_wait3A_215 = tpu.memref_slice %arg10[%dma_wait3A_213, %dma_wait3A_214] : memref<80x128xf32, #tpu.memory_space<vmem>> -> memref<64x128xf32, #tpu.memory_space<vmem>>
      %dma_wait3A_216 = arith.constant 0 : i32
      %dma_wait3A_217 = tpu.memref_slice %arg7[%add3A_130, %dma_wait3A_216] : memref<10000x128xf32, #tpu.memory_space<vmem_shared>> -> memref<64x128xf32, #tpu.memory_space<vmem_shared>>
      tpu.wait_dma2 semaphore(%run_scoped3A : memref<!tpu.dma_semaphore, #tpu.memory_space<semaphore_mem>>) src(%dma_wait3A_217 : memref<64x128xf32, #tpu.memory_space<vmem_shared>>) dst(%dma_wait3A_215 : memref<64x128xf32, #tpu.memory_space<vmem>>)
      tpu.yield
    }) : () -> ()
    %add3A_131 = arith.constant 560 : i32
    %add3A_132 = arith.addi %multiple_of3A, %add3A_131 : i32
    "tpu.region"() ({
      %run_scoped3A = tpu.sem_alloc : memref<!tpu.dma_semaphore, #tpu.memory_space<semaphore_mem>>
      %dma_start3A = arith.constant 0 : i32
      %dma_start3A_200 = arith.constant 0 : i32
      %dma_start3A_201 = tpu.memref_slice %arg10[%dma_start3A, %dma_start3A_200] : memref<80x128xf32, #tpu.memory_space<vmem>> -> memref<64x128xf32, #tpu.memory_space<vmem>>
      %dma_start3A_202 = arith.constant 0 : i32
      %dma_start3A_203 = tpu.memref_slice %arg5[%arg0, %add3A_132, %dma_start3A_202] : memref<2x10000x128xf32, #tpu.memory_space<hbm>> -> memref<1x64x128xf32, #tpu.memory_space<hbm>>
      %dma_start3A_204 = tpu.memref_squeeze %dma_start3A_203 : memref<1x64x128xf32, #tpu.memory_space<hbm>> -> memref<64x128xf32, #tpu.memory_space<hbm>>
      %dma_start3A_205 = arith.constant 0 : i32
      %dma_start3A_206 = tpu.memref_slice %arg5[%arg0, %add3A_132, %dma_start3A_205] : memref<2x10000x128xf32, #tpu.memory_space<hbm>> -> memref<1x64x128xf32, #tpu.memory_space<hbm>>
      %dma_start3A_207 = tpu.memref_squeeze %dma_start3A_206 : memref<1x64x128xf32, #tpu.memory_space<hbm>> -> memref<64x128xf32, #tpu.memory_space<hbm>>
      %dma_start3A_208 = arith.constant 0 : i32
      %dma_start3A_209 = arith.constant 0 : i32
      %dma_start3A_210 = tpu.memref_slice %arg10[%dma_start3A_208, %dma_start3A_209] : memref<80x128xf32, #tpu.memory_space<vmem>> -> memref<64x128xf32, #tpu.memory_space<vmem>>
      tpu.enqueue_dma source(%dma_start3A_210 : memref<64x128xf32, #tpu.memory_space<vmem>>) target(%dma_start3A_207 : memref<64x128xf32, #tpu.memory_space<hbm>>) target_semaphore(%run_scoped3A : memref<!tpu.dma_semaphore, #tpu.memory_space<semaphore_mem>>)
      %dma_wait3A = arith.constant 0 : i32
      %dma_wait3A_211 = arith.constant 0 : i32
      %dma_wait3A_212 = tpu.memref_slice %arg10[%dma_wait3A, %dma_wait3A_211] : memref<80x128xf32, #tpu.memory_space<vmem>> -> memref<64x128xf32, #tpu.memory_space<vmem>>
      %dma_wait3A_213 = arith.constant 0 : i32
      %dma_wait3A_214 = tpu.memref_slice %arg5[%arg0, %add3A_132, %dma_wait3A_213] : memref<2x10000x128xf32, #tpu.memory_space<hbm>> -> memref<1x64x128xf32, #tpu.memory_space<hbm>>
      %dma_wait3A_215 = tpu.memref_squeeze %dma_wait3A_214 : memref<1x64x128xf32, #tpu.memory_space<hbm>> -> memref<64x128xf32, #tpu.memory_space<hbm>>
      %dma_wait3A_216 = arith.constant 0 : i32
      %dma_wait3A_217 = tpu.memref_slice %arg5[%arg0, %add3A_132, %dma_wait3A_216] : memref<2x10000x128xf32, #tpu.memory_space<hbm>> -> memref<1x64x128xf32, #tpu.memory_space<hbm>>
      %dma_wait3A_218 = tpu.memref_squeeze %dma_wait3A_217 : memref<1x64x128xf32, #tpu.memory_space<hbm>> -> memref<64x128xf32, #tpu.memory_space<hbm>>
      %dma_wait3A_219 = arith.constant 0 : i32
      %dma_wait3A_220 = arith.constant 0 : i32
      %dma_wait3A_221 = tpu.memref_slice %arg10[%dma_wait3A_219, %dma_wait3A_220] : memref<80x128xf32, #tpu.memory_space<vmem>> -> memref<64x128xf32, #tpu.memory_space<vmem>>
      tpu.wait_dma2 semaphore(%run_scoped3A : memref<!tpu.dma_semaphore, #tpu.memory_space<semaphore_mem>>) src(%dma_wait3A_221 : memref<64x128xf32, #tpu.memory_space<vmem>>) dst(%dma_wait3A_218 : memref<64x128xf32, #tpu.memory_space<hbm>>)
      tpu.yield
    }) : () -> ()
    %mul3A_133 = arith.constant 10000 : i32
    %mul3A_134 = arith.muli %arg0, %mul3A_133 : i32
    %add3A_135 = arith.addi %mul3A_134, %multiple_of3A : i32
    %add3A_136 = arith.constant 0 : i32
    %add3A_137 = arith.addi %add3A_135, %add3A_136 : i32
    %multiple_of3A_138 = tpu.assume_multiple %add3A_137, 8 : i32
    %add3A_139 = arith.constant 0 : i32
    %add3A_140 = arith.addi %multiple_of3A, %add3A_139 : i32
    "tpu.region"() ({
      %run_scoped3A = tpu.sem_alloc : memref<!tpu.dma_semaphore, #tpu.memory_space<semaphore_mem>>
      %dma_start3A = tpu.memref_slice %arg12[%add3A_140] : memref<10000xf32, #tpu.memory_space<vmem_shared>> -> memref<80xf32, #tpu.memory_space<vmem_shared>>
      %dma_start3A_200 = tpu.memref_slice %arg12[%add3A_140] : memref<10000xf32, #tpu.memory_space<vmem_shared>> -> memref<80xf32, #tpu.memory_space<vmem_shared>>
      tpu.enqueue_dma source(%dma_start3A_200 : memref<80xf32, #tpu.memory_space<vmem_shared>>) target(%arg14 : memref<80xf32, #tpu.memory_space<vmem>>) target_semaphore(%run_scoped3A : memref<!tpu.dma_semaphore, #tpu.memory_space<semaphore_mem>>)
      %dma_wait3A = tpu.memref_slice %arg12[%add3A_140] : memref<10000xf32, #tpu.memory_space<vmem_shared>> -> memref<80xf32, #tpu.memory_space<vmem_shared>>
      %dma_wait3A_201 = tpu.memref_slice %arg12[%add3A_140] : memref<10000xf32, #tpu.memory_space<vmem_shared>> -> memref<80xf32, #tpu.memory_space<vmem_shared>>
      tpu.wait_dma2 semaphore(%run_scoped3A : memref<!tpu.dma_semaphore, #tpu.memory_space<semaphore_mem>>) src(%dma_wait3A_201 : memref<80xf32, #tpu.memory_space<vmem_shared>>) dst(%arg14 : memref<80xf32, #tpu.memory_space<vmem>>)
      tpu.yield
    }) : () -> ()
    "tpu.region"() ({
      %run_scoped3A = tpu.sem_alloc : memref<!tpu.dma_semaphore, #tpu.memory_space<semaphore_mem>>
      %dma_start3A = tpu.memref_slice %arg6[%multiple_of3A_138] : memref<20000xf32, #tpu.memory_space<hbm>> -> memref<80xf32, #tpu.memory_space<hbm>>
      %dma_start3A_200 = tpu.memref_slice %arg6[%multiple_of3A_138] : memref<20000xf32, #tpu.memory_space<hbm>> -> memref<80xf32, #tpu.memory_space<hbm>>
      tpu.enqueue_dma source(%arg14 : memref<80xf32, #tpu.memory_space<vmem>>) target(%dma_start3A_200 : memref<80xf32, #tpu.memory_space<hbm>>) target_semaphore(%run_scoped3A : memref<!tpu.dma_semaphore, #tpu.memory_space<semaphore_mem>>)
      %dma_wait3A = tpu.memref_slice %arg6[%multiple_of3A_138] : memref<20000xf32, #tpu.memory_space<hbm>> -> memref<80xf32, #tpu.memory_space<hbm>>
      %dma_wait3A_201 = tpu.memref_slice %arg6[%multiple_of3A_138] : memref<20000xf32, #tpu.memory_space<hbm>> -> memref<80xf32, #tpu.memory_space<hbm>>
      tpu.wait_dma2 semaphore(%run_scoped3A : memref<!tpu.dma_semaphore, #tpu.memory_space<semaphore_mem>>) src(%arg14 : memref<80xf32, #tpu.memory_space<vmem>>) dst(%dma_wait3A_201 : memref<80xf32, #tpu.memory_space<hbm>>)
      tpu.yield
    }) : () -> ()
    %mul3A_141 = arith.constant 10000 : i32
    %mul3A_142 = arith.muli %arg0, %mul3A_141 : i32
    %add3A_143 = arith.addi %mul3A_142, %multiple_of3A : i32
    %add3A_144 = arith.constant 80 : i32
    %add3A_145 = arith.addi %add3A_143, %add3A_144 : i32
    %multiple_of3A_146 = tpu.assume_multiple %add3A_145, 8 : i32
    %add3A_147 = arith.constant 80 : i32
    %add3A_148 = arith.addi %multiple_of3A, %add3A_147 : i32
    "tpu.region"() ({
      %run_scoped3A = tpu.sem_alloc : memref<!tpu.dma_semaphore, #tpu.memory_space<semaphore_mem>>
      %dma_start3A = tpu.memref_slice %arg12[%add3A_148] : memref<10000xf32, #tpu.memory_space<vmem_shared>> -> memref<80xf32, #tpu.memory_space<vmem_shared>>
      %dma_start3A_200 = tpu.memref_slice %arg12[%add3A_148] : memref<10000xf32, #tpu.memory_space<vmem_shared>> -> memref<80xf32, #tpu.memory_space<vmem_shared>>
      tpu.enqueue_dma source(%dma_start3A_200 : memref<80xf32, #tpu.memory_space<vmem_shared>>) target(%arg14 : memref<80xf32, #tpu.memory_space<vmem>>) target_semaphore(%run_scoped3A : memref<!tpu.dma_semaphore, #tpu.memory_space<semaphore_mem>>)
      %dma_wait3A = tpu.memref_slice %arg12[%add3A_148] : memref<10000xf32, #tpu.memory_space<vmem_shared>> -> memref<80xf32, #tpu.memory_space<vmem_shared>>
      %dma_wait3A_201 = tpu.memref_slice %arg12[%add3A_148] : memref<10000xf32, #tpu.memory_space<vmem_shared>> -> memref<80xf32, #tpu.memory_space<vmem_shared>>
      tpu.wait_dma2 semaphore(%run_scoped3A : memref<!tpu.dma_semaphore, #tpu.memory_space<semaphore_mem>>) src(%dma_wait3A_201 : memref<80xf32, #tpu.memory_space<vmem_shared>>) dst(%arg14 : memref<80xf32, #tpu.memory_space<vmem>>)
      tpu.yield
    }) : () -> ()
    "tpu.region"() ({
      %run_scoped3A = tpu.sem_alloc : memref<!tpu.dma_semaphore, #tpu.memory_space<semaphore_mem>>
      %dma_start3A = tpu.memref_slice %arg6[%multiple_of3A_146] : memref<20000xf32, #tpu.memory_space<hbm>> -> memref<80xf32, #tpu.memory_space<hbm>>
      %dma_start3A_200 = tpu.memref_slice %arg6[%multiple_of3A_146] : memref<20000xf32, #tpu.memory_space<hbm>> -> memref<80xf32, #tpu.memory_space<hbm>>
      tpu.enqueue_dma source(%arg14 : memref<80xf32, #tpu.memory_space<vmem>>) target(%dma_start3A_200 : memref<80xf32, #tpu.memory_space<hbm>>) target_semaphore(%run_scoped3A : memref<!tpu.dma_semaphore, #tpu.memory_space<semaphore_mem>>)
      %dma_wait3A = tpu.memref_slice %arg6[%multiple_of3A_146] : memref<20000xf32, #tpu.memory_space<hbm>> -> memref<80xf32, #tpu.memory_space<hbm>>
      %dma_wait3A_201 = tpu.memref_slice %arg6[%multiple_of3A_146] : memref<20000xf32, #tpu.memory_space<hbm>> -> memref<80xf32, #tpu.memory_space<hbm>>
      tpu.wait_dma2 semaphore(%run_scoped3A : memref<!tpu.dma_semaphore, #tpu.memory_space<semaphore_mem>>) src(%arg14 : memref<80xf32, #tpu.memory_space<vmem>>) dst(%dma_wait3A_201 : memref<80xf32, #tpu.memory_space<hbm>>)
      tpu.yield
    }) : () -> ()
    %mul3A_149 = arith.constant 10000 : i32
    %mul3A_150 = arith.muli %arg0, %mul3A_149 : i32
    %add3A_151 = arith.addi %mul3A_150, %multiple_of3A : i32
    %add3A_152 = arith.constant 160 : i32
    %add3A_153 = arith.addi %add3A_151, %add3A_152 : i32
    %multiple_of3A_154 = tpu.assume_multiple %add3A_153, 8 : i32
    %add3A_155 = arith.constant 160 : i32
    %add3A_156 = arith.addi %multiple_of3A, %add3A_155 : i32
    "tpu.region"() ({
      %run_scoped3A = tpu.sem_alloc : memref<!tpu.dma_semaphore, #tpu.memory_space<semaphore_mem>>
      %dma_start3A = tpu.memref_slice %arg12[%add3A_156] : memref<10000xf32, #tpu.memory_space<vmem_shared>> -> memref<80xf32, #tpu.memory_space<vmem_shared>>
      %dma_start3A_200 = tpu.memref_slice %arg12[%add3A_156] : memref<10000xf32, #tpu.memory_space<vmem_shared>> -> memref<80xf32, #tpu.memory_space<vmem_shared>>
      tpu.enqueue_dma source(%dma_start3A_200 : memref<80xf32, #tpu.memory_space<vmem_shared>>) target(%arg14 : memref<80xf32, #tpu.memory_space<vmem>>) target_semaphore(%run_scoped3A : memref<!tpu.dma_semaphore, #tpu.memory_space<semaphore_mem>>)
      %dma_wait3A = tpu.memref_slice %arg12[%add3A_156] : memref<10000xf32, #tpu.memory_space<vmem_shared>> -> memref<80xf32, #tpu.memory_space<vmem_shared>>
      %dma_wait3A_201 = tpu.memref_slice %arg12[%add3A_156] : memref<10000xf32, #tpu.memory_space<vmem_shared>> -> memref<80xf32, #tpu.memory_space<vmem_shared>>
      tpu.wait_dma2 semaphore(%run_scoped3A : memref<!tpu.dma_semaphore, #tpu.memory_space<semaphore_mem>>) src(%dma_wait3A_201 : memref<80xf32, #tpu.memory_space<vmem_shared>>) dst(%arg14 : memref<80xf32, #tpu.memory_space<vmem>>)
      tpu.yield
    }) : () -> ()
    "tpu.region"() ({
      %run_scoped3A = tpu.sem_alloc : memref<!tpu.dma_semaphore, #tpu.memory_space<semaphore_mem>>
      %dma_start3A = tpu.memref_slice %arg6[%multiple_of3A_154] : memref<20000xf32, #tpu.memory_space<hbm>> -> memref<80xf32, #tpu.memory_space<hbm>>
      %dma_start3A_200 = tpu.memref_slice %arg6[%multiple_of3A_154] : memref<20000xf32, #tpu.memory_space<hbm>> -> memref<80xf32, #tpu.memory_space<hbm>>
      tpu.enqueue_dma source(%arg14 : memref<80xf32, #tpu.memory_space<vmem>>) target(%dma_start3A_200 : memref<80xf32, #tpu.memory_space<hbm>>) target_semaphore(%run_scoped3A : memref<!tpu.dma_semaphore, #tpu.memory_space<semaphore_mem>>)
      %dma_wait3A = tpu.memref_slice %arg6[%multiple_of3A_154] : memref<20000xf32, #tpu.memory_space<hbm>> -> memref<80xf32, #tpu.memory_space<hbm>>
      %dma_wait3A_201 = tpu.memref_slice %arg6[%multiple_of3A_154] : memref<20000xf32, #tpu.memory_space<hbm>> -> memref<80xf32, #tpu.memory_space<hbm>>
      tpu.wait_dma2 semaphore(%run_scoped3A : memref<!tpu.dma_semaphore, #tpu.memory_space<semaphore_mem>>) src(%arg14 : memref<80xf32, #tpu.memory_space<vmem>>) dst(%dma_wait3A_201 : memref<80xf32, #tpu.memory_space<hbm>>)
      tpu.yield
    }) : () -> ()
    %mul3A_157 = arith.constant 10000 : i32
    %mul3A_158 = arith.muli %arg0, %mul3A_157 : i32
    %add3A_159 = arith.addi %mul3A_158, %multiple_of3A : i32
    %add3A_160 = arith.constant 240 : i32
    %add3A_161 = arith.addi %add3A_159, %add3A_160 : i32
    %multiple_of3A_162 = tpu.assume_multiple %add3A_161, 8 : i32
    %add3A_163 = arith.constant 240 : i32
    %add3A_164 = arith.addi %multiple_of3A, %add3A_163 : i32
    "tpu.region"() ({
      %run_scoped3A = tpu.sem_alloc : memref<!tpu.dma_semaphore, #tpu.memory_space<semaphore_mem>>
      %dma_start3A = tpu.memref_slice %arg12[%add3A_164] : memref<10000xf32, #tpu.memory_space<vmem_shared>> -> memref<80xf32, #tpu.memory_space<vmem_shared>>
      %dma_start3A_200 = tpu.memref_slice %arg12[%add3A_164] : memref<10000xf32, #tpu.memory_space<vmem_shared>> -> memref<80xf32, #tpu.memory_space<vmem_shared>>
      tpu.enqueue_dma source(%dma_start3A_200 : memref<80xf32, #tpu.memory_space<vmem_shared>>) target(%arg14 : memref<80xf32, #tpu.memory_space<vmem>>) target_semaphore(%run_scoped3A : memref<!tpu.dma_semaphore, #tpu.memory_space<semaphore_mem>>)
      %dma_wait3A = tpu.memref_slice %arg12[%add3A_164] : memref<10000xf32, #tpu.memory_space<vmem_shared>> -> memref<80xf32, #tpu.memory_space<vmem_shared>>
      %dma_wait3A_201 = tpu.memref_slice %arg12[%add3A_164] : memref<10000xf32, #tpu.memory_space<vmem_shared>> -> memref<80xf32, #tpu.memory_space<vmem_shared>>
      tpu.wait_dma2 semaphore(%run_scoped3A : memref<!tpu.dma_semaphore, #tpu.memory_space<semaphore_mem>>) src(%dma_wait3A_201 : memref<80xf32, #tpu.memory_space<vmem_shared>>) dst(%arg14 : memref<80xf32, #tpu.memory_space<vmem>>)
      tpu.yield
    }) : () -> ()
    "tpu.region"() ({
      %run_scoped3A = tpu.sem_alloc : memref<!tpu.dma_semaphore, #tpu.memory_space<semaphore_mem>>
      %dma_start3A = tpu.memref_slice %arg6[%multiple_of3A_162] : memref<20000xf32, #tpu.memory_space<hbm>> -> memref<80xf32, #tpu.memory_space<hbm>>
      %dma_start3A_200 = tpu.memref_slice %arg6[%multiple_of3A_162] : memref<20000xf32, #tpu.memory_space<hbm>> -> memref<80xf32, #tpu.memory_space<hbm>>
      tpu.enqueue_dma source(%arg14 : memref<80xf32, #tpu.memory_space<vmem>>) target(%dma_start3A_200 : memref<80xf32, #tpu.memory_space<hbm>>) target_semaphore(%run_scoped3A : memref<!tpu.dma_semaphore, #tpu.memory_space<semaphore_mem>>)
      %dma_wait3A = tpu.memref_slice %arg6[%multiple_of3A_162] : memref<20000xf32, #tpu.memory_space<hbm>> -> memref<80xf32, #tpu.memory_space<hbm>>
      %dma_wait3A_201 = tpu.memref_slice %arg6[%multiple_of3A_162] : memref<20000xf32, #tpu.memory_space<hbm>> -> memref<80xf32, #tpu.memory_space<hbm>>
      tpu.wait_dma2 semaphore(%run_scoped3A : memref<!tpu.dma_semaphore, #tpu.memory_space<semaphore_mem>>) src(%arg14 : memref<80xf32, #tpu.memory_space<vmem>>) dst(%dma_wait3A_201 : memref<80xf32, #tpu.memory_space<hbm>>)
      tpu.yield
    }) : () -> ()
    %mul3A_165 = arith.constant 10000 : i32
    %mul3A_166 = arith.muli %arg0, %mul3A_165 : i32
    %add3A_167 = arith.addi %mul3A_166, %multiple_of3A : i32
    %add3A_168 = arith.constant 320 : i32
    %add3A_169 = arith.addi %add3A_167, %add3A_168 : i32
    %multiple_of3A_170 = tpu.assume_multiple %add3A_169, 8 : i32
    %add3A_171 = arith.constant 320 : i32
    %add3A_172 = arith.addi %multiple_of3A, %add3A_171 : i32
    "tpu.region"() ({
      %run_scoped3A = tpu.sem_alloc : memref<!tpu.dma_semaphore, #tpu.memory_space<semaphore_mem>>
      %dma_start3A = tpu.memref_slice %arg12[%add3A_172] : memref<10000xf32, #tpu.memory_space<vmem_shared>> -> memref<80xf32, #tpu.memory_space<vmem_shared>>
      %dma_start3A_200 = tpu.memref_slice %arg12[%add3A_172] : memref<10000xf32, #tpu.memory_space<vmem_shared>> -> memref<80xf32, #tpu.memory_space<vmem_shared>>
      tpu.enqueue_dma source(%dma_start3A_200 : memref<80xf32, #tpu.memory_space<vmem_shared>>) target(%arg14 : memref<80xf32, #tpu.memory_space<vmem>>) target_semaphore(%run_scoped3A : memref<!tpu.dma_semaphore, #tpu.memory_space<semaphore_mem>>)
      %dma_wait3A = tpu.memref_slice %arg12[%add3A_172] : memref<10000xf32, #tpu.memory_space<vmem_shared>> -> memref<80xf32, #tpu.memory_space<vmem_shared>>
      %dma_wait3A_201 = tpu.memref_slice %arg12[%add3A_172] : memref<10000xf32, #tpu.memory_space<vmem_shared>> -> memref<80xf32, #tpu.memory_space<vmem_shared>>
      tpu.wait_dma2 semaphore(%run_scoped3A : memref<!tpu.dma_semaphore, #tpu.memory_space<semaphore_mem>>) src(%dma_wait3A_201 : memref<80xf32, #tpu.memory_space<vmem_shared>>) dst(%arg14 : memref<80xf32, #tpu.memory_space<vmem>>)
      tpu.yield
    }) : () -> ()
    "tpu.region"() ({
      %run_scoped3A = tpu.sem_alloc : memref<!tpu.dma_semaphore, #tpu.memory_space<semaphore_mem>>
      %dma_start3A = tpu.memref_slice %arg6[%multiple_of3A_170] : memref<20000xf32, #tpu.memory_space<hbm>> -> memref<80xf32, #tpu.memory_space<hbm>>
      %dma_start3A_200 = tpu.memref_slice %arg6[%multiple_of3A_170] : memref<20000xf32, #tpu.memory_space<hbm>> -> memref<80xf32, #tpu.memory_space<hbm>>
      tpu.enqueue_dma source(%arg14 : memref<80xf32, #tpu.memory_space<vmem>>) target(%dma_start3A_200 : memref<80xf32, #tpu.memory_space<hbm>>) target_semaphore(%run_scoped3A : memref<!tpu.dma_semaphore, #tpu.memory_space<semaphore_mem>>)
      %dma_wait3A = tpu.memref_slice %arg6[%multiple_of3A_170] : memref<20000xf32, #tpu.memory_space<hbm>> -> memref<80xf32, #tpu.memory_space<hbm>>
      %dma_wait3A_201 = tpu.memref_slice %arg6[%multiple_of3A_170] : memref<20000xf32, #tpu.memory_space<hbm>> -> memref<80xf32, #tpu.memory_space<hbm>>
      tpu.wait_dma2 semaphore(%run_scoped3A : memref<!tpu.dma_semaphore, #tpu.memory_space<semaphore_mem>>) src(%arg14 : memref<80xf32, #tpu.memory_space<vmem>>) dst(%dma_wait3A_201 : memref<80xf32, #tpu.memory_space<hbm>>)
      tpu.yield
    }) : () -> ()
    %mul3A_173 = arith.constant 10000 : i32
    %mul3A_174 = arith.muli %arg0, %mul3A_173 : i32
    %add3A_175 = arith.addi %mul3A_174, %multiple_of3A : i32
    %add3A_176 = arith.constant 400 : i32
    %add3A_177 = arith.addi %add3A_175, %add3A_176 : i32
    %multiple_of3A_178 = tpu.assume_multiple %add3A_177, 8 : i32
    %add3A_179 = arith.constant 400 : i32
    %add3A_180 = arith.addi %multiple_of3A, %add3A_179 : i32
    "tpu.region"() ({
      %run_scoped3A = tpu.sem_alloc : memref<!tpu.dma_semaphore, #tpu.memory_space<semaphore_mem>>
      %dma_start3A = tpu.memref_slice %arg12[%add3A_180] : memref<10000xf32, #tpu.memory_space<vmem_shared>> -> memref<80xf32, #tpu.memory_space<vmem_shared>>
      %dma_start3A_200 = tpu.memref_slice %arg12[%add3A_180] : memref<10000xf32, #tpu.memory_space<vmem_shared>> -> memref<80xf32, #tpu.memory_space<vmem_shared>>
      tpu.enqueue_dma source(%dma_start3A_200 : memref<80xf32, #tpu.memory_space<vmem_shared>>) target(%arg14 : memref<80xf32, #tpu.memory_space<vmem>>) target_semaphore(%run_scoped3A : memref<!tpu.dma_semaphore, #tpu.memory_space<semaphore_mem>>)
      %dma_wait3A = tpu.memref_slice %arg12[%add3A_180] : memref<10000xf32, #tpu.memory_space<vmem_shared>> -> memref<80xf32, #tpu.memory_space<vmem_shared>>
      %dma_wait3A_201 = tpu.memref_slice %arg12[%add3A_180] : memref<10000xf32, #tpu.memory_space<vmem_shared>> -> memref<80xf32, #tpu.memory_space<vmem_shared>>
      tpu.wait_dma2 semaphore(%run_scoped3A : memref<!tpu.dma_semaphore, #tpu.memory_space<semaphore_mem>>) src(%dma_wait3A_201 : memref<80xf32, #tpu.memory_space<vmem_shared>>) dst(%arg14 : memref<80xf32, #tpu.memory_space<vmem>>)
      tpu.yield
    }) : () -> ()
    "tpu.region"() ({
      %run_scoped3A = tpu.sem_alloc : memref<!tpu.dma_semaphore, #tpu.memory_space<semaphore_mem>>
      %dma_start3A = tpu.memref_slice %arg6[%multiple_of3A_178] : memref<20000xf32, #tpu.memory_space<hbm>> -> memref<80xf32, #tpu.memory_space<hbm>>
      %dma_start3A_200 = tpu.memref_slice %arg6[%multiple_of3A_178] : memref<20000xf32, #tpu.memory_space<hbm>> -> memref<80xf32, #tpu.memory_space<hbm>>
      tpu.enqueue_dma source(%arg14 : memref<80xf32, #tpu.memory_space<vmem>>) target(%dma_start3A_200 : memref<80xf32, #tpu.memory_space<hbm>>) target_semaphore(%run_scoped3A : memref<!tpu.dma_semaphore, #tpu.memory_space<semaphore_mem>>)
      %dma_wait3A = tpu.memref_slice %arg6[%multiple_of3A_178] : memref<20000xf32, #tpu.memory_space<hbm>> -> memref<80xf32, #tpu.memory_space<hbm>>
      %dma_wait3A_201 = tpu.memref_slice %arg6[%multiple_of3A_178] : memref<20000xf32, #tpu.memory_space<hbm>> -> memref<80xf32, #tpu.memory_space<hbm>>
      tpu.wait_dma2 semaphore(%run_scoped3A : memref<!tpu.dma_semaphore, #tpu.memory_space<semaphore_mem>>) src(%arg14 : memref<80xf32, #tpu.memory_space<vmem>>) dst(%dma_wait3A_201 : memref<80xf32, #tpu.memory_space<hbm>>)
      tpu.yield
    }) : () -> ()
    %mul3A_181 = arith.constant 10000 : i32
    %mul3A_182 = arith.muli %arg0, %mul3A_181 : i32
    %add3A_183 = arith.addi %mul3A_182, %multiple_of3A : i32
    %add3A_184 = arith.constant 480 : i32
    %add3A_185 = arith.addi %add3A_183, %add3A_184 : i32
    %multiple_of3A_186 = tpu.assume_multiple %add3A_185, 8 : i32
    %add3A_187 = arith.constant 480 : i32
    %add3A_188 = arith.addi %multiple_of3A, %add3A_187 : i32
    "tpu.region"() ({
      %run_scoped3A = tpu.sem_alloc : memref<!tpu.dma_semaphore, #tpu.memory_space<semaphore_mem>>
      %dma_start3A = tpu.memref_slice %arg12[%add3A_188] : memref<10000xf32, #tpu.memory_space<vmem_shared>> -> memref<80xf32, #tpu.memory_space<vmem_shared>>
      %dma_start3A_200 = tpu.memref_slice %arg12[%add3A_188] : memref<10000xf32, #tpu.memory_space<vmem_shared>> -> memref<80xf32, #tpu.memory_space<vmem_shared>>
      tpu.enqueue_dma source(%dma_start3A_200 : memref<80xf32, #tpu.memory_space<vmem_shared>>) target(%arg14 : memref<80xf32, #tpu.memory_space<vmem>>) target_semaphore(%run_scoped3A : memref<!tpu.dma_semaphore, #tpu.memory_space<semaphore_mem>>)
      %dma_wait3A = tpu.memref_slice %arg12[%add3A_188] : memref<10000xf32, #tpu.memory_space<vmem_shared>> -> memref<80xf32, #tpu.memory_space<vmem_shared>>
      %dma_wait3A_201 = tpu.memref_slice %arg12[%add3A_188] : memref<10000xf32, #tpu.memory_space<vmem_shared>> -> memref<80xf32, #tpu.memory_space<vmem_shared>>
      tpu.wait_dma2 semaphore(%run_scoped3A : memref<!tpu.dma_semaphore, #tpu.memory_space<semaphore_mem>>) src(%dma_wait3A_201 : memref<80xf32, #tpu.memory_space<vmem_shared>>) dst(%arg14 : memref<80xf32, #tpu.memory_space<vmem>>)
      tpu.yield
    }) : () -> ()
    "tpu.region"() ({
      %run_scoped3A = tpu.sem_alloc : memref<!tpu.dma_semaphore, #tpu.memory_space<semaphore_mem>>
      %dma_start3A = tpu.memref_slice %arg6[%multiple_of3A_186] : memref<20000xf32, #tpu.memory_space<hbm>> -> memref<80xf32, #tpu.memory_space<hbm>>
      %dma_start3A_200 = tpu.memref_slice %arg6[%multiple_of3A_186] : memref<20000xf32, #tpu.memory_space<hbm>> -> memref<80xf32, #tpu.memory_space<hbm>>
      tpu.enqueue_dma source(%arg14 : memref<80xf32, #tpu.memory_space<vmem>>) target(%dma_start3A_200 : memref<80xf32, #tpu.memory_space<hbm>>) target_semaphore(%run_scoped3A : memref<!tpu.dma_semaphore, #tpu.memory_space<semaphore_mem>>)
      %dma_wait3A = tpu.memref_slice %arg6[%multiple_of3A_186] : memref<20000xf32, #tpu.memory_space<hbm>> -> memref<80xf32, #tpu.memory_space<hbm>>
      %dma_wait3A_201 = tpu.memref_slice %arg6[%multiple_of3A_186] : memref<20000xf32, #tpu.memory_space<hbm>> -> memref<80xf32, #tpu.memory_space<hbm>>
      tpu.wait_dma2 semaphore(%run_scoped3A : memref<!tpu.dma_semaphore, #tpu.memory_space<semaphore_mem>>) src(%arg14 : memref<80xf32, #tpu.memory_space<vmem>>) dst(%dma_wait3A_201 : memref<80xf32, #tpu.memory_space<hbm>>)
      tpu.yield
    }) : () -> ()
    %add3A_189 = arith.constant 560 : i32
    %add3A_190 = arith.addi %multiple_of3A, %add3A_189 : i32
    %mul3A_191 = arith.constant 10000 : i32
    %mul3A_192 = arith.muli %arg0, %mul3A_191 : i32
    %add3A_193 = arith.addi %mul3A_192, %add3A_190 : i32
    %multiple_of3A_194 = tpu.assume_multiple %add3A_193, 8 : i32
    "tpu.region"() ({
      %run_scoped3A = tpu.sem_alloc : memref<!tpu.dma_semaphore, #tpu.memory_space<semaphore_mem>>
      %dma_start3A = arith.constant 0 : i32
      %dma_start3A_200 = tpu.memref_slice %arg14[%dma_start3A] : memref<80xf32, #tpu.memory_space<vmem>> -> memref<64xf32, #tpu.memory_space<vmem>>
      %dma_start3A_201 = tpu.memref_slice %arg12[%add3A_190] : memref<10000xf32, #tpu.memory_space<vmem_shared>> -> memref<64xf32, #tpu.memory_space<vmem_shared>>
      %dma_start3A_202 = arith.constant 0 : i32
      %dma_start3A_203 = tpu.memref_slice %arg14[%dma_start3A_202] : memref<80xf32, #tpu.memory_space<vmem>> -> memref<64xf32, #tpu.memory_space<vmem>>
      %dma_start3A_204 = tpu.memref_slice %arg12[%add3A_190] : memref<10000xf32, #tpu.memory_space<vmem_shared>> -> memref<64xf32, #tpu.memory_space<vmem_shared>>
      tpu.enqueue_dma source(%dma_start3A_204 : memref<64xf32, #tpu.memory_space<vmem_shared>>) target(%dma_start3A_203 : memref<64xf32, #tpu.memory_space<vmem>>) target_semaphore(%run_scoped3A : memref<!tpu.dma_semaphore, #tpu.memory_space<semaphore_mem>>)
      %dma_wait3A = arith.constant 0 : i32
      %dma_wait3A_205 = tpu.memref_slice %arg14[%dma_wait3A] : memref<80xf32, #tpu.memory_space<vmem>> -> memref<64xf32, #tpu.memory_space<vmem>>
      %dma_wait3A_206 = tpu.memref_slice %arg12[%add3A_190] : memref<10000xf32, #tpu.memory_space<vmem_shared>> -> memref<64xf32, #tpu.memory_space<vmem_shared>>
      %dma_wait3A_207 = arith.constant 0 : i32
      %dma_wait3A_208 = tpu.memref_slice %arg14[%dma_wait3A_207] : memref<80xf32, #tpu.memory_space<vmem>> -> memref<64xf32, #tpu.memory_space<vmem>>
      %dma_wait3A_209 = tpu.memref_slice %arg12[%add3A_190] : memref<10000xf32, #tpu.memory_space<vmem_shared>> -> memref<64xf32, #tpu.memory_space<vmem_shared>>
      tpu.wait_dma2 semaphore(%run_scoped3A : memref<!tpu.dma_semaphore, #tpu.memory_space<semaphore_mem>>) src(%dma_wait3A_209 : memref<64xf32, #tpu.memory_space<vmem_shared>>) dst(%dma_wait3A_208 : memref<64xf32, #tpu.memory_space<vmem>>)
      tpu.yield
    }) : () -> ()
    "tpu.region"() ({
      %run_scoped3A = tpu.sem_alloc : memref<!tpu.dma_semaphore, #tpu.memory_space<semaphore_mem>>
      %dma_start3A = arith.constant 0 : i32
      %dma_start3A_200 = tpu.memref_slice %arg14[%dma_start3A] : memref<80xf32, #tpu.memory_space<vmem>> -> memref<64xf32, #tpu.memory_space<vmem>>
      %dma_start3A_201 = tpu.memref_slice %arg6[%multiple_of3A_194] : memref<20000xf32, #tpu.memory_space<hbm>> -> memref<64xf32, #tpu.memory_space<hbm>>
      %dma_start3A_202 = tpu.memref_slice %arg6[%multiple_of3A_194] : memref<20000xf32, #tpu.memory_space<hbm>> -> memref<64xf32, #tpu.memory_space<hbm>>
      %dma_start3A_203 = arith.constant 0 : i32
      %dma_start3A_204 = tpu.memref_slice %arg14[%dma_start3A_203] : memref<80xf32, #tpu.memory_space<vmem>> -> memref<64xf32, #tpu.memory_space<vmem>>
      tpu.enqueue_dma source(%dma_start3A_204 : memref<64xf32, #tpu.memory_space<vmem>>) target(%dma_start3A_202 : memref<64xf32, #tpu.memory_space<hbm>>) target_semaphore(%run_scoped3A : memref<!tpu.dma_semaphore, #tpu.memory_space<semaphore_mem>>)
      %dma_wait3A = arith.constant 0 : i32
      %dma_wait3A_205 = tpu.memref_slice %arg14[%dma_wait3A] : memref<80xf32, #tpu.memory_space<vmem>> -> memref<64xf32, #tpu.memory_space<vmem>>
      %dma_wait3A_206 = tpu.memref_slice %arg6[%multiple_of3A_194] : memref<20000xf32, #tpu.memory_space<hbm>> -> memref<64xf32, #tpu.memory_space<hbm>>
      %dma_wait3A_207 = tpu.memref_slice %arg6[%multiple_of3A_194] : memref<20000xf32, #tpu.memory_space<hbm>> -> memref<64xf32, #tpu.memory_space<hbm>>
      %dma_wait3A_208 = arith.constant 0 : i32
      %dma_wait3A_209 = tpu.memref_slice %arg14[%dma_wait3A_208] : memref<80xf32, #tpu.memory_space<vmem>> -> memref<64xf32, #tpu.memory_space<vmem>>
      tpu.wait_dma2 semaphore(%run_scoped3A : memref<!tpu.dma_semaphore, #tpu.memory_space<semaphore_mem>>) src(%dma_wait3A_209 : memref<64xf32, #tpu.memory_space<vmem>>) dst(%dma_wait3A_207 : memref<64xf32, #tpu.memory_space<hbm>>)
      tpu.yield
    }) : () -> ()
    %eq3A_195 = arith.constant 0 : i32
    %eq3A_196 = arith.cmpi eq, %arg1, %eq3A_195 : i32
    %convert_element_type3A_197 = arith.extui %eq3A_196 : i1 to i32
    %cond3A_198 = arith.constant 0 : i32
    %cond3A_199 = arith.cmpi ne, %convert_element_type3A_197, %cond3A_198 : i32
    scf.if %cond3A_199 {
      "tpu.region"() ({
        %run_scoped3A = tpu.sem_alloc : memref<!tpu.dma_semaphore, #tpu.memory_space<semaphore_mem>>
        %dma_start3A = arith.constant 0 : i32
        %dma_start3A_205 = arith.constant 0 : i32
        %dma_start3A_206 = tpu.memref_slice %arg10[%dma_start3A, %dma_start3A_205] : memref<80x128xf32, #tpu.memory_space<vmem>> -> memref<16x128xf32, #tpu.memory_space<vmem>>
        %dma_start3A_207 = arith.constant 9984 : i32
        %dma_start3A_208 = arith.constant 0 : i32
        %dma_start3A_209 = tpu.memref_slice %arg7[%dma_start3A_207, %dma_start3A_208] : memref<10000x128xf32, #tpu.memory_space<vmem_shared>> -> memref<16x128xf32, #tpu.memory_space<vmem_shared>>
        %dma_start3A_210 = arith.constant 0 : i32
        %dma_start3A_211 = arith.constant 0 : i32
        %dma_start3A_212 = tpu.memref_slice %arg10[%dma_start3A_210, %dma_start3A_211] : memref<80x128xf32, #tpu.memory_space<vmem>> -> memref<16x128xf32, #tpu.memory_space<vmem>>
        %dma_start3A_213 = arith.constant 9984 : i32
        %dma_start3A_214 = arith.constant 0 : i32
        %dma_start3A_215 = tpu.memref_slice %arg7[%dma_start3A_213, %dma_start3A_214] : memref<10000x128xf32, #tpu.memory_space<vmem_shared>> -> memref<16x128xf32, #tpu.memory_space<vmem_shared>>
        tpu.enqueue_dma source(%dma_start3A_215 : memref<16x128xf32, #tpu.memory_space<vmem_shared>>) target(%dma_start3A_212 : memref<16x128xf32, #tpu.memory_space<vmem>>) target_semaphore(%run_scoped3A : memref<!tpu.dma_semaphore, #tpu.memory_space<semaphore_mem>>)
        %dma_wait3A = arith.constant 0 : i32
        %dma_wait3A_216 = arith.constant 0 : i32
        %dma_wait3A_217 = tpu.memref_slice %arg10[%dma_wait3A, %dma_wait3A_216] : memref<80x128xf32, #tpu.memory_space<vmem>> -> memref<16x128xf32, #tpu.memory_space<vmem>>
        %dma_wait3A_218 = arith.constant 9984 : i32
        %dma_wait3A_219 = arith.constant 0 : i32
        %dma_wait3A_220 = tpu.memref_slice %arg7[%dma_wait3A_218, %dma_wait3A_219] : memref<10000x128xf32, #tpu.memory_space<vmem_shared>> -> memref<16x128xf32, #tpu.memory_space<vmem_shared>>
        %dma_wait3A_221 = arith.constant 0 : i32
        %dma_wait3A_222 = arith.constant 0 : i32
        %dma_wait3A_223 = tpu.memref_slice %arg10[%dma_wait3A_221, %dma_wait3A_222] : memref<80x128xf32, #tpu.memory_space<vmem>> -> memref<16x128xf32, #tpu.memory_space<vmem>>
        %dma_wait3A_224 = arith.constant 9984 : i32
        %dma_wait3A_225 = arith.constant 0 : i32
        %dma_wait3A_226 = tpu.memref_slice %arg7[%dma_wait3A_224, %dma_wait3A_225] : memref<10000x128xf32, #tpu.memory_space<vmem_shared>> -> memref<16x128xf32, #tpu.memory_space<vmem_shared>>
        tpu.wait_dma2 semaphore(%run_scoped3A : memref<!tpu.dma_semaphore, #tpu.memory_space<semaphore_mem>>) src(%dma_wait3A_226 : memref<16x128xf32, #tpu.memory_space<vmem_shared>>) dst(%dma_wait3A_223 : memref<16x128xf32, #tpu.memory_space<vmem>>)
        tpu.yield
      }) : () -> ()
      "tpu.region"() ({
        %run_scoped3A = tpu.sem_alloc : memref<!tpu.dma_semaphore, #tpu.memory_space<semaphore_mem>>
        %dma_start3A = arith.constant 0 : i32
        %dma_start3A_205 = arith.constant 0 : i32
        %dma_start3A_206 = tpu.memref_slice %arg10[%dma_start3A, %dma_start3A_205] : memref<80x128xf32, #tpu.memory_space<vmem>> -> memref<16x128xf32, #tpu.memory_space<vmem>>
        %dma_start3A_207 = arith.constant 9984 : i32
        %dma_start3A_208 = arith.constant 0 : i32
        %dma_start3A_209 = tpu.memref_slice %arg5[%arg0, %dma_start3A_207, %dma_start3A_208] : memref<2x10000x128xf32, #tpu.memory_space<hbm>> -> memref<1x16x128xf32, #tpu.memory_space<hbm>>
        %dma_start3A_210 = tpu.memref_squeeze %dma_start3A_209 : memref<1x16x128xf32, #tpu.memory_space<hbm>> -> memref<16x128xf32, #tpu.memory_space<hbm>>
        %dma_start3A_211 = arith.constant 9984 : i32
        %dma_start3A_212 = arith.constant 0 : i32
        %dma_start3A_213 = tpu.memref_slice %arg5[%arg0, %dma_start3A_211, %dma_start3A_212] : memref<2x10000x128xf32, #tpu.memory_space<hbm>> -> memref<1x16x128xf32, #tpu.memory_space<hbm>>
        %dma_start3A_214 = tpu.memref_squeeze %dma_start3A_213 : memref<1x16x128xf32, #tpu.memory_space<hbm>> -> memref<16x128xf32, #tpu.memory_space<hbm>>
        %dma_start3A_215 = arith.constant 0 : i32
        %dma_start3A_216 = arith.constant 0 : i32
        %dma_start3A_217 = tpu.memref_slice %arg10[%dma_start3A_215, %dma_start3A_216] : memref<80x128xf32, #tpu.memory_space<vmem>> -> memref<16x128xf32, #tpu.memory_space<vmem>>
        tpu.enqueue_dma source(%dma_start3A_217 : memref<16x128xf32, #tpu.memory_space<vmem>>) target(%dma_start3A_214 : memref<16x128xf32, #tpu.memory_space<hbm>>) target_semaphore(%run_scoped3A : memref<!tpu.dma_semaphore, #tpu.memory_space<semaphore_mem>>)
        %dma_wait3A = arith.constant 0 : i32
        %dma_wait3A_218 = arith.constant 0 : i32
        %dma_wait3A_219 = tpu.memref_slice %arg10[%dma_wait3A, %dma_wait3A_218] : memref<80x128xf32, #tpu.memory_space<vmem>> -> memref<16x128xf32, #tpu.memory_space<vmem>>
        %dma_wait3A_220 = arith.constant 9984 : i32
        %dma_wait3A_221 = arith.constant 0 : i32
        %dma_wait3A_222 = tpu.memref_slice %arg5[%arg0, %dma_wait3A_220, %dma_wait3A_221] : memref<2x10000x128xf32, #tpu.memory_space<hbm>> -> memref<1x16x128xf32, #tpu.memory_space<hbm>>
        %dma_wait3A_223 = tpu.memref_squeeze %dma_wait3A_222 : memref<1x16x128xf32, #tpu.memory_space<hbm>> -> memref<16x128xf32, #tpu.memory_space<hbm>>
        %dma_wait3A_224 = arith.constant 9984 : i32
        %dma_wait3A_225 = arith.constant 0 : i32
        %dma_wait3A_226 = tpu.memref_slice %arg5[%arg0, %dma_wait3A_224, %dma_wait3A_225] : memref<2x10000x128xf32, #tpu.memory_space<hbm>> -> memref<1x16x128xf32, #tpu.memory_space<hbm>>
        %dma_wait3A_227 = tpu.memref_squeeze %dma_wait3A_226 : memref<1x16x128xf32, #tpu.memory_space<hbm>> -> memref<16x128xf32, #tpu.memory_space<hbm>>
        %dma_wait3A_228 = arith.constant 0 : i32
        %dma_wait3A_229 = arith.constant 0 : i32
        %dma_wait3A_230 = tpu.memref_slice %arg10[%dma_wait3A_228, %dma_wait3A_229] : memref<80x128xf32, #tpu.memory_space<vmem>> -> memref<16x128xf32, #tpu.memory_space<vmem>>
        tpu.wait_dma2 semaphore(%run_scoped3A : memref<!tpu.dma_semaphore, #tpu.memory_space<semaphore_mem>>) src(%dma_wait3A_230 : memref<16x128xf32, #tpu.memory_space<vmem>>) dst(%dma_wait3A_227 : memref<16x128xf32, #tpu.memory_space<hbm>>)
        tpu.yield
      }) : () -> ()
      %mul3A_200 = arith.constant 10000 : i32
      %mul3A_201 = arith.muli %arg0, %mul3A_200 : i32
      %add3A_202 = arith.constant 9984 : i32
      %add3A_203 = arith.addi %mul3A_201, %add3A_202 : i32
      %multiple_of3A_204 = tpu.assume_multiple %add3A_203, 8 : i32
      "tpu.region"() ({
        %run_scoped3A = tpu.sem_alloc : memref<!tpu.dma_semaphore, #tpu.memory_space<semaphore_mem>>
        %dma_start3A = arith.constant 0 : i32
        %dma_start3A_205 = tpu.memref_slice %arg14[%dma_start3A] : memref<80xf32, #tpu.memory_space<vmem>> -> memref<16xf32, #tpu.memory_space<vmem>>
        %dma_start3A_206 = arith.constant 9984 : i32
        %dma_start3A_207 = tpu.memref_slice %arg12[%dma_start3A_206] : memref<10000xf32, #tpu.memory_space<vmem_shared>> -> memref<16xf32, #tpu.memory_space<vmem_shared>>
        %dma_start3A_208 = arith.constant 0 : i32
        %dma_start3A_209 = tpu.memref_slice %arg14[%dma_start3A_208] : memref<80xf32, #tpu.memory_space<vmem>> -> memref<16xf32, #tpu.memory_space<vmem>>
        %dma_start3A_210 = arith.constant 9984 : i32
        %dma_start3A_211 = tpu.memref_slice %arg12[%dma_start3A_210] : memref<10000xf32, #tpu.memory_space<vmem_shared>> -> memref<16xf32, #tpu.memory_space<vmem_shared>>
        tpu.enqueue_dma source(%dma_start3A_211 : memref<16xf32, #tpu.memory_space<vmem_shared>>) target(%dma_start3A_209 : memref<16xf32, #tpu.memory_space<vmem>>) target_semaphore(%run_scoped3A : memref<!tpu.dma_semaphore, #tpu.memory_space<semaphore_mem>>)
        %dma_wait3A = arith.constant 0 : i32
        %dma_wait3A_212 = tpu.memref_slice %arg14[%dma_wait3A] : memref<80xf32, #tpu.memory_space<vmem>> -> memref<16xf32, #tpu.memory_space<vmem>>
        %dma_wait3A_213 = arith.constant 9984 : i32
        %dma_wait3A_214 = tpu.memref_slice %arg12[%dma_wait3A_213] : memref<10000xf32, #tpu.memory_space<vmem_shared>> -> memref<16xf32, #tpu.memory_space<vmem_shared>>
        %dma_wait3A_215 = arith.constant 0 : i32
        %dma_wait3A_216 = tpu.memref_slice %arg14[%dma_wait3A_215] : memref<80xf32, #tpu.memory_space<vmem>> -> memref<16xf32, #tpu.memory_space<vmem>>
        %dma_wait3A_217 = arith.constant 9984 : i32
        %dma_wait3A_218 = tpu.memref_slice %arg12[%dma_wait3A_217] : memref<10000xf32, #tpu.memory_space<vmem_shared>> -> memref<16xf32, #tpu.memory_space<vmem_shared>>
        tpu.wait_dma2 semaphore(%run_scoped3A : memref<!tpu.dma_semaphore, #tpu.memory_space<semaphore_mem>>) src(%dma_wait3A_218 : memref<16xf32, #tpu.memory_space<vmem_shared>>) dst(%dma_wait3A_216 : memref<16xf32, #tpu.memory_space<vmem>>)
        tpu.yield
      }) : () -> ()
      "tpu.region"() ({
        %run_scoped3A = tpu.sem_alloc : memref<!tpu.dma_semaphore, #tpu.memory_space<semaphore_mem>>
        %dma_start3A = arith.constant 0 : i32
        %dma_start3A_205 = tpu.memref_slice %arg14[%dma_start3A] : memref<80xf32, #tpu.memory_space<vmem>> -> memref<16xf32, #tpu.memory_space<vmem>>
        %dma_start3A_206 = tpu.memref_slice %arg6[%multiple_of3A_204] : memref<20000xf32, #tpu.memory_space<hbm>> -> memref<16xf32, #tpu.memory_space<hbm>>
        %dma_start3A_207 = tpu.memref_slice %arg6[%multiple_of3A_204] : memref<20000xf32, #tpu.memory_space<hbm>> -> memref<16xf32, #tpu.memory_space<hbm>>
        %dma_start3A_208 = arith.constant 0 : i32
        %dma_start3A_209 = tpu.memref_slice %arg14[%dma_start3A_208] : memref<80xf32, #tpu.memory_space<vmem>> -> memref<16xf32, #tpu.memory_space<vmem>>
        tpu.enqueue_dma source(%dma_start3A_209 : memref<16xf32, #tpu.memory_space<vmem>>) target(%dma_start3A_207 : memref<16xf32, #tpu.memory_space<hbm>>) target_semaphore(%run_scoped3A : memref<!tpu.dma_semaphore, #tpu.memory_space<semaphore_mem>>)
        %dma_wait3A = arith.constant 0 : i32
        %dma_wait3A_210 = tpu.memref_slice %arg14[%dma_wait3A] : memref<80xf32, #tpu.memory_space<vmem>> -> memref<16xf32, #tpu.memory_space<vmem>>
        %dma_wait3A_211 = tpu.memref_slice %arg6[%multiple_of3A_204] : memref<20000xf32, #tpu.memory_space<hbm>> -> memref<16xf32, #tpu.memory_space<hbm>>
        %dma_wait3A_212 = tpu.memref_slice %arg6[%multiple_of3A_204] : memref<20000xf32, #tpu.memory_space<hbm>> -> memref<16xf32, #tpu.memory_space<hbm>>
        %dma_wait3A_213 = arith.constant 0 : i32
        %dma_wait3A_214 = tpu.memref_slice %arg14[%dma_wait3A_213] : memref<80xf32, #tpu.memory_space<vmem>> -> memref<16xf32, #tpu.memory_space<vmem>>
        tpu.wait_dma2 semaphore(%run_scoped3A : memref<!tpu.dma_semaphore, #tpu.memory_space<semaphore_mem>>) src(%dma_wait3A_214 : memref<16xf32, #tpu.memory_space<vmem>>) dst(%dma_wait3A_212 : memref<16xf32, #tpu.memory_space<hbm>>)
        tpu.yield
      }) : () -> ()
    } else {
    }
    return
  }
}

#map = affine_map<(d0, d1) -> (0, 0)>
#map1 = affine_map<(d0, d1) -> (0)>
#map2 = affine_map<(d0, d1) -> (0, 0, 0)>
module attributes {stable_mosaic.version = 14 : i64} {
  func.func @agg(%arg0: i32, %arg1: i32, %arg2: memref<10000x128xf32, #tpu.memory_space<hbm>>, %arg3: memref<320000xi32, #tpu.memory_space<hbm>>, %arg4: memref<320000xi32, #tpu.memory_space<hbm>>, %arg5: memref<2x10000x128xf32, #tpu.memory_space<hbm>>, %arg6: memref<10000x128xf32, #tpu.memory_space<vmem_shared>>, %arg7: memref<80xi32, #tpu.memory_space<vmem>>, %arg8: memref<80xi32, #tpu.memory_space<vmem>>, %arg9: memref<80x128xf32, #tpu.memory_space<vmem>>, %arg10: memref<!tpu.dma_semaphore, #tpu.memory_space<semaphore_mem>>) attributes {dimension_semantics = [#tpu.dimension_semantics<core_parallel>, #tpu.dimension_semantics<subcore_parallel>], iteration_bounds = array<i64: 2, 16>, scalar_prefetch = 0 : i64, scratch_operands = 5 : i64, tpu.core_type = #tpu.core_type<sc_vector_subcore>, window_params = [{transform_indices = #map}, {transform_indices = #map1}, {transform_indices = #map1}, {transform_indices = #map2}]} {
    %mul3A = arith.constant 2 : i32
    %mul3A_0 = arith.muli %arg1, %mul3A : i32
    %add3A = arith.addi %mul3A_0, %arg0 : i32
    %mul3A_1 = arith.constant 624 : i32
    %mul3A_2 = arith.muli %arg1, %mul3A_1 : i32
    %multiple_of3A = tpu.assume_multiple %mul3A_2, 8 : i32
    %broadcast_in_dim3A = arith.constant 0.000000e+00 : f32
    %broadcast_in_dim3A_3 = vector.broadcast %broadcast_in_dim3A : f32 to vector<16xf32>
    %scan3A = arith.constant 0 : i32
    %scan3A_4 = arith.constant 0 : i32
    %scan3A_5 = arith.constant 80 : i32
    %scan3A_6 = arith.addi %scan3A_4, %scan3A_5 : i32
    %scan3A_7 = arith.constant 1 : i32
    scf.for %scan3A_73 = %scan3A_4 to %scan3A_6 step %scan3A_7  : i32 {
      %swap3A = arith.index_cast %scan3A_73 : i32 to index
      %swap3A_74 = arith.constant 0 : index
      %swap3A_75 = tpu.vector_load %arg9[%swap3A, %swap3A_74] {strides = array<i32>} : memref<80x128xf32, #tpu.memory_space<vmem>>, vector<1x16xf32>,
      %swap3A_76 = vector.shape_cast %swap3A_75 : vector<1x16xf32> to vector<16xf32>
      %swap3A_77 = vector.shape_cast %broadcast_in_dim3A_3 : vector<16xf32> to vector<1x16xf32>
      tpu.vector_store %arg9[%swap3A, %swap3A_74], %swap3A_77 {strides = array<i32>} : memref<80x128xf32, #tpu.memory_space<vmem>>, vector<1x16xf32>,
      %swap3A_78 = arith.index_cast %scan3A_73 : i32 to index
      %swap3A_79 = arith.constant 16 : index
      %swap3A_80 = tpu.vector_load %arg9[%swap3A_78, %swap3A_79] {strides = array<i32>} : memref<80x128xf32, #tpu.memory_space<vmem>>, vector<1x16xf32>,
      %swap3A_81 = vector.shape_cast %swap3A_80 : vector<1x16xf32> to vector<16xf32>
      %swap3A_82 = vector.shape_cast %broadcast_in_dim3A_3 : vector<16xf32> to vector<1x16xf32>
      tpu.vector_store %arg9[%swap3A_78, %swap3A_79], %swap3A_82 {strides = array<i32>} : memref<80x128xf32, #tpu.memory_space<vmem>>, vector<1x16xf32>,
      %swap3A_83 = arith.index_cast %scan3A_73 : i32 to index
      %swap3A_84 = arith.constant 32 : index
      %swap3A_85 = tpu.vector_load %arg9[%swap3A_83, %swap3A_84] {strides = array<i32>} : memref<80x128xf32, #tpu.memory_space<vmem>>, vector<1x16xf32>,
      %swap3A_86 = vector.shape_cast %swap3A_85 : vector<1x16xf32> to vector<16xf32>
      %swap3A_87 = vector.shape_cast %broadcast_in_dim3A_3 : vector<16xf32> to vector<1x16xf32>
      tpu.vector_store %arg9[%swap3A_83, %swap3A_84], %swap3A_87 {strides = array<i32>} : memref<80x128xf32, #tpu.memory_space<vmem>>, vector<1x16xf32>,
      %swap3A_88 = arith.index_cast %scan3A_73 : i32 to index
      %swap3A_89 = arith.constant 48 : index
      %swap3A_90 = tpu.vector_load %arg9[%swap3A_88, %swap3A_89] {strides = array<i32>} : memref<80x128xf32, #tpu.memory_space<vmem>>, vector<1x16xf32>,
      %swap3A_91 = vector.shape_cast %swap3A_90 : vector<1x16xf32> to vector<16xf32>
      %swap3A_92 = vector.shape_cast %broadcast_in_dim3A_3 : vector<16xf32> to vector<1x16xf32>
      tpu.vector_store %arg9[%swap3A_88, %swap3A_89], %swap3A_92 {strides = array<i32>} : memref<80x128xf32, #tpu.memory_space<vmem>>, vector<1x16xf32>,
      %swap3A_93 = arith.index_cast %scan3A_73 : i32 to index
      %swap3A_94 = arith.constant 64 : index
      %swap3A_95 = tpu.vector_load %arg9[%swap3A_93, %swap3A_94] {strides = array<i32>} : memref<80x128xf32, #tpu.memory_space<vmem>>, vector<1x16xf32>,
      %swap3A_96 = vector.shape_cast %swap3A_95 : vector<1x16xf32> to vector<16xf32>
      %swap3A_97 = vector.shape_cast %broadcast_in_dim3A_3 : vector<16xf32> to vector<1x16xf32>
      tpu.vector_store %arg9[%swap3A_93, %swap3A_94], %swap3A_97 {strides = array<i32>} : memref<80x128xf32, #tpu.memory_space<vmem>>, vector<1x16xf32>,
      %swap3A_98 = arith.index_cast %scan3A_73 : i32 to index
      %swap3A_99 = arith.constant 80 : index
      %swap3A_100 = tpu.vector_load %arg9[%swap3A_98, %swap3A_99] {strides = array<i32>} : memref<80x128xf32, #tpu.memory_space<vmem>>, vector<1x16xf32>,
      %swap3A_101 = vector.shape_cast %swap3A_100 : vector<1x16xf32> to vector<16xf32>
      %swap3A_102 = vector.shape_cast %broadcast_in_dim3A_3 : vector<16xf32> to vector<1x16xf32>
      tpu.vector_store %arg9[%swap3A_98, %swap3A_99], %swap3A_102 {strides = array<i32>} : memref<80x128xf32, #tpu.memory_space<vmem>>, vector<1x16xf32>,
      %swap3A_103 = arith.index_cast %scan3A_73 : i32 to index
      %swap3A_104 = arith.constant 96 : index
      %swap3A_105 = tpu.vector_load %arg9[%swap3A_103, %swap3A_104] {strides = array<i32>} : memref<80x128xf32, #tpu.memory_space<vmem>>, vector<1x16xf32>,
      %swap3A_106 = vector.shape_cast %swap3A_105 : vector<1x16xf32> to vector<16xf32>
      %swap3A_107 = vector.shape_cast %broadcast_in_dim3A_3 : vector<16xf32> to vector<1x16xf32>
      tpu.vector_store %arg9[%swap3A_103, %swap3A_104], %swap3A_107 {strides = array<i32>} : memref<80x128xf32, #tpu.memory_space<vmem>>, vector<1x16xf32>,
      %swap3A_108 = arith.index_cast %scan3A_73 : i32 to index
      %swap3A_109 = arith.constant 112 : index
      %swap3A_110 = tpu.vector_load %arg9[%swap3A_108, %swap3A_109] {strides = array<i32>} : memref<80x128xf32, #tpu.memory_space<vmem>>, vector<1x16xf32>,
      %swap3A_111 = vector.shape_cast %swap3A_110 : vector<1x16xf32> to vector<16xf32>
      %swap3A_112 = vector.shape_cast %broadcast_in_dim3A_3 : vector<16xf32> to vector<1x16xf32>
      tpu.vector_store %arg9[%swap3A_108, %swap3A_109], %swap3A_112 {strides = array<i32>} : memref<80x128xf32, #tpu.memory_space<vmem>>, vector<1x16xf32>,
    }
    %scan3A_8 = arith.constant 80 : i32
    %add3A_9 = arith.constant 0 : i32
    %add3A_10 = arith.addi %multiple_of3A, %add3A_9 : i32
    "tpu.region"() ({
      %run_scoped3A = tpu.sem_alloc : memref<!tpu.dma_semaphore, #tpu.memory_space<semaphore_mem>>
      %dma_start3A = arith.constant 0 : i32
      %dma_start3A_73 = arith.constant 0 : i32
      %dma_start3A_74 = tpu.memref_slice %arg9[%dma_start3A, %dma_start3A_73] : memref<80x128xf32, #tpu.memory_space<vmem>> -> memref<80x128xf32, #tpu.memory_space<vmem>>
      %dma_start3A_75 = arith.constant 0 : i32
      %dma_start3A_76 = tpu.memref_slice %arg6[%add3A_10, %dma_start3A_75] : memref<10000x128xf32, #tpu.memory_space<vmem_shared>> -> memref<80x128xf32, #tpu.memory_space<vmem_shared>>
      %dma_start3A_77 = arith.constant 0 : i32
      %dma_start3A_78 = tpu.memref_slice %arg6[%add3A_10, %dma_start3A_77] : memref<10000x128xf32, #tpu.memory_space<vmem_shared>> -> memref<80x128xf32, #tpu.memory_space<vmem_shared>>
      %dma_start3A_79 = arith.constant 0 : i32
      %dma_start3A_80 = arith.constant 0 : i32
      %dma_start3A_81 = tpu.memref_slice %arg9[%dma_start3A_79, %dma_start3A_80] : memref<80x128xf32, #tpu.memory_space<vmem>> -> memref<80x128xf32, #tpu.memory_space<vmem>>
      tpu.enqueue_dma source(%dma_start3A_81 : memref<80x128xf32, #tpu.memory_space<vmem>>) target(%dma_start3A_78 : memref<80x128xf32, #tpu.memory_space<vmem_shared>>) target_semaphore(%run_scoped3A : memref<!tpu.dma_semaphore, #tpu.memory_space<semaphore_mem>>)
      %dma_wait3A = arith.constant 0 : i32
      %dma_wait3A_82 = arith.constant 0 : i32
      %dma_wait3A_83 = tpu.memref_slice %arg9[%dma_wait3A, %dma_wait3A_82] : memref<80x128xf32, #tpu.memory_space<vmem>> -> memref<80x128xf32, #tpu.memory_space<vmem>>
      %dma_wait3A_84 = arith.constant 0 : i32
      %dma_wait3A_85 = tpu.memref_slice %arg6[%add3A_10, %dma_wait3A_84] : memref<10000x128xf32, #tpu.memory_space<vmem_shared>> -> memref<80x128xf32, #tpu.memory_space<vmem_shared>>
      %dma_wait3A_86 = arith.constant 0 : i32
      %dma_wait3A_87 = tpu.memref_slice %arg6[%add3A_10, %dma_wait3A_86] : memref<10000x128xf32, #tpu.memory_space<vmem_shared>> -> memref<80x128xf32, #tpu.memory_space<vmem_shared>>
      %dma_wait3A_88 = arith.constant 0 : i32
      %dma_wait3A_89 = arith.constant 0 : i32
      %dma_wait3A_90 = tpu.memref_slice %arg9[%dma_wait3A_88, %dma_wait3A_89] : memref<80x128xf32, #tpu.memory_space<vmem>> -> memref<80x128xf32, #tpu.memory_space<vmem>>
      tpu.wait_dma2 semaphore(%run_scoped3A : memref<!tpu.dma_semaphore, #tpu.memory_space<semaphore_mem>>) src(%dma_wait3A_90 : memref<80x128xf32, #tpu.memory_space<vmem>>) dst(%dma_wait3A_87 : memref<80x128xf32, #tpu.memory_space<vmem_shared>>)
      tpu.yield
    }) : () -> ()
    %add3A_11 = arith.constant 80 : i32
    %add3A_12 = arith.addi %multiple_of3A, %add3A_11 : i32
    "tpu.region"() ({
      %run_scoped3A = tpu.sem_alloc : memref<!tpu.dma_semaphore, #tpu.memory_space<semaphore_mem>>
      %dma_start3A = arith.constant 0 : i32
      %dma_start3A_73 = arith.constant 0 : i32
      %dma_start3A_74 = tpu.memref_slice %arg9[%dma_start3A, %dma_start3A_73] : memref<80x128xf32, #tpu.memory_space<vmem>> -> memref<80x128xf32, #tpu.memory_space<vmem>>
      %dma_start3A_75 = arith.constant 0 : i32
      %dma_start3A_76 = tpu.memref_slice %arg6[%add3A_12, %dma_start3A_75] : memref<10000x128xf32, #tpu.memory_space<vmem_shared>> -> memref<80x128xf32, #tpu.memory_space<vmem_shared>>
      %dma_start3A_77 = arith.constant 0 : i32
      %dma_start3A_78 = tpu.memref_slice %arg6[%add3A_12, %dma_start3A_77] : memref<10000x128xf32, #tpu.memory_space<vmem_shared>> -> memref<80x128xf32, #tpu.memory_space<vmem_shared>>
      %dma_start3A_79 = arith.constant 0 : i32
      %dma_start3A_80 = arith.constant 0 : i32
      %dma_start3A_81 = tpu.memref_slice %arg9[%dma_start3A_79, %dma_start3A_80] : memref<80x128xf32, #tpu.memory_space<vmem>> -> memref<80x128xf32, #tpu.memory_space<vmem>>
      tpu.enqueue_dma source(%dma_start3A_81 : memref<80x128xf32, #tpu.memory_space<vmem>>) target(%dma_start3A_78 : memref<80x128xf32, #tpu.memory_space<vmem_shared>>) target_semaphore(%run_scoped3A : memref<!tpu.dma_semaphore, #tpu.memory_space<semaphore_mem>>)
      %dma_wait3A = arith.constant 0 : i32
      %dma_wait3A_82 = arith.constant 0 : i32
      %dma_wait3A_83 = tpu.memref_slice %arg9[%dma_wait3A, %dma_wait3A_82] : memref<80x128xf32, #tpu.memory_space<vmem>> -> memref<80x128xf32, #tpu.memory_space<vmem>>
      %dma_wait3A_84 = arith.constant 0 : i32
      %dma_wait3A_85 = tpu.memref_slice %arg6[%add3A_12, %dma_wait3A_84] : memref<10000x128xf32, #tpu.memory_space<vmem_shared>> -> memref<80x128xf32, #tpu.memory_space<vmem_shared>>
      %dma_wait3A_86 = arith.constant 0 : i32
      %dma_wait3A_87 = tpu.memref_slice %arg6[%add3A_12, %dma_wait3A_86] : memref<10000x128xf32, #tpu.memory_space<vmem_shared>> -> memref<80x128xf32, #tpu.memory_space<vmem_shared>>
      %dma_wait3A_88 = arith.constant 0 : i32
      %dma_wait3A_89 = arith.constant 0 : i32
      %dma_wait3A_90 = tpu.memref_slice %arg9[%dma_wait3A_88, %dma_wait3A_89] : memref<80x128xf32, #tpu.memory_space<vmem>> -> memref<80x128xf32, #tpu.memory_space<vmem>>
      tpu.wait_dma2 semaphore(%run_scoped3A : memref<!tpu.dma_semaphore, #tpu.memory_space<semaphore_mem>>) src(%dma_wait3A_90 : memref<80x128xf32, #tpu.memory_space<vmem>>) dst(%dma_wait3A_87 : memref<80x128xf32, #tpu.memory_space<vmem_shared>>)
      tpu.yield
    }) : () -> ()
    %add3A_13 = arith.constant 160 : i32
    %add3A_14 = arith.addi %multiple_of3A, %add3A_13 : i32
    "tpu.region"() ({
      %run_scoped3A = tpu.sem_alloc : memref<!tpu.dma_semaphore, #tpu.memory_space<semaphore_mem>>
      %dma_start3A = arith.constant 0 : i32
      %dma_start3A_73 = arith.constant 0 : i32
      %dma_start3A_74 = tpu.memref_slice %arg9[%dma_start3A, %dma_start3A_73] : memref<80x128xf32, #tpu.memory_space<vmem>> -> memref<80x128xf32, #tpu.memory_space<vmem>>
      %dma_start3A_75 = arith.constant 0 : i32
      %dma_start3A_76 = tpu.memref_slice %arg6[%add3A_14, %dma_start3A_75] : memref<10000x128xf32, #tpu.memory_space<vmem_shared>> -> memref<80x128xf32, #tpu.memory_space<vmem_shared>>
      %dma_start3A_77 = arith.constant 0 : i32
      %dma_start3A_78 = tpu.memref_slice %arg6[%add3A_14, %dma_start3A_77] : memref<10000x128xf32, #tpu.memory_space<vmem_shared>> -> memref<80x128xf32, #tpu.memory_space<vmem_shared>>
      %dma_start3A_79 = arith.constant 0 : i32
      %dma_start3A_80 = arith.constant 0 : i32
      %dma_start3A_81 = tpu.memref_slice %arg9[%dma_start3A_79, %dma_start3A_80] : memref<80x128xf32, #tpu.memory_space<vmem>> -> memref<80x128xf32, #tpu.memory_space<vmem>>
      tpu.enqueue_dma source(%dma_start3A_81 : memref<80x128xf32, #tpu.memory_space<vmem>>) target(%dma_start3A_78 : memref<80x128xf32, #tpu.memory_space<vmem_shared>>) target_semaphore(%run_scoped3A : memref<!tpu.dma_semaphore, #tpu.memory_space<semaphore_mem>>)
      %dma_wait3A = arith.constant 0 : i32
      %dma_wait3A_82 = arith.constant 0 : i32
      %dma_wait3A_83 = tpu.memref_slice %arg9[%dma_wait3A, %dma_wait3A_82] : memref<80x128xf32, #tpu.memory_space<vmem>> -> memref<80x128xf32, #tpu.memory_space<vmem>>
      %dma_wait3A_84 = arith.constant 0 : i32
      %dma_wait3A_85 = tpu.memref_slice %arg6[%add3A_14, %dma_wait3A_84] : memref<10000x128xf32, #tpu.memory_space<vmem_shared>> -> memref<80x128xf32, #tpu.memory_space<vmem_shared>>
      %dma_wait3A_86 = arith.constant 0 : i32
      %dma_wait3A_87 = tpu.memref_slice %arg6[%add3A_14, %dma_wait3A_86] : memref<10000x128xf32, #tpu.memory_space<vmem_shared>> -> memref<80x128xf32, #tpu.memory_space<vmem_shared>>
      %dma_wait3A_88 = arith.constant 0 : i32
      %dma_wait3A_89 = arith.constant 0 : i32
      %dma_wait3A_90 = tpu.memref_slice %arg9[%dma_wait3A_88, %dma_wait3A_89] : memref<80x128xf32, #tpu.memory_space<vmem>> -> memref<80x128xf32, #tpu.memory_space<vmem>>
      tpu.wait_dma2 semaphore(%run_scoped3A : memref<!tpu.dma_semaphore, #tpu.memory_space<semaphore_mem>>) src(%dma_wait3A_90 : memref<80x128xf32, #tpu.memory_space<vmem>>) dst(%dma_wait3A_87 : memref<80x128xf32, #tpu.memory_space<vmem_shared>>)
      tpu.yield
    }) : () -> ()
    %add3A_15 = arith.constant 240 : i32
    %add3A_16 = arith.addi %multiple_of3A, %add3A_15 : i32
    "tpu.region"() ({
      %run_scoped3A = tpu.sem_alloc : memref<!tpu.dma_semaphore, #tpu.memory_space<semaphore_mem>>
      %dma_start3A = arith.constant 0 : i32
      %dma_start3A_73 = arith.constant 0 : i32
      %dma_start3A_74 = tpu.memref_slice %arg9[%dma_start3A, %dma_start3A_73] : memref<80x128xf32, #tpu.memory_space<vmem>> -> memref<80x128xf32, #tpu.memory_space<vmem>>
      %dma_start3A_75 = arith.constant 0 : i32
      %dma_start3A_76 = tpu.memref_slice %arg6[%add3A_16, %dma_start3A_75] : memref<10000x128xf32, #tpu.memory_space<vmem_shared>> -> memref<80x128xf32, #tpu.memory_space<vmem_shared>>
      %dma_start3A_77 = arith.constant 0 : i32
      %dma_start3A_78 = tpu.memref_slice %arg6[%add3A_16, %dma_start3A_77] : memref<10000x128xf32, #tpu.memory_space<vmem_shared>> -> memref<80x128xf32, #tpu.memory_space<vmem_shared>>
      %dma_start3A_79 = arith.constant 0 : i32
      %dma_start3A_80 = arith.constant 0 : i32
      %dma_start3A_81 = tpu.memref_slice %arg9[%dma_start3A_79, %dma_start3A_80] : memref<80x128xf32, #tpu.memory_space<vmem>> -> memref<80x128xf32, #tpu.memory_space<vmem>>
      tpu.enqueue_dma source(%dma_start3A_81 : memref<80x128xf32, #tpu.memory_space<vmem>>) target(%dma_start3A_78 : memref<80x128xf32, #tpu.memory_space<vmem_shared>>) target_semaphore(%run_scoped3A : memref<!tpu.dma_semaphore, #tpu.memory_space<semaphore_mem>>)
      %dma_wait3A = arith.constant 0 : i32
      %dma_wait3A_82 = arith.constant 0 : i32
      %dma_wait3A_83 = tpu.memref_slice %arg9[%dma_wait3A, %dma_wait3A_82] : memref<80x128xf32, #tpu.memory_space<vmem>> -> memref<80x128xf32, #tpu.memory_space<vmem>>
      %dma_wait3A_84 = arith.constant 0 : i32
      %dma_wait3A_85 = tpu.memref_slice %arg6[%add3A_16, %dma_wait3A_84] : memref<10000x128xf32, #tpu.memory_space<vmem_shared>> -> memref<80x128xf32, #tpu.memory_space<vmem_shared>>
      %dma_wait3A_86 = arith.constant 0 : i32
      %dma_wait3A_87 = tpu.memref_slice %arg6[%add3A_16, %dma_wait3A_86] : memref<10000x128xf32, #tpu.memory_space<vmem_shared>> -> memref<80x128xf32, #tpu.memory_space<vmem_shared>>
      %dma_wait3A_88 = arith.constant 0 : i32
      %dma_wait3A_89 = arith.constant 0 : i32
      %dma_wait3A_90 = tpu.memref_slice %arg9[%dma_wait3A_88, %dma_wait3A_89] : memref<80x128xf32, #tpu.memory_space<vmem>> -> memref<80x128xf32, #tpu.memory_space<vmem>>
      tpu.wait_dma2 semaphore(%run_scoped3A : memref<!tpu.dma_semaphore, #tpu.memory_space<semaphore_mem>>) src(%dma_wait3A_90 : memref<80x128xf32, #tpu.memory_space<vmem>>) dst(%dma_wait3A_87 : memref<80x128xf32, #tpu.memory_space<vmem_shared>>)
      tpu.yield
    }) : () -> ()
    %add3A_17 = arith.constant 320 : i32
    %add3A_18 = arith.addi %multiple_of3A, %add3A_17 : i32
    "tpu.region"() ({
      %run_scoped3A = tpu.sem_alloc : memref<!tpu.dma_semaphore, #tpu.memory_space<semaphore_mem>>
      %dma_start3A = arith.constant 0 : i32
      %dma_start3A_73 = arith.constant 0 : i32
      %dma_start3A_74 = tpu.memref_slice %arg9[%dma_start3A, %dma_start3A_73] : memref<80x128xf32, #tpu.memory_space<vmem>> -> memref<80x128xf32, #tpu.memory_space<vmem>>
      %dma_start3A_75 = arith.constant 0 : i32
      %dma_start3A_76 = tpu.memref_slice %arg6[%add3A_18, %dma_start3A_75] : memref<10000x128xf32, #tpu.memory_space<vmem_shared>> -> memref<80x128xf32, #tpu.memory_space<vmem_shared>>
      %dma_start3A_77 = arith.constant 0 : i32
      %dma_start3A_78 = tpu.memref_slice %arg6[%add3A_18, %dma_start3A_77] : memref<10000x128xf32, #tpu.memory_space<vmem_shared>> -> memref<80x128xf32, #tpu.memory_space<vmem_shared>>
      %dma_start3A_79 = arith.constant 0 : i32
      %dma_start3A_80 = arith.constant 0 : i32
      %dma_start3A_81 = tpu.memref_slice %arg9[%dma_start3A_79, %dma_start3A_80] : memref<80x128xf32, #tpu.memory_space<vmem>> -> memref<80x128xf32, #tpu.memory_space<vmem>>
      tpu.enqueue_dma source(%dma_start3A_81 : memref<80x128xf32, #tpu.memory_space<vmem>>) target(%dma_start3A_78 : memref<80x128xf32, #tpu.memory_space<vmem_shared>>) target_semaphore(%run_scoped3A : memref<!tpu.dma_semaphore, #tpu.memory_space<semaphore_mem>>)
      %dma_wait3A = arith.constant 0 : i32
      %dma_wait3A_82 = arith.constant 0 : i32
      %dma_wait3A_83 = tpu.memref_slice %arg9[%dma_wait3A, %dma_wait3A_82] : memref<80x128xf32, #tpu.memory_space<vmem>> -> memref<80x128xf32, #tpu.memory_space<vmem>>
      %dma_wait3A_84 = arith.constant 0 : i32
      %dma_wait3A_85 = tpu.memref_slice %arg6[%add3A_18, %dma_wait3A_84] : memref<10000x128xf32, #tpu.memory_space<vmem_shared>> -> memref<80x128xf32, #tpu.memory_space<vmem_shared>>
      %dma_wait3A_86 = arith.constant 0 : i32
      %dma_wait3A_87 = tpu.memref_slice %arg6[%add3A_18, %dma_wait3A_86] : memref<10000x128xf32, #tpu.memory_space<vmem_shared>> -> memref<80x128xf32, #tpu.memory_space<vmem_shared>>
      %dma_wait3A_88 = arith.constant 0 : i32
      %dma_wait3A_89 = arith.constant 0 : i32
      %dma_wait3A_90 = tpu.memref_slice %arg9[%dma_wait3A_88, %dma_wait3A_89] : memref<80x128xf32, #tpu.memory_space<vmem>> -> memref<80x128xf32, #tpu.memory_space<vmem>>
      tpu.wait_dma2 semaphore(%run_scoped3A : memref<!tpu.dma_semaphore, #tpu.memory_space<semaphore_mem>>) src(%dma_wait3A_90 : memref<80x128xf32, #tpu.memory_space<vmem>>) dst(%dma_wait3A_87 : memref<80x128xf32, #tpu.memory_space<vmem_shared>>)
      tpu.yield
    }) : () -> ()
    %add3A_19 = arith.constant 400 : i32
    %add3A_20 = arith.addi %multiple_of3A, %add3A_19 : i32
    "tpu.region"() ({
      %run_scoped3A = tpu.sem_alloc : memref<!tpu.dma_semaphore, #tpu.memory_space<semaphore_mem>>
      %dma_start3A = arith.constant 0 : i32
      %dma_start3A_73 = arith.constant 0 : i32
      %dma_start3A_74 = tpu.memref_slice %arg9[%dma_start3A, %dma_start3A_73] : memref<80x128xf32, #tpu.memory_space<vmem>> -> memref<80x128xf32, #tpu.memory_space<vmem>>
      %dma_start3A_75 = arith.constant 0 : i32
      %dma_start3A_76 = tpu.memref_slice %arg6[%add3A_20, %dma_start3A_75] : memref<10000x128xf32, #tpu.memory_space<vmem_shared>> -> memref<80x128xf32, #tpu.memory_space<vmem_shared>>
      %dma_start3A_77 = arith.constant 0 : i32
      %dma_start3A_78 = tpu.memref_slice %arg6[%add3A_20, %dma_start3A_77] : memref<10000x128xf32, #tpu.memory_space<vmem_shared>> -> memref<80x128xf32, #tpu.memory_space<vmem_shared>>
      %dma_start3A_79 = arith.constant 0 : i32
      %dma_start3A_80 = arith.constant 0 : i32
      %dma_start3A_81 = tpu.memref_slice %arg9[%dma_start3A_79, %dma_start3A_80] : memref<80x128xf32, #tpu.memory_space<vmem>> -> memref<80x128xf32, #tpu.memory_space<vmem>>
      tpu.enqueue_dma source(%dma_start3A_81 : memref<80x128xf32, #tpu.memory_space<vmem>>) target(%dma_start3A_78 : memref<80x128xf32, #tpu.memory_space<vmem_shared>>) target_semaphore(%run_scoped3A : memref<!tpu.dma_semaphore, #tpu.memory_space<semaphore_mem>>)
      %dma_wait3A = arith.constant 0 : i32
      %dma_wait3A_82 = arith.constant 0 : i32
      %dma_wait3A_83 = tpu.memref_slice %arg9[%dma_wait3A, %dma_wait3A_82] : memref<80x128xf32, #tpu.memory_space<vmem>> -> memref<80x128xf32, #tpu.memory_space<vmem>>
      %dma_wait3A_84 = arith.constant 0 : i32
      %dma_wait3A_85 = tpu.memref_slice %arg6[%add3A_20, %dma_wait3A_84] : memref<10000x128xf32, #tpu.memory_space<vmem_shared>> -> memref<80x128xf32, #tpu.memory_space<vmem_shared>>
      %dma_wait3A_86 = arith.constant 0 : i32
      %dma_wait3A_87 = tpu.memref_slice %arg6[%add3A_20, %dma_wait3A_86] : memref<10000x128xf32, #tpu.memory_space<vmem_shared>> -> memref<80x128xf32, #tpu.memory_space<vmem_shared>>
      %dma_wait3A_88 = arith.constant 0 : i32
      %dma_wait3A_89 = arith.constant 0 : i32
      %dma_wait3A_90 = tpu.memref_slice %arg9[%dma_wait3A_88, %dma_wait3A_89] : memref<80x128xf32, #tpu.memory_space<vmem>> -> memref<80x128xf32, #tpu.memory_space<vmem>>
      tpu.wait_dma2 semaphore(%run_scoped3A : memref<!tpu.dma_semaphore, #tpu.memory_space<semaphore_mem>>) src(%dma_wait3A_90 : memref<80x128xf32, #tpu.memory_space<vmem>>) dst(%dma_wait3A_87 : memref<80x128xf32, #tpu.memory_space<vmem_shared>>)
      tpu.yield
    }) : () -> ()
    %add3A_21 = arith.constant 480 : i32
    %add3A_22 = arith.addi %multiple_of3A, %add3A_21 : i32
    "tpu.region"() ({
      %run_scoped3A = tpu.sem_alloc : memref<!tpu.dma_semaphore, #tpu.memory_space<semaphore_mem>>
      %dma_start3A = arith.constant 0 : i32
      %dma_start3A_73 = arith.constant 0 : i32
      %dma_start3A_74 = tpu.memref_slice %arg9[%dma_start3A, %dma_start3A_73] : memref<80x128xf32, #tpu.memory_space<vmem>> -> memref<80x128xf32, #tpu.memory_space<vmem>>
      %dma_start3A_75 = arith.constant 0 : i32
      %dma_start3A_76 = tpu.memref_slice %arg6[%add3A_22, %dma_start3A_75] : memref<10000x128xf32, #tpu.memory_space<vmem_shared>> -> memref<80x128xf32, #tpu.memory_space<vmem_shared>>
      %dma_start3A_77 = arith.constant 0 : i32
      %dma_start3A_78 = tpu.memref_slice %arg6[%add3A_22, %dma_start3A_77] : memref<10000x128xf32, #tpu.memory_space<vmem_shared>> -> memref<80x128xf32, #tpu.memory_space<vmem_shared>>
      %dma_start3A_79 = arith.constant 0 : i32
      %dma_start3A_80 = arith.constant 0 : i32
      %dma_start3A_81 = tpu.memref_slice %arg9[%dma_start3A_79, %dma_start3A_80] : memref<80x128xf32, #tpu.memory_space<vmem>> -> memref<80x128xf32, #tpu.memory_space<vmem>>
      tpu.enqueue_dma source(%dma_start3A_81 : memref<80x128xf32, #tpu.memory_space<vmem>>) target(%dma_start3A_78 : memref<80x128xf32, #tpu.memory_space<vmem_shared>>) target_semaphore(%run_scoped3A : memref<!tpu.dma_semaphore, #tpu.memory_space<semaphore_mem>>)
      %dma_wait3A = arith.constant 0 : i32
      %dma_wait3A_82 = arith.constant 0 : i32
      %dma_wait3A_83 = tpu.memref_slice %arg9[%dma_wait3A, %dma_wait3A_82] : memref<80x128xf32, #tpu.memory_space<vmem>> -> memref<80x128xf32, #tpu.memory_space<vmem>>
      %dma_wait3A_84 = arith.constant 0 : i32
      %dma_wait3A_85 = tpu.memref_slice %arg6[%add3A_22, %dma_wait3A_84] : memref<10000x128xf32, #tpu.memory_space<vmem_shared>> -> memref<80x128xf32, #tpu.memory_space<vmem_shared>>
      %dma_wait3A_86 = arith.constant 0 : i32
      %dma_wait3A_87 = tpu.memref_slice %arg6[%add3A_22, %dma_wait3A_86] : memref<10000x128xf32, #tpu.memory_space<vmem_shared>> -> memref<80x128xf32, #tpu.memory_space<vmem_shared>>
      %dma_wait3A_88 = arith.constant 0 : i32
      %dma_wait3A_89 = arith.constant 0 : i32
      %dma_wait3A_90 = tpu.memref_slice %arg9[%dma_wait3A_88, %dma_wait3A_89] : memref<80x128xf32, #tpu.memory_space<vmem>> -> memref<80x128xf32, #tpu.memory_space<vmem>>
      tpu.wait_dma2 semaphore(%run_scoped3A : memref<!tpu.dma_semaphore, #tpu.memory_space<semaphore_mem>>) src(%dma_wait3A_90 : memref<80x128xf32, #tpu.memory_space<vmem>>) dst(%dma_wait3A_87 : memref<80x128xf32, #tpu.memory_space<vmem_shared>>)
      tpu.yield
    }) : () -> ()
    %add3A_23 = arith.constant 560 : i32
    %add3A_24 = arith.addi %multiple_of3A, %add3A_23 : i32
    "tpu.region"() ({
      %run_scoped3A = tpu.sem_alloc : memref<!tpu.dma_semaphore, #tpu.memory_space<semaphore_mem>>
      %dma_start3A = arith.constant 0 : i32
      %dma_start3A_73 = arith.constant 0 : i32
      %dma_start3A_74 = tpu.memref_slice %arg9[%dma_start3A, %dma_start3A_73] : memref<80x128xf32, #tpu.memory_space<vmem>> -> memref<64x128xf32, #tpu.memory_space<vmem>>
      %dma_start3A_75 = arith.constant 0 : i32
      %dma_start3A_76 = tpu.memref_slice %arg6[%add3A_24, %dma_start3A_75] : memref<10000x128xf32, #tpu.memory_space<vmem_shared>> -> memref<64x128xf32, #tpu.memory_space<vmem_shared>>
      %dma_start3A_77 = arith.constant 0 : i32
      %dma_start3A_78 = tpu.memref_slice %arg6[%add3A_24, %dma_start3A_77] : memref<10000x128xf32, #tpu.memory_space<vmem_shared>> -> memref<64x128xf32, #tpu.memory_space<vmem_shared>>
      %dma_start3A_79 = arith.constant 0 : i32
      %dma_start3A_80 = arith.constant 0 : i32
      %dma_start3A_81 = tpu.memref_slice %arg9[%dma_start3A_79, %dma_start3A_80] : memref<80x128xf32, #tpu.memory_space<vmem>> -> memref<64x128xf32, #tpu.memory_space<vmem>>
      tpu.enqueue_dma source(%dma_start3A_81 : memref<64x128xf32, #tpu.memory_space<vmem>>) target(%dma_start3A_78 : memref<64x128xf32, #tpu.memory_space<vmem_shared>>) target_semaphore(%run_scoped3A : memref<!tpu.dma_semaphore, #tpu.memory_space<semaphore_mem>>)
      %dma_wait3A = arith.constant 0 : i32
      %dma_wait3A_82 = arith.constant 0 : i32
      %dma_wait3A_83 = tpu.memref_slice %arg9[%dma_wait3A, %dma_wait3A_82] : memref<80x128xf32, #tpu.memory_space<vmem>> -> memref<64x128xf32, #tpu.memory_space<vmem>>
      %dma_wait3A_84 = arith.constant 0 : i32
      %dma_wait3A_85 = tpu.memref_slice %arg6[%add3A_24, %dma_wait3A_84] : memref<10000x128xf32, #tpu.memory_space<vmem_shared>> -> memref<64x128xf32, #tpu.memory_space<vmem_shared>>
      %dma_wait3A_86 = arith.constant 0 : i32
      %dma_wait3A_87 = tpu.memref_slice %arg6[%add3A_24, %dma_wait3A_86] : memref<10000x128xf32, #tpu.memory_space<vmem_shared>> -> memref<64x128xf32, #tpu.memory_space<vmem_shared>>
      %dma_wait3A_88 = arith.constant 0 : i32
      %dma_wait3A_89 = arith.constant 0 : i32
      %dma_wait3A_90 = tpu.memref_slice %arg9[%dma_wait3A_88, %dma_wait3A_89] : memref<80x128xf32, #tpu.memory_space<vmem>> -> memref<64x128xf32, #tpu.memory_space<vmem>>
      tpu.wait_dma2 semaphore(%run_scoped3A : memref<!tpu.dma_semaphore, #tpu.memory_space<semaphore_mem>>) src(%dma_wait3A_90 : memref<64x128xf32, #tpu.memory_space<vmem>>) dst(%dma_wait3A_87 : memref<64x128xf32, #tpu.memory_space<vmem_shared>>)
      tpu.yield
    }) : () -> ()
    %eq3A = arith.constant 0 : i32
    %eq3A_25 = arith.cmpi eq, %arg1, %eq3A : i32
    %convert_element_type3A = arith.extui %eq3A_25 : i1 to i32
    %cond3A = arith.constant 0 : i32
    %cond3A_26 = arith.cmpi ne, %convert_element_type3A, %cond3A : i32
    scf.if %cond3A_26 {
      "tpu.region"() ({
        %run_scoped3A = tpu.sem_alloc : memref<!tpu.dma_semaphore, #tpu.memory_space<semaphore_mem>>
        %dma_start3A = arith.constant 0 : i32
        %dma_start3A_73 = arith.constant 0 : i32
        %dma_start3A_74 = tpu.memref_slice %arg9[%dma_start3A, %dma_start3A_73] : memref<80x128xf32, #tpu.memory_space<vmem>> -> memref<16x128xf32, #tpu.memory_space<vmem>>
        %dma_start3A_75 = arith.constant 9984 : i32
        %dma_start3A_76 = arith.constant 0 : i32
        %dma_start3A_77 = tpu.memref_slice %arg6[%dma_start3A_75, %dma_start3A_76] : memref<10000x128xf32, #tpu.memory_space<vmem_shared>> -> memref<16x128xf32, #tpu.memory_space<vmem_shared>>
        %dma_start3A_78 = arith.constant 9984 : i32
        %dma_start3A_79 = arith.constant 0 : i32
        %dma_start3A_80 = tpu.memref_slice %arg6[%dma_start3A_78, %dma_start3A_79] : memref<10000x128xf32, #tpu.memory_space<vmem_shared>> -> memref<16x128xf32, #tpu.memory_space<vmem_shared>>
        %dma_start3A_81 = arith.constant 0 : i32
        %dma_start3A_82 = arith.constant 0 : i32
        %dma_start3A_83 = tpu.memref_slice %arg9[%dma_start3A_81, %dma_start3A_82] : memref<80x128xf32, #tpu.memory_space<vmem>> -> memref<16x128xf32, #tpu.memory_space<vmem>>
        tpu.enqueue_dma source(%dma_start3A_83 : memref<16x128xf32, #tpu.memory_space<vmem>>) target(%dma_start3A_80 : memref<16x128xf32, #tpu.memory_space<vmem_shared>>) target_semaphore(%run_scoped3A : memref<!tpu.dma_semaphore, #tpu.memory_space<semaphore_mem>>)
        %dma_wait3A = arith.constant 0 : i32
        %dma_wait3A_84 = arith.constant 0 : i32
        %dma_wait3A_85 = tpu.memref_slice %arg9[%dma_wait3A, %dma_wait3A_84] : memref<80x128xf32, #tpu.memory_space<vmem>> -> memref<16x128xf32, #tpu.memory_space<vmem>>
        %dma_wait3A_86 = arith.constant 9984 : i32
        %dma_wait3A_87 = arith.constant 0 : i32
        %dma_wait3A_88 = tpu.memref_slice %arg6[%dma_wait3A_86, %dma_wait3A_87] : memref<10000x128xf32, #tpu.memory_space<vmem_shared>> -> memref<16x128xf32, #tpu.memory_space<vmem_shared>>
        %dma_wait3A_89 = arith.constant 9984 : i32
        %dma_wait3A_90 = arith.constant 0 : i32
        %dma_wait3A_91 = tpu.memref_slice %arg6[%dma_wait3A_89, %dma_wait3A_90] : memref<10000x128xf32, #tpu.memory_space<vmem_shared>> -> memref<16x128xf32, #tpu.memory_space<vmem_shared>>
        %dma_wait3A_92 = arith.constant 0 : i32
        %dma_wait3A_93 = arith.constant 0 : i32
        %dma_wait3A_94 = tpu.memref_slice %arg9[%dma_wait3A_92, %dma_wait3A_93] : memref<80x128xf32, #tpu.memory_space<vmem>> -> memref<16x128xf32, #tpu.memory_space<vmem>>
        tpu.wait_dma2 semaphore(%run_scoped3A : memref<!tpu.dma_semaphore, #tpu.memory_space<semaphore_mem>>) src(%dma_wait3A_94 : memref<16x128xf32, #tpu.memory_space<vmem>>) dst(%dma_wait3A_91 : memref<16x128xf32, #tpu.memory_space<vmem_shared>>)
        tpu.yield
      }) : () -> ()
    } else {
    }
    %barrier3A = arith.constant 0 : index
    tpu.barrier barrier_id(%barrier3A)
    %mul3A_27 = arith.constant 10000 : i32
    %mul3A_28 = arith.muli %add3A, %mul3A_27 : i32
    %scan3A_29 = arith.constant 0 : i32
    %scan3A_30 = arith.constant 0 : i32
    %scan3A_31 = arith.constant 125 : i32
    %scan3A_32 = arith.addi %scan3A_30, %scan3A_31 : i32
    %scan3A_33 = arith.constant 1 : i32
    scf.for %scan3A_73 = %scan3A_30 to %scan3A_32 step %scan3A_33  : i32 {
      %mul3A_74 = arith.constant 80 : i32
      %mul3A_75 = arith.muli %scan3A_73, %mul3A_74 : i32
      %add3A_76 = arith.addi %mul3A_28, %mul3A_75 : i32
      %multiple_of3A_77 = tpu.assume_multiple %add3A_76, 8 : i32
      "tpu.region"() ({
        %run_scoped3A = tpu.sem_alloc : memref<!tpu.dma_semaphore, #tpu.memory_space<semaphore_mem>>
        %dma_start3A_82 = tpu.memref_slice %arg3[%multiple_of3A_77] : memref<320000xi32, #tpu.memory_space<hbm>> -> memref<80xi32, #tpu.memory_space<hbm>>
        %dma_start3A_83 = tpu.memref_slice %arg3[%multiple_of3A_77] : memref<320000xi32, #tpu.memory_space<hbm>> -> memref<80xi32, #tpu.memory_space<hbm>>
        tpu.enqueue_dma source(%dma_start3A_83 : memref<80xi32, #tpu.memory_space<hbm>>) target(%arg7 : memref<80xi32, #tpu.memory_space<vmem>>) target_semaphore(%run_scoped3A : memref<!tpu.dma_semaphore, #tpu.memory_space<semaphore_mem>>)
        %dma_wait3A_84 = tpu.memref_slice %arg3[%multiple_of3A_77] : memref<320000xi32, #tpu.memory_space<hbm>> -> memref<80xi32, #tpu.memory_space<hbm>>
        %dma_wait3A_85 = tpu.memref_slice %arg3[%multiple_of3A_77] : memref<320000xi32, #tpu.memory_space<hbm>> -> memref<80xi32, #tpu.memory_space<hbm>>
        tpu.wait_dma2 semaphore(%run_scoped3A : memref<!tpu.dma_semaphore, #tpu.memory_space<semaphore_mem>>) src(%dma_wait3A_85 : memref<80xi32, #tpu.memory_space<hbm>>) dst(%arg7 : memref<80xi32, #tpu.memory_space<vmem>>)
        tpu.yield
      }) : () -> ()
      %dma_start3A = arith.constant 0 : i32
      %dma_start3A_78 = arith.constant 0 : i32
      %dma_start3A_79 = tpu.memref_slice %arg2[%dma_start3A, %dma_start3A_78] : memref<10000x128xf32, #tpu.memory_space<hbm>> -> memref<10000x128xf32, #tpu.memory_space<hbm>>
      tpu.enqueue_indirect_dma source(%dma_start3A_79 : memref<10000x128xf32, #tpu.memory_space<hbm>>) target(%arg9 : memref<80x128xf32, #tpu.memory_space<vmem>>) offsets(%arg7 : memref<80xi32, #tpu.memory_space<vmem>>) semaphore(%arg10 : memref<!tpu.dma_semaphore, #tpu.memory_space<semaphore_mem>>)
      %dma_wait3A = arith.constant 0 : i32
      %dma_wait3A_80 = arith.constant 0 : i32
      %dma_wait3A_81 = tpu.memref_slice %arg2[%dma_wait3A, %dma_wait3A_80] : memref<10000x128xf32, #tpu.memory_space<hbm>> -> memref<10000x128xf32, #tpu.memory_space<hbm>>
      tpu.wait_indirect_dma semaphore(%arg10 : memref<!tpu.dma_semaphore, #tpu.memory_space<semaphore_mem>>) src(%dma_wait3A_81 : memref<10000x128xf32, #tpu.memory_space<hbm>>) dst(%arg9 : memref<80x128xf32, #tpu.memory_space<vmem>>)
      "tpu.region"() ({
        %run_scoped3A = tpu.sem_alloc : memref<!tpu.dma_semaphore, #tpu.memory_space<semaphore_mem>>
        %dma_start3A_82 = tpu.memref_slice %arg4[%multiple_of3A_77] : memref<320000xi32, #tpu.memory_space<hbm>> -> memref<80xi32, #tpu.memory_space<hbm>>
        %dma_start3A_83 = tpu.memref_slice %arg4[%multiple_of3A_77] : memref<320000xi32, #tpu.memory_space<hbm>> -> memref<80xi32, #tpu.memory_space<hbm>>
        tpu.enqueue_dma source(%dma_start3A_83 : memref<80xi32, #tpu.memory_space<hbm>>) target(%arg8 : memref<80xi32, #tpu.memory_space<vmem>>) target_semaphore(%run_scoped3A : memref<!tpu.dma_semaphore, #tpu.memory_space<semaphore_mem>>)
        %dma_wait3A_84 = tpu.memref_slice %arg4[%multiple_of3A_77] : memref<320000xi32, #tpu.memory_space<hbm>> -> memref<80xi32, #tpu.memory_space<hbm>>
        %dma_wait3A_85 = tpu.memref_slice %arg4[%multiple_of3A_77] : memref<320000xi32, #tpu.memory_space<hbm>> -> memref<80xi32, #tpu.memory_space<hbm>>
        tpu.wait_dma2 semaphore(%run_scoped3A : memref<!tpu.dma_semaphore, #tpu.memory_space<semaphore_mem>>) src(%dma_wait3A_85 : memref<80xi32, #tpu.memory_space<hbm>>) dst(%arg8 : memref<80xi32, #tpu.memory_space<vmem>>)
        tpu.yield
      }) : () -> ()
      "tpu.region"() ({
        %run_scoped3A = tpu.sem_alloc : memref<!tpu.dma_semaphore, #tpu.memory_space<semaphore_mem>>
        %dma_start3A_82 = arith.constant 0 : i32
        %dma_start3A_83 = arith.constant 0 : i32
        %dma_start3A_84 = tpu.memref_slice %arg6[%dma_start3A_82, %dma_start3A_83] : memref<10000x128xf32, #tpu.memory_space<vmem_shared>> -> memref<10000x128xf32, #tpu.memory_space<vmem_shared>>
        tpu.enqueue_indirect_dma source(%arg9 : memref<80x128xf32, #tpu.memory_space<vmem>>) target(%dma_start3A_84 : memref<10000x128xf32, #tpu.memory_space<vmem_shared>>) offsets(%arg8 : memref<80xi32, #tpu.memory_space<vmem>>) semaphore(%run_scoped3A : memref<!tpu.dma_semaphore, #tpu.memory_space<semaphore_mem>>) {add = true}
        %dma_wait3A_85 = arith.constant 0 : i32
        %dma_wait3A_86 = arith.constant 0 : i32
        %dma_wait3A_87 = tpu.memref_slice %arg6[%dma_wait3A_85, %dma_wait3A_86] : memref<10000x128xf32, #tpu.memory_space<vmem_shared>> -> memref<10000x128xf32, #tpu.memory_space<vmem_shared>>
        tpu.wait_indirect_dma semaphore(%run_scoped3A : memref<!tpu.dma_semaphore, #tpu.memory_space<semaphore_mem>>) src(%arg9 : memref<80x128xf32, #tpu.memory_space<vmem>>) dst(%dma_wait3A_87 : memref<10000x128xf32, #tpu.memory_space<vmem_shared>>)
        tpu.yield
      }) : () -> ()
    }
    %scan3A_34 = arith.constant 125 : i32
    %barrier3A_35 = arith.constant 0 : index
    tpu.barrier barrier_id(%barrier3A_35)
    %add3A_36 = arith.constant 0 : i32
    %add3A_37 = arith.addi %multiple_of3A, %add3A_36 : i32
    "tpu.region"() ({
      %run_scoped3A = tpu.sem_alloc : memref<!tpu.dma_semaphore, #tpu.memory_space<semaphore_mem>>
      %dma_start3A = arith.constant 0 : i32
      %dma_start3A_73 = arith.constant 0 : i32
      %dma_start3A_74 = tpu.memref_slice %arg9[%dma_start3A, %dma_start3A_73] : memref<80x128xf32, #tpu.memory_space<vmem>> -> memref<80x128xf32, #tpu.memory_space<vmem>>
      %dma_start3A_75 = arith.constant 0 : i32
      %dma_start3A_76 = tpu.memref_slice %arg6[%add3A_37, %dma_start3A_75] : memref<10000x128xf32, #tpu.memory_space<vmem_shared>> -> memref<80x128xf32, #tpu.memory_space<vmem_shared>>
      %dma_start3A_77 = arith.constant 0 : i32
      %dma_start3A_78 = arith.constant 0 : i32
      %dma_start3A_79 = tpu.memref_slice %arg9[%dma_start3A_77, %dma_start3A_78] : memref<80x128xf32, #tpu.memory_space<vmem>> -> memref<80x128xf32, #tpu.memory_space<vmem>>
      %dma_start3A_80 = arith.constant 0 : i32
      %dma_start3A_81 = tpu.memref_slice %arg6[%add3A_37, %dma_start3A_80] : memref<10000x128xf32, #tpu.memory_space<vmem_shared>> -> memref<80x128xf32, #tpu.memory_space<vmem_shared>>
      tpu.enqueue_dma source(%dma_start3A_81 : memref<80x128xf32, #tpu.memory_space<vmem_shared>>) target(%dma_start3A_79 : memref<80x128xf32, #tpu.memory_space<vmem>>) target_semaphore(%run_scoped3A : memref<!tpu.dma_semaphore, #tpu.memory_space<semaphore_mem>>)
      %dma_wait3A = arith.constant 0 : i32
      %dma_wait3A_82 = arith.constant 0 : i32
      %dma_wait3A_83 = tpu.memref_slice %arg9[%dma_wait3A, %dma_wait3A_82] : memref<80x128xf32, #tpu.memory_space<vmem>> -> memref<80x128xf32, #tpu.memory_space<vmem>>
      %dma_wait3A_84 = arith.constant 0 : i32
      %dma_wait3A_85 = tpu.memref_slice %arg6[%add3A_37, %dma_wait3A_84] : memref<10000x128xf32, #tpu.memory_space<vmem_shared>> -> memref<80x128xf32, #tpu.memory_space<vmem_shared>>
      %dma_wait3A_86 = arith.constant 0 : i32
      %dma_wait3A_87 = arith.constant 0 : i32
      %dma_wait3A_88 = tpu.memref_slice %arg9[%dma_wait3A_86, %dma_wait3A_87] : memref<80x128xf32, #tpu.memory_space<vmem>> -> memref<80x128xf32, #tpu.memory_space<vmem>>
      %dma_wait3A_89 = arith.constant 0 : i32
      %dma_wait3A_90 = tpu.memref_slice %arg6[%add3A_37, %dma_wait3A_89] : memref<10000x128xf32, #tpu.memory_space<vmem_shared>> -> memref<80x128xf32, #tpu.memory_space<vmem_shared>>
      tpu.wait_dma2 semaphore(%run_scoped3A : memref<!tpu.dma_semaphore, #tpu.memory_space<semaphore_mem>>) src(%dma_wait3A_90 : memref<80x128xf32, #tpu.memory_space<vmem_shared>>) dst(%dma_wait3A_88 : memref<80x128xf32, #tpu.memory_space<vmem>>)
      tpu.yield
    }) : () -> ()
    %add3A_38 = arith.constant 0 : i32
    %add3A_39 = arith.addi %multiple_of3A, %add3A_38 : i32
    "tpu.region"() ({
      %run_scoped3A = tpu.sem_alloc : memref<!tpu.dma_semaphore, #tpu.memory_space<semaphore_mem>>
      %dma_start3A = arith.constant 0 : i32
      %dma_start3A_73 = arith.constant 0 : i32
      %dma_start3A_74 = tpu.memref_slice %arg9[%dma_start3A, %dma_start3A_73] : memref<80x128xf32, #tpu.memory_space<vmem>> -> memref<80x128xf32, #tpu.memory_space<vmem>>
      %dma_start3A_75 = arith.constant 0 : i32
      %dma_start3A_76 = tpu.memref_slice %arg5[%arg0, %add3A_39, %dma_start3A_75] : memref<2x10000x128xf32, #tpu.memory_space<hbm>> -> memref<1x80x128xf32, #tpu.memory_space<hbm>>
      %dma_start3A_77 = tpu.memref_squeeze %dma_start3A_76 : memref<1x80x128xf32, #tpu.memory_space<hbm>> -> memref<80x128xf32, #tpu.memory_space<hbm>>
      %dma_start3A_78 = arith.constant 0 : i32
      %dma_start3A_79 = tpu.memref_slice %arg5[%arg0, %add3A_39, %dma_start3A_78] : memref<2x10000x128xf32, #tpu.memory_space<hbm>> -> memref<1x80x128xf32, #tpu.memory_space<hbm>>
      %dma_start3A_80 = tpu.memref_squeeze %dma_start3A_79 : memref<1x80x128xf32, #tpu.memory_space<hbm>> -> memref<80x128xf32, #tpu.memory_space<hbm>>
      %dma_start3A_81 = arith.constant 0 : i32
      %dma_start3A_82 = arith.constant 0 : i32
      %dma_start3A_83 = tpu.memref_slice %arg9[%dma_start3A_81, %dma_start3A_82] : memref<80x128xf32, #tpu.memory_space<vmem>> -> memref<80x128xf32, #tpu.memory_space<vmem>>
      tpu.enqueue_dma source(%dma_start3A_83 : memref<80x128xf32, #tpu.memory_space<vmem>>) target(%dma_start3A_80 : memref<80x128xf32, #tpu.memory_space<hbm>>) target_semaphore(%run_scoped3A : memref<!tpu.dma_semaphore, #tpu.memory_space<semaphore_mem>>)
      %dma_wait3A = arith.constant 0 : i32
      %dma_wait3A_84 = arith.constant 0 : i32
      %dma_wait3A_85 = tpu.memref_slice %arg9[%dma_wait3A, %dma_wait3A_84] : memref<80x128xf32, #tpu.memory_space<vmem>> -> memref<80x128xf32, #tpu.memory_space<vmem>>
      %dma_wait3A_86 = arith.constant 0 : i32
      %dma_wait3A_87 = tpu.memref_slice %arg5[%arg0, %add3A_39, %dma_wait3A_86] : memref<2x10000x128xf32, #tpu.memory_space<hbm>> -> memref<1x80x128xf32, #tpu.memory_space<hbm>>
      %dma_wait3A_88 = tpu.memref_squeeze %dma_wait3A_87 : memref<1x80x128xf32, #tpu.memory_space<hbm>> -> memref<80x128xf32, #tpu.memory_space<hbm>>
      %dma_wait3A_89 = arith.constant 0 : i32
      %dma_wait3A_90 = tpu.memref_slice %arg5[%arg0, %add3A_39, %dma_wait3A_89] : memref<2x10000x128xf32, #tpu.memory_space<hbm>> -> memref<1x80x128xf32, #tpu.memory_space<hbm>>
      %dma_wait3A_91 = tpu.memref_squeeze %dma_wait3A_90 : memref<1x80x128xf32, #tpu.memory_space<hbm>> -> memref<80x128xf32, #tpu.memory_space<hbm>>
      %dma_wait3A_92 = arith.constant 0 : i32
      %dma_wait3A_93 = arith.constant 0 : i32
      %dma_wait3A_94 = tpu.memref_slice %arg9[%dma_wait3A_92, %dma_wait3A_93] : memref<80x128xf32, #tpu.memory_space<vmem>> -> memref<80x128xf32, #tpu.memory_space<vmem>>
      tpu.wait_dma2 semaphore(%run_scoped3A : memref<!tpu.dma_semaphore, #tpu.memory_space<semaphore_mem>>) src(%dma_wait3A_94 : memref<80x128xf32, #tpu.memory_space<vmem>>) dst(%dma_wait3A_91 : memref<80x128xf32, #tpu.memory_space<hbm>>)
      tpu.yield
    }) : () -> ()
    %add3A_40 = arith.constant 80 : i32
    %add3A_41 = arith.addi %multiple_of3A, %add3A_40 : i32
    "tpu.region"() ({
      %run_scoped3A = tpu.sem_alloc : memref<!tpu.dma_semaphore, #tpu.memory_space<semaphore_mem>>
      %dma_start3A = arith.constant 0 : i32
      %dma_start3A_73 = arith.constant 0 : i32
      %dma_start3A_74 = tpu.memref_slice %arg9[%dma_start3A, %dma_start3A_73] : memref<80x128xf32, #tpu.memory_space<vmem>> -> memref<80x128xf32, #tpu.memory_space<vmem>>
      %dma_start3A_75 = arith.constant 0 : i32
      %dma_start3A_76 = tpu.memref_slice %arg6[%add3A_41, %dma_start3A_75] : memref<10000x128xf32, #tpu.memory_space<vmem_shared>> -> memref<80x128xf32, #tpu.memory_space<vmem_shared>>
      %dma_start3A_77 = arith.constant 0 : i32
      %dma_start3A_78 = arith.constant 0 : i32
      %dma_start3A_79 = tpu.memref_slice %arg9[%dma_start3A_77, %dma_start3A_78] : memref<80x128xf32, #tpu.memory_space<vmem>> -> memref<80x128xf32, #tpu.memory_space<vmem>>
      %dma_start3A_80 = arith.constant 0 : i32
      %dma_start3A_81 = tpu.memref_slice %arg6[%add3A_41, %dma_start3A_80] : memref<10000x128xf32, #tpu.memory_space<vmem_shared>> -> memref<80x128xf32, #tpu.memory_space<vmem_shared>>
      tpu.enqueue_dma source(%dma_start3A_81 : memref<80x128xf32, #tpu.memory_space<vmem_shared>>) target(%dma_start3A_79 : memref<80x128xf32, #tpu.memory_space<vmem>>) target_semaphore(%run_scoped3A : memref<!tpu.dma_semaphore, #tpu.memory_space<semaphore_mem>>)
      %dma_wait3A = arith.constant 0 : i32
      %dma_wait3A_82 = arith.constant 0 : i32
      %dma_wait3A_83 = tpu.memref_slice %arg9[%dma_wait3A, %dma_wait3A_82] : memref<80x128xf32, #tpu.memory_space<vmem>> -> memref<80x128xf32, #tpu.memory_space<vmem>>
      %dma_wait3A_84 = arith.constant 0 : i32
      %dma_wait3A_85 = tpu.memref_slice %arg6[%add3A_41, %dma_wait3A_84] : memref<10000x128xf32, #tpu.memory_space<vmem_shared>> -> memref<80x128xf32, #tpu.memory_space<vmem_shared>>
      %dma_wait3A_86 = arith.constant 0 : i32
      %dma_wait3A_87 = arith.constant 0 : i32
      %dma_wait3A_88 = tpu.memref_slice %arg9[%dma_wait3A_86, %dma_wait3A_87] : memref<80x128xf32, #tpu.memory_space<vmem>> -> memref<80x128xf32, #tpu.memory_space<vmem>>
      %dma_wait3A_89 = arith.constant 0 : i32
      %dma_wait3A_90 = tpu.memref_slice %arg6[%add3A_41, %dma_wait3A_89] : memref<10000x128xf32, #tpu.memory_space<vmem_shared>> -> memref<80x128xf32, #tpu.memory_space<vmem_shared>>
      tpu.wait_dma2 semaphore(%run_scoped3A : memref<!tpu.dma_semaphore, #tpu.memory_space<semaphore_mem>>) src(%dma_wait3A_90 : memref<80x128xf32, #tpu.memory_space<vmem_shared>>) dst(%dma_wait3A_88 : memref<80x128xf32, #tpu.memory_space<vmem>>)
      tpu.yield
    }) : () -> ()
    %add3A_42 = arith.constant 80 : i32
    %add3A_43 = arith.addi %multiple_of3A, %add3A_42 : i32
    "tpu.region"() ({
      %run_scoped3A = tpu.sem_alloc : memref<!tpu.dma_semaphore, #tpu.memory_space<semaphore_mem>>
      %dma_start3A = arith.constant 0 : i32
      %dma_start3A_73 = arith.constant 0 : i32
      %dma_start3A_74 = tpu.memref_slice %arg9[%dma_start3A, %dma_start3A_73] : memref<80x128xf32, #tpu.memory_space<vmem>> -> memref<80x128xf32, #tpu.memory_space<vmem>>
      %dma_start3A_75 = arith.constant 0 : i32
      %dma_start3A_76 = tpu.memref_slice %arg5[%arg0, %add3A_43, %dma_start3A_75] : memref<2x10000x128xf32, #tpu.memory_space<hbm>> -> memref<1x80x128xf32, #tpu.memory_space<hbm>>
      %dma_start3A_77 = tpu.memref_squeeze %dma_start3A_76 : memref<1x80x128xf32, #tpu.memory_space<hbm>> -> memref<80x128xf32, #tpu.memory_space<hbm>>
      %dma_start3A_78 = arith.constant 0 : i32
      %dma_start3A_79 = tpu.memref_slice %arg5[%arg0, %add3A_43, %dma_start3A_78] : memref<2x10000x128xf32, #tpu.memory_space<hbm>> -> memref<1x80x128xf32, #tpu.memory_space<hbm>>
      %dma_start3A_80 = tpu.memref_squeeze %dma_start3A_79 : memref<1x80x128xf32, #tpu.memory_space<hbm>> -> memref<80x128xf32, #tpu.memory_space<hbm>>
      %dma_start3A_81 = arith.constant 0 : i32
      %dma_start3A_82 = arith.constant 0 : i32
      %dma_start3A_83 = tpu.memref_slice %arg9[%dma_start3A_81, %dma_start3A_82] : memref<80x128xf32, #tpu.memory_space<vmem>> -> memref<80x128xf32, #tpu.memory_space<vmem>>
      tpu.enqueue_dma source(%dma_start3A_83 : memref<80x128xf32, #tpu.memory_space<vmem>>) target(%dma_start3A_80 : memref<80x128xf32, #tpu.memory_space<hbm>>) target_semaphore(%run_scoped3A : memref<!tpu.dma_semaphore, #tpu.memory_space<semaphore_mem>>)
      %dma_wait3A = arith.constant 0 : i32
      %dma_wait3A_84 = arith.constant 0 : i32
      %dma_wait3A_85 = tpu.memref_slice %arg9[%dma_wait3A, %dma_wait3A_84] : memref<80x128xf32, #tpu.memory_space<vmem>> -> memref<80x128xf32, #tpu.memory_space<vmem>>
      %dma_wait3A_86 = arith.constant 0 : i32
      %dma_wait3A_87 = tpu.memref_slice %arg5[%arg0, %add3A_43, %dma_wait3A_86] : memref<2x10000x128xf32, #tpu.memory_space<hbm>> -> memref<1x80x128xf32, #tpu.memory_space<hbm>>
      %dma_wait3A_88 = tpu.memref_squeeze %dma_wait3A_87 : memref<1x80x128xf32, #tpu.memory_space<hbm>> -> memref<80x128xf32, #tpu.memory_space<hbm>>
      %dma_wait3A_89 = arith.constant 0 : i32
      %dma_wait3A_90 = tpu.memref_slice %arg5[%arg0, %add3A_43, %dma_wait3A_89] : memref<2x10000x128xf32, #tpu.memory_space<hbm>> -> memref<1x80x128xf32, #tpu.memory_space<hbm>>
      %dma_wait3A_91 = tpu.memref_squeeze %dma_wait3A_90 : memref<1x80x128xf32, #tpu.memory_space<hbm>> -> memref<80x128xf32, #tpu.memory_space<hbm>>
      %dma_wait3A_92 = arith.constant 0 : i32
      %dma_wait3A_93 = arith.constant 0 : i32
      %dma_wait3A_94 = tpu.memref_slice %arg9[%dma_wait3A_92, %dma_wait3A_93] : memref<80x128xf32, #tpu.memory_space<vmem>> -> memref<80x128xf32, #tpu.memory_space<vmem>>
      tpu.wait_dma2 semaphore(%run_scoped3A : memref<!tpu.dma_semaphore, #tpu.memory_space<semaphore_mem>>) src(%dma_wait3A_94 : memref<80x128xf32, #tpu.memory_space<vmem>>) dst(%dma_wait3A_91 : memref<80x128xf32, #tpu.memory_space<hbm>>)
      tpu.yield
    }) : () -> ()
    %add3A_44 = arith.constant 160 : i32
    %add3A_45 = arith.addi %multiple_of3A, %add3A_44 : i32
    "tpu.region"() ({
      %run_scoped3A = tpu.sem_alloc : memref<!tpu.dma_semaphore, #tpu.memory_space<semaphore_mem>>
      %dma_start3A = arith.constant 0 : i32
      %dma_start3A_73 = arith.constant 0 : i32
      %dma_start3A_74 = tpu.memref_slice %arg9[%dma_start3A, %dma_start3A_73] : memref<80x128xf32, #tpu.memory_space<vmem>> -> memref<80x128xf32, #tpu.memory_space<vmem>>
      %dma_start3A_75 = arith.constant 0 : i32
      %dma_start3A_76 = tpu.memref_slice %arg6[%add3A_45, %dma_start3A_75] : memref<10000x128xf32, #tpu.memory_space<vmem_shared>> -> memref<80x128xf32, #tpu.memory_space<vmem_shared>>
      %dma_start3A_77 = arith.constant 0 : i32
      %dma_start3A_78 = arith.constant 0 : i32
      %dma_start3A_79 = tpu.memref_slice %arg9[%dma_start3A_77, %dma_start3A_78] : memref<80x128xf32, #tpu.memory_space<vmem>> -> memref<80x128xf32, #tpu.memory_space<vmem>>
      %dma_start3A_80 = arith.constant 0 : i32
      %dma_start3A_81 = tpu.memref_slice %arg6[%add3A_45, %dma_start3A_80] : memref<10000x128xf32, #tpu.memory_space<vmem_shared>> -> memref<80x128xf32, #tpu.memory_space<vmem_shared>>
      tpu.enqueue_dma source(%dma_start3A_81 : memref<80x128xf32, #tpu.memory_space<vmem_shared>>) target(%dma_start3A_79 : memref<80x128xf32, #tpu.memory_space<vmem>>) target_semaphore(%run_scoped3A : memref<!tpu.dma_semaphore, #tpu.memory_space<semaphore_mem>>)
      %dma_wait3A = arith.constant 0 : i32
      %dma_wait3A_82 = arith.constant 0 : i32
      %dma_wait3A_83 = tpu.memref_slice %arg9[%dma_wait3A, %dma_wait3A_82] : memref<80x128xf32, #tpu.memory_space<vmem>> -> memref<80x128xf32, #tpu.memory_space<vmem>>
      %dma_wait3A_84 = arith.constant 0 : i32
      %dma_wait3A_85 = tpu.memref_slice %arg6[%add3A_45, %dma_wait3A_84] : memref<10000x128xf32, #tpu.memory_space<vmem_shared>> -> memref<80x128xf32, #tpu.memory_space<vmem_shared>>
      %dma_wait3A_86 = arith.constant 0 : i32
      %dma_wait3A_87 = arith.constant 0 : i32
      %dma_wait3A_88 = tpu.memref_slice %arg9[%dma_wait3A_86, %dma_wait3A_87] : memref<80x128xf32, #tpu.memory_space<vmem>> -> memref<80x128xf32, #tpu.memory_space<vmem>>
      %dma_wait3A_89 = arith.constant 0 : i32
      %dma_wait3A_90 = tpu.memref_slice %arg6[%add3A_45, %dma_wait3A_89] : memref<10000x128xf32, #tpu.memory_space<vmem_shared>> -> memref<80x128xf32, #tpu.memory_space<vmem_shared>>
      tpu.wait_dma2 semaphore(%run_scoped3A : memref<!tpu.dma_semaphore, #tpu.memory_space<semaphore_mem>>) src(%dma_wait3A_90 : memref<80x128xf32, #tpu.memory_space<vmem_shared>>) dst(%dma_wait3A_88 : memref<80x128xf32, #tpu.memory_space<vmem>>)
      tpu.yield
    }) : () -> ()
    %add3A_46 = arith.constant 160 : i32
    %add3A_47 = arith.addi %multiple_of3A, %add3A_46 : i32
    "tpu.region"() ({
      %run_scoped3A = tpu.sem_alloc : memref<!tpu.dma_semaphore, #tpu.memory_space<semaphore_mem>>
      %dma_start3A = arith.constant 0 : i32
      %dma_start3A_73 = arith.constant 0 : i32
      %dma_start3A_74 = tpu.memref_slice %arg9[%dma_start3A, %dma_start3A_73] : memref<80x128xf32, #tpu.memory_space<vmem>> -> memref<80x128xf32, #tpu.memory_space<vmem>>
      %dma_start3A_75 = arith.constant 0 : i32
      %dma_start3A_76 = tpu.memref_slice %arg5[%arg0, %add3A_47, %dma_start3A_75] : memref<2x10000x128xf32, #tpu.memory_space<hbm>> -> memref<1x80x128xf32, #tpu.memory_space<hbm>>
      %dma_start3A_77 = tpu.memref_squeeze %dma_start3A_76 : memref<1x80x128xf32, #tpu.memory_space<hbm>> -> memref<80x128xf32, #tpu.memory_space<hbm>>
      %dma_start3A_78 = arith.constant 0 : i32
      %dma_start3A_79 = tpu.memref_slice %arg5[%arg0, %add3A_47, %dma_start3A_78] : memref<2x10000x128xf32, #tpu.memory_space<hbm>> -> memref<1x80x128xf32, #tpu.memory_space<hbm>>
      %dma_start3A_80 = tpu.memref_squeeze %dma_start3A_79 : memref<1x80x128xf32, #tpu.memory_space<hbm>> -> memref<80x128xf32, #tpu.memory_space<hbm>>
      %dma_start3A_81 = arith.constant 0 : i32
      %dma_start3A_82 = arith.constant 0 : i32
      %dma_start3A_83 = tpu.memref_slice %arg9[%dma_start3A_81, %dma_start3A_82] : memref<80x128xf32, #tpu.memory_space<vmem>> -> memref<80x128xf32, #tpu.memory_space<vmem>>
      tpu.enqueue_dma source(%dma_start3A_83 : memref<80x128xf32, #tpu.memory_space<vmem>>) target(%dma_start3A_80 : memref<80x128xf32, #tpu.memory_space<hbm>>) target_semaphore(%run_scoped3A : memref<!tpu.dma_semaphore, #tpu.memory_space<semaphore_mem>>)
      %dma_wait3A = arith.constant 0 : i32
      %dma_wait3A_84 = arith.constant 0 : i32
      %dma_wait3A_85 = tpu.memref_slice %arg9[%dma_wait3A, %dma_wait3A_84] : memref<80x128xf32, #tpu.memory_space<vmem>> -> memref<80x128xf32, #tpu.memory_space<vmem>>
      %dma_wait3A_86 = arith.constant 0 : i32
      %dma_wait3A_87 = tpu.memref_slice %arg5[%arg0, %add3A_47, %dma_wait3A_86] : memref<2x10000x128xf32, #tpu.memory_space<hbm>> -> memref<1x80x128xf32, #tpu.memory_space<hbm>>
      %dma_wait3A_88 = tpu.memref_squeeze %dma_wait3A_87 : memref<1x80x128xf32, #tpu.memory_space<hbm>> -> memref<80x128xf32, #tpu.memory_space<hbm>>
      %dma_wait3A_89 = arith.constant 0 : i32
      %dma_wait3A_90 = tpu.memref_slice %arg5[%arg0, %add3A_47, %dma_wait3A_89] : memref<2x10000x128xf32, #tpu.memory_space<hbm>> -> memref<1x80x128xf32, #tpu.memory_space<hbm>>
      %dma_wait3A_91 = tpu.memref_squeeze %dma_wait3A_90 : memref<1x80x128xf32, #tpu.memory_space<hbm>> -> memref<80x128xf32, #tpu.memory_space<hbm>>
      %dma_wait3A_92 = arith.constant 0 : i32
      %dma_wait3A_93 = arith.constant 0 : i32
      %dma_wait3A_94 = tpu.memref_slice %arg9[%dma_wait3A_92, %dma_wait3A_93] : memref<80x128xf32, #tpu.memory_space<vmem>> -> memref<80x128xf32, #tpu.memory_space<vmem>>
      tpu.wait_dma2 semaphore(%run_scoped3A : memref<!tpu.dma_semaphore, #tpu.memory_space<semaphore_mem>>) src(%dma_wait3A_94 : memref<80x128xf32, #tpu.memory_space<vmem>>) dst(%dma_wait3A_91 : memref<80x128xf32, #tpu.memory_space<hbm>>)
      tpu.yield
    }) : () -> ()
    %add3A_48 = arith.constant 240 : i32
    %add3A_49 = arith.addi %multiple_of3A, %add3A_48 : i32
    "tpu.region"() ({
      %run_scoped3A = tpu.sem_alloc : memref<!tpu.dma_semaphore, #tpu.memory_space<semaphore_mem>>
      %dma_start3A = arith.constant 0 : i32
      %dma_start3A_73 = arith.constant 0 : i32
      %dma_start3A_74 = tpu.memref_slice %arg9[%dma_start3A, %dma_start3A_73] : memref<80x128xf32, #tpu.memory_space<vmem>> -> memref<80x128xf32, #tpu.memory_space<vmem>>
      %dma_start3A_75 = arith.constant 0 : i32
      %dma_start3A_76 = tpu.memref_slice %arg6[%add3A_49, %dma_start3A_75] : memref<10000x128xf32, #tpu.memory_space<vmem_shared>> -> memref<80x128xf32, #tpu.memory_space<vmem_shared>>
      %dma_start3A_77 = arith.constant 0 : i32
      %dma_start3A_78 = arith.constant 0 : i32
      %dma_start3A_79 = tpu.memref_slice %arg9[%dma_start3A_77, %dma_start3A_78] : memref<80x128xf32, #tpu.memory_space<vmem>> -> memref<80x128xf32, #tpu.memory_space<vmem>>
      %dma_start3A_80 = arith.constant 0 : i32
      %dma_start3A_81 = tpu.memref_slice %arg6[%add3A_49, %dma_start3A_80] : memref<10000x128xf32, #tpu.memory_space<vmem_shared>> -> memref<80x128xf32, #tpu.memory_space<vmem_shared>>
      tpu.enqueue_dma source(%dma_start3A_81 : memref<80x128xf32, #tpu.memory_space<vmem_shared>>) target(%dma_start3A_79 : memref<80x128xf32, #tpu.memory_space<vmem>>) target_semaphore(%run_scoped3A : memref<!tpu.dma_semaphore, #tpu.memory_space<semaphore_mem>>)
      %dma_wait3A = arith.constant 0 : i32
      %dma_wait3A_82 = arith.constant 0 : i32
      %dma_wait3A_83 = tpu.memref_slice %arg9[%dma_wait3A, %dma_wait3A_82] : memref<80x128xf32, #tpu.memory_space<vmem>> -> memref<80x128xf32, #tpu.memory_space<vmem>>
      %dma_wait3A_84 = arith.constant 0 : i32
      %dma_wait3A_85 = tpu.memref_slice %arg6[%add3A_49, %dma_wait3A_84] : memref<10000x128xf32, #tpu.memory_space<vmem_shared>> -> memref<80x128xf32, #tpu.memory_space<vmem_shared>>
      %dma_wait3A_86 = arith.constant 0 : i32
      %dma_wait3A_87 = arith.constant 0 : i32
      %dma_wait3A_88 = tpu.memref_slice %arg9[%dma_wait3A_86, %dma_wait3A_87] : memref<80x128xf32, #tpu.memory_space<vmem>> -> memref<80x128xf32, #tpu.memory_space<vmem>>
      %dma_wait3A_89 = arith.constant 0 : i32
      %dma_wait3A_90 = tpu.memref_slice %arg6[%add3A_49, %dma_wait3A_89] : memref<10000x128xf32, #tpu.memory_space<vmem_shared>> -> memref<80x128xf32, #tpu.memory_space<vmem_shared>>
      tpu.wait_dma2 semaphore(%run_scoped3A : memref<!tpu.dma_semaphore, #tpu.memory_space<semaphore_mem>>) src(%dma_wait3A_90 : memref<80x128xf32, #tpu.memory_space<vmem_shared>>) dst(%dma_wait3A_88 : memref<80x128xf32, #tpu.memory_space<vmem>>)
      tpu.yield
    }) : () -> ()
    %add3A_50 = arith.constant 240 : i32
    %add3A_51 = arith.addi %multiple_of3A, %add3A_50 : i32
    "tpu.region"() ({
      %run_scoped3A = tpu.sem_alloc : memref<!tpu.dma_semaphore, #tpu.memory_space<semaphore_mem>>
      %dma_start3A = arith.constant 0 : i32
      %dma_start3A_73 = arith.constant 0 : i32
      %dma_start3A_74 = tpu.memref_slice %arg9[%dma_start3A, %dma_start3A_73] : memref<80x128xf32, #tpu.memory_space<vmem>> -> memref<80x128xf32, #tpu.memory_space<vmem>>
      %dma_start3A_75 = arith.constant 0 : i32
      %dma_start3A_76 = tpu.memref_slice %arg5[%arg0, %add3A_51, %dma_start3A_75] : memref<2x10000x128xf32, #tpu.memory_space<hbm>> -> memref<1x80x128xf32, #tpu.memory_space<hbm>>
      %dma_start3A_77 = tpu.memref_squeeze %dma_start3A_76 : memref<1x80x128xf32, #tpu.memory_space<hbm>> -> memref<80x128xf32, #tpu.memory_space<hbm>>
      %dma_start3A_78 = arith.constant 0 : i32
      %dma_start3A_79 = tpu.memref_slice %arg5[%arg0, %add3A_51, %dma_start3A_78] : memref<2x10000x128xf32, #tpu.memory_space<hbm>> -> memref<1x80x128xf32, #tpu.memory_space<hbm>>
      %dma_start3A_80 = tpu.memref_squeeze %dma_start3A_79 : memref<1x80x128xf32, #tpu.memory_space<hbm>> -> memref<80x128xf32, #tpu.memory_space<hbm>>
      %dma_start3A_81 = arith.constant 0 : i32
      %dma_start3A_82 = arith.constant 0 : i32
      %dma_start3A_83 = tpu.memref_slice %arg9[%dma_start3A_81, %dma_start3A_82] : memref<80x128xf32, #tpu.memory_space<vmem>> -> memref<80x128xf32, #tpu.memory_space<vmem>>
      tpu.enqueue_dma source(%dma_start3A_83 : memref<80x128xf32, #tpu.memory_space<vmem>>) target(%dma_start3A_80 : memref<80x128xf32, #tpu.memory_space<hbm>>) target_semaphore(%run_scoped3A : memref<!tpu.dma_semaphore, #tpu.memory_space<semaphore_mem>>)
      %dma_wait3A = arith.constant 0 : i32
      %dma_wait3A_84 = arith.constant 0 : i32
      %dma_wait3A_85 = tpu.memref_slice %arg9[%dma_wait3A, %dma_wait3A_84] : memref<80x128xf32, #tpu.memory_space<vmem>> -> memref<80x128xf32, #tpu.memory_space<vmem>>
      %dma_wait3A_86 = arith.constant 0 : i32
      %dma_wait3A_87 = tpu.memref_slice %arg5[%arg0, %add3A_51, %dma_wait3A_86] : memref<2x10000x128xf32, #tpu.memory_space<hbm>> -> memref<1x80x128xf32, #tpu.memory_space<hbm>>
      %dma_wait3A_88 = tpu.memref_squeeze %dma_wait3A_87 : memref<1x80x128xf32, #tpu.memory_space<hbm>> -> memref<80x128xf32, #tpu.memory_space<hbm>>
      %dma_wait3A_89 = arith.constant 0 : i32
      %dma_wait3A_90 = tpu.memref_slice %arg5[%arg0, %add3A_51, %dma_wait3A_89] : memref<2x10000x128xf32, #tpu.memory_space<hbm>> -> memref<1x80x128xf32, #tpu.memory_space<hbm>>
      %dma_wait3A_91 = tpu.memref_squeeze %dma_wait3A_90 : memref<1x80x128xf32, #tpu.memory_space<hbm>> -> memref<80x128xf32, #tpu.memory_space<hbm>>
      %dma_wait3A_92 = arith.constant 0 : i32
      %dma_wait3A_93 = arith.constant 0 : i32
      %dma_wait3A_94 = tpu.memref_slice %arg9[%dma_wait3A_92, %dma_wait3A_93] : memref<80x128xf32, #tpu.memory_space<vmem>> -> memref<80x128xf32, #tpu.memory_space<vmem>>
      tpu.wait_dma2 semaphore(%run_scoped3A : memref<!tpu.dma_semaphore, #tpu.memory_space<semaphore_mem>>) src(%dma_wait3A_94 : memref<80x128xf32, #tpu.memory_space<vmem>>) dst(%dma_wait3A_91 : memref<80x128xf32, #tpu.memory_space<hbm>>)
      tpu.yield
    }) : () -> ()
    %add3A_52 = arith.constant 320 : i32
    %add3A_53 = arith.addi %multiple_of3A, %add3A_52 : i32
    "tpu.region"() ({
      %run_scoped3A = tpu.sem_alloc : memref<!tpu.dma_semaphore, #tpu.memory_space<semaphore_mem>>
      %dma_start3A = arith.constant 0 : i32
      %dma_start3A_73 = arith.constant 0 : i32
      %dma_start3A_74 = tpu.memref_slice %arg9[%dma_start3A, %dma_start3A_73] : memref<80x128xf32, #tpu.memory_space<vmem>> -> memref<80x128xf32, #tpu.memory_space<vmem>>
      %dma_start3A_75 = arith.constant 0 : i32
      %dma_start3A_76 = tpu.memref_slice %arg6[%add3A_53, %dma_start3A_75] : memref<10000x128xf32, #tpu.memory_space<vmem_shared>> -> memref<80x128xf32, #tpu.memory_space<vmem_shared>>
      %dma_start3A_77 = arith.constant 0 : i32
      %dma_start3A_78 = arith.constant 0 : i32
      %dma_start3A_79 = tpu.memref_slice %arg9[%dma_start3A_77, %dma_start3A_78] : memref<80x128xf32, #tpu.memory_space<vmem>> -> memref<80x128xf32, #tpu.memory_space<vmem>>
      %dma_start3A_80 = arith.constant 0 : i32
      %dma_start3A_81 = tpu.memref_slice %arg6[%add3A_53, %dma_start3A_80] : memref<10000x128xf32, #tpu.memory_space<vmem_shared>> -> memref<80x128xf32, #tpu.memory_space<vmem_shared>>
      tpu.enqueue_dma source(%dma_start3A_81 : memref<80x128xf32, #tpu.memory_space<vmem_shared>>) target(%dma_start3A_79 : memref<80x128xf32, #tpu.memory_space<vmem>>) target_semaphore(%run_scoped3A : memref<!tpu.dma_semaphore, #tpu.memory_space<semaphore_mem>>)
      %dma_wait3A = arith.constant 0 : i32
      %dma_wait3A_82 = arith.constant 0 : i32
      %dma_wait3A_83 = tpu.memref_slice %arg9[%dma_wait3A, %dma_wait3A_82] : memref<80x128xf32, #tpu.memory_space<vmem>> -> memref<80x128xf32, #tpu.memory_space<vmem>>
      %dma_wait3A_84 = arith.constant 0 : i32
      %dma_wait3A_85 = tpu.memref_slice %arg6[%add3A_53, %dma_wait3A_84] : memref<10000x128xf32, #tpu.memory_space<vmem_shared>> -> memref<80x128xf32, #tpu.memory_space<vmem_shared>>
      %dma_wait3A_86 = arith.constant 0 : i32
      %dma_wait3A_87 = arith.constant 0 : i32
      %dma_wait3A_88 = tpu.memref_slice %arg9[%dma_wait3A_86, %dma_wait3A_87] : memref<80x128xf32, #tpu.memory_space<vmem>> -> memref<80x128xf32, #tpu.memory_space<vmem>>
      %dma_wait3A_89 = arith.constant 0 : i32
      %dma_wait3A_90 = tpu.memref_slice %arg6[%add3A_53, %dma_wait3A_89] : memref<10000x128xf32, #tpu.memory_space<vmem_shared>> -> memref<80x128xf32, #tpu.memory_space<vmem_shared>>
      tpu.wait_dma2 semaphore(%run_scoped3A : memref<!tpu.dma_semaphore, #tpu.memory_space<semaphore_mem>>) src(%dma_wait3A_90 : memref<80x128xf32, #tpu.memory_space<vmem_shared>>) dst(%dma_wait3A_88 : memref<80x128xf32, #tpu.memory_space<vmem>>)
      tpu.yield
    }) : () -> ()
    %add3A_54 = arith.constant 320 : i32
    %add3A_55 = arith.addi %multiple_of3A, %add3A_54 : i32
    "tpu.region"() ({
      %run_scoped3A = tpu.sem_alloc : memref<!tpu.dma_semaphore, #tpu.memory_space<semaphore_mem>>
      %dma_start3A = arith.constant 0 : i32
      %dma_start3A_73 = arith.constant 0 : i32
      %dma_start3A_74 = tpu.memref_slice %arg9[%dma_start3A, %dma_start3A_73] : memref<80x128xf32, #tpu.memory_space<vmem>> -> memref<80x128xf32, #tpu.memory_space<vmem>>
      %dma_start3A_75 = arith.constant 0 : i32
      %dma_start3A_76 = tpu.memref_slice %arg5[%arg0, %add3A_55, %dma_start3A_75] : memref<2x10000x128xf32, #tpu.memory_space<hbm>> -> memref<1x80x128xf32, #tpu.memory_space<hbm>>
      %dma_start3A_77 = tpu.memref_squeeze %dma_start3A_76 : memref<1x80x128xf32, #tpu.memory_space<hbm>> -> memref<80x128xf32, #tpu.memory_space<hbm>>
      %dma_start3A_78 = arith.constant 0 : i32
      %dma_start3A_79 = tpu.memref_slice %arg5[%arg0, %add3A_55, %dma_start3A_78] : memref<2x10000x128xf32, #tpu.memory_space<hbm>> -> memref<1x80x128xf32, #tpu.memory_space<hbm>>
      %dma_start3A_80 = tpu.memref_squeeze %dma_start3A_79 : memref<1x80x128xf32, #tpu.memory_space<hbm>> -> memref<80x128xf32, #tpu.memory_space<hbm>>
      %dma_start3A_81 = arith.constant 0 : i32
      %dma_start3A_82 = arith.constant 0 : i32
      %dma_start3A_83 = tpu.memref_slice %arg9[%dma_start3A_81, %dma_start3A_82] : memref<80x128xf32, #tpu.memory_space<vmem>> -> memref<80x128xf32, #tpu.memory_space<vmem>>
      tpu.enqueue_dma source(%dma_start3A_83 : memref<80x128xf32, #tpu.memory_space<vmem>>) target(%dma_start3A_80 : memref<80x128xf32, #tpu.memory_space<hbm>>) target_semaphore(%run_scoped3A : memref<!tpu.dma_semaphore, #tpu.memory_space<semaphore_mem>>)
      %dma_wait3A = arith.constant 0 : i32
      %dma_wait3A_84 = arith.constant 0 : i32
      %dma_wait3A_85 = tpu.memref_slice %arg9[%dma_wait3A, %dma_wait3A_84] : memref<80x128xf32, #tpu.memory_space<vmem>> -> memref<80x128xf32, #tpu.memory_space<vmem>>
      %dma_wait3A_86 = arith.constant 0 : i32
      %dma_wait3A_87 = tpu.memref_slice %arg5[%arg0, %add3A_55, %dma_wait3A_86] : memref<2x10000x128xf32, #tpu.memory_space<hbm>> -> memref<1x80x128xf32, #tpu.memory_space<hbm>>
      %dma_wait3A_88 = tpu.memref_squeeze %dma_wait3A_87 : memref<1x80x128xf32, #tpu.memory_space<hbm>> -> memref<80x128xf32, #tpu.memory_space<hbm>>
      %dma_wait3A_89 = arith.constant 0 : i32
      %dma_wait3A_90 = tpu.memref_slice %arg5[%arg0, %add3A_55, %dma_wait3A_89] : memref<2x10000x128xf32, #tpu.memory_space<hbm>> -> memref<1x80x128xf32, #tpu.memory_space<hbm>>
      %dma_wait3A_91 = tpu.memref_squeeze %dma_wait3A_90 : memref<1x80x128xf32, #tpu.memory_space<hbm>> -> memref<80x128xf32, #tpu.memory_space<hbm>>
      %dma_wait3A_92 = arith.constant 0 : i32
      %dma_wait3A_93 = arith.constant 0 : i32
      %dma_wait3A_94 = tpu.memref_slice %arg9[%dma_wait3A_92, %dma_wait3A_93] : memref<80x128xf32, #tpu.memory_space<vmem>> -> memref<80x128xf32, #tpu.memory_space<vmem>>
      tpu.wait_dma2 semaphore(%run_scoped3A : memref<!tpu.dma_semaphore, #tpu.memory_space<semaphore_mem>>) src(%dma_wait3A_94 : memref<80x128xf32, #tpu.memory_space<vmem>>) dst(%dma_wait3A_91 : memref<80x128xf32, #tpu.memory_space<hbm>>)
      tpu.yield
    }) : () -> ()
    %add3A_56 = arith.constant 400 : i32
    %add3A_57 = arith.addi %multiple_of3A, %add3A_56 : i32
    "tpu.region"() ({
      %run_scoped3A = tpu.sem_alloc : memref<!tpu.dma_semaphore, #tpu.memory_space<semaphore_mem>>
      %dma_start3A = arith.constant 0 : i32
      %dma_start3A_73 = arith.constant 0 : i32
      %dma_start3A_74 = tpu.memref_slice %arg9[%dma_start3A, %dma_start3A_73] : memref<80x128xf32, #tpu.memory_space<vmem>> -> memref<80x128xf32, #tpu.memory_space<vmem>>
      %dma_start3A_75 = arith.constant 0 : i32
      %dma_start3A_76 = tpu.memref_slice %arg6[%add3A_57, %dma_start3A_75] : memref<10000x128xf32, #tpu.memory_space<vmem_shared>> -> memref<80x128xf32, #tpu.memory_space<vmem_shared>>
      %dma_start3A_77 = arith.constant 0 : i32
      %dma_start3A_78 = arith.constant 0 : i32
      %dma_start3A_79 = tpu.memref_slice %arg9[%dma_start3A_77, %dma_start3A_78] : memref<80x128xf32, #tpu.memory_space<vmem>> -> memref<80x128xf32, #tpu.memory_space<vmem>>
      %dma_start3A_80 = arith.constant 0 : i32
      %dma_start3A_81 = tpu.memref_slice %arg6[%add3A_57, %dma_start3A_80] : memref<10000x128xf32, #tpu.memory_space<vmem_shared>> -> memref<80x128xf32, #tpu.memory_space<vmem_shared>>
      tpu.enqueue_dma source(%dma_start3A_81 : memref<80x128xf32, #tpu.memory_space<vmem_shared>>) target(%dma_start3A_79 : memref<80x128xf32, #tpu.memory_space<vmem>>) target_semaphore(%run_scoped3A : memref<!tpu.dma_semaphore, #tpu.memory_space<semaphore_mem>>)
      %dma_wait3A = arith.constant 0 : i32
      %dma_wait3A_82 = arith.constant 0 : i32
      %dma_wait3A_83 = tpu.memref_slice %arg9[%dma_wait3A, %dma_wait3A_82] : memref<80x128xf32, #tpu.memory_space<vmem>> -> memref<80x128xf32, #tpu.memory_space<vmem>>
      %dma_wait3A_84 = arith.constant 0 : i32
      %dma_wait3A_85 = tpu.memref_slice %arg6[%add3A_57, %dma_wait3A_84] : memref<10000x128xf32, #tpu.memory_space<vmem_shared>> -> memref<80x128xf32, #tpu.memory_space<vmem_shared>>
      %dma_wait3A_86 = arith.constant 0 : i32
      %dma_wait3A_87 = arith.constant 0 : i32
      %dma_wait3A_88 = tpu.memref_slice %arg9[%dma_wait3A_86, %dma_wait3A_87] : memref<80x128xf32, #tpu.memory_space<vmem>> -> memref<80x128xf32, #tpu.memory_space<vmem>>
      %dma_wait3A_89 = arith.constant 0 : i32
      %dma_wait3A_90 = tpu.memref_slice %arg6[%add3A_57, %dma_wait3A_89] : memref<10000x128xf32, #tpu.memory_space<vmem_shared>> -> memref<80x128xf32, #tpu.memory_space<vmem_shared>>
      tpu.wait_dma2 semaphore(%run_scoped3A : memref<!tpu.dma_semaphore, #tpu.memory_space<semaphore_mem>>) src(%dma_wait3A_90 : memref<80x128xf32, #tpu.memory_space<vmem_shared>>) dst(%dma_wait3A_88 : memref<80x128xf32, #tpu.memory_space<vmem>>)
      tpu.yield
    }) : () -> ()
    %add3A_58 = arith.constant 400 : i32
    %add3A_59 = arith.addi %multiple_of3A, %add3A_58 : i32
    "tpu.region"() ({
      %run_scoped3A = tpu.sem_alloc : memref<!tpu.dma_semaphore, #tpu.memory_space<semaphore_mem>>
      %dma_start3A = arith.constant 0 : i32
      %dma_start3A_73 = arith.constant 0 : i32
      %dma_start3A_74 = tpu.memref_slice %arg9[%dma_start3A, %dma_start3A_73] : memref<80x128xf32, #tpu.memory_space<vmem>> -> memref<80x128xf32, #tpu.memory_space<vmem>>
      %dma_start3A_75 = arith.constant 0 : i32
      %dma_start3A_76 = tpu.memref_slice %arg5[%arg0, %add3A_59, %dma_start3A_75] : memref<2x10000x128xf32, #tpu.memory_space<hbm>> -> memref<1x80x128xf32, #tpu.memory_space<hbm>>
      %dma_start3A_77 = tpu.memref_squeeze %dma_start3A_76 : memref<1x80x128xf32, #tpu.memory_space<hbm>> -> memref<80x128xf32, #tpu.memory_space<hbm>>
      %dma_start3A_78 = arith.constant 0 : i32
      %dma_start3A_79 = tpu.memref_slice %arg5[%arg0, %add3A_59, %dma_start3A_78] : memref<2x10000x128xf32, #tpu.memory_space<hbm>> -> memref<1x80x128xf32, #tpu.memory_space<hbm>>
      %dma_start3A_80 = tpu.memref_squeeze %dma_start3A_79 : memref<1x80x128xf32, #tpu.memory_space<hbm>> -> memref<80x128xf32, #tpu.memory_space<hbm>>
      %dma_start3A_81 = arith.constant 0 : i32
      %dma_start3A_82 = arith.constant 0 : i32
      %dma_start3A_83 = tpu.memref_slice %arg9[%dma_start3A_81, %dma_start3A_82] : memref<80x128xf32, #tpu.memory_space<vmem>> -> memref<80x128xf32, #tpu.memory_space<vmem>>
      tpu.enqueue_dma source(%dma_start3A_83 : memref<80x128xf32, #tpu.memory_space<vmem>>) target(%dma_start3A_80 : memref<80x128xf32, #tpu.memory_space<hbm>>) target_semaphore(%run_scoped3A : memref<!tpu.dma_semaphore, #tpu.memory_space<semaphore_mem>>)
      %dma_wait3A = arith.constant 0 : i32
      %dma_wait3A_84 = arith.constant 0 : i32
      %dma_wait3A_85 = tpu.memref_slice %arg9[%dma_wait3A, %dma_wait3A_84] : memref<80x128xf32, #tpu.memory_space<vmem>> -> memref<80x128xf32, #tpu.memory_space<vmem>>
      %dma_wait3A_86 = arith.constant 0 : i32
      %dma_wait3A_87 = tpu.memref_slice %arg5[%arg0, %add3A_59, %dma_wait3A_86] : memref<2x10000x128xf32, #tpu.memory_space<hbm>> -> memref<1x80x128xf32, #tpu.memory_space<hbm>>
      %dma_wait3A_88 = tpu.memref_squeeze %dma_wait3A_87 : memref<1x80x128xf32, #tpu.memory_space<hbm>> -> memref<80x128xf32, #tpu.memory_space<hbm>>
      %dma_wait3A_89 = arith.constant 0 : i32
      %dma_wait3A_90 = tpu.memref_slice %arg5[%arg0, %add3A_59, %dma_wait3A_89] : memref<2x10000x128xf32, #tpu.memory_space<hbm>> -> memref<1x80x128xf32, #tpu.memory_space<hbm>>
      %dma_wait3A_91 = tpu.memref_squeeze %dma_wait3A_90 : memref<1x80x128xf32, #tpu.memory_space<hbm>> -> memref<80x128xf32, #tpu.memory_space<hbm>>
      %dma_wait3A_92 = arith.constant 0 : i32
      %dma_wait3A_93 = arith.constant 0 : i32
      %dma_wait3A_94 = tpu.memref_slice %arg9[%dma_wait3A_92, %dma_wait3A_93] : memref<80x128xf32, #tpu.memory_space<vmem>> -> memref<80x128xf32, #tpu.memory_space<vmem>>
      tpu.wait_dma2 semaphore(%run_scoped3A : memref<!tpu.dma_semaphore, #tpu.memory_space<semaphore_mem>>) src(%dma_wait3A_94 : memref<80x128xf32, #tpu.memory_space<vmem>>) dst(%dma_wait3A_91 : memref<80x128xf32, #tpu.memory_space<hbm>>)
      tpu.yield
    }) : () -> ()
    %add3A_60 = arith.constant 480 : i32
    %add3A_61 = arith.addi %multiple_of3A, %add3A_60 : i32
    "tpu.region"() ({
      %run_scoped3A = tpu.sem_alloc : memref<!tpu.dma_semaphore, #tpu.memory_space<semaphore_mem>>
      %dma_start3A = arith.constant 0 : i32
      %dma_start3A_73 = arith.constant 0 : i32
      %dma_start3A_74 = tpu.memref_slice %arg9[%dma_start3A, %dma_start3A_73] : memref<80x128xf32, #tpu.memory_space<vmem>> -> memref<80x128xf32, #tpu.memory_space<vmem>>
      %dma_start3A_75 = arith.constant 0 : i32
      %dma_start3A_76 = tpu.memref_slice %arg6[%add3A_61, %dma_start3A_75] : memref<10000x128xf32, #tpu.memory_space<vmem_shared>> -> memref<80x128xf32, #tpu.memory_space<vmem_shared>>
      %dma_start3A_77 = arith.constant 0 : i32
      %dma_start3A_78 = arith.constant 0 : i32
      %dma_start3A_79 = tpu.memref_slice %arg9[%dma_start3A_77, %dma_start3A_78] : memref<80x128xf32, #tpu.memory_space<vmem>> -> memref<80x128xf32, #tpu.memory_space<vmem>>
      %dma_start3A_80 = arith.constant 0 : i32
      %dma_start3A_81 = tpu.memref_slice %arg6[%add3A_61, %dma_start3A_80] : memref<10000x128xf32, #tpu.memory_space<vmem_shared>> -> memref<80x128xf32, #tpu.memory_space<vmem_shared>>
      tpu.enqueue_dma source(%dma_start3A_81 : memref<80x128xf32, #tpu.memory_space<vmem_shared>>) target(%dma_start3A_79 : memref<80x128xf32, #tpu.memory_space<vmem>>) target_semaphore(%run_scoped3A : memref<!tpu.dma_semaphore, #tpu.memory_space<semaphore_mem>>)
      %dma_wait3A = arith.constant 0 : i32
      %dma_wait3A_82 = arith.constant 0 : i32
      %dma_wait3A_83 = tpu.memref_slice %arg9[%dma_wait3A, %dma_wait3A_82] : memref<80x128xf32, #tpu.memory_space<vmem>> -> memref<80x128xf32, #tpu.memory_space<vmem>>
      %dma_wait3A_84 = arith.constant 0 : i32
      %dma_wait3A_85 = tpu.memref_slice %arg6[%add3A_61, %dma_wait3A_84] : memref<10000x128xf32, #tpu.memory_space<vmem_shared>> -> memref<80x128xf32, #tpu.memory_space<vmem_shared>>
      %dma_wait3A_86 = arith.constant 0 : i32
      %dma_wait3A_87 = arith.constant 0 : i32
      %dma_wait3A_88 = tpu.memref_slice %arg9[%dma_wait3A_86, %dma_wait3A_87] : memref<80x128xf32, #tpu.memory_space<vmem>> -> memref<80x128xf32, #tpu.memory_space<vmem>>
      %dma_wait3A_89 = arith.constant 0 : i32
      %dma_wait3A_90 = tpu.memref_slice %arg6[%add3A_61, %dma_wait3A_89] : memref<10000x128xf32, #tpu.memory_space<vmem_shared>> -> memref<80x128xf32, #tpu.memory_space<vmem_shared>>
      tpu.wait_dma2 semaphore(%run_scoped3A : memref<!tpu.dma_semaphore, #tpu.memory_space<semaphore_mem>>) src(%dma_wait3A_90 : memref<80x128xf32, #tpu.memory_space<vmem_shared>>) dst(%dma_wait3A_88 : memref<80x128xf32, #tpu.memory_space<vmem>>)
      tpu.yield
    }) : () -> ()
    %add3A_62 = arith.constant 480 : i32
    %add3A_63 = arith.addi %multiple_of3A, %add3A_62 : i32
    "tpu.region"() ({
      %run_scoped3A = tpu.sem_alloc : memref<!tpu.dma_semaphore, #tpu.memory_space<semaphore_mem>>
      %dma_start3A = arith.constant 0 : i32
      %dma_start3A_73 = arith.constant 0 : i32
      %dma_start3A_74 = tpu.memref_slice %arg9[%dma_start3A, %dma_start3A_73] : memref<80x128xf32, #tpu.memory_space<vmem>> -> memref<80x128xf32, #tpu.memory_space<vmem>>
      %dma_start3A_75 = arith.constant 0 : i32
      %dma_start3A_76 = tpu.memref_slice %arg5[%arg0, %add3A_63, %dma_start3A_75] : memref<2x10000x128xf32, #tpu.memory_space<hbm>> -> memref<1x80x128xf32, #tpu.memory_space<hbm>>
      %dma_start3A_77 = tpu.memref_squeeze %dma_start3A_76 : memref<1x80x128xf32, #tpu.memory_space<hbm>> -> memref<80x128xf32, #tpu.memory_space<hbm>>
      %dma_start3A_78 = arith.constant 0 : i32
      %dma_start3A_79 = tpu.memref_slice %arg5[%arg0, %add3A_63, %dma_start3A_78] : memref<2x10000x128xf32, #tpu.memory_space<hbm>> -> memref<1x80x128xf32, #tpu.memory_space<hbm>>
      %dma_start3A_80 = tpu.memref_squeeze %dma_start3A_79 : memref<1x80x128xf32, #tpu.memory_space<hbm>> -> memref<80x128xf32, #tpu.memory_space<hbm>>
      %dma_start3A_81 = arith.constant 0 : i32
      %dma_start3A_82 = arith.constant 0 : i32
      %dma_start3A_83 = tpu.memref_slice %arg9[%dma_start3A_81, %dma_start3A_82] : memref<80x128xf32, #tpu.memory_space<vmem>> -> memref<80x128xf32, #tpu.memory_space<vmem>>
      tpu.enqueue_dma source(%dma_start3A_83 : memref<80x128xf32, #tpu.memory_space<vmem>>) target(%dma_start3A_80 : memref<80x128xf32, #tpu.memory_space<hbm>>) target_semaphore(%run_scoped3A : memref<!tpu.dma_semaphore, #tpu.memory_space<semaphore_mem>>)
      %dma_wait3A = arith.constant 0 : i32
      %dma_wait3A_84 = arith.constant 0 : i32
      %dma_wait3A_85 = tpu.memref_slice %arg9[%dma_wait3A, %dma_wait3A_84] : memref<80x128xf32, #tpu.memory_space<vmem>> -> memref<80x128xf32, #tpu.memory_space<vmem>>
      %dma_wait3A_86 = arith.constant 0 : i32
      %dma_wait3A_87 = tpu.memref_slice %arg5[%arg0, %add3A_63, %dma_wait3A_86] : memref<2x10000x128xf32, #tpu.memory_space<hbm>> -> memref<1x80x128xf32, #tpu.memory_space<hbm>>
      %dma_wait3A_88 = tpu.memref_squeeze %dma_wait3A_87 : memref<1x80x128xf32, #tpu.memory_space<hbm>> -> memref<80x128xf32, #tpu.memory_space<hbm>>
      %dma_wait3A_89 = arith.constant 0 : i32
      %dma_wait3A_90 = tpu.memref_slice %arg5[%arg0, %add3A_63, %dma_wait3A_89] : memref<2x10000x128xf32, #tpu.memory_space<hbm>> -> memref<1x80x128xf32, #tpu.memory_space<hbm>>
      %dma_wait3A_91 = tpu.memref_squeeze %dma_wait3A_90 : memref<1x80x128xf32, #tpu.memory_space<hbm>> -> memref<80x128xf32, #tpu.memory_space<hbm>>
      %dma_wait3A_92 = arith.constant 0 : i32
      %dma_wait3A_93 = arith.constant 0 : i32
      %dma_wait3A_94 = tpu.memref_slice %arg9[%dma_wait3A_92, %dma_wait3A_93] : memref<80x128xf32, #tpu.memory_space<vmem>> -> memref<80x128xf32, #tpu.memory_space<vmem>>
      tpu.wait_dma2 semaphore(%run_scoped3A : memref<!tpu.dma_semaphore, #tpu.memory_space<semaphore_mem>>) src(%dma_wait3A_94 : memref<80x128xf32, #tpu.memory_space<vmem>>) dst(%dma_wait3A_91 : memref<80x128xf32, #tpu.memory_space<hbm>>)
      tpu.yield
    }) : () -> ()
    %add3A_64 = arith.constant 560 : i32
    %add3A_65 = arith.addi %multiple_of3A, %add3A_64 : i32
    "tpu.region"() ({
      %run_scoped3A = tpu.sem_alloc : memref<!tpu.dma_semaphore, #tpu.memory_space<semaphore_mem>>
      %dma_start3A = arith.constant 0 : i32
      %dma_start3A_73 = arith.constant 0 : i32
      %dma_start3A_74 = tpu.memref_slice %arg9[%dma_start3A, %dma_start3A_73] : memref<80x128xf32, #tpu.memory_space<vmem>> -> memref<64x128xf32, #tpu.memory_space<vmem>>
      %dma_start3A_75 = arith.constant 0 : i32
      %dma_start3A_76 = tpu.memref_slice %arg6[%add3A_65, %dma_start3A_75] : memref<10000x128xf32, #tpu.memory_space<vmem_shared>> -> memref<64x128xf32, #tpu.memory_space<vmem_shared>>
      %dma_start3A_77 = arith.constant 0 : i32
      %dma_start3A_78 = arith.constant 0 : i32
      %dma_start3A_79 = tpu.memref_slice %arg9[%dma_start3A_77, %dma_start3A_78] : memref<80x128xf32, #tpu.memory_space<vmem>> -> memref<64x128xf32, #tpu.memory_space<vmem>>
      %dma_start3A_80 = arith.constant 0 : i32
      %dma_start3A_81 = tpu.memref_slice %arg6[%add3A_65, %dma_start3A_80] : memref<10000x128xf32, #tpu.memory_space<vmem_shared>> -> memref<64x128xf32, #tpu.memory_space<vmem_shared>>
      tpu.enqueue_dma source(%dma_start3A_81 : memref<64x128xf32, #tpu.memory_space<vmem_shared>>) target(%dma_start3A_79 : memref<64x128xf32, #tpu.memory_space<vmem>>) target_semaphore(%run_scoped3A : memref<!tpu.dma_semaphore, #tpu.memory_space<semaphore_mem>>)
      %dma_wait3A = arith.constant 0 : i32
      %dma_wait3A_82 = arith.constant 0 : i32
      %dma_wait3A_83 = tpu.memref_slice %arg9[%dma_wait3A, %dma_wait3A_82] : memref<80x128xf32, #tpu.memory_space<vmem>> -> memref<64x128xf32, #tpu.memory_space<vmem>>
      %dma_wait3A_84 = arith.constant 0 : i32
      %dma_wait3A_85 = tpu.memref_slice %arg6[%add3A_65, %dma_wait3A_84] : memref<10000x128xf32, #tpu.memory_space<vmem_shared>> -> memref<64x128xf32, #tpu.memory_space<vmem_shared>>
      %dma_wait3A_86 = arith.constant 0 : i32
      %dma_wait3A_87 = arith.constant 0 : i32
      %dma_wait3A_88 = tpu.memref_slice %arg9[%dma_wait3A_86, %dma_wait3A_87] : memref<80x128xf32, #tpu.memory_space<vmem>> -> memref<64x128xf32, #tpu.memory_space<vmem>>
      %dma_wait3A_89 = arith.constant 0 : i32
      %dma_wait3A_90 = tpu.memref_slice %arg6[%add3A_65, %dma_wait3A_89] : memref<10000x128xf32, #tpu.memory_space<vmem_shared>> -> memref<64x128xf32, #tpu.memory_space<vmem_shared>>
      tpu.wait_dma2 semaphore(%run_scoped3A : memref<!tpu.dma_semaphore, #tpu.memory_space<semaphore_mem>>) src(%dma_wait3A_90 : memref<64x128xf32, #tpu.memory_space<vmem_shared>>) dst(%dma_wait3A_88 : memref<64x128xf32, #tpu.memory_space<vmem>>)
      tpu.yield
    }) : () -> ()
    %add3A_66 = arith.constant 560 : i32
    %add3A_67 = arith.addi %multiple_of3A, %add3A_66 : i32
    "tpu.region"() ({
      %run_scoped3A = tpu.sem_alloc : memref<!tpu.dma_semaphore, #tpu.memory_space<semaphore_mem>>
      %dma_start3A = arith.constant 0 : i32
      %dma_start3A_73 = arith.constant 0 : i32
      %dma_start3A_74 = tpu.memref_slice %arg9[%dma_start3A, %dma_start3A_73] : memref<80x128xf32, #tpu.memory_space<vmem>> -> memref<64x128xf32, #tpu.memory_space<vmem>>
      %dma_start3A_75 = arith.constant 0 : i32
      %dma_start3A_76 = tpu.memref_slice %arg5[%arg0, %add3A_67, %dma_start3A_75] : memref<2x10000x128xf32, #tpu.memory_space<hbm>> -> memref<1x64x128xf32, #tpu.memory_space<hbm>>
      %dma_start3A_77 = tpu.memref_squeeze %dma_start3A_76 : memref<1x64x128xf32, #tpu.memory_space<hbm>> -> memref<64x128xf32, #tpu.memory_space<hbm>>
      %dma_start3A_78 = arith.constant 0 : i32
      %dma_start3A_79 = tpu.memref_slice %arg5[%arg0, %add3A_67, %dma_start3A_78] : memref<2x10000x128xf32, #tpu.memory_space<hbm>> -> memref<1x64x128xf32, #tpu.memory_space<hbm>>
      %dma_start3A_80 = tpu.memref_squeeze %dma_start3A_79 : memref<1x64x128xf32, #tpu.memory_space<hbm>> -> memref<64x128xf32, #tpu.memory_space<hbm>>
      %dma_start3A_81 = arith.constant 0 : i32
      %dma_start3A_82 = arith.constant 0 : i32
      %dma_start3A_83 = tpu.memref_slice %arg9[%dma_start3A_81, %dma_start3A_82] : memref<80x128xf32, #tpu.memory_space<vmem>> -> memref<64x128xf32, #tpu.memory_space<vmem>>
      tpu.enqueue_dma source(%dma_start3A_83 : memref<64x128xf32, #tpu.memory_space<vmem>>) target(%dma_start3A_80 : memref<64x128xf32, #tpu.memory_space<hbm>>) target_semaphore(%run_scoped3A : memref<!tpu.dma_semaphore, #tpu.memory_space<semaphore_mem>>)
      %dma_wait3A = arith.constant 0 : i32
      %dma_wait3A_84 = arith.constant 0 : i32
      %dma_wait3A_85 = tpu.memref_slice %arg9[%dma_wait3A, %dma_wait3A_84] : memref<80x128xf32, #tpu.memory_space<vmem>> -> memref<64x128xf32, #tpu.memory_space<vmem>>
      %dma_wait3A_86 = arith.constant 0 : i32
      %dma_wait3A_87 = tpu.memref_slice %arg5[%arg0, %add3A_67, %dma_wait3A_86] : memref<2x10000x128xf32, #tpu.memory_space<hbm>> -> memref<1x64x128xf32, #tpu.memory_space<hbm>>
      %dma_wait3A_88 = tpu.memref_squeeze %dma_wait3A_87 : memref<1x64x128xf32, #tpu.memory_space<hbm>> -> memref<64x128xf32, #tpu.memory_space<hbm>>
      %dma_wait3A_89 = arith.constant 0 : i32
      %dma_wait3A_90 = tpu.memref_slice %arg5[%arg0, %add3A_67, %dma_wait3A_89] : memref<2x10000x128xf32, #tpu.memory_space<hbm>> -> memref<1x64x128xf32, #tpu.memory_space<hbm>>
      %dma_wait3A_91 = tpu.memref_squeeze %dma_wait3A_90 : memref<1x64x128xf32, #tpu.memory_space<hbm>> -> memref<64x128xf32, #tpu.memory_space<hbm>>
      %dma_wait3A_92 = arith.constant 0 : i32
      %dma_wait3A_93 = arith.constant 0 : i32
      %dma_wait3A_94 = tpu.memref_slice %arg9[%dma_wait3A_92, %dma_wait3A_93] : memref<80x128xf32, #tpu.memory_space<vmem>> -> memref<64x128xf32, #tpu.memory_space<vmem>>
      tpu.wait_dma2 semaphore(%run_scoped3A : memref<!tpu.dma_semaphore, #tpu.memory_space<semaphore_mem>>) src(%dma_wait3A_94 : memref<64x128xf32, #tpu.memory_space<vmem>>) dst(%dma_wait3A_91 : memref<64x128xf32, #tpu.memory_space<hbm>>)
      tpu.yield
    }) : () -> ()
    %eq3A_68 = arith.constant 0 : i32
    %eq3A_69 = arith.cmpi eq, %arg1, %eq3A_68 : i32
    %convert_element_type3A_70 = arith.extui %eq3A_69 : i1 to i32
    %cond3A_71 = arith.constant 0 : i32
    %cond3A_72 = arith.cmpi ne, %convert_element_type3A_70, %cond3A_71 : i32
    scf.if %cond3A_72 {
      "tpu.region"() ({
        %run_scoped3A = tpu.sem_alloc : memref<!tpu.dma_semaphore, #tpu.memory_space<semaphore_mem>>
        %dma_start3A = arith.constant 0 : i32
        %dma_start3A_73 = arith.constant 0 : i32
        %dma_start3A_74 = tpu.memref_slice %arg9[%dma_start3A, %dma_start3A_73] : memref<80x128xf32, #tpu.memory_space<vmem>> -> memref<16x128xf32, #tpu.memory_space<vmem>>
        %dma_start3A_75 = arith.constant 9984 : i32
        %dma_start3A_76 = arith.constant 0 : i32
        %dma_start3A_77 = tpu.memref_slice %arg6[%dma_start3A_75, %dma_start3A_76] : memref<10000x128xf32, #tpu.memory_space<vmem_shared>> -> memref<16x128xf32, #tpu.memory_space<vmem_shared>>
        %dma_start3A_78 = arith.constant 0 : i32
        %dma_start3A_79 = arith.constant 0 : i32
        %dma_start3A_80 = tpu.memref_slice %arg9[%dma_start3A_78, %dma_start3A_79] : memref<80x128xf32, #tpu.memory_space<vmem>> -> memref<16x128xf32, #tpu.memory_space<vmem>>
        %dma_start3A_81 = arith.constant 9984 : i32
        %dma_start3A_82 = arith.constant 0 : i32
        %dma_start3A_83 = tpu.memref_slice %arg6[%dma_start3A_81, %dma_start3A_82] : memref<10000x128xf32, #tpu.memory_space<vmem_shared>> -> memref<16x128xf32, #tpu.memory_space<vmem_shared>>
        tpu.enqueue_dma source(%dma_start3A_83 : memref<16x128xf32, #tpu.memory_space<vmem_shared>>) target(%dma_start3A_80 : memref<16x128xf32, #tpu.memory_space<vmem>>) target_semaphore(%run_scoped3A : memref<!tpu.dma_semaphore, #tpu.memory_space<semaphore_mem>>)
        %dma_wait3A = arith.constant 0 : i32
        %dma_wait3A_84 = arith.constant 0 : i32
        %dma_wait3A_85 = tpu.memref_slice %arg9[%dma_wait3A, %dma_wait3A_84] : memref<80x128xf32, #tpu.memory_space<vmem>> -> memref<16x128xf32, #tpu.memory_space<vmem>>
        %dma_wait3A_86 = arith.constant 9984 : i32
        %dma_wait3A_87 = arith.constant 0 : i32
        %dma_wait3A_88 = tpu.memref_slice %arg6[%dma_wait3A_86, %dma_wait3A_87] : memref<10000x128xf32, #tpu.memory_space<vmem_shared>> -> memref<16x128xf32, #tpu.memory_space<vmem_shared>>
        %dma_wait3A_89 = arith.constant 0 : i32
        %dma_wait3A_90 = arith.constant 0 : i32
        %dma_wait3A_91 = tpu.memref_slice %arg9[%dma_wait3A_89, %dma_wait3A_90] : memref<80x128xf32, #tpu.memory_space<vmem>> -> memref<16x128xf32, #tpu.memory_space<vmem>>
        %dma_wait3A_92 = arith.constant 9984 : i32
        %dma_wait3A_93 = arith.constant 0 : i32
        %dma_wait3A_94 = tpu.memref_slice %arg6[%dma_wait3A_92, %dma_wait3A_93] : memref<10000x128xf32, #tpu.memory_space<vmem_shared>> -> memref<16x128xf32, #tpu.memory_space<vmem_shared>>
        tpu.wait_dma2 semaphore(%run_scoped3A : memref<!tpu.dma_semaphore, #tpu.memory_space<semaphore_mem>>) src(%dma_wait3A_94 : memref<16x128xf32, #tpu.memory_space<vmem_shared>>) dst(%dma_wait3A_91 : memref<16x128xf32, #tpu.memory_space<vmem>>)
        tpu.yield
      }) : () -> ()
      "tpu.region"() ({
        %run_scoped3A = tpu.sem_alloc : memref<!tpu.dma_semaphore, #tpu.memory_space<semaphore_mem>>
        %dma_start3A = arith.constant 0 : i32
        %dma_start3A_73 = arith.constant 0 : i32
        %dma_start3A_74 = tpu.memref_slice %arg9[%dma_start3A, %dma_start3A_73] : memref<80x128xf32, #tpu.memory_space<vmem>> -> memref<16x128xf32, #tpu.memory_space<vmem>>
        %dma_start3A_75 = arith.constant 9984 : i32
        %dma_start3A_76 = arith.constant 0 : i32
        %dma_start3A_77 = tpu.memref_slice %arg5[%arg0, %dma_start3A_75, %dma_start3A_76] : memref<2x10000x128xf32, #tpu.memory_space<hbm>> -> memref<1x16x128xf32, #tpu.memory_space<hbm>>
        %dma_start3A_78 = tpu.memref_squeeze %dma_start3A_77 : memref<1x16x128xf32, #tpu.memory_space<hbm>> -> memref<16x128xf32, #tpu.memory_space<hbm>>
        %dma_start3A_79 = arith.constant 9984 : i32
        %dma_start3A_80 = arith.constant 0 : i32
        %dma_start3A_81 = tpu.memref_slice %arg5[%arg0, %dma_start3A_79, %dma_start3A_80] : memref<2x10000x128xf32, #tpu.memory_space<hbm>> -> memref<1x16x128xf32, #tpu.memory_space<hbm>>
        %dma_start3A_82 = tpu.memref_squeeze %dma_start3A_81 : memref<1x16x128xf32, #tpu.memory_space<hbm>> -> memref<16x128xf32, #tpu.memory_space<hbm>>
        %dma_start3A_83 = arith.constant 0 : i32
        %dma_start3A_84 = arith.constant 0 : i32
        %dma_start3A_85 = tpu.memref_slice %arg9[%dma_start3A_83, %dma_start3A_84] : memref<80x128xf32, #tpu.memory_space<vmem>> -> memref<16x128xf32, #tpu.memory_space<vmem>>
        tpu.enqueue_dma source(%dma_start3A_85 : memref<16x128xf32, #tpu.memory_space<vmem>>) target(%dma_start3A_82 : memref<16x128xf32, #tpu.memory_space<hbm>>) target_semaphore(%run_scoped3A : memref<!tpu.dma_semaphore, #tpu.memory_space<semaphore_mem>>)
        %dma_wait3A = arith.constant 0 : i32
        %dma_wait3A_86 = arith.constant 0 : i32
        %dma_wait3A_87 = tpu.memref_slice %arg9[%dma_wait3A, %dma_wait3A_86] : memref<80x128xf32, #tpu.memory_space<vmem>> -> memref<16x128xf32, #tpu.memory_space<vmem>>
        %dma_wait3A_88 = arith.constant 9984 : i32
        %dma_wait3A_89 = arith.constant 0 : i32
        %dma_wait3A_90 = tpu.memref_slice %arg5[%arg0, %dma_wait3A_88, %dma_wait3A_89] : memref<2x10000x128xf32, #tpu.memory_space<hbm>> -> memref<1x16x128xf32, #tpu.memory_space<hbm>>
        %dma_wait3A_91 = tpu.memref_squeeze %dma_wait3A_90 : memref<1x16x128xf32, #tpu.memory_space<hbm>> -> memref<16x128xf32, #tpu.memory_space<hbm>>
        %dma_wait3A_92 = arith.constant 9984 : i32
        %dma_wait3A_93 = arith.constant 0 : i32
        %dma_wait3A_94 = tpu.memref_slice %arg5[%arg0, %dma_wait3A_92, %dma_wait3A_93] : memref<2x10000x128xf32, #tpu.memory_space<hbm>> -> memref<1x16x128xf32, #tpu.memory_space<hbm>>
        %dma_wait3A_95 = tpu.memref_squeeze %dma_wait3A_94 : memref<1x16x128xf32, #tpu.memory_space<hbm>> -> memref<16x128xf32, #tpu.memory_space<hbm>>
        %dma_wait3A_96 = arith.constant 0 : i32
        %dma_wait3A_97 = arith.constant 0 : i32
        %dma_wait3A_98 = tpu.memref_slice %arg9[%dma_wait3A_96, %dma_wait3A_97] : memref<80x128xf32, #tpu.memory_space<vmem>> -> memref<16x128xf32, #tpu.memory_space<vmem>>
        tpu.wait_dma2 semaphore(%run_scoped3A : memref<!tpu.dma_semaphore, #tpu.memory_space<semaphore_mem>>) src(%dma_wait3A_98 : memref<16x128xf32, #tpu.memory_space<vmem>>) dst(%dma_wait3A_95 : memref<16x128xf32, #tpu.memory_space<hbm>>)
        tpu.yield
      }) : () -> ()
    } else {
    }
    return
  }
}

module attributes {stable_mosaic.version = 14 : i64} {
  func.func @body(%arg0: i32, %arg1: memref<1000x128xf32, #tpu.memory_space<vmem>>, %arg2: memref<128x128xf32, #tpu.memory_space<vmem>>, %arg3: memref<1x128xf32, #tpu.memory_space<vmem>>, %arg4: memref<128x128xf32, #tpu.memory_space<vmem>>, %arg5: memref<1000x128xf32, #tpu.memory_space<vmem>>) attributes {dimension_semantics = [#tpu.dimension_semantics<arbitrary>], iteration_bounds = array<i64: 10>, scalar_prefetch = 0 : i64, scratch_operands = 0 : i64, tpu.core_type = #tpu.core_type<tc>, window_params = [{transform_indices = @transform_0, window_bounds = array<i64: 1000, 128>}, {pipeline_mode = #tpu.pipeline_mode<synchronous>, transform_indices = @transform_1, window_bounds = array<i64: 128, 128>}, {pipeline_mode = #tpu.pipeline_mode<synchronous>, transform_indices = @transform_2, window_bounds = array<i64: 1, 128>}, {pipeline_mode = #tpu.pipeline_mode<synchronous>, transform_indices = @transform_3, window_bounds = array<i64: 128, 128>}, {transform_indices = @transform_4, window_bounds = array<i64: 1000, 128>}]} {
    %get3A = arith.constant 0 : index
    %get3A_0 = arith.constant 0 : index
    %get3A_1 = vector.load %arg1[%get3A, %get3A_0] : memref<1000x128xf32, #tpu.memory_space<vmem>>, vector<1000x128xf32>
    %get3A_2 = arith.constant 0 : index
    %get3A_3 = arith.constant 0 : index
    %get3A_4 = vector.load %arg2[%get3A_2, %get3A_3] : memref<128x128xf32, #tpu.memory_space<vmem>>, vector<128x128xf32>
    %dot_general3A = arith.constant dense<0.000000e+00> : vector<1000x128xf32>
    %dot_general3A_5 = tpu.matmul %get3A_1, %get3A_4, %dot_general3A {dimension_numbers = #tpu.dot_dimension_numbers<[1], [1], [0], [0], [0, 0, 1, 0], [], []>, transpose_lhs_hint = false} : vector<1000x128xf32>, vector<128x128xf32>, vector<1000x128xf32> -> vector<1000x128xf32>
    %get3A_6 = arith.constant 0 : index
    %get3A_7 = arith.constant 0 : index
    %get3A_8 = vector.load %arg3[%get3A_6, %get3A_7] : memref<1x128xf32, #tpu.memory_space<vmem>>, vector<1x128xf32>
    %add3A = vector.broadcast %get3A_8 : vector<1x128xf32> to vector<1000x128xf32>
    %add3A_9 = arith.addf %dot_general3A_5, %add3A : vector<1000x128xf32>
    %min3A = arith.constant 0.000000e+00 : f32
    %min3A_10 = vector.broadcast %min3A : f32 to vector<1000x128xf32>
    %min3A_11 = arith.minimumf %add3A_9, %min3A_10 : vector<1000x128xf32>
    %exp3A = math.exp %min3A_11 : vector<1000x128xf32>
    %sub3A = arith.constant 1.000000e+00 : f32
    %sub3A_12 = vector.broadcast %sub3A : f32 to vector<1000x128xf32>
    %sub3A_13 = arith.subf %exp3A, %sub3A_12 : vector<1000x128xf32>
    %mul3A = arith.constant 1.67326319 : f32
    %mul3A_14 = vector.broadcast %mul3A : f32 to vector<1000x128xf32>
    %mul3A_15 = arith.mulf %mul3A_14, %sub3A_13 : vector<1000x128xf32>
    %gt3A = arith.constant 0.000000e+00 : f32
    %gt3A_16 = vector.broadcast %gt3A : f32 to vector<1000x128xf32>
    %gt3A_17 = arith.cmpf ogt, %add3A_9, %gt3A_16 : vector<1000x128xf32>
    %select_n3A = arith.select %gt3A_17, %add3A_9, %mul3A_15 : vector<1000x128xi1>, vector<1000x128xf32>
    %mul3A_18 = arith.constant 1.05070102 : f32
    %mul3A_19 = vector.broadcast %mul3A_18 : f32 to vector<1000x128xf32>
    %mul3A_20 = arith.mulf %mul3A_19, %select_n3A : vector<1000x128xf32>
    %get3A_21 = arith.constant 0 : index
    %get3A_22 = arith.constant 0 : index
    %get3A_23 = vector.load %arg4[%get3A_21, %get3A_22] : memref<128x128xf32, #tpu.memory_space<vmem>>, vector<128x128xf32>
    %dot_general3A_24 = arith.constant dense<0.000000e+00> : vector<1000x128xf32>
    %dot_general3A_25 = tpu.matmul %mul3A_20, %get3A_23, %dot_general3A_24 {dimension_numbers = #tpu.dot_dimension_numbers<[1], [1], [0], [0], [0, 0, 1, 0], [], []>, transpose_lhs_hint = false} : vector<1000x128xf32>, vector<128x128xf32>, vector<1000x128xf32> -> vector<1000x128xf32>
    %swap3A = arith.constant 0 : index
    %swap3A_26 = arith.constant 0 : index
    %swap3A_27 = vector.load %arg5[%swap3A, %swap3A_26] : memref<1000x128xf32, #tpu.memory_space<vmem>>, vector<1000x128xf32>
    tpu.vector_store %arg5[%swap3A, %swap3A_26], %dot_general3A_25 {strides = array<i32>} : memref<1000x128xf32, #tpu.memory_space<vmem>>, vector<1000x128xf32>,
    return
  }
  func.func @transform_0(%arg0: i32) -> (i32, i32) {
    %c0_i32 = arith.constant 0 : i32
    %c0_i32_0 = arith.constant 0 : i32
    return %arg0, %c0_i32 : i32, i32
  }
  func.func @transform_1(%arg0: i32) -> (i32, i32) {
    %c0_i32 = arith.constant 0 : i32
    %c0_i32_0 = arith.constant 0 : i32
    %c0_i32_1 = arith.constant 0 : i32
    return %c0_i32, %c0_i32_0 : i32, i32
  }
  func.func @transform_2(%arg0: i32) -> (i32, i32) {
    %c0_i32 = arith.constant 0 : i32
    %c0_i32_0 = arith.constant 0 : i32
    %c0_i32_1 = arith.constant 0 : i32
    return %c0_i32, %c0_i32_0 : i32, i32
  }
  func.func @transform_3(%arg0: i32) -> (i32, i32) {
    %c0_i32 = arith.constant 0 : i32
    %c0_i32_0 = arith.constant 0 : i32
    %c0_i32_1 = arith.constant 0 : i32
    return %c0_i32, %c0_i32_0 : i32, i32
  }
  func.func @transform_4(%arg0: i32) -> (i32, i32) {
    %c0_i32 = arith.constant 0 : i32
    %c0_i32_0 = arith.constant 0 : i32
    return %arg0, %c0_i32 : i32, i32
  }
}

module attributes {stable_mosaic.version = 14 : i64} {
  func.func @body(%arg0: i32, %arg1: memref<1000x128xf32, #tpu.memory_space<vmem>>, %arg2: memref<1000x128xf32, #tpu.memory_space<vmem>>, %arg3: memref<1000x1xf32, #tpu.memory_space<vmem>>, %arg4: memref<1000x1xf32, #tpu.memory_space<vmem>>, %arg5: memref<1x128xf32, #tpu.memory_space<vmem>>, %arg6: memref<128x128xf32, #tpu.memory_space<vmem>>, %arg7: memref<1x128xf32, #tpu.memory_space<vmem>>, %arg8: memref<1000x128xf32, #tpu.memory_space<vmem>>) attributes {dimension_semantics = [#tpu.dimension_semantics<arbitrary>], iteration_bounds = array<i64: 10>, scalar_prefetch = 0 : i64, scratch_operands = 0 : i64, tpu.core_type = #tpu.core_type<tc>, window_params = [{transform_indices = @transform_0, window_bounds = array<i64: 1000, 128>}, {transform_indices = @transform_1, window_bounds = array<i64: 1000, 128>}, {transform_indices = @transform_2, window_bounds = array<i64: 1000, 1>}, {transform_indices = @transform_3, window_bounds = array<i64: 1000, 1>}, {pipeline_mode = #tpu.pipeline_mode<synchronous>, transform_indices = @transform_4, window_bounds = array<i64: 1, 128>}, {pipeline_mode = #tpu.pipeline_mode<synchronous>, transform_indices = @transform_5, window_bounds = array<i64: 128, 128>}, {pipeline_mode = #tpu.pipeline_mode<synchronous>, transform_indices = @transform_6, window_bounds = array<i64: 1, 128>}, {transform_indices = @transform_7, window_bounds = array<i64: 1000, 128>}]} {
    %get3A = arith.constant 0 : index
    %get3A_0 = arith.constant 0 : index
    %get3A_1 = vector.load %arg3[%get3A, %get3A_0] : memref<1000x1xf32, #tpu.memory_space<vmem>>, vector<1000x1xf32>
    %get3A_2 = arith.constant 0 : index
    %get3A_3 = arith.constant 0 : index
    %get3A_4 = vector.load %arg4[%get3A_2, %get3A_3] : memref<1000x1xf32, #tpu.memory_space<vmem>>, vector<1000x1xf32>
    %add3A = arith.addf %get3A_1, %get3A_4 : vector<1000x1xf32>
    %max3A = arith.constant 1.000000e+00 : f32
    %max3A_5 = vector.broadcast %max3A : f32 to vector<1000x1xf32>
    %max3A_6 = arith.maximumf %add3A, %max3A_5 : vector<1000x1xf32>
    %get3A_7 = arith.constant 0 : index
    %get3A_8 = arith.constant 0 : index
    %get3A_9 = vector.load %arg1[%get3A_7, %get3A_8] : memref<1000x128xf32, #tpu.memory_space<vmem>>, vector<1000x128xf32>
    %get3A_10 = arith.constant 0 : index
    %get3A_11 = arith.constant 0 : index
    %get3A_12 = vector.load %arg2[%get3A_10, %get3A_11] : memref<1000x128xf32, #tpu.memory_space<vmem>>, vector<1000x128xf32>
    %add3A_13 = arith.addf %get3A_9, %get3A_12 : vector<1000x128xf32>
    %div3A = arith.constant 1.000000e+00 : f32
    %div3A_14 = vector.broadcast %div3A : f32 to vector<1000x1xf32>
    %div3A_15 = arith.divf %div3A_14, %max3A_6 : vector<1000x1xf32>
    %mul3A = vector.broadcast %div3A_15 : vector<1000x1xf32> to vector<1000x128xf32>
    %mul3A_16 = arith.mulf %add3A_13, %mul3A : vector<1000x128xf32>
    %get3A_17 = arith.constant 0 : index
    %get3A_18 = arith.constant 0 : index
    %get3A_19 = vector.load %arg5[%get3A_17, %get3A_18] : memref<1x128xf32, #tpu.memory_space<vmem>>, vector<1x128xf32>
    %add3A_20 = vector.broadcast %get3A_19 : vector<1x128xf32> to vector<1000x128xf32>
    %add3A_21 = arith.addf %mul3A_16, %add3A_20 : vector<1000x128xf32>
    %min3A = arith.constant 0.000000e+00 : f32
    %min3A_22 = vector.broadcast %min3A : f32 to vector<1000x128xf32>
    %min3A_23 = arith.minimumf %add3A_21, %min3A_22 : vector<1000x128xf32>
    %exp3A = math.exp %min3A_23 : vector<1000x128xf32>
    %sub3A = arith.constant 1.000000e+00 : f32
    %sub3A_24 = vector.broadcast %sub3A : f32 to vector<1000x128xf32>
    %sub3A_25 = arith.subf %exp3A, %sub3A_24 : vector<1000x128xf32>
    %mul3A_26 = arith.constant 1.67326319 : f32
    %mul3A_27 = vector.broadcast %mul3A_26 : f32 to vector<1000x128xf32>
    %mul3A_28 = arith.mulf %mul3A_27, %sub3A_25 : vector<1000x128xf32>
    %gt3A = arith.constant 0.000000e+00 : f32
    %gt3A_29 = vector.broadcast %gt3A : f32 to vector<1000x128xf32>
    %gt3A_30 = arith.cmpf ogt, %add3A_21, %gt3A_29 : vector<1000x128xf32>
    %select_n3A = arith.select %gt3A_30, %add3A_21, %mul3A_28 : vector<1000x128xi1>, vector<1000x128xf32>
    %mul3A_31 = arith.constant 1.05070102 : f32
    %mul3A_32 = vector.broadcast %mul3A_31 : f32 to vector<1000x128xf32>
    %mul3A_33 = arith.mulf %mul3A_32, %select_n3A : vector<1000x128xf32>
    %get3A_34 = arith.constant 0 : index
    %get3A_35 = arith.constant 0 : index
    %get3A_36 = vector.load %arg6[%get3A_34, %get3A_35] : memref<128x128xf32, #tpu.memory_space<vmem>>, vector<128x128xf32>
    %dot_general3A = arith.constant dense<0.000000e+00> : vector<1000x128xf32>
    %dot_general3A_37 = tpu.matmul %mul3A_33, %get3A_36, %dot_general3A {dimension_numbers = #tpu.dot_dimension_numbers<[1], [1], [0], [0], [0, 0, 1, 0], [], []>, transpose_lhs_hint = false} : vector<1000x128xf32>, vector<128x128xf32>, vector<1000x128xf32> -> vector<1000x128xf32>
    %get3A_38 = arith.constant 0 : index
    %get3A_39 = arith.constant 0 : index
    %get3A_40 = vector.load %arg7[%get3A_38, %get3A_39] : memref<1x128xf32, #tpu.memory_space<vmem>>, vector<1x128xf32>
    %add3A_41 = vector.broadcast %get3A_40 : vector<1x128xf32> to vector<1000x128xf32>
    %add3A_42 = arith.addf %dot_general3A_37, %add3A_41 : vector<1000x128xf32>
    %swap3A = arith.constant 0 : index
    %swap3A_43 = arith.constant 0 : index
    %swap3A_44 = vector.load %arg8[%swap3A, %swap3A_43] : memref<1000x128xf32, #tpu.memory_space<vmem>>, vector<1000x128xf32>
    tpu.vector_store %arg8[%swap3A, %swap3A_43], %add3A_42 {strides = array<i32>} : memref<1000x128xf32, #tpu.memory_space<vmem>>, vector<1000x128xf32>,
    return
  }
  func.func @transform_0(%arg0: i32) -> (i32, i32) {
    %c0_i32 = arith.constant 0 : i32
    %c0_i32_0 = arith.constant 0 : i32
    return %arg0, %c0_i32 : i32, i32
  }
  func.func @transform_1(%arg0: i32) -> (i32, i32) {
    %c0_i32 = arith.constant 0 : i32
    %c0_i32_0 = arith.constant 0 : i32
    return %arg0, %c0_i32 : i32, i32
  }
  func.func @transform_2(%arg0: i32) -> (i32, i32) {
    %c0_i32 = arith.constant 0 : i32
    %c0_i32_0 = arith.constant 0 : i32
    return %arg0, %c0_i32 : i32, i32
  }
  func.func @transform_3(%arg0: i32) -> (i32, i32) {
    %c0_i32 = arith.constant 0 : i32
    %c0_i32_0 = arith.constant 0 : i32
    return %arg0, %c0_i32 : i32, i32
  }
  func.func @transform_4(%arg0: i32) -> (i32, i32) {
    %c0_i32 = arith.constant 0 : i32
    %c0_i32_0 = arith.constant 0 : i32
    %c0_i32_1 = arith.constant 0 : i32
    return %c0_i32, %c0_i32_0 : i32, i32
  }
  func.func @transform_5(%arg0: i32) -> (i32, i32) {
    %c0_i32 = arith.constant 0 : i32
    %c0_i32_0 = arith.constant 0 : i32
    %c0_i32_1 = arith.constant 0 : i32
    return %c0_i32, %c0_i32_0 : i32, i32
  }
  func.func @transform_6(%arg0: i32) -> (i32, i32) {
    %c0_i32 = arith.constant 0 : i32
    %c0_i32_0 = arith.constant 0 : i32
    %c0_i32_1 = arith.constant 0 : i32
    return %c0_i32, %c0_i32_0 : i32, i32
  }
  func.func @transform_7(%arg0: i32) -> (i32, i32) {
    %c0_i32 = arith.constant 0 : i32
    %c0_i32_0 = arith.constant 0 : i32
    return %arg0, %c0_i32 : i32, i32
  }
}

module attributes {stable_mosaic.version = 14 : i64} {
  func.func @body(%arg0: i32, %arg1: memref<1000x128xf32, #tpu.memory_space<vmem>>, %arg2: memref<1000x128xf32, #tpu.memory_space<vmem>>, %arg3: memref<1000x1xf32, #tpu.memory_space<vmem>>, %arg4: memref<1000x1xf32, #tpu.memory_space<vmem>>, %arg5: memref<1x128xf32, #tpu.memory_space<vmem>>, %arg6: memref<128x128xf32, #tpu.memory_space<vmem>>, %arg7: memref<1x128xf32, #tpu.memory_space<vmem>>, %arg8: memref<1000x128xf32, #tpu.memory_space<vmem>>) attributes {dimension_semantics = [#tpu.dimension_semantics<arbitrary>], iteration_bounds = array<i64: 10>, scalar_prefetch = 0 : i64, scratch_operands = 0 : i64, tpu.core_type = #tpu.core_type<tc>, window_params = [{transform_indices = @transform_0, window_bounds = array<i64: 1000, 128>}, {transform_indices = @transform_1, window_bounds = array<i64: 1000, 128>}, {transform_indices = @transform_2, window_bounds = array<i64: 1000, 1>}, {transform_indices = @transform_3, window_bounds = array<i64: 1000, 1>}, {pipeline_mode = #tpu.pipeline_mode<synchronous>, transform_indices = @transform_4, window_bounds = array<i64: 1, 128>}, {pipeline_mode = #tpu.pipeline_mode<synchronous>, transform_indices = @transform_5, window_bounds = array<i64: 128, 128>}, {pipeline_mode = #tpu.pipeline_mode<synchronous>, transform_indices = @transform_6, window_bounds = array<i64: 1, 128>}, {transform_indices = @transform_7, window_bounds = array<i64: 1000, 128>}]} {
    %get3A = arith.constant 0 : index
    %get3A_0 = arith.constant 0 : index
    %get3A_1 = vector.load %arg3[%get3A, %get3A_0] : memref<1000x1xf32, #tpu.memory_space<vmem>>, vector<1000x1xf32>
    %get3A_2 = arith.constant 0 : index
    %get3A_3 = arith.constant 0 : index
    %get3A_4 = vector.load %arg4[%get3A_2, %get3A_3] : memref<1000x1xf32, #tpu.memory_space<vmem>>, vector<1000x1xf32>
    %add3A = arith.addf %get3A_1, %get3A_4 : vector<1000x1xf32>
    %max3A = arith.constant 1.000000e+00 : f32
    %max3A_5 = vector.broadcast %max3A : f32 to vector<1000x1xf32>
    %max3A_6 = arith.maximumf %add3A, %max3A_5 : vector<1000x1xf32>
    %get3A_7 = arith.constant 0 : index
    %get3A_8 = arith.constant 0 : index
    %get3A_9 = vector.load %arg1[%get3A_7, %get3A_8] : memref<1000x128xf32, #tpu.memory_space<vmem>>, vector<1000x128xf32>
    %get3A_10 = arith.constant 0 : index
    %get3A_11 = arith.constant 0 : index
    %get3A_12 = vector.load %arg2[%get3A_10, %get3A_11] : memref<1000x128xf32, #tpu.memory_space<vmem>>, vector<1000x128xf32>
    %add3A_13 = arith.addf %get3A_9, %get3A_12 : vector<1000x128xf32>
    %div3A = arith.constant 1.000000e+00 : f32
    %div3A_14 = vector.broadcast %div3A : f32 to vector<1000x1xf32>
    %div3A_15 = arith.divf %div3A_14, %max3A_6 : vector<1000x1xf32>
    %mul3A = vector.broadcast %div3A_15 : vector<1000x1xf32> to vector<1000x128xf32>
    %mul3A_16 = arith.mulf %add3A_13, %mul3A : vector<1000x128xf32>
    %get3A_17 = arith.constant 0 : index
    %get3A_18 = arith.constant 0 : index
    %get3A_19 = vector.load %arg5[%get3A_17, %get3A_18] : memref<1x128xf32, #tpu.memory_space<vmem>>, vector<1x128xf32>
    %add3A_20 = vector.broadcast %get3A_19 : vector<1x128xf32> to vector<1000x128xf32>
    %add3A_21 = arith.addf %mul3A_16, %add3A_20 : vector<1000x128xf32>
    %min3A = arith.constant 0.000000e+00 : f32
    %min3A_22 = vector.broadcast %min3A : f32 to vector<1000x128xf32>
    %min3A_23 = arith.minimumf %add3A_21, %min3A_22 : vector<1000x128xf32>
    %exp3A = math.exp %min3A_23 : vector<1000x128xf32>
    %sub3A = arith.constant 1.000000e+00 : f32
    %sub3A_24 = vector.broadcast %sub3A : f32 to vector<1000x128xf32>
    %sub3A_25 = arith.subf %exp3A, %sub3A_24 : vector<1000x128xf32>
    %mul3A_26 = arith.constant 1.67326319 : f32
    %mul3A_27 = vector.broadcast %mul3A_26 : f32 to vector<1000x128xf32>
    %mul3A_28 = arith.mulf %mul3A_27, %sub3A_25 : vector<1000x128xf32>
    %gt3A = arith.constant 0.000000e+00 : f32
    %gt3A_29 = vector.broadcast %gt3A : f32 to vector<1000x128xf32>
    %gt3A_30 = arith.cmpf ogt, %add3A_21, %gt3A_29 : vector<1000x128xf32>
    %select_n3A = arith.select %gt3A_30, %add3A_21, %mul3A_28 : vector<1000x128xi1>, vector<1000x128xf32>
    %mul3A_31 = arith.constant 1.05070102 : f32
    %mul3A_32 = vector.broadcast %mul3A_31 : f32 to vector<1000x128xf32>
    %mul3A_33 = arith.mulf %mul3A_32, %select_n3A : vector<1000x128xf32>
    %get3A_34 = arith.constant 0 : index
    %get3A_35 = arith.constant 0 : index
    %get3A_36 = vector.load %arg6[%get3A_34, %get3A_35] : memref<128x128xf32, #tpu.memory_space<vmem>>, vector<128x128xf32>
    %dot_general3A = arith.constant dense<0.000000e+00> : vector<1000x128xf32>
    %dot_general3A_37 = tpu.matmul %mul3A_33, %get3A_36, %dot_general3A {dimension_numbers = #tpu.dot_dimension_numbers<[1], [1], [0], [0], [0, 0, 1, 0], [], []>, transpose_lhs_hint = false} : vector<1000x128xf32>, vector<128x128xf32>, vector<1000x128xf32> -> vector<1000x128xf32>
    %get3A_38 = arith.constant 0 : index
    %get3A_39 = arith.constant 0 : index
    %get3A_40 = vector.load %arg7[%get3A_38, %get3A_39] : memref<1x128xf32, #tpu.memory_space<vmem>>, vector<1x128xf32>
    %add3A_41 = vector.broadcast %get3A_40 : vector<1x128xf32> to vector<1000x128xf32>
    %add3A_42 = arith.addf %dot_general3A_37, %add3A_41 : vector<1000x128xf32>
    %swap3A = arith.constant 0 : index
    %swap3A_43 = arith.constant 0 : index
    %swap3A_44 = vector.load %arg8[%swap3A, %swap3A_43] : memref<1000x128xf32, #tpu.memory_space<vmem>>, vector<1000x128xf32>
    tpu.vector_store %arg8[%swap3A, %swap3A_43], %add3A_42 {strides = array<i32>} : memref<1000x128xf32, #tpu.memory_space<vmem>>, vector<1000x128xf32>,
    return
  }
  func.func @transform_0(%arg0: i32) -> (i32, i32) {
    %c0_i32 = arith.constant 0 : i32
    %c0_i32_0 = arith.constant 0 : i32
    return %arg0, %c0_i32 : i32, i32
  }
  func.func @transform_1(%arg0: i32) -> (i32, i32) {
    %c0_i32 = arith.constant 0 : i32
    %c0_i32_0 = arith.constant 0 : i32
    return %arg0, %c0_i32 : i32, i32
  }
  func.func @transform_2(%arg0: i32) -> (i32, i32) {
    %c0_i32 = arith.constant 0 : i32
    %c0_i32_0 = arith.constant 0 : i32
    return %arg0, %c0_i32 : i32, i32
  }
  func.func @transform_3(%arg0: i32) -> (i32, i32) {
    %c0_i32 = arith.constant 0 : i32
    %c0_i32_0 = arith.constant 0 : i32
    return %arg0, %c0_i32 : i32, i32
  }
  func.func @transform_4(%arg0: i32) -> (i32, i32) {
    %c0_i32 = arith.constant 0 : i32
    %c0_i32_0 = arith.constant 0 : i32
    %c0_i32_1 = arith.constant 0 : i32
    return %c0_i32, %c0_i32_0 : i32, i32
  }
  func.func @transform_5(%arg0: i32) -> (i32, i32) {
    %c0_i32 = arith.constant 0 : i32
    %c0_i32_0 = arith.constant 0 : i32
    %c0_i32_1 = arith.constant 0 : i32
    return %c0_i32, %c0_i32_0 : i32, i32
  }
  func.func @transform_6(%arg0: i32) -> (i32, i32) {
    %c0_i32 = arith.constant 0 : i32
    %c0_i32_0 = arith.constant 0 : i32
    %c0_i32_1 = arith.constant 0 : i32
    return %c0_i32, %c0_i32_0 : i32, i32
  }
  func.func @transform_7(%arg0: i32) -> (i32, i32) {
    %c0_i32 = arith.constant 0 : i32
    %c0_i32_0 = arith.constant 0 : i32
    return %arg0, %c0_i32 : i32, i32
  }
}

</mosaic_0001>

<sc_bundles>
// kernel: kernel.10.cloned.1.call-start
scs
__scs_entry_jumppad:
0x0: {  	(pc) =	sbr.rel $0x88, $3  }
0x1: {  	(tag) =	ssettag $0x0;
	lr =	simm.s32 $0x1  }
0x2: {  	[smem:$0x3F97] =	sst lr;
	_ =	strace $0xD0000000  }
0x3: {  	_ = 	snop  }
0x4: {  	_ = 	snop  }
0x5: {  	_ = 	snop  }
0x6: {  	_ = 	snop  }
0x7: {  	_ = 	snop  }
__scs_overlays_trampoline_lowered:
0x8: {  	[smem:$0x3FA6] =	sst s0  }
0x9: {  	[smem:$0x3FA7] =	sst s1  }
0xa: {  	[smem:$0x3FA8] =	sst s2  }
0xb: {  	[smem:$0x3FA9] =	sst s3  }
0xc: {  	[smem:$0x3FAA] =	sst s4  }
0xd: {  	[smem:$0x3FAB] =	sst s5  }
0xe: {  	[smem:$0x3FAC] =	sst s6  }
0xf: {  	[smem:$0x3FAD] =	sst s7  }
0x10: {  	[smem:$0x3FAE] =	sst s8  }
0x11: {  	[smem:$0x3FAF] =	sst s9;
	s0 =	simm.s32 @!p0 $0x0  }
0x12: {  	s1 =	sld [smem:$0x3F95];
	s0 =	simm.s32 @p0 $0x1  }
0x13: {  	[smem:$0x3FB0] =	sst s0;
	s0 =	simm.s32 @!p1 $0x0  }
0x14: {  	s2 =	sld [smem:$0x3F94];
	s0 =	simm.s32 @p1 $0x1  }
0x15: {  	[smem:$0x3FB1] =	sst s0;
	s0 =	simm.s32 @!p2 $0x0  }
0x16: {  	s3 =	sld [smem:$0x3FDB];
	s0 =	simm.s32 @p2 $0x1  }
0x17: {  	s4 =	simm.s32 $0x1BF5;
	[smem:$0x3FB3] =	sst s0  }
0x18: {  	s0 =	sld [smem:$0x3F96];
	_ =	swait.ge [sflag:s4], $0x0  }
0x19: {  	s7 =	sld [smem:$0x3F97]  }
0x1a: {  	s8 =	sadd.s32 $0xFFFFE003, lr  }
0x1b: {  	s9 =	sadd.s32 $0xFFFFFEF7, lr;
	s5 =	simm.s32 $0xFFFFFFFF;
	p2 =	slt.u32 s8, $0xFFFFF086  }
0x1c: {  	p1 =	slt.u32 s9, $0xF7A;
	s5 =	simm.s32 @!p2 $0x0  }
0x1d: {  	s5 =	simm.s32 @p1 $0x1;
	p0 =	seq.s32 s7, s2  }
0x1e: {  	s7 =	smul.u32 @!p0 $0xF7A, s2;
	p2 =	seq.s32 @!p0 s5, $0x0  }
0x1f: {  	s9 =	smul.u32 $0xF7A, s1;
	s8 =	simm.s32 @!p0 $0x1BF5;
	p2 =	por !p2, p0  }
0x20: {  	[sflag:s8] =	ssyncset.s32 @!p0 $0xFFFFF086;
	s6 =	sadd.s32 @!p0 s3, s7;
	s7 =	simm.s32 @!p0 $0x108  }
0x21: {  	s3 =	sadd.s32 s3, s9;
	s6 =	sadd.s32 @!p0 $0x88, s6;
	s7 =	simm.s32 @p2 $0x1082  }
0x22: {  	[simem:s7], [sflag:s8] =	dma.local @!p0 [hbm:s6], $0xF7A  }
0x23: {  	s9 =	sor.u32 $0xD0000000, s2;
	s6 =	simm.s32 $0x108;
	_ =	swait.ge @!p0 [sflag:s8], $0x0  }
0x24: {  	s3 =	sadd.s32 $0x88, s3;
	s6 =	simm.s32 @!p1 $0x1082;
	[sflag:s4] =	ssyncset.s32 $0xFFFFF086  }
0x25: {  	[simem:s6], [sflag:s4] =	dma.local [hbm:s3], $0xF7A  }
0x26: {  	[smem:$0x3F97] =	sst s1;
	(tag) =	ssettag s2;
	_ =	strace s9  }
0x27: {  	s1 =	sld [smem:$0x3FA7]  }
0x28: {  	s2 =	sld [smem:$0x3FA8]  }
0x29: {  	s4 =	sld [smem:$0x3FAA]  }
0x2a: {  	p0 =	seq.s32 s5, $0x0;
	s5 =	sld [smem:$0x3FAB]  }
0x2b: {  	s6 =	sld [smem:$0x3FAC]  }
0x2c: {  	s7 =	sld [smem:$0x3FAD]  }
0x2d: {  	s3 =	simm.s32 $0x108;
	s8 =	sld [smem:$0x3FAE]  }
0x2e: {  	s3 =	simm.s32 @!p0 $0x1082;
	s9 =	sld [smem:$0x3FAF]  }
0x2f: {  	lr =	sadd.s32 s0, s3;
	s0 =	sld [smem:$0x3FA6]  }
0x30: {  	s3 =	sld [smem:$0x3FA9]  }
0x31: {  	[smem:$0x3FB2] =	sst s10  }
0x32: {  	s10 =	sld [smem:$0x3FB0];
	_ =	sdelay $0x3  }
0x33: {  	p0 =	seq.s32 s10, $0x1;
	s10 =	sld [smem:$0x3FB2];
	_ =	sdelay $0x3  }
0x34: {  	[smem:$0x3FB2] =	sst s10  }
0x35: {  	s10 =	sld [smem:$0x3FB1];
	_ =	sdelay $0x3  }
0x36: {  	p1 =	seq.s32 s10, $0x1;
	s10 =	sld [smem:$0x3FB2];
	_ =	sdelay $0x3  }
0x37: {  	[smem:$0x3FB2] =	sst s10  }
0x38: {  	s10 =	sld [smem:$0x3FB3]  }
0x39: {  	_ = 	snop;
	(pc) =	sbr.ind lr, $3  }
0x3a: {  	_ = 	snop  }
0x3b: {  	_ = 	snop  }
0x3c: {  	p2 =	seq.s32 s10, $0x1;
	s10 =	sld [smem:$0x3FB2]  }
0x3d: {  	_ =	shalt  }
0x3e: {  	_ =	shalt  }
0x3f: {  	_ =	shalt  }
0x40: {  	_ =	shalt  }
0x41: {  	_ =	shalt  }
0x42: {  	_ =	shalt  }
0x43: {  	_ =	shalt  }
0x44: {  	_ =	shalt  }
0x45: {  	_ =	shalt  }
0x46: {  	_ =	shalt  }
0x47: {  	_ =	shalt  }
0x48: {  	_ =	shalt  }
0x49: {  	_ =	shalt  }
0x4a: {  	_ =	shalt  }
0x4b: {  	_ =	shalt  }
0x4c: {  	_ =	shalt  }
0x4d: {  	_ =	shalt  }
0x4e: {  	_ =	shalt  }
0x4f: {  	_ =	shalt  }
0x50: {  	_ =	shalt  }
0x51: {  	_ =	shalt  }
0x52: {  	_ =	shalt  }
0x53: {  	_ =	shalt  }
0x54: {  	_ =	shalt  }
0x55: {  	_ =	shalt  }
0x56: {  	_ =	shalt  }
0x57: {  	_ =	shalt  }
0x58: {  	_ =	shalt  }
0x59: {  	_ =	shalt  }
0x5a: {  	_ =	shalt  }
0x5b: {  	_ =	shalt  }
0x5c: {  	_ =	shalt  }
0x5d: {  	_ =	shalt  }
0x5e: {  	_ =	shalt  }
0x5f: {  	_ =	shalt  }
0x60: {  	_ =	shalt  }
0x61: {  	_ =	shalt  }
0x62: {  	_ =	shalt  }
0x63: {  	_ =	shalt  }
0x64: {  	_ =	shalt  }
0x65: {  	_ =	shalt  }
0x66: {  	_ =	shalt  }
0x67: {  	_ =	shalt  }
0x68: {  	_ =	shalt  }
0x69: {  	_ =	shalt  }
0x6a: {  	_ =	shalt  }
0x6b: {  	_ =	shalt  }
0x6c: {  	_ =	shalt  }
0x6d: {  	_ =	shalt  }
0x6e: {  	_ =	shalt  }
0x6f: {  	_ =	shalt  }
0x70: {  	_ =	shalt  }
0x71: {  	_ =	shalt  }
0x72: {  	_ =	shalt  }
0x73: {  	_ =	shalt  }
0x74: {  	_ =	shalt  }
0x75: {  	_ =	shalt  }
0x76: {  	_ =	shalt  }
0x77: {  	_ =	shalt  }
0x78: {  	_ =	shalt  }
0x79: {  	_ =	shalt  }
0x7a: {  	_ =	shalt  }
0x7b: {  	_ =	shalt  }
0x7c: {  	_ =	shalt  }
0x7d: {  	_ =	shalt  }
0x7e: {  	_ =	shalt  }
0x7f: {  	_ =	shalt  }
0x80: {  	_ =	shalt  }
0x81: {  	_ =	shalt  }
0x82: {  	_ =	shalt  }
0x83: {  	_ =	shalt  }
0x84: {  	_ =	shalt  }
0x85: {  	_ =	shalt  }
0x86: {  	_ =	shalt  }
0x87: {  	_ =	shalt  }
.Lfunc_end0:
.L_simem_size_0:
called_computation.1_lowered:
.L_overlay_start_0:
0x88: {  	s2 =	sld [smem:$0x3FD9]  }
0x89: {  	s3 =	sld [smem:$0x3FFE];
	_ =	sdelay $0x1  }
0x8a: {  	s1 =	srdreg.scid  }
0x8b: {  	s0 =	sand.u32 $0x1, s1  }
0x8c: {  	s16 =	sshll.u32 s0, $0xA;
	s2 =	sadd.s32 s3, s2  }
0x8d: {  	s2 =	sadd.s32 s2, s16  }
0x8e: {  	[smem:$0x3FBE] =	sst s2  }
0x8f: {  	_ = 	snop  }
0x90: {  	(tm) =	ssettm $0x1  }
0x91: {  	s17 =	sld [smem:$0x3FFB];
	_ =	sdelay $0x3  }
0x92: {  	_ =	strace s17  }
0x93: {  	s2 =	sld [smem:$0x3FFC];
	_ =	sdelay $0x3  }
0x94: {  	_ =	strace s2  }
0x95: {  	s2 =	sld [smem:$0x3FFD];
	_ =	sdelay $0x3  }
0x96: {  	_ =	strace s2  }
0x97: {  	_ =	strace $0x8FFFFFFF  }
0x98: {  	s18 =	sld [smem:$0x3FDB];
	_ =	sdelay $0x1  }
0x99: {  	s19 =	simm.s32 $_scs_section_size  }
0x9a: {  	s4 =	simm.s32 $_size__tile_overlayer_lowered;
	s5 =	simm.s32 $_tile_overlayer_lowered  }
0x9b: {  	s22 =	simm.s32 $0x1BFF;
	s21 =	sshll.u32 s5, $0x1;
	s2 =	sadd.s32 s19, s18  }
0x9c: {  	s6 =	simm.s32 $0x0;
	s20 =	sshll.u32 s4, $0x1;
	s4 =	sadd.s32 s21, s2  }
0x9d: {  	[timem:s6], [sflag:s22] =	dma.local [hbm:s4], s20  }
0x9e: {  	_ =	swait.ge [sflag:s22], s20  }
0x9f: {  	s3 =	ssub.s32 $0x0, s20;
	[sflag:s22] =	ssyncset.done $0x0  }
0xa0: {  	[sflag:s22] =	ssyncadd.s32 s3;
	_ =	sdelay $0x1  }
0xa1: {  	s23 =	simm.s32 $0x1B8B  }
0xa2: {  	_ =	swait.ge [sflag:s23], $0x1  }
0xa3: {  	[sflag:s23] =	ssyncset.done $0x0  }
0xa4: {  	s25 =	simm.s32 $0x1B8E;
	s24 =	sld [smem:$0x3FFE];
	[sflag:s23] =	ssyncadd.s32 $0xFFFFFFFF  }
0xa5: {  	s26 =	simm.s32 $execute0_lowered;
	[smem:$0x3FD2] =	sst s25  }
0xa6: {  	s4 =	sshll.u32 s26, $0x1;
	_ =	strace $0x80000049;
	[dreg:$0x1] =	wrdreg $0xFFFFFFFF  }
0xa7: {  	s28 =	simm.s32 $_size_execute0_lowered;
	s2 =	sadd.s32 s2, s4;
	[dreg:$0x0] =	wrdreg $0x0  }
0xa8: {  	s4 =	sshll.u32 s28, $0x1;
	[dreg:$0x2] =	wrdreg s2  }
0xa9: {  	[dreg:$0x3] =	wrdreg s4  }
0xaa: {  	[dreg:$0x4] =	wrdreg $0xC0  }
0xab: {  	_ =	task [dreg:s6], $0x5FFFF  }
0xac: {  	[dreg:$0x1] =	wrdreg $0xFFFFFFFF  }
0xad: {  	[dreg:$0x0] =	wrdreg $0x60  }
0xae: {  	[dreg:$0x2] =	wrdreg s24  }
0xaf: {  	[dreg:$0x3] =	wrdreg $0x0  }
0xb0: {  	[dreg:$0x4] =	wrdreg $0x9  }
0xb1: {  	_ =	task.clear_ibuf [dreg:s6], $0x5FFFF;
	_ =	strace $0x90000049  }
0xb2: {  	s29 =	simm.s32 $0x9;
	_ =	strace $0x8000004B  }
0xb3: {  	_ =	swait.ge [sflag:s29], $0x1  }
0xb4: {  	[sflag:s29] =	ssyncadd.s32 $0xFFFFFFFF  }
0xb5: {  	_ =	strace $0x9000004B  }
0xb6: {  	_ =	sfence  }
0xb7: {  	s30 =	sld [smem:$0x0];
	_ =	sdelay $0x2  }
0xb8: {  	s31 =	sshll.u32 s1, $0xD;
	s1 =	sshrl.u32 s1, $0x2  }
0xb9: {  	s3 =	sand.u32 $0x4000, s31;
	s1 =	sadd.s32 s1, s30  }
0xba: {  	s0 =	sor.u32 s3, s0;
	s1 =	sshll.u32 s1, $0x11  }
0xbb: {  	s0 =	sor.u32 s1, s0  }
0xbc: {  	s0 =	sadd.s32 $0x8F2B, s0  }
0xbd: {  	[sflag:s0] =	ssyncadd.remote.s32 $0x1  }
0xbe: {  	_ =	sfence.sel $0xFFFF  }
0xbf: {  	[dreg:$0x0] =	wrdreg $0xFFFFFFFF;
	(pc) =	sbr.abs _section_cstart, $3  }
0xc0: {  	[dreg:$0x1] =	wrdreg $0xFFFFFFFF  }
0xc1: {  	_ =	task.clear_ibuf [dreg:s6], $0x2FFFF;
	_ =	strace $0x9FFFFFFF  }
0xc2: {  	(tm) =	ssettm $0x7FFFFFFF  }
0xc3: {  	_ =	shalt  }
tec
execute0_lowered:
.L_overlay_start_1:
0x0: {  	(tag) =	ssettag $0x1  }
0x1: {  	s4 =	rddreg [dreg:$0x0]  }
0x2: {  	s1 =	rddreg [dreg:$0x1];
	s3 =	srdreg.scid  }
0x3: {  	s0 =	stileid.u32;
	s2 =	simm.s32 $0x0;
	s28 =	simm.s32 $0x13880  }
0x4: {  	s29 =	simm.s32 $0x50;
	s30 =	simm.s32 $0x1;
	s5 =	smul.u32 $0x4E20, s0  }
0x5: {  	s31 =	simm.s32 $0x13900;
	s9 =	sand.u32 $0x1, s3;
	s10 =	smul.u32 $0x4E000, s0  }
0x6: {  	[smem:$0x7FF] =	sst s2;
	s3 =	sadd.s32 $0x16600, s4;
	s13 =	smul.u32 $0x13800, s0  }
0x7: {  	s21 =	sadd.s32 $0x3D800, s4;
	p0 =	sne.s32 s0, $0x0;
	s0 =	simm.s32 $0x0  }
0x8: {  	s6 =	smul.u32 $0x2710, s9;
	_ =	strace $0x8000004A;
	s7 =	ssub.s32 $0x2, s9  }
0x9: {  	s24 =	smul.u32 $0x138800, s9;
	s11 =	sshrl.u32 s7, $0x1;
	s12 =	sshrl.u32 s10, $0x2  }
0xa: {  	s15 =	sadd.s32 $0x2800, s13;
	s16 =	sadd.s32 $0x5000, s13;
	s17 =	sadd.s32 $0x7800, s13  }
0xb: {  	s18 =	sadd.s32 $0xA000, s13;
	s19 =	sadd.s32 $0xC800, s13;
	s20 =	sadd.s32 $0xF000, s13  }
0xc: {  	s23 =	sadd.s32 $0x11800, s13;
	s5 =	sadd.s32 s6, s5;
	s22 =	ssub.s32 s7, s11  }
0xd: {  	s6 =	sadd.s32 s16, s1;
	s7 =	sadd.s32 s17, s1;
	s8 =	sadd.s32 s18, s1  }
0xe: {  	s9 =	sadd.s32 s19, s1;
	s10 =	sadd.s32 s20, s1;
	s11 =	sadd.s32 s23, s1  }
0xf: {  	s13 =	sadd.s32 s13, s24;
	s16 =	sadd.s32 s24, s16;
	s25 =	sadd.s32 s24, s17  }
0x10: {  	s26 =	sadd.s32 s24, s18;
	s5 =	sshrl.u32 s5, $0x3;
	s13 =	sshrl.u32 s13, $0x3  }
0x11: {  	s16 =	sshrl.u32 s16, $0x3;
	s22 =	smax.u32 s22, $0x1;
	s14 =	sadd.s32 s5, s4  }
0x12: {  	s4 =	sadd.s32 s12, s1;
	s5 =	sadd.s32 s15, s1;
	s15 =	sadd.s32 s24, s15  }
0x13: {  	s12 =	sadd.s32 $0x138000, s1;
	s13 =	sadd.s32 s21, s13;
	s15 =	sshrl.u32 s15, $0x3  }
0x14: {  	[dreg:$0x3] =	wrdreg s13;
	s13 =	sadd.s32 s21, s16;
	s16 =	sadd.s32 s24, s19  }
0x15: {  	s19 =	sadd.s32 s24, s20;
	s20 =	sadd.s32 s24, s23;
	s15 =	sadd.s32 s21, s15  }
0x16: {  	[dreg:$0x5] =	wrdreg s13;
	s13 =	sshrl.u32 s25, $0x3;
	s18 =	sshrl.u32 s16, $0x3  }
0x17: {  	s23 =	sshrl.u32 s20, $0x3;
	s25 =	sshrl.u32 s24, $0x3;
	s24 =	sadd.s32 $0xC800, s14  }
0x18: {  	[dreg:$0x4] =	wrdreg s15;
	s15 =	sshrl.u32 s26, $0x3;
	s13 =	sadd.s32 s21, s13  }
0x19: {  	s18 =	sadd.s32 s21, s18;
	s20 =	sadd.s32 s21, s23;
	s26 =	sadd.s32 s21, s25  }
0x1a: {  	s23 =	sadd.s32 $0x2A00, s14;
	[dreg:$0x6] =	wrdreg s13;
	s17 =	sadd.s32 s21, s15  }
0x1b: {  	s25 =	simm.s32 $0x13980;
	s13 =	sshrl.u32 s19, $0x3;
	[dreg:$0x7] =	wrdreg s17  }
0x1c: {  	v0 =	vimm.f32 $0.0e+00;
	s19 =	sadd.s32 s21, s13;
	s21 =	sadd.s32 $0x27000, s26;
	s26 =	simm.s32 $0x2  }
.LBB2_1:
0x1d: {  	s13 =	simm.s32 $0x0;
	s14 =	simm.s32 $0x200  }
.LBB2_2:
0x1e: {  	p1 =	sne.s32 s14, $0x9E00;
	[tilespmem:s13+$0x139F0] =	vst v0  }
0x1f: {  	[tilespmem:s13+$0x13980] =	vst v0  }
0x20: {  	[tilespmem:s13+$0x13990] =	vst v0  }
.Ltmp0:
0x21: {  	[tilespmem:s13+$0x139A0] =	vst v0;
	(pc) =	sbr.rel @p1 .LBB2_2-.Ltmp0, $4  }
0x22: {  	[tilespmem:s13+$0x139B0] =	vst v0  }
0x23: {  	[tilespmem:s13+$0x139C0] =	vst v0  }
0x24: {  	[tilespmem:s13+$0x139D0] =	vst v0  }
0x25: {  	[tilespmem:s13+$0x139E0] =	vst v0;
	s13 =	sshra.s32 s14, $0x2;
	s14 =	sadd.s32 $0x200, s14  }
0x26: {  	[tilespmem:s13+$0x139F0] =	vst v0  }
0x27: {  	[tilespmem:s13+$0x13980] =	vst v0  }
0x28: {  	[tilespmem:s13+$0x13990] =	vst v0  }
0x29: {  	[tilespmem:s13+$0x139A0] =	vst v0  }
0x2a: {  	[tilespmem:s13+$0x139B0] =	vst v0  }
0x2b: {  	[tilespmem:s13+$0x139C0] =	vst v0  }
0x2c: {  	[tilespmem:s13+$0x139D0] =	vst v0  }
0x2d: {  	[tilespmem:s13+$0x139E0] =	vst v0  }
0x2e: {  	[spmem:s4] =	stream.linear.scatter [tilespmem:s25], [sflag:$0x2], $0x2800, $0x38;
	[tilespmem:$0x16180] =	vst v63  }
0x2f: {  	_ =	swait.ge [sflag:s26], $0x2800  }
0x30: {  	[sflag:s26] =	ssyncset.done $0x0  }
0x31: {  	[sflag:s26] =	ssyncadd.s32 $0xFFFFD800  }
0x32: {  	[spmem:s5] =	stream.linear.scatter [tilespmem:s25], [sflag:$0x2], $0x2800, $0x38;
	[tilespmem:$0x16180] =	vst v63  }
0x33: {  	_ =	swait.ge [sflag:s26], $0x2800  }
0x34: {  	[sflag:s26] =	ssyncset.done $0x0  }
0x35: {  	[sflag:s26] =	ssyncadd.s32 $0xFFFFD800  }
0x36: {  	[spmem:s6] =	stream.linear.scatter [tilespmem:s25], [sflag:$0x2], $0x2800, $0x38;
	[tilespmem:$0x16180] =	vst v63  }
0x37: {  	_ =	swait.ge [sflag:s26], $0x2800  }
0x38: {  	[sflag:s26] =	ssyncset.done $0x0  }
0x39: {  	[sflag:s26] =	ssyncadd.s32 $0xFFFFD800  }
0x3a: {  	[spmem:s7] =	stream.linear.scatter [tilespmem:s25], [sflag:$0x2], $0x2800, $0x38;
	[tilespmem:$0x16180] =	vst v63  }
0x3b: {  	_ =	swait.ge [sflag:s26], $0x2800  }
0x3c: {  	[sflag:s26] =	ssyncset.done $0x0  }
0x3d: {  	[sflag:s26] =	ssyncadd.s32 $0xFFFFD800  }
0x3e: {  	[spmem:s8] =	stream.linear.scatter [tilespmem:s25], [sflag:$0x2], $0x2800, $0x38;
	[tilespmem:$0x16180] =	vst v63  }
0x3f: {  	_ =	swait.ge [sflag:s26], $0x2800  }
0x40: {  	[sflag:s26] =	ssyncset.done $0x0  }
0x41: {  	[sflag:s26] =	ssyncadd.s32 $0xFFFFD800  }
0x42: {  	[spmem:s9] =	stream.linear.scatter [tilespmem:s25], [sflag:$0x2], $0x2800, $0x38;
	[tilespmem:$0x16180] =	vst v63  }
0x43: {  	_ =	swait.ge [sflag:s26], $0x2800  }
0x44: {  	[sflag:s26] =	ssyncset.done $0x0  }
0x45: {  	[sflag:s26] =	ssyncadd.s32 $0xFFFFD800  }
0x46: {  	[spmem:s10] =	stream.linear.scatter [tilespmem:s25], [sflag:$0x2], $0x2800, $0x38;
	[tilespmem:$0x16180] =	vst v63  }
0x47: {  	_ =	swait.ge [sflag:s26], $0x2800  }
0x48: {  	[sflag:s26] =	ssyncset.done $0x0  }
0x49: {  	[sflag:s26] =	ssyncadd.s32 $0xFFFFD800  }
0x4a: {  	[spmem:s11] =	stream.linear.scatter [tilespmem:s25], [sflag:$0x2], $0x2000, $0x38;
	[tilespmem:$0x16180] =	vst v63  }
0x4b: {  	_ =	swait.ge [sflag:s26], $0x2000  }
0x4c: {  	[sflag:s26] =	ssyncset.done $0x0  }
0x4d: {  	s13 =	simm.s32 @!p0 $0x13980;
	[sflag:s26] =	ssyncadd.s32 $0xFFFFE000  }
0x4e: {  	[spmem:s12] =	stream.linear.scatter @!p0 [tilespmem:s13], [sflag:$0x2], $0x800, $0x38;
	[tilespmem:$0x16180] =	vst v63  }
0x4f: {  	s13 =	simm.s32 @!p0 $0x2  }
0x50: {  	_ =	swait.ge @!p0 [sflag:s13], $0x800  }
0x51: {  	[sflag:s13] =	ssyncset.done @!p0 $0x0  }
0x52: {  	[sflag:s13] =	ssyncadd.s32 @!p0 $0xFFFFF800  }
0x53: {  	s16 =	sadd.s32 $0x0, s24;
	[bflag:$0x0] =	sbarrier.arrive $0xFFFF  }
0x54: {  	[tilespmem:s28], [sflag:$0x2] =	stream.linear.gather [hbm4b:s16+s2], $0x50, $0x38;
	[tilespmem:$0x16180] =	vst v63  }
0x55: {  	_ =	swait.ge [sflag:s26], $0x50  }
0x56: {  	[sflag:s26] =	ssyncset.done $0x0  }
0x57: {  	[sflag:s26] =	ssyncadd.s32 $0xFFFFFFB0  }
0x58: {  	[tilespmem:s25], [sflag:$0x1] =	stream.indirect.gather [hbm4b:s3+s29], $0x80, s28, s29, $0xb8;
	[tilespmem:$0x16180] =	vst v63  }
0x59: {  	_ =	swait.ge [sflag:s30], $0x2800  }
0x5a: {  	[sflag:s30] =	ssyncset.done $0x0  }
0x5b: {  	s17 =	sadd.s32 $0x0, s23;
	[sflag:s30] =	ssyncadd.s32 $0xFFFFD800  }
0x5c: {  	[tilespmem:s31], [sflag:$0x2] =	stream.linear.gather [hbm4b:s17+s2], $0x50, $0x38;
	[tilespmem:$0x16180] =	vst v63  }
0x5d: {  	_ =	swait.ge [sflag:s26], $0x50  }
0x5e: {  	[sflag:s26] =	ssyncset.done $0x0  }
0x5f: {  	[sflag:s26] =	ssyncadd.s32 $0xFFFFFFB0  }
0x60: {  	[spmem:s1] =	stream.indirect.scatter.add.f32 [tilespmem:s25], [sflag:$0x2], $0x80, s31, s29, $0xb8;
	[tilespmem:$0x16180] =	vst v63  }
0x61: {  	_ =	swait.ge [sflag:s26], $0x2800  }
0x62: {  	s14 =	simm.s32 $0x14;
	s13 =	simm.s32 $0xA;
	[sflag:s26] =	ssyncset.done $0x0  }
.LBB2_4:
0x63: {  	s15 =	sadd.s32 s13, s24  }
0x64: {  	[sflag:s26] =	ssyncadd.s32 $0xFFFFD800;
	s16 =	smov.u32 s14;
	s17 =	sadd.s32 $0xA, s14  }
0x65: {  	[tilespmem:s28], [sflag:$0x2] =	stream.linear.gather [hbm4b:s15+s2], $0x50, $0x38;
	[tilespmem:$0x16180] =	vst v63  }
0x66: {  	p1 =	sne.s32 s14, $0x4D8;
	_ =	swait.ge [sflag:s26], $0x50  }
0x67: {  	[sflag:s26] =	ssyncset.done $0x0  }
0x68: {  	[sflag:s26] =	ssyncadd.s32 $0xFFFFFFB0  }
0x69: {  	[tilespmem:s25], [sflag:$0x1] =	stream.indirect.gather [hbm4b:s3+s29], $0x80, s28, s29, $0xb8;
	[tilespmem:$0x16180] =	vst v63  }
0x6a: {  	_ =	swait.ge [sflag:s30], $0x2800  }
0x6b: {  	[sflag:s30] =	ssyncset.done $0x0  }
0x6c: {  	s14 =	sadd.s32 s13, s23;
	s13 =	smov.u32 s16;
	[sflag:s30] =	ssyncadd.s32 $0xFFFFD800  }
0x6d: {  	[tilespmem:s31], [sflag:$0x2] =	stream.linear.gather [hbm4b:s14+s2], $0x50, $0x38;
	[tilespmem:$0x16180] =	vst v63  }
0x6e: {  	_ =	swait.ge [sflag:s26], $0x50  }
.Ltmp1:
0x6f: {  	[sflag:s26] =	ssyncset.done $0x0;
	(pc) =	sbr.rel @p1 .LBB2_4-.Ltmp1, $4  }
0x70: {  	[sflag:s26] =	ssyncadd.s32 $0xFFFFFFB0  }
0x71: {  	[spmem:s1] =	stream.indirect.scatter.add.f32 [tilespmem:s25], [sflag:$0x2], $0x80, s31, s29, $0xb8;
	[tilespmem:$0x16180] =	vst v63  }
0x72: {  	_ =	swait.ge [sflag:s26], $0x2800  }
0x73: {  	s14 =	smov.u32 s17;
	[sflag:s26] =	ssyncset.done $0x0  }
0x74: {  	s14 =	sadd.s32 s13, s24;
	[sflag:s26] =	ssyncadd.s32 $0xFFFFD800  }
0x75: {  	[tilespmem:s28], [sflag:$0x2] =	stream.linear.gather [hbm4b:s14+s2], $0x50, $0x38;
	[tilespmem:$0x16180] =	vst v63  }
0x76: {  	_ =	swait.ge [sflag:s26], $0x50  }
0x77: {  	[sflag:s26] =	ssyncset.done $0x0  }
0x78: {  	[sflag:s26] =	ssyncadd.s32 $0xFFFFFFB0  }
0x79: {  	[tilespmem:s25], [sflag:$0x1] =	stream.indirect.gather [hbm4b:s3+s29], $0x80, s28, s29, $0xb8;
	[tilespmem:$0x16180] =	vst v63  }
0x7a: {  	_ =	swait.ge [sflag:s30], $0x2800  }
0x7b: {  	[sflag:s30] =	ssyncset.done $0x0  }
0x7c: {  	s16 =	sadd.s32 s13, s23;
	[sflag:s30] =	ssyncadd.s32 $0xFFFFD800  }
0x7d: {  	[tilespmem:s31], [sflag:$0x2] =	stream.linear.gather [hbm4b:s16+s2], $0x50, $0x38;
	[tilespmem:$0x16180] =	vst v63  }
0x7e: {  	_ =	swait.ge [sflag:s26], $0x50  }
0x7f: {  	[sflag:s26] =	ssyncset.done $0x0  }
0x80: {  	[sflag:s26] =	ssyncadd.s32 $0xFFFFFFB0  }
0x81: {  	[spmem:s1] =	stream.indirect.scatter.add.f32 [tilespmem:s25], [sflag:$0x2], $0x80, s31, s29, $0xb8;
	[tilespmem:$0x16180] =	vst v63  }
0x82: {  	_ =	swait.ge [sflag:s26], $0x2800  }
0x83: {  	[sflag:s26] =	ssyncset.done $0x0  }
0x84: {  	[sflag:s26] =	ssyncadd.s32 $0xFFFFD800  }
0x85: {  	[bflag:$0x0] =	sbarrier.arrive $0xFFFF  }
0x86: {  	[tilespmem:s25], [sflag:$0x2] =	stream.linear.gather [spmem:s4], $0x2800, $0x38;
	[tilespmem:$0x16180] =	vst v63  }
0x87: {  	_ =	swait.ge [sflag:s26], $0x2800  }
0x88: {  	[sflag:s26] =	ssyncset.done $0x0  }
0x89: {  	s17 =	rddreg [dreg:$0x3];
	[sflag:s26] =	ssyncadd.s32 $0xFFFFD800  }
0x8a: {  	[hbm4b:s17+s2] =	stream.linear.scatter [tilespmem:s25], [sflag:$0x2], $0x2800, $0x38;
	[tilespmem:$0x16180] =	vst v63  }
0x8b: {  	_ =	swait.ge [sflag:s26], $0x2800  }
0x8c: {  	[sflag:s26] =	ssyncset.done $0x0  }
0x8d: {  	[sflag:s26] =	ssyncadd.s32 $0xFFFFD800  }
0x8e: {  	[tilespmem:s25], [sflag:$0x2] =	stream.linear.gather [spmem:s5], $0x2800, $0x38;
	[tilespmem:$0x16180] =	vst v63  }
0x8f: {  	_ =	swait.ge [sflag:s26], $0x2800  }
0x90: {  	[sflag:s26] =	ssyncset.done $0x0  }
0x91: {  	s14 =	rddreg [dreg:$0x4];
	[sflag:s26] =	ssyncadd.s32 $0xFFFFD800  }
0x92: {  	[hbm4b:s14+s2] =	stream.linear.scatter [tilespmem:s25], [sflag:$0x2], $0x2800, $0x38;
	[tilespmem:$0x16180] =	vst v63  }
0x93: {  	_ =	swait.ge [sflag:s26], $0x2800  }
0x94: {  	[sflag:s26] =	ssyncset.done $0x0  }
0x95: {  	[sflag:s26] =	ssyncadd.s32 $0xFFFFD800  }
0x96: {  	[tilespmem:s25], [sflag:$0x2] =	stream.linear.gather [spmem:s6], $0x2800, $0x38;
	[tilespmem:$0x16180] =	vst v63  }
0x97: {  	_ =	swait.ge [sflag:s26], $0x2800  }
0x98: {  	[sflag:s26] =	ssyncset.done $0x0  }
0x99: {  	s15 =	rddreg [dreg:$0x5];
	[sflag:s26] =	ssyncadd.s32 $0xFFFFD800  }
0x9a: {  	[hbm4b:s15+s2] =	stream.linear.scatter [tilespmem:s25], [sflag:$0x2], $0x2800, $0x38;
	[tilespmem:$0x16180] =	vst v63  }
0x9b: {  	_ =	swait.ge [sflag:s26], $0x2800  }
0x9c: {  	[sflag:s26] =	ssyncset.done $0x0  }
0x9d: {  	[sflag:s26] =	ssyncadd.s32 $0xFFFFD800  }
0x9e: {  	[tilespmem:s25], [sflag:$0x2] =	stream.linear.gather [spmem:s7], $0x2800, $0x38;
	[tilespmem:$0x16180] =	vst v63  }
0x9f: {  	_ =	swait.ge [sflag:s26], $0x2800  }
0xa0: {  	[sflag:s26] =	ssyncset.done $0x0  }
0xa1: {  	s16 =	rddreg [dreg:$0x6];
	[sflag:s26] =	ssyncadd.s32 $0xFFFFD800  }
0xa2: {  	[hbm4b:s16+s2] =	stream.linear.scatter [tilespmem:s25], [sflag:$0x2], $0x2800, $0x38;
	[tilespmem:$0x16180] =	vst v63  }
0xa3: {  	_ =	swait.ge [sflag:s26], $0x2800  }
0xa4: {  	[sflag:s26] =	ssyncset.done $0x0  }
0xa5: {  	[sflag:s26] =	ssyncadd.s32 $0xFFFFD800  }
0xa6: {  	[tilespmem:s25], [sflag:$0x2] =	stream.linear.gather [spmem:s8], $0x2800, $0x38;
	[tilespmem:$0x16180] =	vst v63  }
0xa7: {  	_ =	swait.ge [sflag:s26], $0x2800  }
0xa8: {  	[sflag:s26] =	ssyncset.done $0x0  }
0xa9: {  	s17 =	rddreg [dreg:$0x7];
	[sflag:s26] =	ssyncadd.s32 $0xFFFFD800  }
0xaa: {  	[hbm4b:s17+s2] =	stream.linear.scatter [tilespmem:s25], [sflag:$0x2], $0x2800, $0x38;
	[tilespmem:$0x16180] =	vst v63  }
0xab: {  	_ =	swait.ge [sflag:s26], $0x2800  }
0xac: {  	[sflag:s26] =	ssyncset.done $0x0  }
0xad: {  	[sflag:s26] =	ssyncadd.s32 $0xFFFFD800  }
0xae: {  	[tilespmem:s25], [sflag:$0x2] =	stream.linear.gather [spmem:s9], $0x2800, $0x38;
	[tilespmem:$0x16180] =	vst v63  }
0xaf: {  	_ =	swait.ge [sflag:s26], $0x2800  }
0xb0: {  	[sflag:s26] =	ssyncset.done $0x0  }
0xb1: {  	[sflag:s26] =	ssyncadd.s32 $0xFFFFD800  }
0xb2: {  	[hbm4b:s18+s2] =	stream.linear.scatter [tilespmem:s25], [sflag:$0x2], $0x2800, $0x38;
	[tilespmem:$0x16180] =	vst v63  }
0xb3: {  	_ =	swait.ge [sflag:s26], $0x2800  }
0xb4: {  	[sflag:s26] =	ssyncset.done $0x0  }
0xb5: {  	[sflag:s26] =	ssyncadd.s32 $0xFFFFD800  }
0xb6: {  	[tilespmem:s25], [sflag:$0x2] =	stream.linear.gather [spmem:s10], $0x2800, $0x38;
	[tilespmem:$0x16180] =	vst v63  }
0xb7: {  	_ =	swait.ge [sflag:s26], $0x2800  }
0xb8: {  	[sflag:s26] =	ssyncset.done $0x0  }
0xb9: {  	[sflag:s26] =	ssyncadd.s32 $0xFFFFD800  }
0xba: {  	[hbm4b:s19+s2] =	stream.linear.scatter [tilespmem:s25], [sflag:$0x2], $0x2800, $0x38;
	[tilespmem:$0x16180] =	vst v63  }
0xbb: {  	_ =	swait.ge [sflag:s26], $0x2800  }
0xbc: {  	[sflag:s26] =	ssyncset.done $0x0  }
0xbd: {  	[sflag:s26] =	ssyncadd.s32 $0xFFFFD800  }
0xbe: {  	[tilespmem:s25], [sflag:$0x2] =	stream.linear.gather [spmem:s11], $0x2000, $0x38;
	[tilespmem:$0x16180] =	vst v63  }
0xbf: {  	_ =	swait.ge [sflag:s26], $0x2000  }
0xc0: {  	[sflag:s26] =	ssyncset.done $0x0  }
0xc1: {  	[sflag:s26] =	ssyncadd.s32 $0xFFFFE000  }
0xc2: {  	[hbm4b:s20+s2] =	stream.linear.scatter [tilespmem:s25], [sflag:$0x2], $0x2000, $0x38;
	[tilespmem:$0x16180] =	vst v63  }
0xc3: {  	_ =	swait.ge [sflag:s26], $0x2000  }
0xc4: {  	[sflag:s26] =	ssyncset.done $0x0  }
0xc5: {  	s13 =	simm.s32 @!p0 $0x13980;
	s14 =	simm.s32 @!p0 $0x2;
	[sflag:s26] =	ssyncadd.s32 $0xFFFFE000  }
0xc6: {  	[tilespmem:s13], [sflag:$0x2] =	stream.linear.gather @!p0 [spmem:s12], $0x800, $0x38;
	[tilespmem:$0x16180] =	vst v63  }
0xc7: {  	s0 =	sadd.s32 $0x1, s0;
	_ =	swait.ge @!p0 [sflag:s14], $0x800  }
0xc8: {  	p1 =	sne.s32 s0, s22;
	[sflag:s14] =	ssyncset.done @!p0 $0x0  }
.Ltmp2:
0xc9: {  	s15 =	simm.s32 @!p0 $0x0;
	[sflag:s14] =	ssyncadd.s32 @!p0 $0xFFFFF800;
	(pc) =	sbr.rel @p1 .LBB2_1-.Ltmp2, $4  }
0xca: {  	[hbm4b:s21+s15] =	stream.linear.scatter @!p0 [tilespmem:s13], [sflag:$0x2], $0x800, $0x38;
	[tilespmem:$0x16180] =	vst v63  }
0xcb: {  	_ =	swait.ge @!p0 [sflag:s14], $0x800  }
0xcc: {  	[sflag:s14] =	ssyncset.done @!p0 $0x0  }
0xcd: {  	[sflag:s14] =	ssyncadd.s32 @!p0 $0xFFFFF800  }
0xce: {  	_ =	sfence.sel $0x180000  }
0xcf: {  	[bflag:$0x0] =	sbarrier.arrive $0xFFFF  }
0xd0: {  	_ =	strace $0x9000004A  }
0xd1: {  	[bflag:$0x2] =	sbarrier.arrive $0xFFFF  }
0xd2: {  	s0 =	rddreg [dreg:$0x2]  }
0xd3: {  	s0 =	sadd.s32 @!p0 $0x100000, s0  }
0xd4: {  	[sflag:s0] =	ssyncadd.tile.s32 @!p0 $0x1;
	_ =	shalt  }
.Lfunc_end2:
_tile_overlayer_lowered:
.L_overlay_start_2:
0xd5: {  	(tag) =	ssettag $0x2  }
0xd6: {  	s0 =	rddreg [dreg:$0x0];
	s2 =	stileid.u32  }
0xd7: {  	s1 =	rddreg [dreg:$0x1];
	p0 =	sne.s32 s2, $0x0  }
0xd8: {  	s3 =	rddreg [dreg:$0x2];
	[bflag:$0x3] =	sbarrier.arrive $0xFFFF;
	s2 =	simm.s32 @!p0 $0x1C02  }
0xd9: {  	[timem:s3], [sflag:s2] =	dma.local @!p0 [hbm:s0], s1  }
0xda: {  	s0 =	simm.s32 @!p0 $0x2  }
0xdb: {  	_ =	swait.ge @!p0 [sflag:s0], s1  }
0xdc: {  	s1 =	ssub.s32 @!p0 $0x0, s1;
	[sflag:s0] =	ssyncset.done @!p0 $0x0  }
0xdd: {  	[sflag:s0] =	ssyncadd.s32 @!p0 s1  }
0xde: {  	[bflag:$0x3] =	sbarrier.arrive $0xFFFF  }
0xdf: {  	_ =	shalt  }

// kernel: kernel.7.cloned.1.call-start
scs
__scs_entry_jumppad:
0x0: {  	(pc) =	sbr.rel $0x88, $3  }
0x1: {  	(tag) =	ssettag $0x0;
	lr =	simm.s32 $0x1  }
0x2: {  	[smem:$0x3F97] =	sst lr;
	_ =	strace $0xD0000000  }
0x3: {  	_ = 	snop  }
0x4: {  	_ = 	snop  }
0x5: {  	_ = 	snop  }
0x6: {  	_ = 	snop  }
0x7: {  	_ = 	snop  }
__scs_overlays_trampoline_lowered:
0x8: {  	[smem:$0x3FA6] =	sst s0  }
0x9: {  	[smem:$0x3FA7] =	sst s1  }
0xa: {  	[smem:$0x3FA8] =	sst s2  }
0xb: {  	[smem:$0x3FA9] =	sst s3  }
0xc: {  	[smem:$0x3FAA] =	sst s4  }
0xd: {  	[smem:$0x3FAB] =	sst s5  }
0xe: {  	[smem:$0x3FAC] =	sst s6  }
0xf: {  	[smem:$0x3FAD] =	sst s7  }
0x10: {  	[smem:$0x3FAE] =	sst s8  }
0x11: {  	[smem:$0x3FAF] =	sst s9;
	s0 =	simm.s32 @!p0 $0x0  }
0x12: {  	s1 =	sld [smem:$0x3F95];
	s0 =	simm.s32 @p0 $0x1  }
0x13: {  	[smem:$0x3FB0] =	sst s0;
	s0 =	simm.s32 @!p1 $0x0  }
0x14: {  	s2 =	sld [smem:$0x3F94];
	s0 =	simm.s32 @p1 $0x1  }
0x15: {  	[smem:$0x3FB1] =	sst s0;
	s0 =	simm.s32 @!p2 $0x0  }
0x16: {  	s3 =	sld [smem:$0x3FDB];
	s0 =	simm.s32 @p2 $0x1  }
0x17: {  	s4 =	simm.s32 $0x1BF5;
	[smem:$0x3FB3] =	sst s0  }
0x18: {  	s0 =	sld [smem:$0x3F96];
	_ =	swait.ge [sflag:s4], $0x0  }
0x19: {  	s7 =	sld [smem:$0x3F97]  }
0x1a: {  	s8 =	sadd.s32 $0xFFFFE003, lr  }
0x1b: {  	s9 =	sadd.s32 $0xFFFFFEF7, lr;
	s5 =	simm.s32 $0xFFFFFFFF;
	p2 =	slt.u32 s8, $0xFFFFF086  }
0x1c: {  	p1 =	slt.u32 s9, $0xF7A;
	s5 =	simm.s32 @!p2 $0x0  }
0x1d: {  	s5 =	simm.s32 @p1 $0x1;
	p0 =	seq.s32 s7, s2  }
0x1e: {  	s7 =	smul.u32 @!p0 $0xF7A, s2;
	p2 =	seq.s32 @!p0 s5, $0x0  }
0x1f: {  	s9 =	smul.u32 $0xF7A, s1;
	s8 =	simm.s32 @!p0 $0x1BF5;
	p2 =	por !p2, p0  }
0x20: {  	[sflag:s8] =	ssyncset.s32 @!p0 $0xFFFFF086;
	s6 =	sadd.s32 @!p0 s3, s7;
	s7 =	simm.s32 @!p0 $0x108  }
0x21: {  	s3 =	sadd.s32 s3, s9;
	s6 =	sadd.s32 @!p0 $0x88, s6;
	s7 =	simm.s32 @p2 $0x1082  }
0x22: {  	[simem:s7], [sflag:s8] =	dma.local @!p0 [hbm:s6], $0xF7A  }
0x23: {  	s9 =	sor.u32 $0xD0000000, s2;
	s6 =	simm.s32 $0x108;
	_ =	swait.ge @!p0 [sflag:s8], $0x0  }
0x24: {  	s3 =	sadd.s32 $0x88, s3;
	s6 =	simm.s32 @!p1 $0x1082;
	[sflag:s4] =	ssyncset.s32 $0xFFFFF086  }
0x25: {  	[simem:s6], [sflag:s4] =	dma.local [hbm:s3], $0xF7A  }
0x26: {  	[smem:$0x3F97] =	sst s1;
	(tag) =	ssettag s2;
	_ =	strace s9  }
0x27: {  	s1 =	sld [smem:$0x3FA7]  }
0x28: {  	s2 =	sld [smem:$0x3FA8]  }
0x29: {  	s4 =	sld [smem:$0x3FAA]  }
0x2a: {  	p0 =	seq.s32 s5, $0x0;
	s5 =	sld [smem:$0x3FAB]  }
0x2b: {  	s6 =	sld [smem:$0x3FAC]  }
0x2c: {  	s7 =	sld [smem:$0x3FAD]  }
0x2d: {  	s3 =	simm.s32 $0x108;
	s8 =	sld [smem:$0x3FAE]  }
0x2e: {  	s3 =	simm.s32 @!p0 $0x1082;
	s9 =	sld [smem:$0x3FAF]  }
0x2f: {  	lr =	sadd.s32 s0, s3;
	s0 =	sld [smem:$0x3FA6]  }
0x30: {  	s3 =	sld [smem:$0x3FA9]  }
0x31: {  	[smem:$0x3FB2] =	sst s10  }
0x32: {  	s10 =	sld [smem:$0x3FB0];
	_ =	sdelay $0x3  }
0x33: {  	p0 =	seq.s32 s10, $0x1;
	s10 =	sld [smem:$0x3FB2];
	_ =	sdelay $0x3  }
0x34: {  	[smem:$0x3FB2] =	sst s10  }
0x35: {  	s10 =	sld [smem:$0x3FB1];
	_ =	sdelay $0x3  }
0x36: {  	p1 =	seq.s32 s10, $0x1;
	s10 =	sld [smem:$0x3FB2];
	_ =	sdelay $0x3  }
0x37: {  	[smem:$0x3FB2] =	sst s10  }
0x38: {  	s10 =	sld [smem:$0x3FB3]  }
0x39: {  	_ = 	snop;
	(pc) =	sbr.ind lr, $3  }
0x3a: {  	_ = 	snop  }
0x3b: {  	_ = 	snop  }
0x3c: {  	p2 =	seq.s32 s10, $0x1;
	s10 =	sld [smem:$0x3FB2]  }
0x3d: {  	_ =	shalt  }
0x3e: {  	_ =	shalt  }
0x3f: {  	_ =	shalt  }
0x40: {  	_ =	shalt  }
0x41: {  	_ =	shalt  }
0x42: {  	_ =	shalt  }
0x43: {  	_ =	shalt  }
0x44: {  	_ =	shalt  }
0x45: {  	_ =	shalt  }
0x46: {  	_ =	shalt  }
0x47: {  	_ =	shalt  }
0x48: {  	_ =	shalt  }
0x49: {  	_ =	shalt  }
0x4a: {  	_ =	shalt  }
0x4b: {  	_ =	shalt  }
0x4c: {  	_ =	shalt  }
0x4d: {  	_ =	shalt  }
0x4e: {  	_ =	shalt  }
0x4f: {  	_ =	shalt  }
0x50: {  	_ =	shalt  }
0x51: {  	_ =	shalt  }
0x52: {  	_ =	shalt  }
0x53: {  	_ =	shalt  }
0x54: {  	_ =	shalt  }
0x55: {  	_ =	shalt  }
0x56: {  	_ =	shalt  }
0x57: {  	_ =	shalt  }
0x58: {  	_ =	shalt  }
0x59: {  	_ =	shalt  }
0x5a: {  	_ =	shalt  }
0x5b: {  	_ =	shalt  }
0x5c: {  	_ =	shalt  }
0x5d: {  	_ =	shalt  }
0x5e: {  	_ =	shalt  }
0x5f: {  	_ =	shalt  }
0x60: {  	_ =	shalt  }
0x61: {  	_ =	shalt  }
0x62: {  	_ =	shalt  }
0x63: {  	_ =	shalt  }
0x64: {  	_ =	shalt  }
0x65: {  	_ =	shalt  }
0x66: {  	_ =	shalt  }
0x67: {  	_ =	shalt  }
0x68: {  	_ =	shalt  }
0x69: {  	_ =	shalt  }
0x6a: {  	_ =	shalt  }
0x6b: {  	_ =	shalt  }
0x6c: {  	_ =	shalt  }
0x6d: {  	_ =	shalt  }
0x6e: {  	_ =	shalt  }
0x6f: {  	_ =	shalt  }
0x70: {  	_ =	shalt  }
0x71: {  	_ =	shalt  }
0x72: {  	_ =	shalt  }
0x73: {  	_ =	shalt  }
0x74: {  	_ =	shalt  }
0x75: {  	_ =	shalt  }
0x76: {  	_ =	shalt  }
0x77: {  	_ =	shalt  }
0x78: {  	_ =	shalt  }
0x79: {  	_ =	shalt  }
0x7a: {  	_ =	shalt  }
0x7b: {  	_ =	shalt  }
0x7c: {  	_ =	shalt  }
0x7d: {  	_ =	shalt  }
0x7e: {  	_ =	shalt  }
0x7f: {  	_ =	shalt  }
0x80: {  	_ =	shalt  }
0x81: {  	_ =	shalt  }
0x82: {  	_ =	shalt  }
0x83: {  	_ =	shalt  }
0x84: {  	_ =	shalt  }
0x85: {  	_ =	shalt  }
0x86: {  	_ =	shalt  }
0x87: {  	_ =	shalt  }
.Lfunc_end0:
.L_simem_size_0:
called_computation_lowered:
.L_overlay_start_0:
0x88: {  	s2 =	sld [smem:$0x3FD9]  }
0x89: {  	s3 =	sld [smem:$0x3FFE];
	_ =	sdelay $0x1  }
0x8a: {  	s1 =	srdreg.scid  }
0x8b: {  	s0 =	sand.u32 $0x1, s1  }
0x8c: {  	s17 =	sshll.u32 s0, $0xA;
	s2 =	sadd.s32 s3, s2  }
0x8d: {  	s2 =	sadd.s32 s2, s17  }
0x8e: {  	[smem:$0x3FBE] =	sst s2  }
0x8f: {  	_ = 	snop  }
0x90: {  	s2 =	sld [smem:$0x3FD0];
	(tm) =	ssettm $0x1  }
0x91: {  	s18 =	sld [smem:$0x3FFB];
	_ =	sdelay $0x3  }
0x92: {  	_ =	strace s18  }
0x93: {  	s3 =	sld [smem:$0x3FFC];
	_ =	sdelay $0x3  }
0x94: {  	_ =	strace s3  }
0x95: {  	s3 =	sld [smem:$0x3FFD];
	_ =	sdelay $0x3  }
0x96: {  	_ =	strace s3  }
0x97: {  	_ =	strace $0x8FFFFFFF  }
0x98: {  	s19 =	sld [smem:$0x3FDB];
	_ =	sdelay $0x1  }
0x99: {  	s4 =	simm.s32 $_scs_section_size  }
0x9a: {  	s5 =	simm.s32 $_size__tile_overlayer_lowered;
	s6 =	simm.s32 $_tile_overlayer_lowered  }
0x9b: {  	s22 =	simm.s32 $0x1BFF;
	s21 =	sshll.u32 s6, $0x1;
	s3 =	sadd.s32 s4, s19  }
0x9c: {  	s7 =	simm.s32 $0x0;
	s20 =	sshll.u32 s5, $0x1;
	s5 =	sadd.s32 s21, s3  }
0x9d: {  	[timem:s7], [sflag:s22] =	dma.local [hbm:s5], s20  }
0x9e: {  	_ =	swait.ge [sflag:s22], s20  }
0x9f: {  	s4 =	ssub.s32 $0x0, s20;
	[sflag:s22] =	ssyncset.done $0x0  }
0xa0: {  	[sflag:s22] =	ssyncadd.s32 s4;
	_ =	sdelay $0x1  }
0xa1: {  	s23 =	simm.s32 $0x1B8B  }
0xa2: {  	_ =	swait.ge [sflag:s23], $0x1  }
0xa3: {  	[sflag:s23] =	ssyncset.done $0x0  }
0xa4: {  	s25 =	simm.s32 $0x1B8E;
	s24 =	sld [smem:$0x3FFE];
	[sflag:s23] =	ssyncadd.s32 $0xFFFFFFFF  }
0xa5: {  	s26 =	simm.s32 $execute0_lowered;
	[smem:$0x3FD2] =	sst s25  }
0xa6: {  	s5 =	sshll.u32 s26, $0x1;
	_ =	strace $0x80000046;
	[dreg:$0x1] =	wrdreg $0xFFFFFFFF  }
0xa7: {  	s28 =	simm.s32 $_size_execute0_lowered;
	s3 =	sadd.s32 s3, s5;
	[dreg:$0x0] =	wrdreg $0x0  }
0xa8: {  	s5 =	sshll.u32 s28, $0x1;
	[dreg:$0x2] =	wrdreg s3  }
0xa9: {  	[dreg:$0x3] =	wrdreg s5  }
0xaa: {  	[dreg:$0x4] =	wrdreg $0xC0  }
0xab: {  	_ =	task [dreg:s7], $0x5FFFF  }
0xac: {  	[dreg:$0x1] =	wrdreg $0xFFFFFFFF  }
0xad: {  	[dreg:$0x0] =	wrdreg $0x60  }
0xae: {  	[dreg:$0x2] =	wrdreg s2  }
0xaf: {  	[dreg:$0x3] =	wrdreg s24  }
0xb0: {  	[dreg:$0x4] =	wrdreg $0x0  }
0xb1: {  	[dreg:$0x5] =	wrdreg $0x161800  }
0xb2: {  	[dreg:$0x6] =	wrdreg $0x9  }
0xb3: {  	_ =	task.clear_ibuf [dreg:s7], $0x7FFFF;
	_ =	strace $0x90000046  }
0xb4: {  	s29 =	simm.s32 $0x9;
	_ =	strace $0x80000048  }
0xb5: {  	_ =	swait.ge [sflag:s29], $0x1  }
0xb6: {  	[sflag:s29] =	ssyncadd.s32 $0xFFFFFFFF  }
0xb7: {  	_ =	strace $0x90000048  }
0xb8: {  	_ =	sfence  }
0xb9: {  	s30 =	sld [smem:$0x0];
	_ =	sdelay $0x2  }
0xba: {  	s31 =	sshll.u32 s1, $0xD;
	s1 =	sshrl.u32 s1, $0x2  }
0xbb: {  	s3 =	sand.u32 $0x4000, s31;
	s1 =	sadd.s32 s1, s30  }
0xbc: {  	s0 =	sor.u32 s3, s0;
	s1 =	sshll.u32 s1, $0x11  }
0xbd: {  	s0 =	sor.u32 s1, s0  }
0xbe: {  	s0 =	sadd.s32 $0x8F2B, s0  }
0xbf: {  	[sflag:s0] =	ssyncadd.remote.s32 $0x1  }
0xc0: {  	_ =	sfence.sel $0xFFFF  }
0xc1: {  	[dreg:$0x0] =	wrdreg $0xFFFFFFFF;
	(pc) =	sbr.abs _section_cstart, $3  }
0xc2: {  	[dreg:$0x1] =	wrdreg $0xFFFFFFFF  }
0xc3: {  	_ =	task.clear_ibuf [dreg:s7], $0x2FFFF;
	_ =	strace $0x9FFFFFFF  }
0xc4: {  	(tm) =	ssettm $0x7FFFFFFF  }
0xc5: {  	_ =	shalt  }
tec
execute0_lowered:
.L_overlay_start_1:
0x0: {  	(tag) =	ssettag $0x1  }
0x1: {  	s4 =	stileid.u32  }
0x2: {  	s0 =	srdreg.scid;
	s21 =	smul.u32 $0x4E20, s4  }
0x3: {  	s10 =	rddreg [dreg:$0x1];
	s1 =	smul.u32 $0x270, s4  }
0x4: {  	s5 =	sand.u32 $0x1, s0;
	s12 =	sadd.s32 $0x16600, s10;
	s16 =	smul.u32 $0x13800, s4  }
0x5: {  	p0 =	sne.s32 s4, $0x0;
	s11 =	smul.u32 $0x2710, s5;
	s2 =	ssub.s32 $0x2, s5  }
0x6: {  	s14 =	smul.u32 $0x138800, s5;
	s22 =	sshrl.u32 s2, $0x1;
	s24 =	sadd.s32 $0x50, s1  }
0x7: {  	s3 =	sadd.s32 $0xA0, s1;
	s5 =	sadd.s32 $0xF0, s1;
	s28 =	sadd.s32 $0x140, s1  }
0x8: {  	s7 =	sadd.s32 $0x190, s1;
	s9 =	sadd.s32 $0x1E0, s1;
	s31 =	sadd.s32 $0x230, s1  }
0x9: {  	s8 =	sadd.s32 s11, s21;
	s0 =	ssub.s32 s2, s22;
	s13 =	sshll.u32 s24, $0x7  }
0xa: {  	s15 =	sshll.u32 s3, $0x7;
	s17 =	sshll.u32 s5, $0x7;
	s18 =	sshll.u32 s28, $0x7  }
0xb: {  	s20 =	sshll.u32 s7, $0x7;
	s16 =	sadd.s32 s16, s14;
	s21 =	sshll.u32 s9, $0x7  }
0xc: {  	[dreg:$0x1f] =	wrdreg s0;
	s16 =	sshrl.u32 s16, $0x3;
	s19 =	sadd.s32 s14, s13  }
0xd: {  	s2 =	sadd.s32 s14, s15;
	s6 =	sadd.s32 s14, s17;
	s22 =	sadd.s32 s14, s18  }
0xe: {  	s23 =	sadd.s32 s12, s16;
	s25 =	sshrl.u32 s19, $0x3;
	s16 =	sshrl.u32 s2, $0x3  }
0xf: {  	s19 =	sshrl.u32 s6, $0x3;
	s2 =	sadd.s32 s14, s20;
	s6 =	sadd.s32 s14, s21  }
0x10: {  	[dreg:$0x5] =	wrdreg s23;
	s26 =	sadd.s32 s12, s25;
	s16 =	sadd.s32 s12, s16  }
0x11: {  	s23 =	sadd.s32 s12, s19;
	s25 =	sshrl.u32 s22, $0x3;
	[dreg:$0x6] =	wrdreg s26  }
0x12: {  	s19 =	sshrl.u32 s2, $0x3;
	s22 =	sshrl.u32 s6, $0x3;
	[dreg:$0x7] =	wrdreg s16  }
0x13: {  	s2 =	sshrl.u32 s8, $0x3;
	s8 =	simm.s32 $0x0;
	[dreg:$0x8] =	wrdreg s23  }
0x14: {  	s6 =	sadd.s32 s1, s11;
	s26 =	sadd.s32 s12, s25;
	[smem:$0x7FF] =	sst s8  }
0x15: {  	s16 =	sshll.u32 s31, $0x7;
	s19 =	sadd.s32 s12, s19;
	[dreg:$0x9] =	wrdreg s26  }
0x16: {  	s25 =	sadd.s32 s12, s22;
	s0 =	sadd.s32 s2, s10;
	[dreg:$0xa] =	wrdreg s19  }
0x17: {  	s22 =	sadd.s32 s11, s31;
	s23 =	sadd.s32 s14, s16;
	[dreg:$0xb] =	wrdreg s25  }
0x18: {  	s14 =	sshrl.u32 s14, $0x3;
	s19 =	sadd.s32 $0x64800, s10;
	s23 =	sshrl.u32 s23, $0x3  }
0x19: {  	s10 =	rddreg [dreg:$0x0];
	s26 =	sadd.s32 s12, s23;
	s12 =	sadd.s32 s12, s14  }
0x1a: {  	s14 =	sshrl.u32 s6, $0x3;
	s23 =	sshrl.u32 s11, $0x3;
	s11 =	rddreg [dreg:$0x2]  }
0x1b: {  	[dreg:$0xc] =	wrdreg s26;
	s6 =	sadd.s32 s19, s14;
	s14 =	sshrl.u32 s22, $0x3  }
0x1c: {  	s26 =	smul.u32 $0x4E000, s4;
	s2 =	sadd.s32 s19, s23;
	s22 =	sadd.s32 s15, s11  }
0x1d: {  	s23 =	sadd.s32 s17, s11;
	s25 =	sadd.s32 s19, s14;
	s14 =	rddreg [dreg:$0x3]  }
0x1e: {  	s20 =	sadd.s32 s20, s11;
	s19 =	sadd.s32 s13, s11;
	[dreg:$0xe] =	wrdreg s25  }
0x1f: {  	s21 =	sadd.s32 s21, s11;
	_ =	strace $0x80000047;
	[dreg:$0x10] =	wrdreg s19  }
0x20: {  	s12 =	sadd.s32 $0x27000, s12;
	s13 =	sadd.s32 $0x4E0, s2;
	[dreg:$0x11] =	wrdreg s22  }
0x21: {  	s2 =	sadd.s32 $0x2A00, s0;
	s25 =	sadd.s32 s18, s11;
	[dreg:$0x12] =	wrdreg s23  }
0x22: {  	s17 =	sadd.s32 $0x14, s6;
	s1 =	sadd.s32 s1, s14;
	[dreg:$0x13] =	wrdreg s25  }
0x23: {  	s26 =	sshrl.u32 s26, $0x2;
	s24 =	sadd.s32 s24, s14;
	[dreg:$0x15] =	wrdreg s1  }
0x24: {  	s28 =	sadd.s32 s28, s14;
	s29 =	sadd.s32 s7, s14;
	[dreg:$0x16] =	wrdreg s12  }
0x25: {  	s30 =	sadd.s32 s9, s14;
	s31 =	sadd.s32 s31, s14;
	[dreg:$0x17] =	wrdreg s13  }
0x26: {  	s18 =	sadd.s32 $0x1E, s6;
	s7 =	simm.s32 $0x2;
	[dreg:$0x1a] =	wrdreg s17  }
0x27: {  	s9 =	simm.s32 $0x13900;
	s4 =	sadd.s32 s26, s11;
	[dreg:$0x1b] =	wrdreg s18  }
0x28: {  	s26 =	sadd.s32 s16, s11;
	s25 =	sadd.s32 s3, s14;
	[dreg:$0xd] =	wrdreg s6  }
0x29: {  	s3 =	sadd.s32 $0xC800, s0;
	s16 =	sadd.s32 $0xA, s6;
	[dreg:$0xf] =	wrdreg s4  }
0x2a: {  	s19 =	sadd.s32 $0x28, s6;
	s22 =	sadd.s32 $0x32, s6;
	[dreg:$0x14] =	wrdreg s26  }
0x2b: {  	s23 =	sadd.s32 $0x3C, s6;
	s6 =	simm.s32 $0x13980;
	s15 =	rddreg [dreg:$0x1f]  }
0x2c: {  	s13 =	simm.s32 $0x16478;
	s12 =	simm.s32 $0x13880;
	[dreg:$0x19] =	wrdreg s16  }
0x2d: {  	s0 =	simm.s32 $0x50;
	s26 =	sadd.s32 s5, s14;
	[dreg:$0x1c] =	wrdreg s19  }
0x2e: {  	s4 =	sadd.s32 $0x138000, s11;
	s5 =	sadd.s32 $0x2700, s14;
	[dreg:$0x1d] =	wrdreg s22  }
0x2f: {  	[dreg:$0x1e] =	wrdreg s23;
	s16 =	simm.s32 $0x0;
	s1 =	smax.u32 s15, $0x1  }
0x30: {  	v0 =	vimm.f32 $0.0e+00;
	v1 =	vimm.f32 $1.000000000e+00;
	s15 =	simm.s32 $0x163F8;
	[dreg:$0x18] =	wrdreg s1;
	s1 =	simm.s32 $0x1  }
.LBB2_1:
0x31: {  	s17 =	simm.s32 $0x0;
	s18 =	simm.s32 $0x200  }
.LBB2_2:
0x32: {  	p1 =	sne.s32 s18, $0x9E00;
	[tilespmem:s17+$0x139F0] =	vst v0  }
0x33: {  	[tilespmem:s17+$0x13980] =	vst v0  }
0x34: {  	[tilespmem:s17+$0x13990] =	vst v0  }
.Ltmp0:
0x35: {  	[tilespmem:s17+$0x139A0] =	vst v0;
	(pc) =	sbr.rel @p1 .LBB2_2-.Ltmp0, $4  }
0x36: {  	[tilespmem:s17+$0x139B0] =	vst v0  }
0x37: {  	[tilespmem:s17+$0x139C0] =	vst v0  }
0x38: {  	[tilespmem:s17+$0x139D0] =	vst v0  }
0x39: {  	[tilespmem:s17+$0x139E0] =	vst v0;
	s17 =	sshra.s32 s18, $0x2;
	s18 =	sadd.s32 $0x200, s18  }
0x3a: {  	[tilespmem:s17+$0x139F0] =	vst v0  }
0x3b: {  	[tilespmem:s17+$0x13980] =	vst v0  }
0x3c: {  	[tilespmem:s17+$0x13990] =	vst v0  }
0x3d: {  	[tilespmem:s17+$0x139A0] =	vst v0  }
0x3e: {  	[tilespmem:s17+$0x139B0] =	vst v0  }
0x3f: {  	[tilespmem:s17+$0x139C0] =	vst v0  }
0x40: {  	[tilespmem:s17+$0x139D0] =	vst v0  }
0x41: {  	[tilespmem:s17+$0x139E0] =	vst v0;
	s23 =	rddreg [dreg:$0xf]  }
0x42: {  	[spmem:s23] =	stream.linear.scatter [tilespmem:s6], [sflag:$0x2], $0x2800, $0x38;
	[tilespmem:$0x164F8] =	vst v63  }
0x43: {  	_ =	swait.ge [sflag:s7], $0x2800  }
0x44: {  	[sflag:s7] =	ssyncset.done $0x0  }
0x45: {  	s18 =	rddreg [dreg:$0x10];
	[sflag:s7] =	ssyncadd.s32 $0xFFFFD800  }
0x46: {  	[spmem:s18] =	stream.linear.scatter [tilespmem:s6], [sflag:$0x2], $0x2800, $0x38;
	[tilespmem:$0x164F8] =	vst v63  }
0x47: {  	_ =	swait.ge [sflag:s7], $0x2800  }
0x48: {  	[sflag:s7] =	ssyncset.done $0x0  }
0x49: {  	s19 =	rddreg [dreg:$0x11];
	[sflag:s7] =	ssyncadd.s32 $0xFFFFD800  }
0x4a: {  	[spmem:s19] =	stream.linear.scatter [tilespmem:s6], [sflag:$0x2], $0x2800, $0x38;
	[tilespmem:$0x164F8] =	vst v63  }
0x4b: {  	_ =	swait.ge [sflag:s7], $0x2800  }
0x4c: {  	[sflag:s7] =	ssyncset.done $0x0  }
0x4d: {  	s22 =	rddreg [dreg:$0x12];
	[sflag:s7] =	ssyncadd.s32 $0xFFFFD800  }
0x4e: {  	[spmem:s22] =	stream.linear.scatter [tilespmem:s6], [sflag:$0x2], $0x2800, $0x38;
	[tilespmem:$0x164F8] =	vst v63  }
0x4f: {  	_ =	swait.ge [sflag:s7], $0x2800  }
0x50: {  	[sflag:s7] =	ssyncset.done $0x0  }
0x51: {  	s23 =	rddreg [dreg:$0x13];
	[sflag:s7] =	ssyncadd.s32 $0xFFFFD800  }
0x52: {  	[spmem:s23] =	stream.linear.scatter [tilespmem:s6], [sflag:$0x2], $0x2800, $0x38;
	[tilespmem:$0x164F8] =	vst v63  }
0x53: {  	_ =	swait.ge [sflag:s7], $0x2800  }
0x54: {  	[sflag:s7] =	ssyncset.done $0x0  }
0x55: {  	[sflag:s7] =	ssyncadd.s32 $0xFFFFD800  }
0x56: {  	[spmem:s20] =	stream.linear.scatter [tilespmem:s6], [sflag:$0x2], $0x2800, $0x38;
	[tilespmem:$0x164F8] =	vst v63  }
0x57: {  	_ =	swait.ge [sflag:s7], $0x2800  }
0x58: {  	[sflag:s7] =	ssyncset.done $0x0  }
0x59: {  	[sflag:s7] =	ssyncadd.s32 $0xFFFFD800  }
0x5a: {  	[spmem:s21] =	stream.linear.scatter [tilespmem:s6], [sflag:$0x2], $0x2800, $0x38;
	[tilespmem:$0x164F8] =	vst v63  }
0x5b: {  	_ =	swait.ge [sflag:s7], $0x2800  }
0x5c: {  	[sflag:s7] =	ssyncset.done $0x0  }
0x5d: {  	s18 =	rddreg [dreg:$0x14];
	[sflag:s7] =	ssyncadd.s32 $0xFFFFD800  }
0x5e: {  	[spmem:s18] =	stream.linear.scatter [tilespmem:s6], [sflag:$0x2], $0x2000, $0x38;
	[tilespmem:$0x164F8] =	vst v63  }
0x5f: {  	_ =	swait.ge [sflag:s7], $0x2000  }
0x60: {  	[sflag:s7] =	ssyncset.done $0x0  }
0x61: {  	[sflag:s7] =	ssyncadd.s32 $0xFFFFE000  }
0x62: {  	[tilespmem:$0x163F8] =	vst v1  }
0x63: {  	[tilespmem:$0x16478] =	vst v0  }
0x64: {  	[tilespmem:$0x16408] =	vst v1  }
0x65: {  	[tilespmem:$0x16488] =	vst v0  }
0x66: {  	[tilespmem:$0x16418] =	vst v1  }
0x67: {  	[tilespmem:$0x16498] =	vst v0  }
0x68: {  	[tilespmem:$0x16428] =	vst v1  }
0x69: {  	[tilespmem:$0x164A8] =	vst v0  }
0x6a: {  	[tilespmem:$0x16438] =	vst v1  }
0x6b: {  	s19 =	rddreg [dreg:$0x15];
	[tilespmem:$0x164B8] =	vst v0  }
0x6c: {  	[spmem:s19] =	stream.linear.scatter [tilespmem:s13], [sflag:$0x2], $0x50, $0x38;
	[tilespmem:$0x164F8] =	vst v63  }
0x6d: {  	_ =	swait.ge [sflag:s7], $0x50  }
0x6e: {  	[sflag:s7] =	ssyncset.done $0x0  }
0x6f: {  	[sflag:s7] =	ssyncadd.s32 $0xFFFFFFB0  }
0x70: {  	[spmem:s24] =	stream.linear.scatter [tilespmem:s13], [sflag:$0x2], $0x50, $0x38;
	[tilespmem:$0x164F8] =	vst v63  }
0x71: {  	_ =	swait.ge [sflag:s7], $0x50  }
0x72: {  	[sflag:s7] =	ssyncset.done $0x0  }
0x73: {  	[sflag:s7] =	ssyncadd.s32 $0xFFFFFFB0  }
0x74: {  	[spmem:s25] =	stream.linear.scatter [tilespmem:s13], [sflag:$0x2], $0x50, $0x38;
	[tilespmem:$0x164F8] =	vst v63  }
0x75: {  	_ =	swait.ge [sflag:s7], $0x50  }
0x76: {  	[sflag:s7] =	ssyncset.done $0x0  }
0x77: {  	[sflag:s7] =	ssyncadd.s32 $0xFFFFFFB0  }
0x78: {  	[spmem:s26] =	stream.linear.scatter [tilespmem:s13], [sflag:$0x2], $0x50, $0x38;
	[tilespmem:$0x164F8] =	vst v63  }
0x79: {  	_ =	swait.ge [sflag:s7], $0x50  }
0x7a: {  	[sflag:s7] =	ssyncset.done $0x0  }
0x7b: {  	[sflag:s7] =	ssyncadd.s32 $0xFFFFFFB0  }
0x7c: {  	[spmem:s28] =	stream.linear.scatter [tilespmem:s13], [sflag:$0x2], $0x50, $0x38;
	[tilespmem:$0x164F8] =	vst v63  }
0x7d: {  	_ =	swait.ge [sflag:s7], $0x50  }
0x7e: {  	[sflag:s7] =	ssyncset.done $0x0  }
0x7f: {  	[sflag:s7] =	ssyncadd.s32 $0xFFFFFFB0  }
0x80: {  	[spmem:s29] =	stream.linear.scatter [tilespmem:s13], [sflag:$0x2], $0x50, $0x38;
	[tilespmem:$0x164F8] =	vst v63  }
0x81: {  	_ =	swait.ge [sflag:s7], $0x50  }
0x82: {  	[sflag:s7] =	ssyncset.done $0x0  }
0x83: {  	[sflag:s7] =	ssyncadd.s32 $0xFFFFFFB0  }
0x84: {  	[spmem:s30] =	stream.linear.scatter [tilespmem:s13], [sflag:$0x2], $0x50, $0x38;
	[tilespmem:$0x164F8] =	vst v63  }
0x85: {  	_ =	swait.ge [sflag:s7], $0x50  }
0x86: {  	[sflag:s7] =	ssyncset.done $0x0  }
0x87: {  	[sflag:s7] =	ssyncadd.s32 $0xFFFFFFB0  }
0x88: {  	[spmem:s31] =	stream.linear.scatter [tilespmem:s13], [sflag:$0x2], $0x40, $0x38;
	[tilespmem:$0x164F8] =	vst v63  }
0x89: {  	_ =	swait.ge [sflag:s7], $0x40  }
0x8a: {  	[sflag:s7] =	ssyncset.done $0x0  }
0x8b: {  	s17 =	simm.s32 @!p0 $0x13980;
	[sflag:s7] =	ssyncadd.s32 $0xFFFFFFC0  }
0x8c: {  	[spmem:s4] =	stream.linear.scatter @!p0 [tilespmem:s17], [sflag:$0x2], $0x800, $0x38;
	[tilespmem:$0x164F8] =	vst v63  }
0x8d: {  	s17 =	simm.s32 @!p0 $0x2  }
0x8e: {  	_ =	swait.ge @!p0 [sflag:s17], $0x800  }
0x8f: {  	[sflag:s17] =	ssyncset.done @!p0 $0x0  }
0x90: {  	s18 =	simm.s32 @!p0 $0x16478;
	[sflag:s17] =	ssyncadd.s32 @!p0 $0xFFFFF800  }
0x91: {  	[spmem:s5] =	stream.linear.scatter @!p0 [tilespmem:s18], [sflag:$0x2], $0x10, $0x38;
	[tilespmem:$0x164F8] =	vst v63  }
0x92: {  	_ =	swait.ge @!p0 [sflag:s17], $0x10  }
0x93: {  	[sflag:s17] =	ssyncset.done @!p0 $0x0  }
0x94: {  	[sflag:s17] =	ssyncadd.s32 @!p0 $0xFFFFFFF0  }
0x95: {  	s22 =	smov.u32 s20;
	s20 =	sadd.s32 $0x0, s3;
	[bflag:$0x0] =	sbarrier.arrive $0xFFFF  }
0x96: {  	[tilespmem:s12], [sflag:$0x2] =	stream.linear.gather [hbm4b:s20+s8], $0x50, $0x38;
	[tilespmem:$0x164F8] =	vst v63  }
0x97: {  	_ =	swait.ge [sflag:s7], $0x50  }
0x98: {  	[sflag:s7] =	ssyncset.done $0x0  }
0x99: {  	[sflag:s7] =	ssyncadd.s32 $0xFFFFFFB0  }
0x9a: {  	[tilespmem:s6], [sflag:$0x1] =	stream.indirect.gather [hbm4b:s10+s0], $0x80, s12, s0, $0xb8;
	[tilespmem:$0x164F8] =	vst v63  }
0x9b: {  	_ =	swait.ge [sflag:s1], $0x2800  }
0x9c: {  	[sflag:s1] =	ssyncset.done $0x0  }
0x9d: {  	s23 =	smov.u32 s21;
	s21 =	sadd.s32 $0x0, s2;
	[sflag:s1] =	ssyncadd.s32 $0xFFFFD800  }
0x9e: {  	[tilespmem:s9], [sflag:$0x2] =	stream.linear.gather [hbm4b:s21+s8], $0x50, $0x38;
	[tilespmem:$0x164F8] =	vst v63  }
0x9f: {  	_ =	swait.ge [sflag:s7], $0x50  }
0xa0: {  	[sflag:s7] =	ssyncset.done $0x0  }
0xa1: {  	[sflag:s7] =	ssyncadd.s32 $0xFFFFFFB0  }
0xa2: {  	[spmem:s11] =	stream.indirect.scatter.add.f32 [tilespmem:s6], [sflag:$0x2], $0x80, s9, s0, $0xb8;
	[tilespmem:$0x164F8] =	vst v63  }
0xa3: {  	_ =	swait.ge [sflag:s7], $0x2800  }
0xa4: {  	[sflag:s7] =	ssyncset.done $0x0  }
0xa5: {  	[sflag:s7] =	ssyncadd.s32 $0xFFFFD800  }
0xa6: {  	[spmem:s14] =	stream.indirect.scatter.add.f32 [tilespmem:s15], [sflag:$0x2], $0x1, s9, s0, $0xb8;
	[tilespmem:$0x164F8] =	vst v63  }
0xa7: {  	_ =	swait.ge [sflag:s7], $0x50  }
0xa8: {  	s18 =	simm.s32 $0x14;
	s17 =	simm.s32 $0xA;
	[sflag:s7] =	ssyncset.done $0x0  }
.LBB2_4:
0xa9: {  	s19 =	sadd.s32 s17, s3  }
0xaa: {  	[sflag:s7] =	ssyncadd.s32 $0xFFFFFFB0;
	s20 =	smov.u32 s18;
	s21 =	sadd.s32 $0xA, s18  }
0xab: {  	[tilespmem:s12], [sflag:$0x2] =	stream.linear.gather [hbm4b:s19+s8], $0x50, $0x38;
	[tilespmem:$0x164F8] =	vst v63  }
0xac: {  	p1 =	sne.s32 s18, $0x4D8;
	_ =	swait.ge [sflag:s7], $0x50  }
0xad: {  	[sflag:s7] =	ssyncset.done $0x0  }
0xae: {  	[sflag:s7] =	ssyncadd.s32 $0xFFFFFFB0  }
0xaf: {  	[tilespmem:s6], [sflag:$0x1] =	stream.indirect.gather [hbm4b:s10+s0], $0x80, s12, s0, $0xb8;
	[tilespmem:$0x164F8] =	vst v63  }
0xb0: {  	_ =	swait.ge [sflag:s1], $0x2800  }
0xb1: {  	[sflag:s1] =	ssyncset.done $0x0  }
0xb2: {  	s18 =	sadd.s32 s17, s2;
	s17 =	smov.u32 s20;
	[sflag:s1] =	ssyncadd.s32 $0xFFFFD800  }
0xb3: {  	[tilespmem:s9], [sflag:$0x2] =	stream.linear.gather [hbm4b:s18+s8], $0x50, $0x38;
	[tilespmem:$0x164F8] =	vst v63  }
0xb4: {  	_ =	swait.ge [sflag:s7], $0x50  }
0xb5: {  	[sflag:s7] =	ssyncset.done $0x0  }
0xb6: {  	[sflag:s7] =	ssyncadd.s32 $0xFFFFFFB0  }
0xb7: {  	[spmem:s11] =	stream.indirect.scatter.add.f32 [tilespmem:s6], [sflag:$0x2], $0x80, s9, s0, $0xb8;
	[tilespmem:$0x164F8] =	vst v63  }
0xb8: {  	_ =	swait.ge [sflag:s7], $0x2800  }
.Ltmp1:
0xb9: {  	[sflag:s7] =	ssyncset.done $0x0;
	(pc) =	sbr.rel @p1 .LBB2_4-.Ltmp1, $4  }
0xba: {  	[sflag:s7] =	ssyncadd.s32 $0xFFFFD800  }
0xbb: {  	[spmem:s14] =	stream.indirect.scatter.add.f32 [tilespmem:s15], [sflag:$0x2], $0x1, s9, s0, $0xb8;
	[tilespmem:$0x164F8] =	vst v63  }
0xbc: {  	_ =	swait.ge [sflag:s7], $0x50  }
0xbd: {  	s18 =	smov.u32 s21;
	[sflag:s7] =	ssyncset.done $0x0  }
0xbe: {  	s18 =	sadd.s32 s17, s3;
	[sflag:s7] =	ssyncadd.s32 $0xFFFFFFB0  }
0xbf: {  	[tilespmem:s12], [sflag:$0x2] =	stream.linear.gather [hbm4b:s18+s8], $0x50, $0x38;
	[tilespmem:$0x164F8] =	vst v63  }
0xc0: {  	_ =	swait.ge [sflag:s7], $0x50  }
0xc1: {  	[sflag:s7] =	ssyncset.done $0x0  }
0xc2: {  	[sflag:s7] =	ssyncadd.s32 $0xFFFFFFB0  }
0xc3: {  	[tilespmem:s6], [sflag:$0x1] =	stream.indirect.gather [hbm4b:s10+s0], $0x80, s12, s0, $0xb8;
	[tilespmem:$0x164F8] =	vst v63  }
0xc4: {  	_ =	swait.ge [sflag:s1], $0x2800  }
0xc5: {  	[sflag:s1] =	ssyncset.done $0x0  }
0xc6: {  	s19 =	sadd.s32 s17, s2;
	[sflag:s1] =	ssyncadd.s32 $0xFFFFD800  }
0xc7: {  	[tilespmem:s9], [sflag:$0x2] =	stream.linear.gather [hbm4b:s19+s8], $0x50, $0x38;
	[tilespmem:$0x164F8] =	vst v63  }
0xc8: {  	_ =	swait.ge [sflag:s7], $0x50  }
0xc9: {  	[sflag:s7] =	ssyncset.done $0x0  }
0xca: {  	[sflag:s7] =	ssyncadd.s32 $0xFFFFFFB0  }
0xcb: {  	[spmem:s11] =	stream.indirect.scatter.add.f32 [tilespmem:s6], [sflag:$0x2], $0x80, s9, s0, $0xb8;
	[tilespmem:$0x164F8] =	vst v63  }
0xcc: {  	_ =	swait.ge [sflag:s7], $0x2800  }
0xcd: {  	[sflag:s7] =	ssyncset.done $0x0  }
0xce: {  	[sflag:s7] =	ssyncadd.s32 $0xFFFFD800  }
0xcf: {  	[spmem:s14] =	stream.indirect.scatter.add.f32 [tilespmem:s15], [sflag:$0x2], $0x1, s9, s0, $0xb8;
	[tilespmem:$0x164F8] =	vst v63  }
0xd0: {  	_ =	swait.ge [sflag:s7], $0x50  }
0xd1: {  	[sflag:s7] =	ssyncset.done $0x0  }
0xd2: {  	[sflag:s7] =	ssyncadd.s32 $0xFFFFFFB0  }
0xd3: {  	[bflag:$0x0] =	sbarrier.arrive $0xFFFF  }
0xd4: {  	s20 =	rddreg [dreg:$0xf]  }
0xd5: {  	[tilespmem:s6], [sflag:$0x2] =	stream.linear.gather [spmem:s20], $0x2800, $0x38;
	[tilespmem:$0x164F8] =	vst v63  }
0xd6: {  	_ =	swait.ge [sflag:s7], $0x2800  }
0xd7: {  	[sflag:s7] =	ssyncset.done $0x0  }
0xd8: {  	s21 =	rddreg [dreg:$0x5];
	[sflag:s7] =	ssyncadd.s32 $0xFFFFD800  }
0xd9: {  	[hbm4b:s21+s8] =	stream.linear.scatter [tilespmem:s6], [sflag:$0x2], $0x2800, $0x38;
	[tilespmem:$0x164F8] =	vst v63  }
0xda: {  	_ =	swait.ge [sflag:s7], $0x2800  }
0xdb: {  	[sflag:s7] =	ssyncset.done $0x0  }
0xdc: {  	s18 =	rddreg [dreg:$0x10];
	[sflag:s7] =	ssyncadd.s32 $0xFFFFD800  }
0xdd: {  	[tilespmem:s6], [sflag:$0x2] =	stream.linear.gather [spmem:s18], $0x2800, $0x38;
	[tilespmem:$0x164F8] =	vst v63  }
0xde: {  	_ =	swait.ge [sflag:s7], $0x2800  }
0xdf: {  	[sflag:s7] =	ssyncset.done $0x0  }
0xe0: {  	s19 =	rddreg [dreg:$0x6];
	[sflag:s7] =	ssyncadd.s32 $0xFFFFD800  }
0xe1: {  	[hbm4b:s19+s8] =	stream.linear.scatter [tilespmem:s6], [sflag:$0x2], $0x2800, $0x38;
	[tilespmem:$0x164F8] =	vst v63  }
0xe2: {  	_ =	swait.ge [sflag:s7], $0x2800  }
0xe3: {  	[sflag:s7] =	ssyncset.done $0x0  }
0xe4: {  	s20 =	rddreg [dreg:$0x11];
	[sflag:s7] =	ssyncadd.s32 $0xFFFFD800  }
0xe5: {  	[tilespmem:s6], [sflag:$0x2] =	stream.linear.gather [spmem:s20], $0x2800, $0x38;
	[tilespmem:$0x164F8] =	vst v63  }
0xe6: {  	_ =	swait.ge [sflag:s7], $0x2800  }
0xe7: {  	[sflag:s7] =	ssyncset.done $0x0  }
0xe8: {  	s21 =	rddreg [dreg:$0x7];
	[sflag:s7] =	ssyncadd.s32 $0xFFFFD800  }
0xe9: {  	[hbm4b:s21+s8] =	stream.linear.scatter [tilespmem:s6], [sflag:$0x2], $0x2800, $0x38;
	[tilespmem:$0x164F8] =	vst v63  }
0xea: {  	_ =	swait.ge [sflag:s7], $0x2800  }
0xeb: {  	[sflag:s7] =	ssyncset.done $0x0  }
0xec: {  	s18 =	rddreg [dreg:$0x12];
	[sflag:s7] =	ssyncadd.s32 $0xFFFFD800  }
0xed: {  	[tilespmem:s6], [sflag:$0x2] =	stream.linear.gather [spmem:s18], $0x2800, $0x38;
	[tilespmem:$0x164F8] =	vst v63  }
0xee: {  	_ =	swait.ge [sflag:s7], $0x2800  }
0xef: {  	[sflag:s7] =	ssyncset.done $0x0  }
0xf0: {  	s19 =	rddreg [dreg:$0x8];
	[sflag:s7] =	ssyncadd.s32 $0xFFFFD800  }
0xf1: {  	[hbm4b:s19+s8] =	stream.linear.scatter [tilespmem:s6], [sflag:$0x2], $0x2800, $0x38;
	[tilespmem:$0x164F8] =	vst v63  }
0xf2: {  	_ =	swait.ge [sflag:s7], $0x2800  }
0xf3: {  	[sflag:s7] =	ssyncset.done $0x0  }
0xf4: {  	s20 =	rddreg [dreg:$0x13];
	[sflag:s7] =	ssyncadd.s32 $0xFFFFD800  }
0xf5: {  	[tilespmem:s6], [sflag:$0x2] =	stream.linear.gather [spmem:s20], $0x2800, $0x38;
	[tilespmem:$0x164F8] =	vst v63  }
0xf6: {  	_ =	swait.ge [sflag:s7], $0x2800  }
0xf7: {  	[sflag:s7] =	ssyncset.done $0x0  }
0xf8: {  	s21 =	rddreg [dreg:$0x9];
	[sflag:s7] =	ssyncadd.s32 $0xFFFFD800  }
0xf9: {  	[hbm4b:s21+s8] =	stream.linear.scatter [tilespmem:s6], [sflag:$0x2], $0x2800, $0x38;
	[tilespmem:$0x164F8] =	vst v63  }
0xfa: {  	_ =	swait.ge [sflag:s7], $0x2800  }
0xfb: {  	[sflag:s7] =	ssyncset.done $0x0  }
0xfc: {  	[sflag:s7] =	ssyncadd.s32 $0xFFFFD800  }
0xfd: {  	[tilespmem:s6], [sflag:$0x2] =	stream.linear.gather [spmem:s22], $0x2800, $0x38;
	[tilespmem:$0x164F8] =	vst v63  }
0xfe: {  	_ =	swait.ge [sflag:s7], $0x2800  }
0xff: {  	[sflag:s7] =	ssyncset.done $0x0  }
0x100: {  	s20 =	smov.u32 s22;
	s22 =	rddreg [dreg:$0xa];
	[sflag:s7] =	ssyncadd.s32 $0xFFFFD800  }
0x101: {  	[hbm4b:s22+s8] =	stream.linear.scatter [tilespmem:s6], [sflag:$0x2], $0x2800, $0x38;
	[tilespmem:$0x164F8] =	vst v63  }
0x102: {  	_ =	swait.ge [sflag:s7], $0x2800  }
0x103: {  	[sflag:s7] =	ssyncset.done $0x0  }
0x104: {  	[sflag:s7] =	ssyncadd.s32 $0xFFFFD800  }
0x105: {  	[tilespmem:s6], [sflag:$0x2] =	stream.linear.gather [spmem:s23], $0x2800, $0x38;
	[tilespmem:$0x164F8] =	vst v63  }
0x106: {  	_ =	swait.ge [sflag:s7], $0x2800  }
0x107: {  	[sflag:s7] =	ssyncset.done $0x0  }
0x108: {  	s21 =	smov.u32 s23;
	s23 =	rddreg [dreg:$0xb];
	[sflag:s7] =	ssyncadd.s32 $0xFFFFD800  }
0x109: {  	[hbm4b:s23+s8] =	stream.linear.scatter [tilespmem:s6], [sflag:$0x2], $0x2800, $0x38;
	[tilespmem:$0x164F8] =	vst v63  }
0x10a: {  	_ =	swait.ge [sflag:s7], $0x2800  }
0x10b: {  	[sflag:s7] =	ssyncset.done $0x0  }
0x10c: {  	s18 =	rddreg [dreg:$0x14];
	[sflag:s7] =	ssyncadd.s32 $0xFFFFD800  }
0x10d: {  	[tilespmem:s6], [sflag:$0x2] =	stream.linear.gather [spmem:s18], $0x2000, $0x38;
	[tilespmem:$0x164F8] =	vst v63  }
0x10e: {  	_ =	swait.ge [sflag:s7], $0x2000  }
0x10f: {  	[sflag:s7] =	ssyncset.done $0x0  }
0x110: {  	s19 =	rddreg [dreg:$0xc];
	[sflag:s7] =	ssyncadd.s32 $0xFFFFE000  }
0x111: {  	[hbm4b:s19+s8] =	stream.linear.scatter [tilespmem:s6], [sflag:$0x2], $0x2000, $0x38;
	[tilespmem:$0x164F8] =	vst v63  }
0x112: {  	_ =	swait.ge [sflag:s7], $0x2000  }
0x113: {  	[sflag:s7] =	ssyncset.done $0x0  }
0x114: {  	s22 =	rddreg [dreg:$0x15];
	[sflag:s7] =	ssyncadd.s32 $0xFFFFE000  }
0x115: {  	[tilespmem:s13], [sflag:$0x2] =	stream.linear.gather [spmem:s22], $0x50, $0x38;
	[tilespmem:$0x164F8] =	vst v63  }
0x116: {  	_ =	swait.ge [sflag:s7], $0x50  }
0x117: {  	[sflag:s7] =	ssyncset.done $0x0  }
0x118: {  	s23 =	rddreg [dreg:$0xd];
	[sflag:s7] =	ssyncadd.s32 $0xFFFFFFB0  }
0x119: {  	[hbm4b:s23+s8] =	stream.linear.scatter [tilespmem:s13], [sflag:$0x2], $0x50, $0x38;
	[tilespmem:$0x164F8] =	vst v63  }
0x11a: {  	_ =	swait.ge [sflag:s7], $0x50  }
0x11b: {  	[sflag:s7] =	ssyncset.done $0x0  }
0x11c: {  	[sflag:s7] =	ssyncadd.s32 $0xFFFFFFB0  }
0x11d: {  	[tilespmem:s13], [sflag:$0x2] =	stream.linear.gather [spmem:s24], $0x50, $0x38;
	[tilespmem:$0x164F8] =	vst v63  }
0x11e: {  	_ =	swait.ge [sflag:s7], $0x50  }
0x11f: {  	[sflag:s7] =	ssyncset.done $0x0  }
0x120: {  	s18 =	rddreg [dreg:$0x19];
	[sflag:s7] =	ssyncadd.s32 $0xFFFFFFB0  }
0x121: {  	[hbm4b:s18+s8] =	stream.linear.scatter [tilespmem:s13], [sflag:$0x2], $0x50, $0x38;
	[tilespmem:$0x164F8] =	vst v63  }
0x122: {  	_ =	swait.ge [sflag:s7], $0x50  }
0x123: {  	[sflag:s7] =	ssyncset.done $0x0  }
0x124: {  	[sflag:s7] =	ssyncadd.s32 $0xFFFFFFB0  }
0x125: {  	[tilespmem:s13], [sflag:$0x2] =	stream.linear.gather [spmem:s25], $0x50, $0x38;
	[tilespmem:$0x164F8] =	vst v63  }
0x126: {  	_ =	swait.ge [sflag:s7], $0x50  }
0x127: {  	[sflag:s7] =	ssyncset.done $0x0  }
0x128: {  	s19 =	rddreg [dreg:$0x1a];
	[sflag:s7] =	ssyncadd.s32 $0xFFFFFFB0  }
0x129: {  	[hbm4b:s19+s8] =	stream.linear.scatter [tilespmem:s13], [sflag:$0x2], $0x50, $0x38;
	[tilespmem:$0x164F8] =	vst v63  }
0x12a: {  	_ =	swait.ge [sflag:s7], $0x50  }
0x12b: {  	[sflag:s7] =	ssyncset.done $0x0  }
0x12c: {  	[sflag:s7] =	ssyncadd.s32 $0xFFFFFFB0  }
0x12d: {  	[tilespmem:s13], [sflag:$0x2] =	stream.linear.gather [spmem:s26], $0x50, $0x38;
	[tilespmem:$0x164F8] =	vst v63  }
0x12e: {  	_ =	swait.ge [sflag:s7], $0x50  }
0x12f: {  	[sflag:s7] =	ssyncset.done $0x0  }
0x130: {  	s22 =	rddreg [dreg:$0x1b];
	[sflag:s7] =	ssyncadd.s32 $0xFFFFFFB0  }
0x131: {  	[hbm4b:s22+s8] =	stream.linear.scatter [tilespmem:s13], [sflag:$0x2], $0x50, $0x38;
	[tilespmem:$0x164F8] =	vst v63  }
0x132: {  	_ =	swait.ge [sflag:s7], $0x50  }
0x133: {  	[sflag:s7] =	ssyncset.done $0x0  }
0x134: {  	[sflag:s7] =	ssyncadd.s32 $0xFFFFFFB0  }
0x135: {  	[tilespmem:s13], [sflag:$0x2] =	stream.linear.gather [spmem:s28], $0x50, $0x38;
	[tilespmem:$0x164F8] =	vst v63  }
0x136: {  	_ =	swait.ge [sflag:s7], $0x50  }
0x137: {  	[sflag:s7] =	ssyncset.done $0x0  }
0x138: {  	s23 =	rddreg [dreg:$0x1c];
	[sflag:s7] =	ssyncadd.s32 $0xFFFFFFB0  }
0x139: {  	[hbm4b:s23+s8] =	stream.linear.scatter [tilespmem:s13], [sflag:$0x2], $0x50, $0x38;
	[tilespmem:$0x164F8] =	vst v63  }
0x13a: {  	_ =	swait.ge [sflag:s7], $0x50  }
0x13b: {  	[sflag:s7] =	ssyncset.done $0x0  }
0x13c: {  	[sflag:s7] =	ssyncadd.s32 $0xFFFFFFB0  }
0x13d: {  	[tilespmem:s13], [sflag:$0x2] =	stream.linear.gather [spmem:s29], $0x50, $0x38;
	[tilespmem:$0x164F8] =	vst v63  }
0x13e: {  	_ =	swait.ge [sflag:s7], $0x50  }
0x13f: {  	[sflag:s7] =	ssyncset.done $0x0  }
0x140: {  	s18 =	rddreg [dreg:$0x1d];
	[sflag:s7] =	ssyncadd.s32 $0xFFFFFFB0  }
0x141: {  	[hbm4b:s18+s8] =	stream.linear.scatter [tilespmem:s13], [sflag:$0x2], $0x50, $0x38;
	[tilespmem:$0x164F8] =	vst v63  }
0x142: {  	_ =	swait.ge [sflag:s7], $0x50  }
0x143: {  	[sflag:s7] =	ssyncset.done $0x0  }
0x144: {  	[sflag:s7] =	ssyncadd.s32 $0xFFFFFFB0  }
0x145: {  	[tilespmem:s13], [sflag:$0x2] =	stream.linear.gather [spmem:s30], $0x50, $0x38;
	[tilespmem:$0x164F8] =	vst v63  }
0x146: {  	_ =	swait.ge [sflag:s7], $0x50  }
0x147: {  	[sflag:s7] =	ssyncset.done $0x0  }
0x148: {  	s19 =	rddreg [dreg:$0x1e];
	[sflag:s7] =	ssyncadd.s32 $0xFFFFFFB0  }
0x149: {  	[hbm4b:s19+s8] =	stream.linear.scatter [tilespmem:s13], [sflag:$0x2], $0x50, $0x38;
	[tilespmem:$0x164F8] =	vst v63  }
0x14a: {  	_ =	swait.ge [sflag:s7], $0x50  }
0x14b: {  	[sflag:s7] =	ssyncset.done $0x0  }
0x14c: {  	[sflag:s7] =	ssyncadd.s32 $0xFFFFFFB0  }
0x14d: {  	[tilespmem:s13], [sflag:$0x2] =	stream.linear.gather [spmem:s31], $0x40, $0x38;
	[tilespmem:$0x164F8] =	vst v63  }
0x14e: {  	_ =	swait.ge [sflag:s7], $0x40  }
0x14f: {  	[sflag:s7] =	ssyncset.done $0x0  }
0x150: {  	s22 =	rddreg [dreg:$0xe];
	[sflag:s7] =	ssyncadd.s32 $0xFFFFFFC0  }
0x151: {  	[hbm4b:s22+s8] =	stream.linear.scatter [tilespmem:s13], [sflag:$0x2], $0x40, $0x38;
	[tilespmem:$0x164F8] =	vst v63  }
0x152: {  	_ =	swait.ge [sflag:s7], $0x40  }
0x153: {  	[sflag:s7] =	ssyncset.done $0x0  }
0x154: {  	s17 =	simm.s32 @!p0 $0x13980;
	s18 =	simm.s32 @!p0 $0x2;
	[sflag:s7] =	ssyncadd.s32 $0xFFFFFFC0  }
0x155: {  	[tilespmem:s17], [sflag:$0x2] =	stream.linear.gather @!p0 [spmem:s4], $0x800, $0x38;
	[tilespmem:$0x164F8] =	vst v63  }
0x156: {  	_ =	swait.ge @!p0 [sflag:s18], $0x800  }
0x157: {  	[sflag:s18] =	ssyncset.done @!p0 $0x0  }
0x158: {  	s19 =	simm.s32 @!p0 $0x0;
	s22 =	rddreg [dreg:$0x16];
	[sflag:s18] =	ssyncadd.s32 @!p0 $0xFFFFF800  }
0x159: {  	[hbm4b:s22+s19] =	stream.linear.scatter @!p0 [tilespmem:s17], [sflag:$0x2], $0x800, $0x38;
	[tilespmem:$0x164F8] =	vst v63  }
0x15a: {  	_ =	swait.ge @!p0 [sflag:s18], $0x800  }
0x15b: {  	[sflag:s18] =	ssyncset.done @!p0 $0x0  }
0x15c: {  	s17 =	simm.s32 @!p0 $0x16478;
	[sflag:s18] =	ssyncadd.s32 @!p0 $0xFFFFF800  }
0x15d: {  	[tilespmem:s17], [sflag:$0x2] =	stream.linear.gather @!p0 [spmem:s5], $0x10, $0x38;
	[tilespmem:$0x164F8] =	vst v63  }
0x15e: {  	_ =	swait.ge @!p0 [sflag:s18], $0x10  }
0x15f: {  	[sflag:s18] =	ssyncset.done @!p0 $0x0  }
0x160: {  	s22 =	rddreg [dreg:$0x17];
	[sflag:s18] =	ssyncadd.s32 @!p0 $0xFFFFFFF0  }
0x161: {  	[hbm4b:s22+s19] =	stream.linear.scatter @!p0 [tilespmem:s17], [sflag:$0x2], $0x10, $0x38;
	[tilespmem:$0x164F8] =	vst v63  }
0x162: {  	_ =	swait.ge @!p0 [sflag:s18], $0x10  }
0x163: {  	s16 =	sadd.s32 $0x1, s16;
	s23 =	rddreg [dreg:$0x18]  }
0x164: {  	p1 =	sne.s32 s16, s23  }
.Ltmp2:
0x165: {  	_ = 	snop;
	(pc) =	sbr.rel @p1 .LBB2_1-.Ltmp2, $3  }
0x166: {  	_ =	sdelay $0x1  }
0x167: {  	[sflag:s18] =	ssyncset.done @!p0 $0x0  }
0x168: {  	[sflag:s18] =	ssyncadd.s32 @!p0 $0xFFFFFFF0  }
0x169: {  	_ =	sfence.sel $0x180000  }
0x16a: {  	[bflag:$0x0] =	sbarrier.arrive $0xFFFF  }
0x16b: {  	_ =	strace $0x90000047  }
0x16c: {  	[bflag:$0x2] =	sbarrier.arrive $0xFFFF  }
0x16d: {  	s0 =	rddreg [dreg:$0x4]  }
0x16e: {  	s0 =	sadd.s32 @!p0 $0x100000, s0  }
0x16f: {  	[sflag:s0] =	ssyncadd.tile.s32 @!p0 $0x1;
	_ =	shalt  }
.Lfunc_end2:
_tile_overlayer_lowered:
.L_overlay_start_2:
0x170: {  	(tag) =	ssettag $0x2  }
0x171: {  	s0 =	rddreg [dreg:$0x0];
	s2 =	stileid.u32  }
0x172: {  	s1 =	rddreg [dreg:$0x1];
	p0 =	sne.s32 s2, $0x0  }
0x173: {  	s3 =	rddreg [dreg:$0x2];
	[bflag:$0x3] =	sbarrier.arrive $0xFFFF;
	s2 =	simm.s32 @!p0 $0x1C02  }
0x174: {  	[timem:s3], [sflag:s2] =	dma.local @!p0 [hbm:s0], s1  }
0x175: {  	s0 =	simm.s32 @!p0 $0x2  }
0x176: {  	_ =	swait.ge @!p0 [sflag:s0], s1  }
0x177: {  	s1 =	ssub.s32 @!p0 $0x0, s1;
	[sflag:s0] =	ssyncset.done @!p0 $0x0  }
0x178: {  	[sflag:s0] =	ssyncadd.s32 @!p0 s1  }
0x179: {  	[bflag:$0x3] =	sbarrier.arrive $0xFFFF  }
0x17a: {  	_ =	shalt  }

</sc_bundles>
